<compile_context>
chip_gen: v7x
topology: tpu7x:2x2x1
jax: 0.10.2.dev20260603
libtpu: 0.0.44.dev20260713+nightly
codegen_flags: <defaults>
</compile_context>

<pallas_src>
import jax
import jax.numpy as jnp
from jax import lax
from jax.experimental import pallas as pl
from jax.experimental.pallas import tpu as pltpu, tpu_sc as plsc

NP = 10240
BR = 1024
NC = 2
NS = 16


def _zero_1d(ref, nwords):
    z = jnp.zeros((16,), jnp.float32)

    def body(i, _):
        ref[pl.ds(i * 16, 16)] = z
        return 0

    lax.fori_loop(0, nwords // 16, body, 0, unroll=4)


def _deg_body(ei_hbm, deg_hbm, hist_v, idx_v, red_v, shared_h):
    c = lax.axis_index("c")
    s = lax.axis_index("s")
    _zero_1d(hist_v, NP)

    e_tile = 5000
    base = c * (NS * e_tile) + s * e_tile
    pltpu.sync_copy(ei_hbm.at[1, pl.ds(base, e_tile)], idx_v)

    ones = jnp.ones((16,), jnp.float32)

    def body(k, _):
        idx = idx_v[pl.ds(k * 16, 16)]
        plsc.addupdate_scatter(hist_v, [idx], ones)
        return 0

    lax.fori_loop(0, e_tile // 16, body, 0)
    tail_idx = idx_v[pl.ds(e_tile - 16, 16)]
    tail_mask = lax.iota(jnp.int32, 16) >= 8
    plsc.addupdate_scatter(hist_v, [tail_idx], ones, mask=tail_mask)

    pltpu.sync_copy(hist_v, shared_h.at[s])
    plsc.subcore_barrier()
    rows = NP // NS
    for r in range(NS):
        pltpu.sync_copy(shared_h.at[r, pl.ds(s * rows, rows)], red_v.at[r])

    lax.fori_loop(0, rows // 16, _make_sum(red_v, hist_v), 0)
    pltpu.sync_copy(hist_v.at[pl.ds(0, rows)], deg_hbm.at[c, pl.ds(s * rows, rows)])


def _make_sum(red_v, out_v):
    def rbody(k, _):
        acc = red_v[0, pl.ds(k * 16, 16)]
        for r in range(1, NS):
            acc = acc + red_v[r, pl.ds(k * 16, 16)]
        out_v[pl.ds(k * 16, 16)] = acc
        return 0

    return rbody


def _deg_kernel(ei):
    mesh = plsc.VectorSubcoreMesh(core_axis_name="c", subcore_axis_name="s")
    f = pl.kernel(
        _deg_body,
        out_type=jax.ShapeDtypeStruct((NC, NP), jnp.float32),
        mesh=mesh,
        compiler_params=pltpu.CompilerParams(needs_layout_passes=False, use_tc_tiling_on_sc=False),
        scratch_types=[
            pltpu.VMEM((NP,), jnp.float32),
            pltpu.VMEM((5000,), jnp.int32),
            pltpu.VMEM((NS, NP // NS), jnp.float32),
            pltpu.VMEM_SHARED((NS, NP), jnp.float32),
        ],
    )
    return f(ei)


def _edge_pipeline(ei, y_hbm, acc_sh, base, nchunks, bufs):
    assert nchunks % 3 == 0
    CH = bufs[0][2].shape[0]

    def load(b, off):
        pltpu.sync_copy(ei.at[0, pl.ds(off, CH)], b[0])
        pltpu.sync_copy(ei.at[1, pl.ds(off, CH)], b[1])

    def gstart(b):
        pltpu.async_copy(y_hbm.at[b[0]], b[2], b[3])

    def gwait(b):
        pltpu.make_async_copy(y_hbm.at[b[0]], b[2], b[3]).wait()

    def sstart(b):
        pltpu.async_copy(b[2], acc_sh.at[b[1]], b[4], add=True)

    def swait(b):
        pltpu.make_async_copy(b[2], acc_sh.at[b[1]], b[4]).wait()

    load(bufs[0], base)
    gstart(bufs[0])
    load(bufs[1], base + CH)
    gstart(bufs[1])

    def body(k, _):
        for j in range(3):
            b = bufs[j]
            p = bufs[(j + 2) % 3]
            gwait(b)
            sstart(b)
            if j == 0:
                @pl.when(k > 0)
                def _():
                    swait(p)
            else:
                swait(p)
            if j == 0:
                load(p, base + (3 * k + j + 2) * CH)
                gstart(p)
            else:
                @pl.when(3 * k + j + 2 < nchunks)
                def _():
                    load(p, base + (3 * k + j + 2) * CH)
                    gstart(p)
        return 0

    lax.fori_loop(0, nchunks // 3, body, 0)
    swait(bufs[2])


def _agg256_body(y0, y1, ei, zeros_hbm, t0, t1, acc_sh,
                 idx_s0, idx_d0, rows0, idx_s1, idx_d1, rows1,
                 idx_s2, idx_d2, rows2,
                 idx_s_t, idx_d_t, rows_t, gs0, ss0, gs1, ss1, gs2, ss2, sem):
    c = lax.axis_index("c")
    s = lax.axis_index("s")
    rows = NP // NS

    def run(y_hbm, t_hbm):
        for k in range(rows // 128):
            pltpu.sync_copy(zeros_hbm, acc_sh.at[pl.ds(s * rows + k * 128, 128)])
        plsc.subcore_barrier()

        e_tile = 10000
        base = s * e_tile
        _edge_pipeline(ei, y_hbm, acc_sh, base, e_tile // 64,
                       ((idx_s0, idx_d0, rows0, gs0, ss0),
                        (idx_s1, idx_d1, rows1, gs1, ss1),
                        (idx_s2, idx_d2, rows2, gs2, ss2)))
        off = base + (e_tile // 64) * 64
        pltpu.sync_copy(ei.at[0, pl.ds(off, 16)], idx_s_t)
        pltpu.sync_copy(ei.at[1, pl.ds(off, 16)], idx_d_t)
        pltpu.async_copy(y_hbm.at[idx_s_t], rows_t, sem).wait()
        pltpu.sync_copy(rows_t, acc_sh.at[idx_d_t], add=True)

        plsc.subcore_barrier()
        for k in range(rows // 128):
            r0 = s * rows + k * 128
            pltpu.sync_copy(acc_sh.at[pl.ds(r0, 128)], t_hbm.at[pl.ds(r0, 128)])

    @pl.when(c == 0)
    def _():
        run(y0, t0)

    @pl.when(c == 1)
    def _():
        run(y1, t1)


def _agg256_kernel(y0, y1, ei, zeros128):
    mesh = plsc.VectorSubcoreMesh(core_axis_name="c", subcore_axis_name="s")
    f = pl.kernel(
        _agg256_body,
        out_type=[
            jax.ShapeDtypeStruct((NP, 128), jnp.float32),
            jax.ShapeDtypeStruct((NP, 128), jnp.float32),
        ],
        mesh=mesh,
        compiler_params=pltpu.CompilerParams(needs_layout_passes=False, use_tc_tiling_on_sc=False),
        scratch_types=[
            pltpu.VMEM_SHARED((NP, 128), jnp.float32),
            pltpu.VMEM((64,), jnp.int32),
            pltpu.VMEM((64,), jnp.int32),
            pltpu.VMEM((64, 128), jnp.float32),
            pltpu.VMEM((64,), jnp.int32),
            pltpu.VMEM((64,), jnp.int32),
            pltpu.VMEM((64, 128), jnp.float32),
            pltpu.VMEM((64,), jnp.int32),
            pltpu.VMEM((64,), jnp.int32),
            pltpu.VMEM((64, 128), jnp.float32),
            pltpu.VMEM((16,), jnp.int32),
            pltpu.VMEM((16,), jnp.int32),
            pltpu.VMEM((16, 128), jnp.float32),
            pltpu.SemaphoreType.DMA,
            pltpu.SemaphoreType.DMA,
            pltpu.SemaphoreType.DMA,
            pltpu.SemaphoreType.DMA,
            pltpu.SemaphoreType.DMA,
            pltpu.SemaphoreType.DMA,
            pltpu.SemaphoreType.DMA,
        ],
    )
    return f(y0, y1, ei, zeros128)


def _agg16_body(y2, ei, zeros_hbm, u_hbm, acc_sh,
                idx_s0, idx_d0, rows0, idx_s1, idx_d1, rows1,
                idx_s2, idx_d2, rows2,
                idx_s_t, idx_d_t, rows_t, gs0, ss0, gs1, ss1, gs2, ss2, sem):
    c = lax.axis_index("c")
    s = lax.axis_index("s")
    rows = NP // NS

    for k in range(rows // 64):
        pltpu.sync_copy(zeros_hbm, acc_sh.at[pl.ds(s * rows + k * 64, 64)])
    plsc.subcore_barrier()

    e_tile = 5000
    base = c * (NS * e_tile) + s * e_tile
    _edge_pipeline(ei, y2, acc_sh, base, e_tile // 64,
                   ((idx_s0, idx_d0, rows0, gs0, ss0),
                    (idx_s1, idx_d1, rows1, gs1, ss1),
                    (idx_s2, idx_d2, rows2, gs2, ss2)))
    off = base + (e_tile // 64) * 64
    pltpu.sync_copy(ei.at[0, pl.ds(off, 8)], idx_s_t)
    pltpu.sync_copy(ei.at[1, pl.ds(off, 8)], idx_d_t)
    pltpu.async_copy(y2.at[idx_s_t], rows_t, sem).wait()
    pltpu.sync_copy(rows_t, acc_sh.at[idx_d_t], add=True)

    plsc.subcore_barrier()
    for k in range(rows // 64):
        r0 = s * rows + k * 64
        pltpu.sync_copy(acc_sh.at[pl.ds(r0, 64)], u_hbm.at[c, pl.ds(r0, 64)])


def _agg16_kernel(y2, ei, zeros16):
    mesh = plsc.VectorSubcoreMesh(core_axis_name="c", subcore_axis_name="s")
    f = pl.kernel(
        _agg16_body,
        out_type=jax.ShapeDtypeStruct((NC, NP, 16), jnp.float32),
        mesh=mesh,
        compiler_params=pltpu.CompilerParams(needs_layout_passes=False, use_tc_tiling_on_sc=False),
        scratch_types=[
            pltpu.VMEM_SHARED((NP, 16), jnp.float32),
            pltpu.VMEM((64,), jnp.int32),
            pltpu.VMEM((64,), jnp.int32),
            pltpu.VMEM((64, 16), jnp.float32),
            pltpu.VMEM((64,), jnp.int32),
            pltpu.VMEM((64,), jnp.int32),
            pltpu.VMEM((64, 16), jnp.float32),
            pltpu.VMEM((64,), jnp.int32),
            pltpu.VMEM((64,), jnp.int32),
            pltpu.VMEM((64, 16), jnp.float32),
            pltpu.VMEM((8,), jnp.int32),
            pltpu.VMEM((8,), jnp.int32),
            pltpu.VMEM((8, 16), jnp.float32),
            pltpu.SemaphoreType.DMA,
            pltpu.SemaphoreType.DMA,
            pltpu.SemaphoreType.DMA,
            pltpu.SemaphoreType.DMA,
            pltpu.SemaphoreType.DMA,
            pltpu.SemaphoreType.DMA,
            pltpu.SemaphoreType.DMA,
        ],
    )
    return f(y2, ei, zeros16)


def _tca_body(d0_ref, d1_ref, x_ref, dinv_ref, y0_ref, y1_ref):
    dinv = lax.rsqrt(d0_ref[...] + d1_ref[...] + 1.0)
    y = x_ref[...] * dinv
    dinv_ref[...] = jnp.broadcast_to(dinv, (BR, 8))
    y0_ref[...] = y[:, :128]
    y1_ref[...] = y[:, 128:]


def _tca(d0, d1, x):
    return pl.pallas_call(
        _tca_body,
        grid=(NP // BR,),
        in_specs=[
            pl.BlockSpec((BR, 1), lambda i: (i, 0)),
            pl.BlockSpec((BR, 1), lambda i: (i, 0)),
            pl.BlockSpec((BR, 256), lambda i: (i, 0)),
        ],
        out_specs=[
            pl.BlockSpec((BR, 8), lambda i: (i, 0)),
            pl.BlockSpec((BR, 128), lambda i: (i, 0)),
            pl.BlockSpec((BR, 128), lambda i: (i, 0)),
        ],
        out_shape=[
            jax.ShapeDtypeStruct((NP, 8), jnp.float32),
            jax.ShapeDtypeStruct((NP, 128), jnp.float32),
            jax.ShapeDtypeStruct((NP, 128), jnp.float32),
        ],
    )(d0, d1, x)


def _tcb_body(t0_ref, t1_ref, y0_ref, y1_ref, dinv_ref, w1_ref, b1_ref,
              w2_ref, y2_ref):
    dinv = dinv_ref[...][:, 0:1]
    a0 = (t0_ref[...] + y0_ref[...]) * dinv
    a1 = (t1_ref[...] + y1_ref[...]) * dinv
    a = jnp.concatenate([a0, a1], axis=1)
    h = jnp.dot(a, w1_ref[...], preferred_element_type=jnp.float32)
    h = jnp.maximum(h + b1_ref[...], 0.0)
    z = jnp.dot(h, w2_ref[...], preferred_element_type=jnp.float32)
    y2_ref[...] = z * dinv


def _tcb(t0, t1, y0, y1, dinv, W1, b1r, W2):
    return pl.pallas_call(
        _tcb_body,
        grid=(NP // BR,),
        in_specs=[
            pl.BlockSpec((BR, 128), lambda i: (i, 0)),
            pl.BlockSpec((BR, 128), lambda i: (i, 0)),
            pl.BlockSpec((BR, 128), lambda i: (i, 0)),
            pl.BlockSpec((BR, 128), lambda i: (i, 0)),
            pl.BlockSpec((BR, 8), lambda i: (i, 0)),
            pl.BlockSpec((256, 512), lambda i: (0, 0)),
            pl.BlockSpec((1, 512), lambda i: (0, 0)),
            pl.BlockSpec((512, 16), lambda i: (0, 0)),
        ],
        out_specs=pl.BlockSpec((BR, 16), lambda i: (i, 0)),
        out_shape=jax.ShapeDtypeStruct((NP, 16), jnp.float32),
    )(t0, t1, y0, y1, dinv, W1, b1r, W2)


def _tcc_body(u_ref, y2_ref, dinv_ref, b2_ref, out_ref):
    u = u_ref[...]
    o = (u[0] + u[1] + y2_ref[...]) * dinv_ref[...][:, 0:1] + b2_ref[...]
    m = jnp.max(o, axis=1, keepdims=True)
    l = o - m
    out_ref[...] = l - jnp.log(jnp.sum(jnp.exp(l), axis=1, keepdims=True))


def _tcc(u, y2, dinv, b2r, n_out):
    return pl.pallas_call(
        _tcc_body,
        grid=(NP // BR,),
        in_specs=[
            pl.BlockSpec((NC, BR, 16), lambda i: (0, i, 0)),
            pl.BlockSpec((BR, 16), lambda i: (i, 0)),
            pl.BlockSpec((BR, 8), lambda i: (i, 0)),
            pl.BlockSpec((1, 16), lambda i: (0, 0)),
        ],
        out_specs=pl.BlockSpec((BR, 16), lambda i: (i, 0)),
        out_shape=jax.ShapeDtypeStruct((n_out, 16), jnp.float32),
    )(u, y2, dinv, b2r)


@jax.jit
def kernel(x, edge_index, W1, b1, W2, b2):
    n = x.shape[0]
    zeros128 = jnp.zeros((128, 128), jnp.float32)
    zeros16 = jnp.zeros((64, 16), jnp.float32)

    deg_c = _deg_kernel(edge_index)
    d0 = deg_c[0].reshape(NP, 1)
    d1 = deg_c[1].reshape(NP, 1)
    dinv, y0, y1 = _tca(d0, d1, x)
    t0, t1 = _agg256_kernel(y0, y1, edge_index, zeros128)
    y2 = _tcb(t0, t1, y0, y1, dinv, W1, b1.reshape(1, -1), W2)
    u = _agg16_kernel(y2, edge_index, zeros16)
    return _tcc(u, y2, dinv, b2.reshape(1, -1), n)

# --- scband reference (transcript-rebuilt; emitter-appended) ---
"""Pipeline reference for scband-net-6064493822029 (READ-ONLY COPY).

The authoritative reference and input builder live on the scoring server;
editing this copy changes nothing except your own understanding.
"""

import jax, jax.numpy as jnp
import numpy as np

N = 10000
E = 160000
F_IN = 256
HID = 512
C = 16


def gcn_conv(x, edge_index, W, b):
    # GCNConv: add self-loops, symmetric normalization, x @ W, scatter-add aggregate
    n = x.shape[0]
    loop = jnp.arange(n, dtype=edge_index.dtype)
    src = jnp.concatenate([edge_index[0], loop])
    dst = jnp.concatenate([edge_index[1], loop])
    h = x @ W
    deg = jnp.zeros((n,), dtype=h.dtype).at[dst].add(1.0)
    dinv = jnp.where(deg > 0, jax.lax.rsqrt(deg), 0.0)
    norm = dinv[src] * dinv[dst]
    msg = h[src] * norm[:, None]
    out = jnp.zeros((n, h.shape[1]), dtype=h.dtype).at[dst].add(msg)
    return out + b


def setup_inputs(seed: int = 0) -> dict:
    key = jax.random.key(seed)
    k1, k2, k3, k4, k5, k6 = jax.random.split(key, 6)
    x = jax.random.normal(k1, (N, F_IN), dtype=jnp.float32)
    edge_index = jax.random.randint(k2, (2, E), 0, N, dtype=jnp.int32)
    W1 = jax.random.normal(k3, (F_IN, HID), dtype=jnp.float32) * 0.05
    b1 = jnp.zeros((HID,), dtype=jnp.float32)
    W2 = jax.random.normal(k4, (HID, C), dtype=jnp.float32) * 0.05
    b2 = jnp.zeros((C,), dtype=jnp.float32)
    return {"x": x, "edge_index": edge_index, "W1": W1, "b1": b1, "W2": W2, "b2": b2}


def reference(x, edge_index, W1, b1, W2, b2):
    h = gcn_conv(x, edge_index, W1, b1)
    h = jax.nn.relu(h)
    # dropout is identity at inference (training=False)
    h = gcn_conv(h, edge_index, W2, b2)
    return jax.nn.log_softmax(h, axis=1)

if __name__ == "__main__":
    import jax
    _d = setup_inputs()
    print(jax.jit(kernel)(*tuple(_d.values())))

</pallas_src>

<mosaic_0001>
#map = affine_map<(d0, d1) -> (0, 0)>
#map1 = affine_map<(d0, d1) -> (0, 0, 0)>
module attributes {stable_mosaic.version = 14 : i64} {
  func.func @_agg16_body(%arg0: i32, %arg1: i32, %arg2: memref<10240x16xf32, #tpu.memory_space<hbm>>, %arg3: memref<2x160000xi32, #tpu.memory_space<hbm>>, %arg4: memref<64x16xf32, #tpu.memory_space<hbm>>, %arg5: memref<2x10240x16xf32, #tpu.memory_space<hbm>>, %arg6: memref<10240x16xf32, #tpu.memory_space<vmem_shared>>, %arg7: memref<64xi32, #tpu.memory_space<vmem>>, %arg8: memref<64xi32, #tpu.memory_space<vmem>>, %arg9: memref<64x16xf32, #tpu.memory_space<vmem>>, %arg10: memref<64xi32, #tpu.memory_space<vmem>>, %arg11: memref<64xi32, #tpu.memory_space<vmem>>, %arg12: memref<64x16xf32, #tpu.memory_space<vmem>>, %arg13: memref<64xi32, #tpu.memory_space<vmem>>, %arg14: memref<64xi32, #tpu.memory_space<vmem>>, %arg15: memref<64x16xf32, #tpu.memory_space<vmem>>, %arg16: memref<8xi32, #tpu.memory_space<vmem>>, %arg17: memref<8xi32, #tpu.memory_space<vmem>>, %arg18: memref<8x16xf32, #tpu.memory_space<vmem>>, %arg19: memref<!tpu.dma_semaphore, #tpu.memory_space<semaphore_mem>>, %arg20: memref<!tpu.dma_semaphore, #tpu.memory_space<semaphore_mem>>, %arg21: memref<!tpu.dma_semaphore, #tpu.memory_space<semaphore_mem>>, %arg22: memref<!tpu.dma_semaphore, #tpu.memory_space<semaphore_mem>>, %arg23: memref<!tpu.dma_semaphore, #tpu.memory_space<semaphore_mem>>, %arg24: memref<!tpu.dma_semaphore, #tpu.memory_space<semaphore_mem>>, %arg25: memref<!tpu.dma_semaphore, #tpu.memory_space<semaphore_mem>>) attributes {dimension_semantics = [#tpu.dimension_semantics<core_parallel>, #tpu.dimension_semantics<subcore_parallel>], iteration_bounds = array<i64: 2, 16>, scalar_prefetch = 0 : i64, scratch_operands = 20 : i64, tpu.core_type = #tpu.core_type<sc_vector_subcore>, window_params = [{transform_indices = #map}, {transform_indices = #map}, {transform_indices = #map}, {transform_indices = #map1}]} {
    %mul3A = arith.constant 640 : i32
    %mul3A_0 = arith.muli %arg1, %mul3A : i32
    %add3A = arith.constant 0 : i32
    %add3A_1 = arith.addi %mul3A_0, %add3A : i32
    "tpu.region"() ({
      %run_scoped3A_112 = tpu.sem_alloc : memref<!tpu.dma_semaphore, #tpu.memory_space<semaphore_mem>>
      %dma_start3A_113 = arith.constant 0 : i32
      %dma_start3A_114 = tpu.memref_slice %arg6[%add3A_1, %dma_start3A_113] : memref<10240x16xf32, #tpu.memory_space<vmem_shared>> -> memref<64x16xf32, #tpu.memory_space<vmem_shared>>
      tpu.enqueue_dma source(%arg4 : memref<64x16xf32, #tpu.memory_space<hbm>>) target(%dma_start3A_114 : memref<64x16xf32, #tpu.memory_space<vmem_shared>>) target_semaphore(%run_scoped3A_112 : memref<!tpu.dma_semaphore, #tpu.memory_space<semaphore_mem>>)
      %dma_wait3A_115 = arith.constant 0 : i32
      %dma_wait3A_116 = tpu.memref_slice %arg6[%add3A_1, %dma_wait3A_115] : memref<10240x16xf32, #tpu.memory_space<vmem_shared>> -> memref<64x16xf32, #tpu.memory_space<vmem_shared>>
      tpu.wait_dma2 semaphore(%run_scoped3A_112 : memref<!tpu.dma_semaphore, #tpu.memory_space<semaphore_mem>>) src(%arg4 : memref<64x16xf32, #tpu.memory_space<hbm>>) dst(%dma_wait3A_116 : memref<64x16xf32, #tpu.memory_space<vmem_shared>>)
      tpu.yield
    }) : () -> ()
    %mul3A_2 = arith.constant 640 : i32
    %mul3A_3 = arith.muli %arg1, %mul3A_2 : i32
    %add3A_4 = arith.constant 64 : i32
    %add3A_5 = arith.addi %mul3A_3, %add3A_4 : i32
    "tpu.region"() ({
      %run_scoped3A_112 = tpu.sem_alloc : memref<!tpu.dma_semaphore, #tpu.memory_space<semaphore_mem>>
      %dma_start3A_113 = arith.constant 0 : i32
      %dma_start3A_114 = tpu.memref_slice %arg6[%add3A_5, %dma_start3A_113] : memref<10240x16xf32, #tpu.memory_space<vmem_shared>> -> memref<64x16xf32, #tpu.memory_space<vmem_shared>>
      tpu.enqueue_dma source(%arg4 : memref<64x16xf32, #tpu.memory_space<hbm>>) target(%dma_start3A_114 : memref<64x16xf32, #tpu.memory_space<vmem_shared>>) target_semaphore(%run_scoped3A_112 : memref<!tpu.dma_semaphore, #tpu.memory_space<semaphore_mem>>)
      %dma_wait3A_115 = arith.constant 0 : i32
      %dma_wait3A_116 = tpu.memref_slice %arg6[%add3A_5, %dma_wait3A_115] : memref<10240x16xf32, #tpu.memory_space<vmem_shared>> -> memref<64x16xf32, #tpu.memory_space<vmem_shared>>
      tpu.wait_dma2 semaphore(%run_scoped3A_112 : memref<!tpu.dma_semaphore, #tpu.memory_space<semaphore_mem>>) src(%arg4 : memref<64x16xf32, #tpu.memory_space<hbm>>) dst(%dma_wait3A_116 : memref<64x16xf32, #tpu.memory_space<vmem_shared>>)
      tpu.yield
    }) : () -> ()
    %mul3A_6 = arith.constant 640 : i32
    %mul3A_7 = arith.muli %arg1, %mul3A_6 : i32
    %add3A_8 = arith.constant 128 : i32
    %add3A_9 = arith.addi %mul3A_7, %add3A_8 : i32
    "tpu.region"() ({
      %run_scoped3A_112 = tpu.sem_alloc : memref<!tpu.dma_semaphore, #tpu.memory_space<semaphore_mem>>
      %dma_start3A_113 = arith.constant 0 : i32
      %dma_start3A_114 = tpu.memref_slice %arg6[%add3A_9, %dma_start3A_113] : memref<10240x16xf32, #tpu.memory_space<vmem_shared>> -> memref<64x16xf32, #tpu.memory_space<vmem_shared>>
      tpu.enqueue_dma source(%arg4 : memref<64x16xf32, #tpu.memory_space<hbm>>) target(%dma_start3A_114 : memref<64x16xf32, #tpu.memory_space<vmem_shared>>) target_semaphore(%run_scoped3A_112 : memref<!tpu.dma_semaphore, #tpu.memory_space<semaphore_mem>>)
      %dma_wait3A_115 = arith.constant 0 : i32
      %dma_wait3A_116 = tpu.memref_slice %arg6[%add3A_9, %dma_wait3A_115] : memref<10240x16xf32, #tpu.memory_space<vmem_shared>> -> memref<64x16xf32, #tpu.memory_space<vmem_shared>>
      tpu.wait_dma2 semaphore(%run_scoped3A_112 : memref<!tpu.dma_semaphore, #tpu.memory_space<semaphore_mem>>) src(%arg4 : memref<64x16xf32, #tpu.memory_space<hbm>>) dst(%dma_wait3A_116 : memref<64x16xf32, #tpu.memory_space<vmem_shared>>)
      tpu.yield
    }) : () -> ()
    %mul3A_10 = arith.constant 640 : i32
    %mul3A_11 = arith.muli %arg1, %mul3A_10 : i32
    %add3A_12 = arith.constant 192 : i32
    %add3A_13 = arith.addi %mul3A_11, %add3A_12 : i32
    "tpu.region"() ({
      %run_scoped3A_112 = tpu.sem_alloc : memref<!tpu.dma_semaphore, #tpu.memory_space<semaphore_mem>>
      %dma_start3A_113 = arith.constant 0 : i32
      %dma_start3A_114 = tpu.memref_slice %arg6[%add3A_13, %dma_start3A_113] : memref<10240x16xf32, #tpu.memory_space<vmem_shared>> -> memref<64x16xf32, #tpu.memory_space<vmem_shared>>
      tpu.enqueue_dma source(%arg4 : memref<64x16xf32, #tpu.memory_space<hbm>>) target(%dma_start3A_114 : memref<64x16xf32, #tpu.memory_space<vmem_shared>>) target_semaphore(%run_scoped3A_112 : memref<!tpu.dma_semaphore, #tpu.memory_space<semaphore_mem>>)
      %dma_wait3A_115 = arith.constant 0 : i32
      %dma_wait3A_116 = tpu.memref_slice %arg6[%add3A_13, %dma_wait3A_115] : memref<10240x16xf32, #tpu.memory_space<vmem_shared>> -> memref<64x16xf32, #tpu.memory_space<vmem_shared>>
      tpu.wait_dma2 semaphore(%run_scoped3A_112 : memref<!tpu.dma_semaphore, #tpu.memory_space<semaphore_mem>>) src(%arg4 : memref<64x16xf32, #tpu.memory_space<hbm>>) dst(%dma_wait3A_116 : memref<64x16xf32, #tpu.memory_space<vmem_shared>>)
      tpu.yield
    }) : () -> ()
    %mul3A_14 = arith.constant 640 : i32
    %mul3A_15 = arith.muli %arg1, %mul3A_14 : i32
    %add3A_16 = arith.constant 256 : i32
    %add3A_17 = arith.addi %mul3A_15, %add3A_16 : i32
    "tpu.region"() ({
      %run_scoped3A_112 = tpu.sem_alloc : memref<!tpu.dma_semaphore, #tpu.memory_space<semaphore_mem>>
      %dma_start3A_113 = arith.constant 0 : i32
      %dma_start3A_114 = tpu.memref_slice %arg6[%add3A_17, %dma_start3A_113] : memref<10240x16xf32, #tpu.memory_space<vmem_shared>> -> memref<64x16xf32, #tpu.memory_space<vmem_shared>>
      tpu.enqueue_dma source(%arg4 : memref<64x16xf32, #tpu.memory_space<hbm>>) target(%dma_start3A_114 : memref<64x16xf32, #tpu.memory_space<vmem_shared>>) target_semaphore(%run_scoped3A_112 : memref<!tpu.dma_semaphore, #tpu.memory_space<semaphore_mem>>)
      %dma_wait3A_115 = arith.constant 0 : i32
      %dma_wait3A_116 = tpu.memref_slice %arg6[%add3A_17, %dma_wait3A_115] : memref<10240x16xf32, #tpu.memory_space<vmem_shared>> -> memref<64x16xf32, #tpu.memory_space<vmem_shared>>
      tpu.wait_dma2 semaphore(%run_scoped3A_112 : memref<!tpu.dma_semaphore, #tpu.memory_space<semaphore_mem>>) src(%arg4 : memref<64x16xf32, #tpu.memory_space<hbm>>) dst(%dma_wait3A_116 : memref<64x16xf32, #tpu.memory_space<vmem_shared>>)
      tpu.yield
    }) : () -> ()
    %mul3A_18 = arith.constant 640 : i32
    %mul3A_19 = arith.muli %arg1, %mul3A_18 : i32
    %add3A_20 = arith.constant 320 : i32
    %add3A_21 = arith.addi %mul3A_19, %add3A_20 : i32
    "tpu.region"() ({
      %run_scoped3A_112 = tpu.sem_alloc : memref<!tpu.dma_semaphore, #tpu.memory_space<semaphore_mem>>
      %dma_start3A_113 = arith.constant 0 : i32
      %dma_start3A_114 = tpu.memref_slice %arg6[%add3A_21, %dma_start3A_113] : memref<10240x16xf32, #tpu.memory_space<vmem_shared>> -> memref<64x16xf32, #tpu.memory_space<vmem_shared>>
      tpu.enqueue_dma source(%arg4 : memref<64x16xf32, #tpu.memory_space<hbm>>) target(%dma_start3A_114 : memref<64x16xf32, #tpu.memory_space<vmem_shared>>) target_semaphore(%run_scoped3A_112 : memref<!tpu.dma_semaphore, #tpu.memory_space<semaphore_mem>>)
      %dma_wait3A_115 = arith.constant 0 : i32
      %dma_wait3A_116 = tpu.memref_slice %arg6[%add3A_21, %dma_wait3A_115] : memref<10240x16xf32, #tpu.memory_space<vmem_shared>> -> memref<64x16xf32, #tpu.memory_space<vmem_shared>>
      tpu.wait_dma2 semaphore(%run_scoped3A_112 : memref<!tpu.dma_semaphore, #tpu.memory_space<semaphore_mem>>) src(%arg4 : memref<64x16xf32, #tpu.memory_space<hbm>>) dst(%dma_wait3A_116 : memref<64x16xf32, #tpu.memory_space<vmem_shared>>)
      tpu.yield
    }) : () -> ()
    %mul3A_22 = arith.constant 640 : i32
    %mul3A_23 = arith.muli %arg1, %mul3A_22 : i32
    %add3A_24 = arith.constant 384 : i32
    %add3A_25 = arith.addi %mul3A_23, %add3A_24 : i32
    "tpu.region"() ({
      %run_scoped3A_112 = tpu.sem_alloc : memref<!tpu.dma_semaphore, #tpu.memory_space<semaphore_mem>>
      %dma_start3A_113 = arith.constant 0 : i32
      %dma_start3A_114 = tpu.memref_slice %arg6[%add3A_25, %dma_start3A_113] : memref<10240x16xf32, #tpu.memory_space<vmem_shared>> -> memref<64x16xf32, #tpu.memory_space<vmem_shared>>
      tpu.enqueue_dma source(%arg4 : memref<64x16xf32, #tpu.memory_space<hbm>>) target(%dma_start3A_114 : memref<64x16xf32, #tpu.memory_space<vmem_shared>>) target_semaphore(%run_scoped3A_112 : memref<!tpu.dma_semaphore, #tpu.memory_space<semaphore_mem>>)
      %dma_wait3A_115 = arith.constant 0 : i32
      %dma_wait3A_116 = tpu.memref_slice %arg6[%add3A_25, %dma_wait3A_115] : memref<10240x16xf32, #tpu.memory_space<vmem_shared>> -> memref<64x16xf32, #tpu.memory_space<vmem_shared>>
      tpu.wait_dma2 semaphore(%run_scoped3A_112 : memref<!tpu.dma_semaphore, #tpu.memory_space<semaphore_mem>>) src(%arg4 : memref<64x16xf32, #tpu.memory_space<hbm>>) dst(%dma_wait3A_116 : memref<64x16xf32, #tpu.memory_space<vmem_shared>>)
      tpu.yield
    }) : () -> ()
    %mul3A_26 = arith.constant 640 : i32
    %mul3A_27 = arith.muli %arg1, %mul3A_26 : i32
    %add3A_28 = arith.constant 448 : i32
    %add3A_29 = arith.addi %mul3A_27, %add3A_28 : i32
    "tpu.region"() ({
      %run_scoped3A_112 = tpu.sem_alloc : memref<!tpu.dma_semaphore, #tpu.memory_space<semaphore_mem>>
      %dma_start3A_113 = arith.constant 0 : i32
      %dma_start3A_114 = tpu.memref_slice %arg6[%add3A_29, %dma_start3A_113] : memref<10240x16xf32, #tpu.memory_space<vmem_shared>> -> memref<64x16xf32, #tpu.memory_space<vmem_shared>>
      tpu.enqueue_dma source(%arg4 : memref<64x16xf32, #tpu.memory_space<hbm>>) target(%dma_start3A_114 : memref<64x16xf32, #tpu.memory_space<vmem_shared>>) target_semaphore(%run_scoped3A_112 : memref<!tpu.dma_semaphore, #tpu.memory_space<semaphore_mem>>)
      %dma_wait3A_115 = arith.constant 0 : i32
      %dma_wait3A_116 = tpu.memref_slice %arg6[%add3A_29, %dma_wait3A_115] : memref<10240x16xf32, #tpu.memory_space<vmem_shared>> -> memref<64x16xf32, #tpu.memory_space<vmem_shared>>
      tpu.wait_dma2 semaphore(%run_scoped3A_112 : memref<!tpu.dma_semaphore, #tpu.memory_space<semaphore_mem>>) src(%arg4 : memref<64x16xf32, #tpu.memory_space<hbm>>) dst(%dma_wait3A_116 : memref<64x16xf32, #tpu.memory_space<vmem_shared>>)
      tpu.yield
    }) : () -> ()
    %mul3A_30 = arith.constant 640 : i32
    %mul3A_31 = arith.muli %arg1, %mul3A_30 : i32
    %add3A_32 = arith.constant 512 : i32
    %add3A_33 = arith.addi %mul3A_31, %add3A_32 : i32
    "tpu.region"() ({
      %run_scoped3A_112 = tpu.sem_alloc : memref<!tpu.dma_semaphore, #tpu.memory_space<semaphore_mem>>
      %dma_start3A_113 = arith.constant 0 : i32
      %dma_start3A_114 = tpu.memref_slice %arg6[%add3A_33, %dma_start3A_113] : memref<10240x16xf32, #tpu.memory_space<vmem_shared>> -> memref<64x16xf32, #tpu.memory_space<vmem_shared>>
      tpu.enqueue_dma source(%arg4 : memref<64x16xf32, #tpu.memory_space<hbm>>) target(%dma_start3A_114 : memref<64x16xf32, #tpu.memory_space<vmem_shared>>) target_semaphore(%run_scoped3A_112 : memref<!tpu.dma_semaphore, #tpu.memory_space<semaphore_mem>>)
      %dma_wait3A_115 = arith.constant 0 : i32
      %dma_wait3A_116 = tpu.memref_slice %arg6[%add3A_33, %dma_wait3A_115] : memref<10240x16xf32, #tpu.memory_space<vmem_shared>> -> memref<64x16xf32, #tpu.memory_space<vmem_shared>>
      tpu.wait_dma2 semaphore(%run_scoped3A_112 : memref<!tpu.dma_semaphore, #tpu.memory_space<semaphore_mem>>) src(%arg4 : memref<64x16xf32, #tpu.memory_space<hbm>>) dst(%dma_wait3A_116 : memref<64x16xf32, #tpu.memory_space<vmem_shared>>)
      tpu.yield
    }) : () -> ()
    %mul3A_34 = arith.constant 640 : i32
    %mul3A_35 = arith.muli %arg1, %mul3A_34 : i32
    %add3A_36 = arith.constant 576 : i32
    %add3A_37 = arith.addi %mul3A_35, %add3A_36 : i32
    "tpu.region"() ({
      %run_scoped3A_112 = tpu.sem_alloc : memref<!tpu.dma_semaphore, #tpu.memory_space<semaphore_mem>>
      %dma_start3A_113 = arith.constant 0 : i32
      %dma_start3A_114 = tpu.memref_slice %arg6[%add3A_37, %dma_start3A_113] : memref<10240x16xf32, #tpu.memory_space<vmem_shared>> -> memref<64x16xf32, #tpu.memory_space<vmem_shared>>
      tpu.enqueue_dma source(%arg4 : memref<64x16xf32, #tpu.memory_space<hbm>>) target(%dma_start3A_114 : memref<64x16xf32, #tpu.memory_space<vmem_shared>>) target_semaphore(%run_scoped3A_112 : memref<!tpu.dma_semaphore, #tpu.memory_space<semaphore_mem>>)
      %dma_wait3A_115 = arith.constant 0 : i32
      %dma_wait3A_116 = tpu.memref_slice %arg6[%add3A_37, %dma_wait3A_115] : memref<10240x16xf32, #tpu.memory_space<vmem_shared>> -> memref<64x16xf32, #tpu.memory_space<vmem_shared>>
      tpu.wait_dma2 semaphore(%run_scoped3A_112 : memref<!tpu.dma_semaphore, #tpu.memory_space<semaphore_mem>>) src(%arg4 : memref<64x16xf32, #tpu.memory_space<hbm>>) dst(%dma_wait3A_116 : memref<64x16xf32, #tpu.memory_space<vmem_shared>>)
      tpu.yield
    }) : () -> ()
    %barrier3A = arith.constant 0 : index
    tpu.barrier barrier_id(%barrier3A)
    %mul3A_38 = arith.constant 80000 : i32
    %mul3A_39 = arith.muli %arg0, %mul3A_38 : i32
    %mul3A_40 = arith.constant 5000 : i32
    %mul3A_41 = arith.muli %arg1, %mul3A_40 : i32
    %add3A_42 = arith.addi %mul3A_39, %mul3A_41 : i32
    %run_scoped3A = arith.constant 0 : i32
    "tpu.region"() ({
      %run_scoped3A_112 = tpu.sem_alloc : memref<!tpu.dma_semaphore, #tpu.memory_space<semaphore_mem>>
      %dma_start3A_113 = tpu.memref_slice %arg3[%run_scoped3A, %add3A_42] : memref<2x160000xi32, #tpu.memory_space<hbm>> -> memref<1x64xi32, #tpu.memory_space<hbm>>
      %dma_start3A_114 = tpu.memref_squeeze %dma_start3A_113 : memref<1x64xi32, #tpu.memory_space<hbm>> -> memref<64xi32, #tpu.memory_space<hbm>>
      %dma_start3A_115 = tpu.memref_slice %arg3[%run_scoped3A, %add3A_42] : memref<2x160000xi32, #tpu.memory_space<hbm>> -> memref<1x64xi32, #tpu.memory_space<hbm>>
      %dma_start3A_116 = tpu.memref_squeeze %dma_start3A_115 : memref<1x64xi32, #tpu.memory_space<hbm>> -> memref<64xi32, #tpu.memory_space<hbm>>
      tpu.enqueue_dma source(%dma_start3A_116 : memref<64xi32, #tpu.memory_space<hbm>>) target(%arg7 : memref<64xi32, #tpu.memory_space<vmem>>) target_semaphore(%run_scoped3A_112 : memref<!tpu.dma_semaphore, #tpu.memory_space<semaphore_mem>>)
      %dma_wait3A_117 = tpu.memref_slice %arg3[%run_scoped3A, %add3A_42] : memref<2x160000xi32, #tpu.memory_space<hbm>> -> memref<1x64xi32, #tpu.memory_space<hbm>>
      %dma_wait3A_118 = tpu.memref_squeeze %dma_wait3A_117 : memref<1x64xi32, #tpu.memory_space<hbm>> -> memref<64xi32, #tpu.memory_space<hbm>>
      %dma_wait3A_119 = tpu.memref_slice %arg3[%run_scoped3A, %add3A_42] : memref<2x160000xi32, #tpu.memory_space<hbm>> -> memref<1x64xi32, #tpu.memory_space<hbm>>
      %dma_wait3A_120 = tpu.memref_squeeze %dma_wait3A_119 : memref<1x64xi32, #tpu.memory_space<hbm>> -> memref<64xi32, #tpu.memory_space<hbm>>
      tpu.wait_dma2 semaphore(%run_scoped3A_112 : memref<!tpu.dma_semaphore, #tpu.memory_space<semaphore_mem>>) src(%dma_wait3A_120 : memref<64xi32, #tpu.memory_space<hbm>>) dst(%arg7 : memref<64xi32, #tpu.memory_space<vmem>>)
      tpu.yield
    }) : () -> ()
    %run_scoped3A_43 = arith.constant 1 : i32
    "tpu.region"() ({
      %run_scoped3A_112 = tpu.sem_alloc : memref<!tpu.dma_semaphore, #tpu.memory_space<semaphore_mem>>
      %dma_start3A_113 = tpu.memref_slice %arg3[%run_scoped3A_43, %add3A_42] : memref<2x160000xi32, #tpu.memory_space<hbm>> -> memref<1x64xi32, #tpu.memory_space<hbm>>
      %dma_start3A_114 = tpu.memref_squeeze %dma_start3A_113 : memref<1x64xi32, #tpu.memory_space<hbm>> -> memref<64xi32, #tpu.memory_space<hbm>>
      %dma_start3A_115 = tpu.memref_slice %arg3[%run_scoped3A_43, %add3A_42] : memref<2x160000xi32, #tpu.memory_space<hbm>> -> memref<1x64xi32, #tpu.memory_space<hbm>>
      %dma_start3A_116 = tpu.memref_squeeze %dma_start3A_115 : memref<1x64xi32, #tpu.memory_space<hbm>> -> memref<64xi32, #tpu.memory_space<hbm>>
      tpu.enqueue_dma source(%dma_start3A_116 : memref<64xi32, #tpu.memory_space<hbm>>) target(%arg8 : memref<64xi32, #tpu.memory_space<vmem>>) target_semaphore(%run_scoped3A_112 : memref<!tpu.dma_semaphore, #tpu.memory_space<semaphore_mem>>)
      %dma_wait3A_117 = tpu.memref_slice %arg3[%run_scoped3A_43, %add3A_42] : memref<2x160000xi32, #tpu.memory_space<hbm>> -> memref<1x64xi32, #tpu.memory_space<hbm>>
      %dma_wait3A_118 = tpu.memref_squeeze %dma_wait3A_117 : memref<1x64xi32, #tpu.memory_space<hbm>> -> memref<64xi32, #tpu.memory_space<hbm>>
      %dma_wait3A_119 = tpu.memref_slice %arg3[%run_scoped3A_43, %add3A_42] : memref<2x160000xi32, #tpu.memory_space<hbm>> -> memref<1x64xi32, #tpu.memory_space<hbm>>
      %dma_wait3A_120 = tpu.memref_squeeze %dma_wait3A_119 : memref<1x64xi32, #tpu.memory_space<hbm>> -> memref<64xi32, #tpu.memory_space<hbm>>
      tpu.wait_dma2 semaphore(%run_scoped3A_112 : memref<!tpu.dma_semaphore, #tpu.memory_space<semaphore_mem>>) src(%dma_wait3A_120 : memref<64xi32, #tpu.memory_space<hbm>>) dst(%arg8 : memref<64xi32, #tpu.memory_space<vmem>>)
      tpu.yield
    }) : () -> ()
    %dma_start3A = arith.constant 0 : i32
    %dma_start3A_44 = arith.constant 0 : i32
    %dma_start3A_45 = tpu.memref_slice %arg2[%dma_start3A, %dma_start3A_44] : memref<10240x16xf32, #tpu.memory_space<hbm>> -> memref<10240x16xf32, #tpu.memory_space<hbm>>
    tpu.enqueue_indirect_dma source(%dma_start3A_45 : memref<10240x16xf32, #tpu.memory_space<hbm>>) target(%arg9 : memref<64x16xf32, #tpu.memory_space<vmem>>) offsets(%arg7 : memref<64xi32, #tpu.memory_space<vmem>>) semaphore(%arg19 : memref<!tpu.dma_semaphore, #tpu.memory_space<semaphore_mem>>)
    %add3A_46 = arith.constant 64 : i32
    %add3A_47 = arith.addi %add3A_42, %add3A_46 : i32
    %run_scoped3A_48 = arith.constant 0 : i32
    "tpu.region"() ({
      %run_scoped3A_112 = tpu.sem_alloc : memref<!tpu.dma_semaphore, #tpu.memory_space<semaphore_mem>>
      %dma_start3A_113 = tpu.memref_slice %arg3[%run_scoped3A_48, %add3A_47] : memref<2x160000xi32, #tpu.memory_space<hbm>> -> memref<1x64xi32, #tpu.memory_space<hbm>>
      %dma_start3A_114 = tpu.memref_squeeze %dma_start3A_113 : memref<1x64xi32, #tpu.memory_space<hbm>> -> memref<64xi32, #tpu.memory_space<hbm>>
      %dma_start3A_115 = tpu.memref_slice %arg3[%run_scoped3A_48, %add3A_47] : memref<2x160000xi32, #tpu.memory_space<hbm>> -> memref<1x64xi32, #tpu.memory_space<hbm>>
      %dma_start3A_116 = tpu.memref_squeeze %dma_start3A_115 : memref<1x64xi32, #tpu.memory_space<hbm>> -> memref<64xi32, #tpu.memory_space<hbm>>
      tpu.enqueue_dma source(%dma_start3A_116 : memref<64xi32, #tpu.memory_space<hbm>>) target(%arg10 : memref<64xi32, #tpu.memory_space<vmem>>) target_semaphore(%run_scoped3A_112 : memref<!tpu.dma_semaphore, #tpu.memory_space<semaphore_mem>>)
      %dma_wait3A_117 = tpu.memref_slice %arg3[%run_scoped3A_48, %add3A_47] : memref<2x160000xi32, #tpu.memory_space<hbm>> -> memref<1x64xi32, #tpu.memory_space<hbm>>
      %dma_wait3A_118 = tpu.memref_squeeze %dma_wait3A_117 : memref<1x64xi32, #tpu.memory_space<hbm>> -> memref<64xi32, #tpu.memory_space<hbm>>
      %dma_wait3A_119 = tpu.memref_slice %arg3[%run_scoped3A_48, %add3A_47] : memref<2x160000xi32, #tpu.memory_space<hbm>> -> memref<1x64xi32, #tpu.memory_space<hbm>>
      %dma_wait3A_120 = tpu.memref_squeeze %dma_wait3A_119 : memref<1x64xi32, #tpu.memory_space<hbm>> -> memref<64xi32, #tpu.memory_space<hbm>>
      tpu.wait_dma2 semaphore(%run_scoped3A_112 : memref<!tpu.dma_semaphore, #tpu.memory_space<semaphore_mem>>) src(%dma_wait3A_120 : memref<64xi32, #tpu.memory_space<hbm>>) dst(%arg10 : memref<64xi32, #tpu.memory_space<vmem>>)
      tpu.yield
    }) : () -> ()
    %run_scoped3A_49 = arith.constant 1 : i32
    "tpu.region"() ({
      %run_scoped3A_112 = tpu.sem_alloc : memref<!tpu.dma_semaphore, #tpu.memory_space<semaphore_mem>>
      %dma_start3A_113 = tpu.memref_slice %arg3[%run_scoped3A_49, %add3A_47] : memref<2x160000xi32, #tpu.memory_space<hbm>> -> memref<1x64xi32, #tpu.memory_space<hbm>>
      %dma_start3A_114 = tpu.memref_squeeze %dma_start3A_113 : memref<1x64xi32, #tpu.memory_space<hbm>> -> memref<64xi32, #tpu.memory_space<hbm>>
      %dma_start3A_115 = tpu.memref_slice %arg3[%run_scoped3A_49, %add3A_47] : memref<2x160000xi32, #tpu.memory_space<hbm>> -> memref<1x64xi32, #tpu.memory_space<hbm>>
      %dma_start3A_116 = tpu.memref_squeeze %dma_start3A_115 : memref<1x64xi32, #tpu.memory_space<hbm>> -> memref<64xi32, #tpu.memory_space<hbm>>
      tpu.enqueue_dma source(%dma_start3A_116 : memref<64xi32, #tpu.memory_space<hbm>>) target(%arg11 : memref<64xi32, #tpu.memory_space<vmem>>) target_semaphore(%run_scoped3A_112 : memref<!tpu.dma_semaphore, #tpu.memory_space<semaphore_mem>>)
      %dma_wait3A_117 = tpu.memref_slice %arg3[%run_scoped3A_49, %add3A_47] : memref<2x160000xi32, #tpu.memory_space<hbm>> -> memref<1x64xi32, #tpu.memory_space<hbm>>
      %dma_wait3A_118 = tpu.memref_squeeze %dma_wait3A_117 : memref<1x64xi32, #tpu.memory_space<hbm>> -> memref<64xi32, #tpu.memory_space<hbm>>
      %dma_wait3A_119 = tpu.memref_slice %arg3[%run_scoped3A_49, %add3A_47] : memref<2x160000xi32, #tpu.memory_space<hbm>> -> memref<1x64xi32, #tpu.memory_space<hbm>>
      %dma_wait3A_120 = tpu.memref_squeeze %dma_wait3A_119 : memref<1x64xi32, #tpu.memory_space<hbm>> -> memref<64xi32, #tpu.memory_space<hbm>>
      tpu.wait_dma2 semaphore(%run_scoped3A_112 : memref<!tpu.dma_semaphore, #tpu.memory_space<semaphore_mem>>) src(%dma_wait3A_120 : memref<64xi32, #tpu.memory_space<hbm>>) dst(%arg11 : memref<64xi32, #tpu.memory_space<vmem>>)
      tpu.yield
    }) : () -> ()
    %dma_start3A_50 = arith.constant 0 : i32
    %dma_start3A_51 = arith.constant 0 : i32
    %dma_start3A_52 = tpu.memref_slice %arg2[%dma_start3A_50, %dma_start3A_51] : memref<10240x16xf32, #tpu.memory_space<hbm>> -> memref<10240x16xf32, #tpu.memory_space<hbm>>
    tpu.enqueue_indirect_dma source(%dma_start3A_52 : memref<10240x16xf32, #tpu.memory_space<hbm>>) target(%arg12 : memref<64x16xf32, #tpu.memory_space<vmem>>) offsets(%arg10 : memref<64xi32, #tpu.memory_space<vmem>>) semaphore(%arg21 : memref<!tpu.dma_semaphore, #tpu.memory_space<semaphore_mem>>)
    %scan3A = arith.constant 0 : i32
    %scan3A_53 = arith.constant 0 : i32
    %scan3A_54 = arith.constant 26 : i32
    %scan3A_55 = arith.addi %scan3A_53, %scan3A_54 : i32
    %scan3A_56 = arith.constant 1 : i32
    %scan3A_57 = scf.for %scan3A_112 = %scan3A_53 to %scan3A_55 step %scan3A_56 iter_args(%scan3A_113 = %scan3A) -> (i32)  : i32 {
      %dma_wait3A_114 = arith.constant 0 : i32
      %dma_wait3A_115 = arith.constant 0 : i32
      %dma_wait3A_116 = tpu.memref_slice %arg2[%dma_wait3A_114, %dma_wait3A_115] : memref<10240x16xf32, #tpu.memory_space<hbm>> -> memref<10240x16xf32, #tpu.memory_space<hbm>>
      tpu.wait_indirect_dma semaphore(%arg19 : memref<!tpu.dma_semaphore, #tpu.memory_space<semaphore_mem>>) src(%dma_wait3A_116 : memref<10240x16xf32, #tpu.memory_space<hbm>>) dst(%arg9 : memref<64x16xf32, #tpu.memory_space<vmem>>)
      %dma_start3A_117 = arith.constant 0 : i32
      %dma_start3A_118 = arith.constant 0 : i32
      %dma_start3A_119 = tpu.memref_slice %arg6[%dma_start3A_117, %dma_start3A_118] : memref<10240x16xf32, #tpu.memory_space<vmem_shared>> -> memref<10240x16xf32, #tpu.memory_space<vmem_shared>>
      tpu.enqueue_indirect_dma source(%arg9 : memref<64x16xf32, #tpu.memory_space<vmem>>) target(%dma_start3A_119 : memref<10240x16xf32, #tpu.memory_space<vmem_shared>>) offsets(%arg8 : memref<64xi32, #tpu.memory_space<vmem>>) semaphore(%arg20 : memref<!tpu.dma_semaphore, #tpu.memory_space<semaphore_mem>>) {add = true}
      %gt3A = arith.constant 0 : i32
      %gt3A_120 = arith.cmpi sgt, %scan3A_112, %gt3A : i32
      %convert_element_type3A = arith.extui %gt3A_120 : i1 to i32
      %cond3A = arith.constant 0 : i32
      %cond3A_121 = arith.cmpi ne, %convert_element_type3A, %cond3A : i32
      scf.if %cond3A_121 {
        %dma_wait3A_176 = arith.constant 0 : i32
        %dma_wait3A_177 = arith.constant 0 : i32
        %dma_wait3A_178 = tpu.memref_slice %arg6[%dma_wait3A_176, %dma_wait3A_177] : memref<10240x16xf32, #tpu.memory_space<vmem_shared>> -> memref<10240x16xf32, #tpu.memory_space<vmem_shared>>
        tpu.wait_indirect_dma semaphore(%arg24 : memref<!tpu.dma_semaphore, #tpu.memory_space<semaphore_mem>>) src(%arg15 : memref<64x16xf32, #tpu.memory_space<vmem>>) dst(%dma_wait3A_178 : memref<10240x16xf32, #tpu.memory_space<vmem_shared>>)
      } else {
      }
      %mul3A_122 = arith.constant 3 : i32
      %mul3A_123 = arith.muli %mul3A_122, %scan3A_112 : i32
      %add3A_124 = arith.constant 0 : i32
      %add3A_125 = arith.addi %mul3A_123, %add3A_124 : i32
      %add3A_126 = arith.constant 2 : i32
      %add3A_127 = arith.addi %add3A_125, %add3A_126 : i32
      %mul3A_128 = arith.constant 64 : i32
      %mul3A_129 = arith.muli %add3A_127, %mul3A_128 : i32
      %add3A_130 = arith.addi %add3A_42, %mul3A_129 : i32
      %run_scoped3A_131 = arith.constant 0 : i32
      "tpu.region"() ({
        %run_scoped3A_176 = tpu.sem_alloc : memref<!tpu.dma_semaphore, #tpu.memory_space<semaphore_mem>>
        %dma_start3A_177 = tpu.memref_slice %arg3[%run_scoped3A_131, %add3A_130] : memref<2x160000xi32, #tpu.memory_space<hbm>> -> memref<1x64xi32, #tpu.memory_space<hbm>>
        %dma_start3A_178 = tpu.memref_squeeze %dma_start3A_177 : memref<1x64xi32, #tpu.memory_space<hbm>> -> memref<64xi32, #tpu.memory_space<hbm>>
        %dma_start3A_179 = tpu.memref_slice %arg3[%run_scoped3A_131, %add3A_130] : memref<2x160000xi32, #tpu.memory_space<hbm>> -> memref<1x64xi32, #tpu.memory_space<hbm>>
        %dma_start3A_180 = tpu.memref_squeeze %dma_start3A_179 : memref<1x64xi32, #tpu.memory_space<hbm>> -> memref<64xi32, #tpu.memory_space<hbm>>
        tpu.enqueue_dma source(%dma_start3A_180 : memref<64xi32, #tpu.memory_space<hbm>>) target(%arg13 : memref<64xi32, #tpu.memory_space<vmem>>) target_semaphore(%run_scoped3A_176 : memref<!tpu.dma_semaphore, #tpu.memory_space<semaphore_mem>>)
        %dma_wait3A_181 = tpu.memref_slice %arg3[%run_scoped3A_131, %add3A_130] : memref<2x160000xi32, #tpu.memory_space<hbm>> -> memref<1x64xi32, #tpu.memory_space<hbm>>
        %dma_wait3A_182 = tpu.memref_squeeze %dma_wait3A_181 : memref<1x64xi32, #tpu.memory_space<hbm>> -> memref<64xi32, #tpu.memory_space<hbm>>
        %dma_wait3A_183 = tpu.memref_slice %arg3[%run_scoped3A_131, %add3A_130] : memref<2x160000xi32, #tpu.memory_space<hbm>> -> memref<1x64xi32, #tpu.memory_space<hbm>>
        %dma_wait3A_184 = tpu.memref_squeeze %dma_wait3A_183 : memref<1x64xi32, #tpu.memory_space<hbm>> -> memref<64xi32, #tpu.memory_space<hbm>>
        tpu.wait_dma2 semaphore(%run_scoped3A_176 : memref<!tpu.dma_semaphore, #tpu.memory_space<semaphore_mem>>) src(%dma_wait3A_184 : memref<64xi32, #tpu.memory_space<hbm>>) dst(%arg13 : memref<64xi32, #tpu.memory_space<vmem>>)
        tpu.yield
      }) : () -> ()
      %run_scoped3A_132 = arith.constant 1 : i32
      "tpu.region"() ({
        %run_scoped3A_176 = tpu.sem_alloc : memref<!tpu.dma_semaphore, #tpu.memory_space<semaphore_mem>>
        %dma_start3A_177 = tpu.memref_slice %arg3[%run_scoped3A_132, %add3A_130] : memref<2x160000xi32, #tpu.memory_space<hbm>> -> memref<1x64xi32, #tpu.memory_space<hbm>>
        %dma_start3A_178 = tpu.memref_squeeze %dma_start3A_177 : memref<1x64xi32, #tpu.memory_space<hbm>> -> memref<64xi32, #tpu.memory_space<hbm>>
        %dma_start3A_179 = tpu.memref_slice %arg3[%run_scoped3A_132, %add3A_130] : memref<2x160000xi32, #tpu.memory_space<hbm>> -> memref<1x64xi32, #tpu.memory_space<hbm>>
        %dma_start3A_180 = tpu.memref_squeeze %dma_start3A_179 : memref<1x64xi32, #tpu.memory_space<hbm>> -> memref<64xi32, #tpu.memory_space<hbm>>
        tpu.enqueue_dma source(%dma_start3A_180 : memref<64xi32, #tpu.memory_space<hbm>>) target(%arg14 : memref<64xi32, #tpu.memory_space<vmem>>) target_semaphore(%run_scoped3A_176 : memref<!tpu.dma_semaphore, #tpu.memory_space<semaphore_mem>>)
        %dma_wait3A_181 = tpu.memref_slice %arg3[%run_scoped3A_132, %add3A_130] : memref<2x160000xi32, #tpu.memory_space<hbm>> -> memref<1x64xi32, #tpu.memory_space<hbm>>
        %dma_wait3A_182 = tpu.memref_squeeze %dma_wait3A_181 : memref<1x64xi32, #tpu.memory_space<hbm>> -> memref<64xi32, #tpu.memory_space<hbm>>
        %dma_wait3A_183 = tpu.memref_slice %arg3[%run_scoped3A_132, %add3A_130] : memref<2x160000xi32, #tpu.memory_space<hbm>> -> memref<1x64xi32, #tpu.memory_space<hbm>>
        %dma_wait3A_184 = tpu.memref_squeeze %dma_wait3A_183 : memref<1x64xi32, #tpu.memory_space<hbm>> -> memref<64xi32, #tpu.memory_space<hbm>>
        tpu.wait_dma2 semaphore(%run_scoped3A_176 : memref<!tpu.dma_semaphore, #tpu.memory_space<semaphore_mem>>) src(%dma_wait3A_184 : memref<64xi32, #tpu.memory_space<hbm>>) dst(%arg14 : memref<64xi32, #tpu.memory_space<vmem>>)
        tpu.yield
      }) : () -> ()
      %dma_start3A_133 = arith.constant 0 : i32
      %dma_start3A_134 = arith.constant 0 : i32
      %dma_start3A_135 = tpu.memref_slice %arg2[%dma_start3A_133, %dma_start3A_134] : memref<10240x16xf32, #tpu.memory_space<hbm>> -> memref<10240x16xf32, #tpu.memory_space<hbm>>
      tpu.enqueue_indirect_dma source(%dma_start3A_135 : memref<10240x16xf32, #tpu.memory_space<hbm>>) target(%arg15 : memref<64x16xf32, #tpu.memory_space<vmem>>) offsets(%arg13 : memref<64xi32, #tpu.memory_space<vmem>>) semaphore(%arg23 : memref<!tpu.dma_semaphore, #tpu.memory_space<semaphore_mem>>)
      %dma_wait3A_136 = arith.constant 0 : i32
      %dma_wait3A_137 = arith.constant 0 : i32
      %dma_wait3A_138 = tpu.memref_slice %arg2[%dma_wait3A_136, %dma_wait3A_137] : memref<10240x16xf32, #tpu.memory_space<hbm>> -> memref<10240x16xf32, #tpu.memory_space<hbm>>
      tpu.wait_indirect_dma semaphore(%arg21 : memref<!tpu.dma_semaphore, #tpu.memory_space<semaphore_mem>>) src(%dma_wait3A_138 : memref<10240x16xf32, #tpu.memory_space<hbm>>) dst(%arg12 : memref<64x16xf32, #tpu.memory_space<vmem>>)
      %dma_start3A_139 = arith.constant 0 : i32
      %dma_start3A_140 = arith.constant 0 : i32
      %dma_start3A_141 = tpu.memref_slice %arg6[%dma_start3A_139, %dma_start3A_140] : memref<10240x16xf32, #tpu.memory_space<vmem_shared>> -> memref<10240x16xf32, #tpu.memory_space<vmem_shared>>
      tpu.enqueue_indirect_dma source(%arg12 : memref<64x16xf32, #tpu.memory_space<vmem>>) target(%dma_start3A_141 : memref<10240x16xf32, #tpu.memory_space<vmem_shared>>) offsets(%arg11 : memref<64xi32, #tpu.memory_space<vmem>>) semaphore(%arg22 : memref<!tpu.dma_semaphore, #tpu.memory_space<semaphore_mem>>) {add = true}
      %dma_wait3A_142 = arith.constant 0 : i32
      %dma_wait3A_143 = arith.constant 0 : i32
      %dma_wait3A_144 = tpu.memref_slice %arg6[%dma_wait3A_142, %dma_wait3A_143] : memref<10240x16xf32, #tpu.memory_space<vmem_shared>> -> memref<10240x16xf32, #tpu.memory_space<vmem_shared>>
      tpu.wait_indirect_dma semaphore(%arg20 : memref<!tpu.dma_semaphore, #tpu.memory_space<semaphore_mem>>) src(%arg9 : memref<64x16xf32, #tpu.memory_space<vmem>>) dst(%dma_wait3A_144 : memref<10240x16xf32, #tpu.memory_space<vmem_shared>>)
      %mul3A_145 = arith.constant 3 : i32
      %mul3A_146 = arith.muli %mul3A_145, %scan3A_112 : i32
      %add3A_147 = arith.constant 1 : i32
      %add3A_148 = arith.addi %mul3A_146, %add3A_147 : i32
      %add3A_149 = arith.constant 2 : i32
      %add3A_150 = arith.addi %add3A_148, %add3A_149 : i32
      %lt3A = arith.constant 78 : i32
      %lt3A_151 = arith.cmpi slt, %add3A_150, %lt3A : i32
      %convert_element_type3A_152 = arith.extui %lt3A_151 : i1 to i32
      %cond3A_153 = arith.constant 0 : i32
      %cond3A_154 = arith.cmpi ne, %convert_element_type3A_152, %cond3A_153 : i32
      scf.if %cond3A_154 {
        %mul3A_176 = arith.constant 3 : i32
        %mul3A_177 = arith.muli %mul3A_176, %scan3A_112 : i32
        %add3A_178 = arith.constant 1 : i32
        %add3A_179 = arith.addi %mul3A_177, %add3A_178 : i32
        %add3A_180 = arith.constant 2 : i32
        %add3A_181 = arith.addi %add3A_179, %add3A_180 : i32
        %mul3A_182 = arith.constant 64 : i32
        %mul3A_183 = arith.muli %add3A_181, %mul3A_182 : i32
        %add3A_184 = arith.addi %add3A_42, %mul3A_183 : i32
        %run_scoped3A_185 = arith.constant 0 : i32
        "tpu.region"() ({
          %run_scoped3A_190 = tpu.sem_alloc : memref<!tpu.dma_semaphore, #tpu.memory_space<semaphore_mem>>
          %dma_start3A_191 = tpu.memref_slice %arg3[%run_scoped3A_185, %add3A_184] : memref<2x160000xi32, #tpu.memory_space<hbm>> -> memref<1x64xi32, #tpu.memory_space<hbm>>
          %dma_start3A_192 = tpu.memref_squeeze %dma_start3A_191 : memref<1x64xi32, #tpu.memory_space<hbm>> -> memref<64xi32, #tpu.memory_space<hbm>>
          %dma_start3A_193 = tpu.memref_slice %arg3[%run_scoped3A_185, %add3A_184] : memref<2x160000xi32, #tpu.memory_space<hbm>> -> memref<1x64xi32, #tpu.memory_space<hbm>>
          %dma_start3A_194 = tpu.memref_squeeze %dma_start3A_193 : memref<1x64xi32, #tpu.memory_space<hbm>> -> memref<64xi32, #tpu.memory_space<hbm>>
          tpu.enqueue_dma source(%dma_start3A_194 : memref<64xi32, #tpu.memory_space<hbm>>) target(%arg7 : memref<64xi32, #tpu.memory_space<vmem>>) target_semaphore(%run_scoped3A_190 : memref<!tpu.dma_semaphore, #tpu.memory_space<semaphore_mem>>)
          %dma_wait3A_195 = tpu.memref_slice %arg3[%run_scoped3A_185, %add3A_184] : memref<2x160000xi32, #tpu.memory_space<hbm>> -> memref<1x64xi32, #tpu.memory_space<hbm>>
          %dma_wait3A_196 = tpu.memref_squeeze %dma_wait3A_195 : memref<1x64xi32, #tpu.memory_space<hbm>> -> memref<64xi32, #tpu.memory_space<hbm>>
          %dma_wait3A_197 = tpu.memref_slice %arg3[%run_scoped3A_185, %add3A_184] : memref<2x160000xi32, #tpu.memory_space<hbm>> -> memref<1x64xi32, #tpu.memory_space<hbm>>
          %dma_wait3A_198 = tpu.memref_squeeze %dma_wait3A_197 : memref<1x64xi32, #tpu.memory_space<hbm>> -> memref<64xi32, #tpu.memory_space<hbm>>
          tpu.wait_dma2 semaphore(%run_scoped3A_190 : memref<!tpu.dma_semaphore, #tpu.memory_space<semaphore_mem>>) src(%dma_wait3A_198 : memref<64xi32, #tpu.memory_space<hbm>>) dst(%arg7 : memref<64xi32, #tpu.memory_space<vmem>>)
          tpu.yield
        }) : () -> ()
        %run_scoped3A_186 = arith.constant 1 : i32
        "tpu.region"() ({
          %run_scoped3A_190 = tpu.sem_alloc : memref<!tpu.dma_semaphore, #tpu.memory_space<semaphore_mem>>
          %dma_start3A_191 = tpu.memref_slice %arg3[%run_scoped3A_186, %add3A_184] : memref<2x160000xi32, #tpu.memory_space<hbm>> -> memref<1x64xi32, #tpu.memory_space<hbm>>
          %dma_start3A_192 = tpu.memref_squeeze %dma_start3A_191 : memref<1x64xi32, #tpu.memory_space<hbm>> -> memref<64xi32, #tpu.memory_space<hbm>>
          %dma_start3A_193 = tpu.memref_slice %arg3[%run_scoped3A_186, %add3A_184] : memref<2x160000xi32, #tpu.memory_space<hbm>> -> memref<1x64xi32, #tpu.memory_space<hbm>>
          %dma_start3A_194 = tpu.memref_squeeze %dma_start3A_193 : memref<1x64xi32, #tpu.memory_space<hbm>> -> memref<64xi32, #tpu.memory_space<hbm>>
          tpu.enqueue_dma source(%dma_start3A_194 : memref<64xi32, #tpu.memory_space<hbm>>) target(%arg8 : memref<64xi32, #tpu.memory_space<vmem>>) target_semaphore(%run_scoped3A_190 : memref<!tpu.dma_semaphore, #tpu.memory_space<semaphore_mem>>)
          %dma_wait3A_195 = tpu.memref_slice %arg3[%run_scoped3A_186, %add3A_184] : memref<2x160000xi32, #tpu.memory_space<hbm>> -> memref<1x64xi32, #tpu.memory_space<hbm>>
          %dma_wait3A_196 = tpu.memref_squeeze %dma_wait3A_195 : memref<1x64xi32, #tpu.memory_space<hbm>> -> memref<64xi32, #tpu.memory_space<hbm>>
          %dma_wait3A_197 = tpu.memref_slice %arg3[%run_scoped3A_186, %add3A_184] : memref<2x160000xi32, #tpu.memory_space<hbm>> -> memref<1x64xi32, #tpu.memory_space<hbm>>
          %dma_wait3A_198 = tpu.memref_squeeze %dma_wait3A_197 : memref<1x64xi32, #tpu.memory_space<hbm>> -> memref<64xi32, #tpu.memory_space<hbm>>
          tpu.wait_dma2 semaphore(%run_scoped3A_190 : memref<!tpu.dma_semaphore, #tpu.memory_space<semaphore_mem>>) src(%dma_wait3A_198 : memref<64xi32, #tpu.memory_space<hbm>>) dst(%arg8 : memref<64xi32, #tpu.memory_space<vmem>>)
          tpu.yield
        }) : () -> ()
        %dma_start3A_187 = arith.constant 0 : i32
        %dma_start3A_188 = arith.constant 0 : i32
        %dma_start3A_189 = tpu.memref_slice %arg2[%dma_start3A_187, %dma_start3A_188] : memref<10240x16xf32, #tpu.memory_space<hbm>> -> memref<10240x16xf32, #tpu.memory_space<hbm>>
        tpu.enqueue_indirect_dma source(%dma_start3A_189 : memref<10240x16xf32, #tpu.memory_space<hbm>>) target(%arg9 : memref<64x16xf32, #tpu.memory_space<vmem>>) offsets(%arg7 : memref<64xi32, #tpu.memory_space<vmem>>) semaphore(%arg19 : memref<!tpu.dma_semaphore, #tpu.memory_space<semaphore_mem>>)
      } else {
      }
      %dma_wait3A_155 = arith.constant 0 : i32
      %dma_wait3A_156 = arith.constant 0 : i32
      %dma_wait3A_157 = tpu.memref_slice %arg2[%dma_wait3A_155, %dma_wait3A_156] : memref<10240x16xf32, #tpu.memory_space<hbm>> -> memref<10240x16xf32, #tpu.memory_space<hbm>>
      tpu.wait_indirect_dma semaphore(%arg23 : memref<!tpu.dma_semaphore, #tpu.memory_space<semaphore_mem>>) src(%dma_wait3A_157 : memref<10240x16xf32, #tpu.memory_space<hbm>>) dst(%arg15 : memref<64x16xf32, #tpu.memory_space<vmem>>)
      %dma_start3A_158 = arith.constant 0 : i32
      %dma_start3A_159 = arith.constant 0 : i32
      %dma_start3A_160 = tpu.memref_slice %arg6[%dma_start3A_158, %dma_start3A_159] : memref<10240x16xf32, #tpu.memory_space<vmem_shared>> -> memref<10240x16xf32, #tpu.memory_space<vmem_shared>>
      tpu.enqueue_indirect_dma source(%arg15 : memref<64x16xf32, #tpu.memory_space<vmem>>) target(%dma_start3A_160 : memref<10240x16xf32, #tpu.memory_space<vmem_shared>>) offsets(%arg14 : memref<64xi32, #tpu.memory_space<vmem>>) semaphore(%arg24 : memref<!tpu.dma_semaphore, #tpu.memory_space<semaphore_mem>>) {add = true}
      %dma_wait3A_161 = arith.constant 0 : i32
      %dma_wait3A_162 = arith.constant 0 : i32
      %dma_wait3A_163 = tpu.memref_slice %arg6[%dma_wait3A_161, %dma_wait3A_162] : memref<10240x16xf32, #tpu.memory_space<vmem_shared>> -> memref<10240x16xf32, #tpu.memory_space<vmem_shared>>
      tpu.wait_indirect_dma semaphore(%arg22 : memref<!tpu.dma_semaphore, #tpu.memory_space<semaphore_mem>>) src(%arg12 : memref<64x16xf32, #tpu.memory_space<vmem>>) dst(%dma_wait3A_163 : memref<10240x16xf32, #tpu.memory_space<vmem_shared>>)
      %mul3A_164 = arith.constant 3 : i32
      %mul3A_165 = arith.muli %mul3A_164, %scan3A_112 : i32
      %add3A_166 = arith.constant 2 : i32
      %add3A_167 = arith.addi %mul3A_165, %add3A_166 : i32
      %add3A_168 = arith.constant 2 : i32
      %add3A_169 = arith.addi %add3A_167, %add3A_168 : i32
      %lt3A_170 = arith.constant 78 : i32
      %lt3A_171 = arith.cmpi slt, %add3A_169, %lt3A_170 : i32
      %convert_element_type3A_172 = arith.extui %lt3A_171 : i1 to i32
      %cond3A_173 = arith.constant 0 : i32
      %cond3A_174 = arith.cmpi ne, %convert_element_type3A_172, %cond3A_173 : i32
      scf.if %cond3A_174 {
        %mul3A_176 = arith.constant 3 : i32
        %mul3A_177 = arith.muli %mul3A_176, %scan3A_112 : i32
        %add3A_178 = arith.constant 2 : i32
        %add3A_179 = arith.addi %mul3A_177, %add3A_178 : i32
        %add3A_180 = arith.constant 2 : i32
        %add3A_181 = arith.addi %add3A_179, %add3A_180 : i32
        %mul3A_182 = arith.constant 64 : i32
        %mul3A_183 = arith.muli %add3A_181, %mul3A_182 : i32
        %add3A_184 = arith.addi %add3A_42, %mul3A_183 : i32
        %run_scoped3A_185 = arith.constant 0 : i32
        "tpu.region"() ({
          %run_scoped3A_190 = tpu.sem_alloc : memref<!tpu.dma_semaphore, #tpu.memory_space<semaphore_mem>>
          %dma_start3A_191 = tpu.memref_slice %arg3[%run_scoped3A_185, %add3A_184] : memref<2x160000xi32, #tpu.memory_space<hbm>> -> memref<1x64xi32, #tpu.memory_space<hbm>>
          %dma_start3A_192 = tpu.memref_squeeze %dma_start3A_191 : memref<1x64xi32, #tpu.memory_space<hbm>> -> memref<64xi32, #tpu.memory_space<hbm>>
          %dma_start3A_193 = tpu.memref_slice %arg3[%run_scoped3A_185, %add3A_184] : memref<2x160000xi32, #tpu.memory_space<hbm>> -> memref<1x64xi32, #tpu.memory_space<hbm>>
          %dma_start3A_194 = tpu.memref_squeeze %dma_start3A_193 : memref<1x64xi32, #tpu.memory_space<hbm>> -> memref<64xi32, #tpu.memory_space<hbm>>
          tpu.enqueue_dma source(%dma_start3A_194 : memref<64xi32, #tpu.memory_space<hbm>>) target(%arg10 : memref<64xi32, #tpu.memory_space<vmem>>) target_semaphore(%run_scoped3A_190 : memref<!tpu.dma_semaphore, #tpu.memory_space<semaphore_mem>>)
          %dma_wait3A_195 = tpu.memref_slice %arg3[%run_scoped3A_185, %add3A_184] : memref<2x160000xi32, #tpu.memory_space<hbm>> -> memref<1x64xi32, #tpu.memory_space<hbm>>
          %dma_wait3A_196 = tpu.memref_squeeze %dma_wait3A_195 : memref<1x64xi32, #tpu.memory_space<hbm>> -> memref<64xi32, #tpu.memory_space<hbm>>
          %dma_wait3A_197 = tpu.memref_slice %arg3[%run_scoped3A_185, %add3A_184] : memref<2x160000xi32, #tpu.memory_space<hbm>> -> memref<1x64xi32, #tpu.memory_space<hbm>>
          %dma_wait3A_198 = tpu.memref_squeeze %dma_wait3A_197 : memref<1x64xi32, #tpu.memory_space<hbm>> -> memref<64xi32, #tpu.memory_space<hbm>>
          tpu.wait_dma2 semaphore(%run_scoped3A_190 : memref<!tpu.dma_semaphore, #tpu.memory_space<semaphore_mem>>) src(%dma_wait3A_198 : memref<64xi32, #tpu.memory_space<hbm>>) dst(%arg10 : memref<64xi32, #tpu.memory_space<vmem>>)
          tpu.yield
        }) : () -> ()
        %run_scoped3A_186 = arith.constant 1 : i32
        "tpu.region"() ({
          %run_scoped3A_190 = tpu.sem_alloc : memref<!tpu.dma_semaphore, #tpu.memory_space<semaphore_mem>>
          %dma_start3A_191 = tpu.memref_slice %arg3[%run_scoped3A_186, %add3A_184] : memref<2x160000xi32, #tpu.memory_space<hbm>> -> memref<1x64xi32, #tpu.memory_space<hbm>>
          %dma_start3A_192 = tpu.memref_squeeze %dma_start3A_191 : memref<1x64xi32, #tpu.memory_space<hbm>> -> memref<64xi32, #tpu.memory_space<hbm>>
          %dma_start3A_193 = tpu.memref_slice %arg3[%run_scoped3A_186, %add3A_184] : memref<2x160000xi32, #tpu.memory_space<hbm>> -> memref<1x64xi32, #tpu.memory_space<hbm>>
          %dma_start3A_194 = tpu.memref_squeeze %dma_start3A_193 : memref<1x64xi32, #tpu.memory_space<hbm>> -> memref<64xi32, #tpu.memory_space<hbm>>
          tpu.enqueue_dma source(%dma_start3A_194 : memref<64xi32, #tpu.memory_space<hbm>>) target(%arg11 : memref<64xi32, #tpu.memory_space<vmem>>) target_semaphore(%run_scoped3A_190 : memref<!tpu.dma_semaphore, #tpu.memory_space<semaphore_mem>>)
          %dma_wait3A_195 = tpu.memref_slice %arg3[%run_scoped3A_186, %add3A_184] : memref<2x160000xi32, #tpu.memory_space<hbm>> -> memref<1x64xi32, #tpu.memory_space<hbm>>
          %dma_wait3A_196 = tpu.memref_squeeze %dma_wait3A_195 : memref<1x64xi32, #tpu.memory_space<hbm>> -> memref<64xi32, #tpu.memory_space<hbm>>
          %dma_wait3A_197 = tpu.memref_slice %arg3[%run_scoped3A_186, %add3A_184] : memref<2x160000xi32, #tpu.memory_space<hbm>> -> memref<1x64xi32, #tpu.memory_space<hbm>>
          %dma_wait3A_198 = tpu.memref_squeeze %dma_wait3A_197 : memref<1x64xi32, #tpu.memory_space<hbm>> -> memref<64xi32, #tpu.memory_space<hbm>>
          tpu.wait_dma2 semaphore(%run_scoped3A_190 : memref<!tpu.dma_semaphore, #tpu.memory_space<semaphore_mem>>) src(%dma_wait3A_198 : memref<64xi32, #tpu.memory_space<hbm>>) dst(%arg11 : memref<64xi32, #tpu.memory_space<vmem>>)
          tpu.yield
        }) : () -> ()
        %dma_start3A_187 = arith.constant 0 : i32
        %dma_start3A_188 = arith.constant 0 : i32
        %dma_start3A_189 = tpu.memref_slice %arg2[%dma_start3A_187, %dma_start3A_188] : memref<10240x16xf32, #tpu.memory_space<hbm>> -> memref<10240x16xf32, #tpu.memory_space<hbm>>
        tpu.enqueue_indirect_dma source(%dma_start3A_189 : memref<10240x16xf32, #tpu.memory_space<hbm>>) target(%arg12 : memref<64x16xf32, #tpu.memory_space<vmem>>) offsets(%arg10 : memref<64xi32, #tpu.memory_space<vmem>>) semaphore(%arg21 : memref<!tpu.dma_semaphore, #tpu.memory_space<semaphore_mem>>)
      } else {
      }
      %scan3A_175 = arith.constant 0 : i32
      scf.yield %scan3A_175 : i32
    }
    %scan3A_58 = arith.constant 26 : i32
    %dma_wait3A = arith.constant 0 : i32
    %dma_wait3A_59 = arith.constant 0 : i32
    %dma_wait3A_60 = tpu.memref_slice %arg6[%dma_wait3A, %dma_wait3A_59] : memref<10240x16xf32, #tpu.memory_space<vmem_shared>> -> memref<10240x16xf32, #tpu.memory_space<vmem_shared>>
    tpu.wait_indirect_dma semaphore(%arg24 : memref<!tpu.dma_semaphore, #tpu.memory_space<semaphore_mem>>) src(%arg15 : memref<64x16xf32, #tpu.memory_space<vmem>>) dst(%dma_wait3A_60 : memref<10240x16xf32, #tpu.memory_space<vmem_shared>>)
    %add3A_61 = arith.constant 4992 : i32
    %add3A_62 = arith.addi %add3A_42, %add3A_61 : i32
    %run_scoped3A_63 = arith.constant 0 : i32
    "tpu.region"() ({
      %run_scoped3A_112 = tpu.sem_alloc : memref<!tpu.dma_semaphore, #tpu.memory_space<semaphore_mem>>
      %dma_start3A_113 = tpu.memref_slice %arg3[%run_scoped3A_63, %add3A_62] : memref<2x160000xi32, #tpu.memory_space<hbm>> -> memref<1x8xi32, #tpu.memory_space<hbm>>
      %dma_start3A_114 = tpu.memref_squeeze %dma_start3A_113 : memref<1x8xi32, #tpu.memory_space<hbm>> -> memref<8xi32, #tpu.memory_space<hbm>>
      %dma_start3A_115 = tpu.memref_slice %arg3[%run_scoped3A_63, %add3A_62] : memref<2x160000xi32, #tpu.memory_space<hbm>> -> memref<1x8xi32, #tpu.memory_space<hbm>>
      %dma_start3A_116 = tpu.memref_squeeze %dma_start3A_115 : memref<1x8xi32, #tpu.memory_space<hbm>> -> memref<8xi32, #tpu.memory_space<hbm>>
      tpu.enqueue_dma source(%dma_start3A_116 : memref<8xi32, #tpu.memory_space<hbm>>) target(%arg16 : memref<8xi32, #tpu.memory_space<vmem>>) target_semaphore(%run_scoped3A_112 : memref<!tpu.dma_semaphore, #tpu.memory_space<semaphore_mem>>)
      %dma_wait3A_117 = tpu.memref_slice %arg3[%run_scoped3A_63, %add3A_62] : memref<2x160000xi32, #tpu.memory_space<hbm>> -> memref<1x8xi32, #tpu.memory_space<hbm>>
      %dma_wait3A_118 = tpu.memref_squeeze %dma_wait3A_117 : memref<1x8xi32, #tpu.memory_space<hbm>> -> memref<8xi32, #tpu.memory_space<hbm>>
      %dma_wait3A_119 = tpu.memref_slice %arg3[%run_scoped3A_63, %add3A_62] : memref<2x160000xi32, #tpu.memory_space<hbm>> -> memref<1x8xi32, #tpu.memory_space<hbm>>
      %dma_wait3A_120 = tpu.memref_squeeze %dma_wait3A_119 : memref<1x8xi32, #tpu.memory_space<hbm>> -> memref<8xi32, #tpu.memory_space<hbm>>
      tpu.wait_dma2 semaphore(%run_scoped3A_112 : memref<!tpu.dma_semaphore, #tpu.memory_space<semaphore_mem>>) src(%dma_wait3A_120 : memref<8xi32, #tpu.memory_space<hbm>>) dst(%arg16 : memref<8xi32, #tpu.memory_space<vmem>>)
      tpu.yield
    }) : () -> ()
    %run_scoped3A_64 = arith.constant 1 : i32
    "tpu.region"() ({
      %run_scoped3A_112 = tpu.sem_alloc : memref<!tpu.dma_semaphore, #tpu.memory_space<semaphore_mem>>
      %dma_start3A_113 = tpu.memref_slice %arg3[%run_scoped3A_64, %add3A_62] : memref<2x160000xi32, #tpu.memory_space<hbm>> -> memref<1x8xi32, #tpu.memory_space<hbm>>
      %dma_start3A_114 = tpu.memref_squeeze %dma_start3A_113 : memref<1x8xi32, #tpu.memory_space<hbm>> -> memref<8xi32, #tpu.memory_space<hbm>>
      %dma_start3A_115 = tpu.memref_slice %arg3[%run_scoped3A_64, %add3A_62] : memref<2x160000xi32, #tpu.memory_space<hbm>> -> memref<1x8xi32, #tpu.memory_space<hbm>>
      %dma_start3A_116 = tpu.memref_squeeze %dma_start3A_115 : memref<1x8xi32, #tpu.memory_space<hbm>> -> memref<8xi32, #tpu.memory_space<hbm>>
      tpu.enqueue_dma source(%dma_start3A_116 : memref<8xi32, #tpu.memory_space<hbm>>) target(%arg17 : memref<8xi32, #tpu.memory_space<vmem>>) target_semaphore(%run_scoped3A_112 : memref<!tpu.dma_semaphore, #tpu.memory_space<semaphore_mem>>)
      %dma_wait3A_117 = tpu.memref_slice %arg3[%run_scoped3A_64, %add3A_62] : memref<2x160000xi32, #tpu.memory_space<hbm>> -> memref<1x8xi32, #tpu.memory_space<hbm>>
      %dma_wait3A_118 = tpu.memref_squeeze %dma_wait3A_117 : memref<1x8xi32, #tpu.memory_space<hbm>> -> memref<8xi32, #tpu.memory_space<hbm>>
      %dma_wait3A_119 = tpu.memref_slice %arg3[%run_scoped3A_64, %add3A_62] : memref<2x160000xi32, #tpu.memory_space<hbm>> -> memref<1x8xi32, #tpu.memory_space<hbm>>
      %dma_wait3A_120 = tpu.memref_squeeze %dma_wait3A_119 : memref<1x8xi32, #tpu.memory_space<hbm>> -> memref<8xi32, #tpu.memory_space<hbm>>
      tpu.wait_dma2 semaphore(%run_scoped3A_112 : memref<!tpu.dma_semaphore, #tpu.memory_space<semaphore_mem>>) src(%dma_wait3A_120 : memref<8xi32, #tpu.memory_space<hbm>>) dst(%arg17 : memref<8xi32, #tpu.memory_space<vmem>>)
      tpu.yield
    }) : () -> ()
    %dma_start3A_65 = arith.constant 0 : i32
    %dma_start3A_66 = arith.constant 0 : i32
    %dma_start3A_67 = tpu.memref_slice %arg2[%dma_start3A_65, %dma_start3A_66] : memref<10240x16xf32, #tpu.memory_space<hbm>> -> memref<10240x16xf32, #tpu.memory_space<hbm>>
    tpu.enqueue_indirect_dma source(%dma_start3A_67 : memref<10240x16xf32, #tpu.memory_space<hbm>>) target(%arg18 : memref<8x16xf32, #tpu.memory_space<vmem>>) offsets(%arg16 : memref<8xi32, #tpu.memory_space<vmem>>) semaphore(%arg25 : memref<!tpu.dma_semaphore, #tpu.memory_space<semaphore_mem>>)
    %dma_wait3A_68 = arith.constant 0 : i32
    %dma_wait3A_69 = arith.constant 0 : i32
    %dma_wait3A_70 = tpu.memref_slice %arg2[%dma_wait3A_68, %dma_wait3A_69] : memref<10240x16xf32, #tpu.memory_space<hbm>> -> memref<10240x16xf32, #tpu.memory_space<hbm>>
    tpu.wait_indirect_dma semaphore(%arg25 : memref<!tpu.dma_semaphore, #tpu.memory_space<semaphore_mem>>) src(%dma_wait3A_70 : memref<10240x16xf32, #tpu.memory_space<hbm>>) dst(%arg18 : memref<8x16xf32, #tpu.memory_space<vmem>>)
    "tpu.region"() ({
      %run_scoped3A_112 = tpu.sem_alloc : memref<!tpu.dma_semaphore, #tpu.memory_space<semaphore_mem>>
      %dma_start3A_113 = arith.constant 0 : i32
      %dma_start3A_114 = arith.constant 0 : i32
      %dma_start3A_115 = tpu.memref_slice %arg6[%dma_start3A_113, %dma_start3A_114] : memref<10240x16xf32, #tpu.memory_space<vmem_shared>> -> memref<10240x16xf32, #tpu.memory_space<vmem_shared>>
      tpu.enqueue_indirect_dma source(%arg18 : memref<8x16xf32, #tpu.memory_space<vmem>>) target(%dma_start3A_115 : memref<10240x16xf32, #tpu.memory_space<vmem_shared>>) offsets(%arg17 : memref<8xi32, #tpu.memory_space<vmem>>) semaphore(%run_scoped3A_112 : memref<!tpu.dma_semaphore, #tpu.memory_space<semaphore_mem>>) {add = true}
      %dma_wait3A_116 = arith.constant 0 : i32
      %dma_wait3A_117 = arith.constant 0 : i32
      %dma_wait3A_118 = tpu.memref_slice %arg6[%dma_wait3A_116, %dma_wait3A_117] : memref<10240x16xf32, #tpu.memory_space<vmem_shared>> -> memref<10240x16xf32, #tpu.memory_space<vmem_shared>>
      tpu.wait_indirect_dma semaphore(%run_scoped3A_112 : memref<!tpu.dma_semaphore, #tpu.memory_space<semaphore_mem>>) src(%arg18 : memref<8x16xf32, #tpu.memory_space<vmem>>) dst(%dma_wait3A_118 : memref<10240x16xf32, #tpu.memory_space<vmem_shared>>)
      tpu.yield
    }) : () -> ()
    %barrier3A_71 = arith.constant 0 : index
    tpu.barrier barrier_id(%barrier3A_71)
    %mul3A_72 = arith.constant 640 : i32
    %mul3A_73 = arith.muli %arg1, %mul3A_72 : i32
    %add3A_74 = arith.constant 0 : i32
    %add3A_75 = arith.addi %mul3A_73, %add3A_74 : i32
    "tpu.region"() ({
      %run_scoped3A_112 = tpu.sem_alloc : memref<!tpu.dma_semaphore, #tpu.memory_space<semaphore_mem>>
      %dma_start3A_113 = arith.constant 0 : i32
      %dma_start3A_114 = tpu.memref_slice %arg5[%arg0, %add3A_75, %dma_start3A_113] : memref<2x10240x16xf32, #tpu.memory_space<hbm>> -> memref<1x64x16xf32, #tpu.memory_space<hbm>>
      %dma_start3A_115 = tpu.memref_squeeze %dma_start3A_114 : memref<1x64x16xf32, #tpu.memory_space<hbm>> -> memref<64x16xf32, #tpu.memory_space<hbm>>
      %dma_start3A_116 = arith.constant 0 : i32
      %dma_start3A_117 = tpu.memref_slice %arg6[%add3A_75, %dma_start3A_116] : memref<10240x16xf32, #tpu.memory_space<vmem_shared>> -> memref<64x16xf32, #tpu.memory_space<vmem_shared>>
      tpu.enqueue_dma source(%dma_start3A_117 : memref<64x16xf32, #tpu.memory_space<vmem_shared>>) target(%dma_start3A_115 : memref<64x16xf32, #tpu.memory_space<hbm>>) target_semaphore(%run_scoped3A_112 : memref<!tpu.dma_semaphore, #tpu.memory_space<semaphore_mem>>)
      %dma_wait3A_118 = arith.constant 0 : i32
      %dma_wait3A_119 = tpu.memref_slice %arg5[%arg0, %add3A_75, %dma_wait3A_118] : memref<2x10240x16xf32, #tpu.memory_space<hbm>> -> memref<1x64x16xf32, #tpu.memory_space<hbm>>
      %dma_wait3A_120 = tpu.memref_squeeze %dma_wait3A_119 : memref<1x64x16xf32, #tpu.memory_space<hbm>> -> memref<64x16xf32, #tpu.memory_space<hbm>>
      %dma_wait3A_121 = arith.constant 0 : i32
      %dma_wait3A_122 = tpu.memref_slice %arg6[%add3A_75, %dma_wait3A_121] : memref<10240x16xf32, #tpu.memory_space<vmem_shared>> -> memref<64x16xf32, #tpu.memory_space<vmem_shared>>
      tpu.wait_dma2 semaphore(%run_scoped3A_112 : memref<!tpu.dma_semaphore, #tpu.memory_space<semaphore_mem>>) src(%dma_wait3A_122 : memref<64x16xf32, #tpu.memory_space<vmem_shared>>) dst(%dma_wait3A_120 : memref<64x16xf32, #tpu.memory_space<hbm>>)
      tpu.yield
    }) : () -> ()
    %mul3A_76 = arith.constant 640 : i32
    %mul3A_77 = arith.muli %arg1, %mul3A_76 : i32
    %add3A_78 = arith.constant 64 : i32
    %add3A_79 = arith.addi %mul3A_77, %add3A_78 : i32
    "tpu.region"() ({
      %run_scoped3A_112 = tpu.sem_alloc : memref<!tpu.dma_semaphore, #tpu.memory_space<semaphore_mem>>
      %dma_start3A_113 = arith.constant 0 : i32
      %dma_start3A_114 = tpu.memref_slice %arg5[%arg0, %add3A_79, %dma_start3A_113] : memref<2x10240x16xf32, #tpu.memory_space<hbm>> -> memref<1x64x16xf32, #tpu.memory_space<hbm>>
      %dma_start3A_115 = tpu.memref_squeeze %dma_start3A_114 : memref<1x64x16xf32, #tpu.memory_space<hbm>> -> memref<64x16xf32, #tpu.memory_space<hbm>>
      %dma_start3A_116 = arith.constant 0 : i32
      %dma_start3A_117 = tpu.memref_slice %arg6[%add3A_79, %dma_start3A_116] : memref<10240x16xf32, #tpu.memory_space<vmem_shared>> -> memref<64x16xf32, #tpu.memory_space<vmem_shared>>
      tpu.enqueue_dma source(%dma_start3A_117 : memref<64x16xf32, #tpu.memory_space<vmem_shared>>) target(%dma_start3A_115 : memref<64x16xf32, #tpu.memory_space<hbm>>) target_semaphore(%run_scoped3A_112 : memref<!tpu.dma_semaphore, #tpu.memory_space<semaphore_mem>>)
      %dma_wait3A_118 = arith.constant 0 : i32
      %dma_wait3A_119 = tpu.memref_slice %arg5[%arg0, %add3A_79, %dma_wait3A_118] : memref<2x10240x16xf32, #tpu.memory_space<hbm>> -> memref<1x64x16xf32, #tpu.memory_space<hbm>>
      %dma_wait3A_120 = tpu.memref_squeeze %dma_wait3A_119 : memref<1x64x16xf32, #tpu.memory_space<hbm>> -> memref<64x16xf32, #tpu.memory_space<hbm>>
      %dma_wait3A_121 = arith.constant 0 : i32
      %dma_wait3A_122 = tpu.memref_slice %arg6[%add3A_79, %dma_wait3A_121] : memref<10240x16xf32, #tpu.memory_space<vmem_shared>> -> memref<64x16xf32, #tpu.memory_space<vmem_shared>>
      tpu.wait_dma2 semaphore(%run_scoped3A_112 : memref<!tpu.dma_semaphore, #tpu.memory_space<semaphore_mem>>) src(%dma_wait3A_122 : memref<64x16xf32, #tpu.memory_space<vmem_shared>>) dst(%dma_wait3A_120 : memref<64x16xf32, #tpu.memory_space<hbm>>)
      tpu.yield
    }) : () -> ()
    %mul3A_80 = arith.constant 640 : i32
    %mul3A_81 = arith.muli %arg1, %mul3A_80 : i32
    %add3A_82 = arith.constant 128 : i32
    %add3A_83 = arith.addi %mul3A_81, %add3A_82 : i32
    "tpu.region"() ({
      %run_scoped3A_112 = tpu.sem_alloc : memref<!tpu.dma_semaphore, #tpu.memory_space<semaphore_mem>>
      %dma_start3A_113 = arith.constant 0 : i32
      %dma_start3A_114 = tpu.memref_slice %arg5[%arg0, %add3A_83, %dma_start3A_113] : memref<2x10240x16xf32, #tpu.memory_space<hbm>> -> memref<1x64x16xf32, #tpu.memory_space<hbm>>
      %dma_start3A_115 = tpu.memref_squeeze %dma_start3A_114 : memref<1x64x16xf32, #tpu.memory_space<hbm>> -> memref<64x16xf32, #tpu.memory_space<hbm>>
      %dma_start3A_116 = arith.constant 0 : i32
      %dma_start3A_117 = tpu.memref_slice %arg6[%add3A_83, %dma_start3A_116] : memref<10240x16xf32, #tpu.memory_space<vmem_shared>> -> memref<64x16xf32, #tpu.memory_space<vmem_shared>>
      tpu.enqueue_dma source(%dma_start3A_117 : memref<64x16xf32, #tpu.memory_space<vmem_shared>>) target(%dma_start3A_115 : memref<64x16xf32, #tpu.memory_space<hbm>>) target_semaphore(%run_scoped3A_112 : memref<!tpu.dma_semaphore, #tpu.memory_space<semaphore_mem>>)
      %dma_wait3A_118 = arith.constant 0 : i32
      %dma_wait3A_119 = tpu.memref_slice %arg5[%arg0, %add3A_83, %dma_wait3A_118] : memref<2x10240x16xf32, #tpu.memory_space<hbm>> -> memref<1x64x16xf32, #tpu.memory_space<hbm>>
      %dma_wait3A_120 = tpu.memref_squeeze %dma_wait3A_119 : memref<1x64x16xf32, #tpu.memory_space<hbm>> -> memref<64x16xf32, #tpu.memory_space<hbm>>
      %dma_wait3A_121 = arith.constant 0 : i32
      %dma_wait3A_122 = tpu.memref_slice %arg6[%add3A_83, %dma_wait3A_121] : memref<10240x16xf32, #tpu.memory_space<vmem_shared>> -> memref<64x16xf32, #tpu.memory_space<vmem_shared>>
      tpu.wait_dma2 semaphore(%run_scoped3A_112 : memref<!tpu.dma_semaphore, #tpu.memory_space<semaphore_mem>>) src(%dma_wait3A_122 : memref<64x16xf32, #tpu.memory_space<vmem_shared>>) dst(%dma_wait3A_120 : memref<64x16xf32, #tpu.memory_space<hbm>>)
      tpu.yield
    }) : () -> ()
    %mul3A_84 = arith.constant 640 : i32
    %mul3A_85 = arith.muli %arg1, %mul3A_84 : i32
    %add3A_86 = arith.constant 192 : i32
    %add3A_87 = arith.addi %mul3A_85, %add3A_86 : i32
    "tpu.region"() ({
      %run_scoped3A_112 = tpu.sem_alloc : memref<!tpu.dma_semaphore, #tpu.memory_space<semaphore_mem>>
      %dma_start3A_113 = arith.constant 0 : i32
      %dma_start3A_114 = tpu.memref_slice %arg5[%arg0, %add3A_87, %dma_start3A_113] : memref<2x10240x16xf32, #tpu.memory_space<hbm>> -> memref<1x64x16xf32, #tpu.memory_space<hbm>>
      %dma_start3A_115 = tpu.memref_squeeze %dma_start3A_114 : memref<1x64x16xf32, #tpu.memory_space<hbm>> -> memref<64x16xf32, #tpu.memory_space<hbm>>
      %dma_start3A_116 = arith.constant 0 : i32
      %dma_start3A_117 = tpu.memref_slice %arg6[%add3A_87, %dma_start3A_116] : memref<10240x16xf32, #tpu.memory_space<vmem_shared>> -> memref<64x16xf32, #tpu.memory_space<vmem_shared>>
      tpu.enqueue_dma source(%dma_start3A_117 : memref<64x16xf32, #tpu.memory_space<vmem_shared>>) target(%dma_start3A_115 : memref<64x16xf32, #tpu.memory_space<hbm>>) target_semaphore(%run_scoped3A_112 : memref<!tpu.dma_semaphore, #tpu.memory_space<semaphore_mem>>)
      %dma_wait3A_118 = arith.constant 0 : i32
      %dma_wait3A_119 = tpu.memref_slice %arg5[%arg0, %add3A_87, %dma_wait3A_118] : memref<2x10240x16xf32, #tpu.memory_space<hbm>> -> memref<1x64x16xf32, #tpu.memory_space<hbm>>
      %dma_wait3A_120 = tpu.memref_squeeze %dma_wait3A_119 : memref<1x64x16xf32, #tpu.memory_space<hbm>> -> memref<64x16xf32, #tpu.memory_space<hbm>>
      %dma_wait3A_121 = arith.constant 0 : i32
      %dma_wait3A_122 = tpu.memref_slice %arg6[%add3A_87, %dma_wait3A_121] : memref<10240x16xf32, #tpu.memory_space<vmem_shared>> -> memref<64x16xf32, #tpu.memory_space<vmem_shared>>
      tpu.wait_dma2 semaphore(%run_scoped3A_112 : memref<!tpu.dma_semaphore, #tpu.memory_space<semaphore_mem>>) src(%dma_wait3A_122 : memref<64x16xf32, #tpu.memory_space<vmem_shared>>) dst(%dma_wait3A_120 : memref<64x16xf32, #tpu.memory_space<hbm>>)
      tpu.yield
    }) : () -> ()
    %mul3A_88 = arith.constant 640 : i32
    %mul3A_89 = arith.muli %arg1, %mul3A_88 : i32
    %add3A_90 = arith.constant 256 : i32
    %add3A_91 = arith.addi %mul3A_89, %add3A_90 : i32
    "tpu.region"() ({
      %run_scoped3A_112 = tpu.sem_alloc : memref<!tpu.dma_semaphore, #tpu.memory_space<semaphore_mem>>
      %dma_start3A_113 = arith.constant 0 : i32
      %dma_start3A_114 = tpu.memref_slice %arg5[%arg0, %add3A_91, %dma_start3A_113] : memref<2x10240x16xf32, #tpu.memory_space<hbm>> -> memref<1x64x16xf32, #tpu.memory_space<hbm>>
      %dma_start3A_115 = tpu.memref_squeeze %dma_start3A_114 : memref<1x64x16xf32, #tpu.memory_space<hbm>> -> memref<64x16xf32, #tpu.memory_space<hbm>>
      %dma_start3A_116 = arith.constant 0 : i32
      %dma_start3A_117 = tpu.memref_slice %arg6[%add3A_91, %dma_start3A_116] : memref<10240x16xf32, #tpu.memory_space<vmem_shared>> -> memref<64x16xf32, #tpu.memory_space<vmem_shared>>
      tpu.enqueue_dma source(%dma_start3A_117 : memref<64x16xf32, #tpu.memory_space<vmem_shared>>) target(%dma_start3A_115 : memref<64x16xf32, #tpu.memory_space<hbm>>) target_semaphore(%run_scoped3A_112 : memref<!tpu.dma_semaphore, #tpu.memory_space<semaphore_mem>>)
      %dma_wait3A_118 = arith.constant 0 : i32
      %dma_wait3A_119 = tpu.memref_slice %arg5[%arg0, %add3A_91, %dma_wait3A_118] : memref<2x10240x16xf32, #tpu.memory_space<hbm>> -> memref<1x64x16xf32, #tpu.memory_space<hbm>>
      %dma_wait3A_120 = tpu.memref_squeeze %dma_wait3A_119 : memref<1x64x16xf32, #tpu.memory_space<hbm>> -> memref<64x16xf32, #tpu.memory_space<hbm>>
      %dma_wait3A_121 = arith.constant 0 : i32
      %dma_wait3A_122 = tpu.memref_slice %arg6[%add3A_91, %dma_wait3A_121] : memref<10240x16xf32, #tpu.memory_space<vmem_shared>> -> memref<64x16xf32, #tpu.memory_space<vmem_shared>>
      tpu.wait_dma2 semaphore(%run_scoped3A_112 : memref<!tpu.dma_semaphore, #tpu.memory_space<semaphore_mem>>) src(%dma_wait3A_122 : memref<64x16xf32, #tpu.memory_space<vmem_shared>>) dst(%dma_wait3A_120 : memref<64x16xf32, #tpu.memory_space<hbm>>)
      tpu.yield
    }) : () -> ()
    %mul3A_92 = arith.constant 640 : i32
    %mul3A_93 = arith.muli %arg1, %mul3A_92 : i32
    %add3A_94 = arith.constant 320 : i32
    %add3A_95 = arith.addi %mul3A_93, %add3A_94 : i32
    "tpu.region"() ({
      %run_scoped3A_112 = tpu.sem_alloc : memref<!tpu.dma_semaphore, #tpu.memory_space<semaphore_mem>>
      %dma_start3A_113 = arith.constant 0 : i32
      %dma_start3A_114 = tpu.memref_slice %arg5[%arg0, %add3A_95, %dma_start3A_113] : memref<2x10240x16xf32, #tpu.memory_space<hbm>> -> memref<1x64x16xf32, #tpu.memory_space<hbm>>
      %dma_start3A_115 = tpu.memref_squeeze %dma_start3A_114 : memref<1x64x16xf32, #tpu.memory_space<hbm>> -> memref<64x16xf32, #tpu.memory_space<hbm>>
      %dma_start3A_116 = arith.constant 0 : i32
      %dma_start3A_117 = tpu.memref_slice %arg6[%add3A_95, %dma_start3A_116] : memref<10240x16xf32, #tpu.memory_space<vmem_shared>> -> memref<64x16xf32, #tpu.memory_space<vmem_shared>>
      tpu.enqueue_dma source(%dma_start3A_117 : memref<64x16xf32, #tpu.memory_space<vmem_shared>>) target(%dma_start3A_115 : memref<64x16xf32, #tpu.memory_space<hbm>>) target_semaphore(%run_scoped3A_112 : memref<!tpu.dma_semaphore, #tpu.memory_space<semaphore_mem>>)
      %dma_wait3A_118 = arith.constant 0 : i32
      %dma_wait3A_119 = tpu.memref_slice %arg5[%arg0, %add3A_95, %dma_wait3A_118] : memref<2x10240x16xf32, #tpu.memory_space<hbm>> -> memref<1x64x16xf32, #tpu.memory_space<hbm>>
      %dma_wait3A_120 = tpu.memref_squeeze %dma_wait3A_119 : memref<1x64x16xf32, #tpu.memory_space<hbm>> -> memref<64x16xf32, #tpu.memory_space<hbm>>
      %dma_wait3A_121 = arith.constant 0 : i32
      %dma_wait3A_122 = tpu.memref_slice %arg6[%add3A_95, %dma_wait3A_121] : memref<10240x16xf32, #tpu.memory_space<vmem_shared>> -> memref<64x16xf32, #tpu.memory_space<vmem_shared>>
      tpu.wait_dma2 semaphore(%run_scoped3A_112 : memref<!tpu.dma_semaphore, #tpu.memory_space<semaphore_mem>>) src(%dma_wait3A_122 : memref<64x16xf32, #tpu.memory_space<vmem_shared>>) dst(%dma_wait3A_120 : memref<64x16xf32, #tpu.memory_space<hbm>>)
      tpu.yield
    }) : () -> ()
    %mul3A_96 = arith.constant 640 : i32
    %mul3A_97 = arith.muli %arg1, %mul3A_96 : i32
    %add3A_98 = arith.constant 384 : i32
    %add3A_99 = arith.addi %mul3A_97, %add3A_98 : i32
    "tpu.region"() ({
      %run_scoped3A_112 = tpu.sem_alloc : memref<!tpu.dma_semaphore, #tpu.memory_space<semaphore_mem>>
      %dma_start3A_113 = arith.constant 0 : i32
      %dma_start3A_114 = tpu.memref_slice %arg5[%arg0, %add3A_99, %dma_start3A_113] : memref<2x10240x16xf32, #tpu.memory_space<hbm>> -> memref<1x64x16xf32, #tpu.memory_space<hbm>>
      %dma_start3A_115 = tpu.memref_squeeze %dma_start3A_114 : memref<1x64x16xf32, #tpu.memory_space<hbm>> -> memref<64x16xf32, #tpu.memory_space<hbm>>
      %dma_start3A_116 = arith.constant 0 : i32
      %dma_start3A_117 = tpu.memref_slice %arg6[%add3A_99, %dma_start3A_116] : memref<10240x16xf32, #tpu.memory_space<vmem_shared>> -> memref<64x16xf32, #tpu.memory_space<vmem_shared>>
      tpu.enqueue_dma source(%dma_start3A_117 : memref<64x16xf32, #tpu.memory_space<vmem_shared>>) target(%dma_start3A_115 : memref<64x16xf32, #tpu.memory_space<hbm>>) target_semaphore(%run_scoped3A_112 : memref<!tpu.dma_semaphore, #tpu.memory_space<semaphore_mem>>)
      %dma_wait3A_118 = arith.constant 0 : i32
      %dma_wait3A_119 = tpu.memref_slice %arg5[%arg0, %add3A_99, %dma_wait3A_118] : memref<2x10240x16xf32, #tpu.memory_space<hbm>> -> memref<1x64x16xf32, #tpu.memory_space<hbm>>
      %dma_wait3A_120 = tpu.memref_squeeze %dma_wait3A_119 : memref<1x64x16xf32, #tpu.memory_space<hbm>> -> memref<64x16xf32, #tpu.memory_space<hbm>>
      %dma_wait3A_121 = arith.constant 0 : i32
      %dma_wait3A_122 = tpu.memref_slice %arg6[%add3A_99, %dma_wait3A_121] : memref<10240x16xf32, #tpu.memory_space<vmem_shared>> -> memref<64x16xf32, #tpu.memory_space<vmem_shared>>
      tpu.wait_dma2 semaphore(%run_scoped3A_112 : memref<!tpu.dma_semaphore, #tpu.memory_space<semaphore_mem>>) src(%dma_wait3A_122 : memref<64x16xf32, #tpu.memory_space<vmem_shared>>) dst(%dma_wait3A_120 : memref<64x16xf32, #tpu.memory_space<hbm>>)
      tpu.yield
    }) : () -> ()
    %mul3A_100 = arith.constant 640 : i32
    %mul3A_101 = arith.muli %arg1, %mul3A_100 : i32
    %add3A_102 = arith.constant 448 : i32
    %add3A_103 = arith.addi %mul3A_101, %add3A_102 : i32
    "tpu.region"() ({
      %run_scoped3A_112 = tpu.sem_alloc : memref<!tpu.dma_semaphore, #tpu.memory_space<semaphore_mem>>
      %dma_start3A_113 = arith.constant 0 : i32
      %dma_start3A_114 = tpu.memref_slice %arg5[%arg0, %add3A_103, %dma_start3A_113] : memref<2x10240x16xf32, #tpu.memory_space<hbm>> -> memref<1x64x16xf32, #tpu.memory_space<hbm>>
      %dma_start3A_115 = tpu.memref_squeeze %dma_start3A_114 : memref<1x64x16xf32, #tpu.memory_space<hbm>> -> memref<64x16xf32, #tpu.memory_space<hbm>>
      %dma_start3A_116 = arith.constant 0 : i32
      %dma_start3A_117 = tpu.memref_slice %arg6[%add3A_103, %dma_start3A_116] : memref<10240x16xf32, #tpu.memory_space<vmem_shared>> -> memref<64x16xf32, #tpu.memory_space<vmem_shared>>
      tpu.enqueue_dma source(%dma_start3A_117 : memref<64x16xf32, #tpu.memory_space<vmem_shared>>) target(%dma_start3A_115 : memref<64x16xf32, #tpu.memory_space<hbm>>) target_semaphore(%run_scoped3A_112 : memref<!tpu.dma_semaphore, #tpu.memory_space<semaphore_mem>>)
      %dma_wait3A_118 = arith.constant 0 : i32
      %dma_wait3A_119 = tpu.memref_slice %arg5[%arg0, %add3A_103, %dma_wait3A_118] : memref<2x10240x16xf32, #tpu.memory_space<hbm>> -> memref<1x64x16xf32, #tpu.memory_space<hbm>>
      %dma_wait3A_120 = tpu.memref_squeeze %dma_wait3A_119 : memref<1x64x16xf32, #tpu.memory_space<hbm>> -> memref<64x16xf32, #tpu.memory_space<hbm>>
      %dma_wait3A_121 = arith.constant 0 : i32
      %dma_wait3A_122 = tpu.memref_slice %arg6[%add3A_103, %dma_wait3A_121] : memref<10240x16xf32, #tpu.memory_space<vmem_shared>> -> memref<64x16xf32, #tpu.memory_space<vmem_shared>>
      tpu.wait_dma2 semaphore(%run_scoped3A_112 : memref<!tpu.dma_semaphore, #tpu.memory_space<semaphore_mem>>) src(%dma_wait3A_122 : memref<64x16xf32, #tpu.memory_space<vmem_shared>>) dst(%dma_wait3A_120 : memref<64x16xf32, #tpu.memory_space<hbm>>)
      tpu.yield
    }) : () -> ()
    %mul3A_104 = arith.constant 640 : i32
    %mul3A_105 = arith.muli %arg1, %mul3A_104 : i32
    %add3A_106 = arith.constant 512 : i32
    %add3A_107 = arith.addi %mul3A_105, %add3A_106 : i32
    "tpu.region"() ({
      %run_scoped3A_112 = tpu.sem_alloc : memref<!tpu.dma_semaphore, #tpu.memory_space<semaphore_mem>>
      %dma_start3A_113 = arith.constant 0 : i32
      %dma_start3A_114 = tpu.memref_slice %arg5[%arg0, %add3A_107, %dma_start3A_113] : memref<2x10240x16xf32, #tpu.memory_space<hbm>> -> memref<1x64x16xf32, #tpu.memory_space<hbm>>
      %dma_start3A_115 = tpu.memref_squeeze %dma_start3A_114 : memref<1x64x16xf32, #tpu.memory_space<hbm>> -> memref<64x16xf32, #tpu.memory_space<hbm>>
      %dma_start3A_116 = arith.constant 0 : i32
      %dma_start3A_117 = tpu.memref_slice %arg6[%add3A_107, %dma_start3A_116] : memref<10240x16xf32, #tpu.memory_space<vmem_shared>> -> memref<64x16xf32, #tpu.memory_space<vmem_shared>>
      tpu.enqueue_dma source(%dma_start3A_117 : memref<64x16xf32, #tpu.memory_space<vmem_shared>>) target(%dma_start3A_115 : memref<64x16xf32, #tpu.memory_space<hbm>>) target_semaphore(%run_scoped3A_112 : memref<!tpu.dma_semaphore, #tpu.memory_space<semaphore_mem>>)
      %dma_wait3A_118 = arith.constant 0 : i32
      %dma_wait3A_119 = tpu.memref_slice %arg5[%arg0, %add3A_107, %dma_wait3A_118] : memref<2x10240x16xf32, #tpu.memory_space<hbm>> -> memref<1x64x16xf32, #tpu.memory_space<hbm>>
      %dma_wait3A_120 = tpu.memref_squeeze %dma_wait3A_119 : memref<1x64x16xf32, #tpu.memory_space<hbm>> -> memref<64x16xf32, #tpu.memory_space<hbm>>
      %dma_wait3A_121 = arith.constant 0 : i32
      %dma_wait3A_122 = tpu.memref_slice %arg6[%add3A_107, %dma_wait3A_121] : memref<10240x16xf32, #tpu.memory_space<vmem_shared>> -> memref<64x16xf32, #tpu.memory_space<vmem_shared>>
      tpu.wait_dma2 semaphore(%run_scoped3A_112 : memref<!tpu.dma_semaphore, #tpu.memory_space<semaphore_mem>>) src(%dma_wait3A_122 : memref<64x16xf32, #tpu.memory_space<vmem_shared>>) dst(%dma_wait3A_120 : memref<64x16xf32, #tpu.memory_space<hbm>>)
      tpu.yield
    }) : () -> ()
    %mul3A_108 = arith.constant 640 : i32
    %mul3A_109 = arith.muli %arg1, %mul3A_108 : i32
    %add3A_110 = arith.constant 576 : i32
    %add3A_111 = arith.addi %mul3A_109, %add3A_110 : i32
    "tpu.region"() ({
      %run_scoped3A_112 = tpu.sem_alloc : memref<!tpu.dma_semaphore, #tpu.memory_space<semaphore_mem>>
      %dma_start3A_113 = arith.constant 0 : i32
      %dma_start3A_114 = tpu.memref_slice %arg5[%arg0, %add3A_111, %dma_start3A_113] : memref<2x10240x16xf32, #tpu.memory_space<hbm>> -> memref<1x64x16xf32, #tpu.memory_space<hbm>>
      %dma_start3A_115 = tpu.memref_squeeze %dma_start3A_114 : memref<1x64x16xf32, #tpu.memory_space<hbm>> -> memref<64x16xf32, #tpu.memory_space<hbm>>
      %dma_start3A_116 = arith.constant 0 : i32
      %dma_start3A_117 = tpu.memref_slice %arg6[%add3A_111, %dma_start3A_116] : memref<10240x16xf32, #tpu.memory_space<vmem_shared>> -> memref<64x16xf32, #tpu.memory_space<vmem_shared>>
      tpu.enqueue_dma source(%dma_start3A_117 : memref<64x16xf32, #tpu.memory_space<vmem_shared>>) target(%dma_start3A_115 : memref<64x16xf32, #tpu.memory_space<hbm>>) target_semaphore(%run_scoped3A_112 : memref<!tpu.dma_semaphore, #tpu.memory_space<semaphore_mem>>)
      %dma_wait3A_118 = arith.constant 0 : i32
      %dma_wait3A_119 = tpu.memref_slice %arg5[%arg0, %add3A_111, %dma_wait3A_118] : memref<2x10240x16xf32, #tpu.memory_space<hbm>> -> memref<1x64x16xf32, #tpu.memory_space<hbm>>
      %dma_wait3A_120 = tpu.memref_squeeze %dma_wait3A_119 : memref<1x64x16xf32, #tpu.memory_space<hbm>> -> memref<64x16xf32, #tpu.memory_space<hbm>>
      %dma_wait3A_121 = arith.constant 0 : i32
      %dma_wait3A_122 = tpu.memref_slice %arg6[%add3A_111, %dma_wait3A_121] : memref<10240x16xf32, #tpu.memory_space<vmem_shared>> -> memref<64x16xf32, #tpu.memory_space<vmem_shared>>
      tpu.wait_dma2 semaphore(%run_scoped3A_112 : memref<!tpu.dma_semaphore, #tpu.memory_space<semaphore_mem>>) src(%dma_wait3A_122 : memref<64x16xf32, #tpu.memory_space<vmem_shared>>) dst(%dma_wait3A_120 : memref<64x16xf32, #tpu.memory_space<hbm>>)
      tpu.yield
    }) : () -> ()
    return
  }
}

#map = affine_map<(d0, d1) -> (0, 0)>
module attributes {stable_mosaic.version = 14 : i64} {
  func.func @_deg_body(%arg0: i32, %arg1: i32, %arg2: memref<2x160000xi32, #tpu.memory_space<hbm>>, %arg3: memref<2x10240xf32, #tpu.memory_space<hbm>>, %arg4: memref<10240xf32, #tpu.memory_space<vmem>>, %arg5: memref<5000xi32, #tpu.memory_space<vmem>>, %arg6: memref<16x640xf32, #tpu.memory_space<vmem>>, %arg7: memref<16x10240xf32, #tpu.memory_space<vmem_shared>>) attributes {dimension_semantics = [#tpu.dimension_semantics<core_parallel>, #tpu.dimension_semantics<subcore_parallel>], iteration_bounds = array<i64: 2, 16>, scalar_prefetch = 0 : i64, scratch_operands = 4 : i64, tpu.core_type = #tpu.core_type<sc_vector_subcore>, window_params = [{transform_indices = #map}, {transform_indices = #map}]} {
    %broadcast_in_dim3A = arith.constant 0.000000e+00 : f32
    %broadcast_in_dim3A_0 = vector.broadcast %broadcast_in_dim3A : f32 to vector<16xf32>
    %scan3A = arith.constant 0 : i32
    %scan3A_1 = arith.constant 0 : i32
    %scan3A_2 = arith.constant 640 : i32
    %scan3A_3 = arith.addi %scan3A_1, %scan3A_2 : i32
    %scan3A_4 = arith.constant 4 : i32
    %scan3A_5 = scf.for %scan3A_95 = %scan3A_1 to %scan3A_3 step %scan3A_4 iter_args(%scan3A_96 = %scan3A) -> (i32)  : i32 {
      %mul3A_97 = arith.constant 16 : i32
      %mul3A_98 = arith.muli %scan3A_95, %mul3A_97 : i32
      %swap3A = arith.index_cast %mul3A_98 : i32 to index
      %swap3A_99 = tpu.vector_load %arg4[%swap3A] {strides = array<i32>} : memref<10240xf32, #tpu.memory_space<vmem>>, vector<16xf32>,
      tpu.vector_store %arg4[%swap3A], %broadcast_in_dim3A_0 {strides = array<i32>} : memref<10240xf32, #tpu.memory_space<vmem>>, vector<16xf32>,
      %scan3A_100 = arith.constant 0 : i32
      %scan3A_101 = arith.constant 1 : i32
      %scan3A_102 = arith.addi %scan3A_95, %scan3A_101 : i32
      %mul3A_103 = arith.constant 16 : i32
      %mul3A_104 = arith.muli %scan3A_102, %mul3A_103 : i32
      %swap3A_105 = arith.index_cast %mul3A_104 : i32 to index
      %swap3A_106 = tpu.vector_load %arg4[%swap3A_105] {strides = array<i32>} : memref<10240xf32, #tpu.memory_space<vmem>>, vector<16xf32>,
      tpu.vector_store %arg4[%swap3A_105], %broadcast_in_dim3A_0 {strides = array<i32>} : memref<10240xf32, #tpu.memory_space<vmem>>, vector<16xf32>,
      %scan3A_107 = arith.constant 0 : i32
      %scan3A_108 = arith.constant 2 : i32
      %scan3A_109 = arith.addi %scan3A_95, %scan3A_108 : i32
      %mul3A_110 = arith.constant 16 : i32
      %mul3A_111 = arith.muli %scan3A_109, %mul3A_110 : i32
      %swap3A_112 = arith.index_cast %mul3A_111 : i32 to index
      %swap3A_113 = tpu.vector_load %arg4[%swap3A_112] {strides = array<i32>} : memref<10240xf32, #tpu.memory_space<vmem>>, vector<16xf32>,
      tpu.vector_store %arg4[%swap3A_112], %broadcast_in_dim3A_0 {strides = array<i32>} : memref<10240xf32, #tpu.memory_space<vmem>>, vector<16xf32>,
      %scan3A_114 = arith.constant 0 : i32
      %scan3A_115 = arith.constant 3 : i32
      %scan3A_116 = arith.addi %scan3A_95, %scan3A_115 : i32
      %mul3A_117 = arith.constant 16 : i32
      %mul3A_118 = arith.muli %scan3A_116, %mul3A_117 : i32
      %swap3A_119 = arith.index_cast %mul3A_118 : i32 to index
      %swap3A_120 = tpu.vector_load %arg4[%swap3A_119] {strides = array<i32>} : memref<10240xf32, #tpu.memory_space<vmem>>, vector<16xf32>,
      tpu.vector_store %arg4[%swap3A_119], %broadcast_in_dim3A_0 {strides = array<i32>} : memref<10240xf32, #tpu.memory_space<vmem>>, vector<16xf32>,
      %scan3A_121 = arith.constant 0 : i32
      scf.yield %scan3A_121 : i32
    }
    %scan3A_6 = arith.constant 640 : i32
    %mul3A = arith.constant 80000 : i32
    %mul3A_7 = arith.muli %arg0, %mul3A : i32
    %mul3A_8 = arith.constant 5000 : i32
    %mul3A_9 = arith.muli %arg1, %mul3A_8 : i32
    %add3A = arith.addi %mul3A_7, %mul3A_9 : i32
    %run_scoped3A = arith.constant 1 : i32
    "tpu.region"() ({
      %run_scoped3A_95 = tpu.sem_alloc : memref<!tpu.dma_semaphore, #tpu.memory_space<semaphore_mem>>
      %dma_start3A = tpu.memref_slice %arg2[%run_scoped3A, %add3A] : memref<2x160000xi32, #tpu.memory_space<hbm>> -> memref<1x5000xi32, #tpu.memory_space<hbm>>
      %dma_start3A_96 = tpu.memref_squeeze %dma_start3A : memref<1x5000xi32, #tpu.memory_space<hbm>> -> memref<5000xi32, #tpu.memory_space<hbm>>
      %dma_start3A_97 = tpu.memref_slice %arg2[%run_scoped3A, %add3A] : memref<2x160000xi32, #tpu.memory_space<hbm>> -> memref<1x5000xi32, #tpu.memory_space<hbm>>
      %dma_start3A_98 = tpu.memref_squeeze %dma_start3A_97 : memref<1x5000xi32, #tpu.memory_space<hbm>> -> memref<5000xi32, #tpu.memory_space<hbm>>
      tpu.enqueue_dma source(%dma_start3A_98 : memref<5000xi32, #tpu.memory_space<hbm>>) target(%arg5 : memref<5000xi32, #tpu.memory_space<vmem>>) target_semaphore(%run_scoped3A_95 : memref<!tpu.dma_semaphore, #tpu.memory_space<semaphore_mem>>)
      %dma_wait3A = tpu.memref_slice %arg2[%run_scoped3A, %add3A] : memref<2x160000xi32, #tpu.memory_space<hbm>> -> memref<1x5000xi32, #tpu.memory_space<hbm>>
      %dma_wait3A_99 = tpu.memref_squeeze %dma_wait3A : memref<1x5000xi32, #tpu.memory_space<hbm>> -> memref<5000xi32, #tpu.memory_space<hbm>>
      %dma_wait3A_100 = tpu.memref_slice %arg2[%run_scoped3A, %add3A] : memref<2x160000xi32, #tpu.memory_space<hbm>> -> memref<1x5000xi32, #tpu.memory_space<hbm>>
      %dma_wait3A_101 = tpu.memref_squeeze %dma_wait3A_100 : memref<1x5000xi32, #tpu.memory_space<hbm>> -> memref<5000xi32, #tpu.memory_space<hbm>>
      tpu.wait_dma2 semaphore(%run_scoped3A_95 : memref<!tpu.dma_semaphore, #tpu.memory_space<semaphore_mem>>) src(%dma_wait3A_101 : memref<5000xi32, #tpu.memory_space<hbm>>) dst(%arg5 : memref<5000xi32, #tpu.memory_space<vmem>>)
      tpu.yield
    }) : () -> ()
    %broadcast_in_dim3A_10 = arith.constant 1.000000e+00 : f32
    %broadcast_in_dim3A_11 = vector.broadcast %broadcast_in_dim3A_10 : f32 to vector<16xf32>
    %scan3A_12 = arith.constant 0 : i32
    %scan3A_13 = arith.constant 0 : i32
    %scan3A_14 = arith.constant 312 : i32
    %scan3A_15 = arith.addi %scan3A_13, %scan3A_14 : i32
    %scan3A_16 = arith.constant 1 : i32
    %scan3A_17 = scf.for %scan3A_95 = %scan3A_13 to %scan3A_15 step %scan3A_16 iter_args(%scan3A_96 = %scan3A_12) -> (i32)  : i32 {
      %mul3A_97 = arith.constant 16 : i32
      %mul3A_98 = arith.muli %scan3A_95, %mul3A_97 : i32
      %get3A_99 = arith.index_cast %mul3A_98 : i32 to index
      %get3A_100 = tpu.vector_load %arg5[%get3A_99] {strides = array<i32>} : memref<5000xi32, #tpu.memory_space<vmem>>, vector<16xi32>,
      tpu.vector_store_idx %arg4[%get3A_100], %broadcast_in_dim3A_11 {add = true} : memref<10240xf32, #tpu.memory_space<vmem>>[vector<16xi32>], vector<16xf32>,
      %scan3A_101 = arith.constant 0 : i32
      scf.yield %scan3A_101 : i32
    }
    %scan3A_18 = arith.constant 312 : i32
    %get3A = arith.constant 4984 : index
    %get3A_19 = tpu.vector_load %arg5[%get3A] {strides = array<i32>} : memref<5000xi32, #tpu.memory_space<vmem>>, vector<16xi32>,
    %iota3A = tpu.iota {dimensions = array<i32: 0>} : vector<16xi32>
    %ge3A = arith.constant 8 : i32
    %ge3A_20 = vector.broadcast %ge3A : i32 to vector<16xi32>
    %ge3A_21 = arith.cmpi sge, %iota3A, %ge3A_20 : vector<16xi32>
    tpu.vector_store_idx %arg4[%get3A_19], %broadcast_in_dim3A_11 masked %ge3A_21 {add = true} : memref<10240xf32, #tpu.memory_space<vmem>>[vector<16xi32>], vector<16xf32>, vector<16xi1>
    "tpu.region"() ({
      %run_scoped3A_95 = tpu.sem_alloc : memref<!tpu.dma_semaphore, #tpu.memory_space<semaphore_mem>>
      %dma_start3A = arith.constant 0 : i32
      %dma_start3A_96 = tpu.memref_slice %arg7[%arg1, %dma_start3A] : memref<16x10240xf32, #tpu.memory_space<vmem_shared>> -> memref<1x10240xf32, #tpu.memory_space<vmem_shared>>
      %dma_start3A_97 = tpu.memref_squeeze %dma_start3A_96 : memref<1x10240xf32, #tpu.memory_space<vmem_shared>> -> memref<10240xf32, #tpu.memory_space<vmem_shared>>
      %dma_start3A_98 = arith.constant 0 : i32
      %dma_start3A_99 = tpu.memref_slice %arg7[%arg1, %dma_start3A_98] : memref<16x10240xf32, #tpu.memory_space<vmem_shared>> -> memref<1x10240xf32, #tpu.memory_space<vmem_shared>>
      %dma_start3A_100 = tpu.memref_squeeze %dma_start3A_99 : memref<1x10240xf32, #tpu.memory_space<vmem_shared>> -> memref<10240xf32, #tpu.memory_space<vmem_shared>>
      tpu.enqueue_dma source(%arg4 : memref<10240xf32, #tpu.memory_space<vmem>>) target(%dma_start3A_100 : memref<10240xf32, #tpu.memory_space<vmem_shared>>) target_semaphore(%run_scoped3A_95 : memref<!tpu.dma_semaphore, #tpu.memory_space<semaphore_mem>>)
      %dma_wait3A = arith.constant 0 : i32
      %dma_wait3A_101 = tpu.memref_slice %arg7[%arg1, %dma_wait3A] : memref<16x10240xf32, #tpu.memory_space<vmem_shared>> -> memref<1x10240xf32, #tpu.memory_space<vmem_shared>>
      %dma_wait3A_102 = tpu.memref_squeeze %dma_wait3A_101 : memref<1x10240xf32, #tpu.memory_space<vmem_shared>> -> memref<10240xf32, #tpu.memory_space<vmem_shared>>
      %dma_wait3A_103 = arith.constant 0 : i32
      %dma_wait3A_104 = tpu.memref_slice %arg7[%arg1, %dma_wait3A_103] : memref<16x10240xf32, #tpu.memory_space<vmem_shared>> -> memref<1x10240xf32, #tpu.memory_space<vmem_shared>>
      %dma_wait3A_105 = tpu.memref_squeeze %dma_wait3A_104 : memref<1x10240xf32, #tpu.memory_space<vmem_shared>> -> memref<10240xf32, #tpu.memory_space<vmem_shared>>
      tpu.wait_dma2 semaphore(%run_scoped3A_95 : memref<!tpu.dma_semaphore, #tpu.memory_space<semaphore_mem>>) src(%arg4 : memref<10240xf32, #tpu.memory_space<vmem>>) dst(%dma_wait3A_105 : memref<10240xf32, #tpu.memory_space<vmem_shared>>)
      tpu.yield
    }) : () -> ()
    %barrier3A = arith.constant 0 : index
    tpu.barrier barrier_id(%barrier3A)
    %mul3A_22 = arith.constant 640 : i32
    %mul3A_23 = arith.muli %arg1, %mul3A_22 : i32
    %run_scoped3A_24 = arith.constant 0 : i32
    %run_scoped3A_25 = arith.constant 0 : i32
    "tpu.region"() ({
      %run_scoped3A_95 = tpu.sem_alloc : memref<!tpu.dma_semaphore, #tpu.memory_space<semaphore_mem>>
      %dma_start3A = arith.constant 0 : i32
      %dma_start3A_96 = tpu.memref_slice %arg6[%run_scoped3A_25, %dma_start3A] : memref<16x640xf32, #tpu.memory_space<vmem>> -> memref<1x640xf32, #tpu.memory_space<vmem>>
      %dma_start3A_97 = tpu.memref_squeeze %dma_start3A_96 : memref<1x640xf32, #tpu.memory_space<vmem>> -> memref<640xf32, #tpu.memory_space<vmem>>
      %dma_start3A_98 = tpu.memref_slice %arg7[%run_scoped3A_24, %mul3A_23] : memref<16x10240xf32, #tpu.memory_space<vmem_shared>> -> memref<1x640xf32, #tpu.memory_space<vmem_shared>>
      %dma_start3A_99 = tpu.memref_squeeze %dma_start3A_98 : memref<1x640xf32, #tpu.memory_space<vmem_shared>> -> memref<640xf32, #tpu.memory_space<vmem_shared>>
      %dma_start3A_100 = arith.constant 0 : i32
      %dma_start3A_101 = tpu.memref_slice %arg6[%run_scoped3A_25, %dma_start3A_100] : memref<16x640xf32, #tpu.memory_space<vmem>> -> memref<1x640xf32, #tpu.memory_space<vmem>>
      %dma_start3A_102 = tpu.memref_squeeze %dma_start3A_101 : memref<1x640xf32, #tpu.memory_space<vmem>> -> memref<640xf32, #tpu.memory_space<vmem>>
      %dma_start3A_103 = tpu.memref_slice %arg7[%run_scoped3A_24, %mul3A_23] : memref<16x10240xf32, #tpu.memory_space<vmem_shared>> -> memref<1x640xf32, #tpu.memory_space<vmem_shared>>
      %dma_start3A_104 = tpu.memref_squeeze %dma_start3A_103 : memref<1x640xf32, #tpu.memory_space<vmem_shared>> -> memref<640xf32, #tpu.memory_space<vmem_shared>>
      tpu.enqueue_dma source(%dma_start3A_104 : memref<640xf32, #tpu.memory_space<vmem_shared>>) target(%dma_start3A_102 : memref<640xf32, #tpu.memory_space<vmem>>) target_semaphore(%run_scoped3A_95 : memref<!tpu.dma_semaphore, #tpu.memory_space<semaphore_mem>>)
      %dma_wait3A = arith.constant 0 : i32
      %dma_wait3A_105 = tpu.memref_slice %arg6[%run_scoped3A_25, %dma_wait3A] : memref<16x640xf32, #tpu.memory_space<vmem>> -> memref<1x640xf32, #tpu.memory_space<vmem>>
      %dma_wait3A_106 = tpu.memref_squeeze %dma_wait3A_105 : memref<1x640xf32, #tpu.memory_space<vmem>> -> memref<640xf32, #tpu.memory_space<vmem>>
      %dma_wait3A_107 = tpu.memref_slice %arg7[%run_scoped3A_24, %mul3A_23] : memref<16x10240xf32, #tpu.memory_space<vmem_shared>> -> memref<1x640xf32, #tpu.memory_space<vmem_shared>>
      %dma_wait3A_108 = tpu.memref_squeeze %dma_wait3A_107 : memref<1x640xf32, #tpu.memory_space<vmem_shared>> -> memref<640xf32, #tpu.memory_space<vmem_shared>>
      %dma_wait3A_109 = arith.constant 0 : i32
      %dma_wait3A_110 = tpu.memref_slice %arg6[%run_scoped3A_25, %dma_wait3A_109] : memref<16x640xf32, #tpu.memory_space<vmem>> -> memref<1x640xf32, #tpu.memory_space<vmem>>
      %dma_wait3A_111 = tpu.memref_squeeze %dma_wait3A_110 : memref<1x640xf32, #tpu.memory_space<vmem>> -> memref<640xf32, #tpu.memory_space<vmem>>
      %dma_wait3A_112 = tpu.memref_slice %arg7[%run_scoped3A_24, %mul3A_23] : memref<16x10240xf32, #tpu.memory_space<vmem_shared>> -> memref<1x640xf32, #tpu.memory_space<vmem_shared>>
      %dma_wait3A_113 = tpu.memref_squeeze %dma_wait3A_112 : memref<1x640xf32, #tpu.memory_space<vmem_shared>> -> memref<640xf32, #tpu.memory_space<vmem_shared>>
      tpu.wait_dma2 semaphore(%run_scoped3A_95 : memref<!tpu.dma_semaphore, #tpu.memory_space<semaphore_mem>>) src(%dma_wait3A_113 : memref<640xf32, #tpu.memory_space<vmem_shared>>) dst(%dma_wait3A_111 : memref<640xf32, #tpu.memory_space<vmem>>)
      tpu.yield
    }) : () -> ()
    %mul3A_26 = arith.constant 640 : i32
    %mul3A_27 = arith.muli %arg1, %mul3A_26 : i32
    %run_scoped3A_28 = arith.constant 1 : i32
    %run_scoped3A_29 = arith.constant 1 : i32
    "tpu.region"() ({
      %run_scoped3A_95 = tpu.sem_alloc : memref<!tpu.dma_semaphore, #tpu.memory_space<semaphore_mem>>
      %dma_start3A = arith.constant 0 : i32
      %dma_start3A_96 = tpu.memref_slice %arg6[%run_scoped3A_29, %dma_start3A] : memref<16x640xf32, #tpu.memory_space<vmem>> -> memref<1x640xf32, #tpu.memory_space<vmem>>
      %dma_start3A_97 = tpu.memref_squeeze %dma_start3A_96 : memref<1x640xf32, #tpu.memory_space<vmem>> -> memref<640xf32, #tpu.memory_space<vmem>>
      %dma_start3A_98 = tpu.memref_slice %arg7[%run_scoped3A_28, %mul3A_27] : memref<16x10240xf32, #tpu.memory_space<vmem_shared>> -> memref<1x640xf32, #tpu.memory_space<vmem_shared>>
      %dma_start3A_99 = tpu.memref_squeeze %dma_start3A_98 : memref<1x640xf32, #tpu.memory_space<vmem_shared>> -> memref<640xf32, #tpu.memory_space<vmem_shared>>
      %dma_start3A_100 = arith.constant 0 : i32
      %dma_start3A_101 = tpu.memref_slice %arg6[%run_scoped3A_29, %dma_start3A_100] : memref<16x640xf32, #tpu.memory_space<vmem>> -> memref<1x640xf32, #tpu.memory_space<vmem>>
      %dma_start3A_102 = tpu.memref_squeeze %dma_start3A_101 : memref<1x640xf32, #tpu.memory_space<vmem>> -> memref<640xf32, #tpu.memory_space<vmem>>
      %dma_start3A_103 = tpu.memref_slice %arg7[%run_scoped3A_28, %mul3A_27] : memref<16x10240xf32, #tpu.memory_space<vmem_shared>> -> memref<1x640xf32, #tpu.memory_space<vmem_shared>>
      %dma_start3A_104 = tpu.memref_squeeze %dma_start3A_103 : memref<1x640xf32, #tpu.memory_space<vmem_shared>> -> memref<640xf32, #tpu.memory_space<vmem_shared>>
      tpu.enqueue_dma source(%dma_start3A_104 : memref<640xf32, #tpu.memory_space<vmem_shared>>) target(%dma_start3A_102 : memref<640xf32, #tpu.memory_space<vmem>>) target_semaphore(%run_scoped3A_95 : memref<!tpu.dma_semaphore, #tpu.memory_space<semaphore_mem>>)
      %dma_wait3A = arith.constant 0 : i32
      %dma_wait3A_105 = tpu.memref_slice %arg6[%run_scoped3A_29, %dma_wait3A] : memref<16x640xf32, #tpu.memory_space<vmem>> -> memref<1x640xf32, #tpu.memory_space<vmem>>
      %dma_wait3A_106 = tpu.memref_squeeze %dma_wait3A_105 : memref<1x640xf32, #tpu.memory_space<vmem>> -> memref<640xf32, #tpu.memory_space<vmem>>
      %dma_wait3A_107 = tpu.memref_slice %arg7[%run_scoped3A_28, %mul3A_27] : memref<16x10240xf32, #tpu.memory_space<vmem_shared>> -> memref<1x640xf32, #tpu.memory_space<vmem_shared>>
      %dma_wait3A_108 = tpu.memref_squeeze %dma_wait3A_107 : memref<1x640xf32, #tpu.memory_space<vmem_shared>> -> memref<640xf32, #tpu.memory_space<vmem_shared>>
      %dma_wait3A_109 = arith.constant 0 : i32
      %dma_wait3A_110 = tpu.memref_slice %arg6[%run_scoped3A_29, %dma_wait3A_109] : memref<16x640xf32, #tpu.memory_space<vmem>> -> memref<1x640xf32, #tpu.memory_space<vmem>>
      %dma_wait3A_111 = tpu.memref_squeeze %dma_wait3A_110 : memref<1x640xf32, #tpu.memory_space<vmem>> -> memref<640xf32, #tpu.memory_space<vmem>>
      %dma_wait3A_112 = tpu.memref_slice %arg7[%run_scoped3A_28, %mul3A_27] : memref<16x10240xf32, #tpu.memory_space<vmem_shared>> -> memref<1x640xf32, #tpu.memory_space<vmem_shared>>
      %dma_wait3A_113 = tpu.memref_squeeze %dma_wait3A_112 : memref<1x640xf32, #tpu.memory_space<vmem_shared>> -> memref<640xf32, #tpu.memory_space<vmem_shared>>
      tpu.wait_dma2 semaphore(%run_scoped3A_95 : memref<!tpu.dma_semaphore, #tpu.memory_space<semaphore_mem>>) src(%dma_wait3A_113 : memref<640xf32, #tpu.memory_space<vmem_shared>>) dst(%dma_wait3A_111 : memref<640xf32, #tpu.memory_space<vmem>>)
      tpu.yield
    }) : () -> ()
    %mul3A_30 = arith.constant 640 : i32
    %mul3A_31 = arith.muli %arg1, %mul3A_30 : i32
    %run_scoped3A_32 = arith.constant 2 : i32
    %run_scoped3A_33 = arith.constant 2 : i32
    "tpu.region"() ({
      %run_scoped3A_95 = tpu.sem_alloc : memref<!tpu.dma_semaphore, #tpu.memory_space<semaphore_mem>>
      %dma_start3A = arith.constant 0 : i32
      %dma_start3A_96 = tpu.memref_slice %arg6[%run_scoped3A_33, %dma_start3A] : memref<16x640xf32, #tpu.memory_space<vmem>> -> memref<1x640xf32, #tpu.memory_space<vmem>>
      %dma_start3A_97 = tpu.memref_squeeze %dma_start3A_96 : memref<1x640xf32, #tpu.memory_space<vmem>> -> memref<640xf32, #tpu.memory_space<vmem>>
      %dma_start3A_98 = tpu.memref_slice %arg7[%run_scoped3A_32, %mul3A_31] : memref<16x10240xf32, #tpu.memory_space<vmem_shared>> -> memref<1x640xf32, #tpu.memory_space<vmem_shared>>
      %dma_start3A_99 = tpu.memref_squeeze %dma_start3A_98 : memref<1x640xf32, #tpu.memory_space<vmem_shared>> -> memref<640xf32, #tpu.memory_space<vmem_shared>>
      %dma_start3A_100 = arith.constant 0 : i32
      %dma_start3A_101 = tpu.memref_slice %arg6[%run_scoped3A_33, %dma_start3A_100] : memref<16x640xf32, #tpu.memory_space<vmem>> -> memref<1x640xf32, #tpu.memory_space<vmem>>
      %dma_start3A_102 = tpu.memref_squeeze %dma_start3A_101 : memref<1x640xf32, #tpu.memory_space<vmem>> -> memref<640xf32, #tpu.memory_space<vmem>>
      %dma_start3A_103 = tpu.memref_slice %arg7[%run_scoped3A_32, %mul3A_31] : memref<16x10240xf32, #tpu.memory_space<vmem_shared>> -> memref<1x640xf32, #tpu.memory_space<vmem_shared>>
      %dma_start3A_104 = tpu.memref_squeeze %dma_start3A_103 : memref<1x640xf32, #tpu.memory_space<vmem_shared>> -> memref<640xf32, #tpu.memory_space<vmem_shared>>
      tpu.enqueue_dma source(%dma_start3A_104 : memref<640xf32, #tpu.memory_space<vmem_shared>>) target(%dma_start3A_102 : memref<640xf32, #tpu.memory_space<vmem>>) target_semaphore(%run_scoped3A_95 : memref<!tpu.dma_semaphore, #tpu.memory_space<semaphore_mem>>)
      %dma_wait3A = arith.constant 0 : i32
      %dma_wait3A_105 = tpu.memref_slice %arg6[%run_scoped3A_33, %dma_wait3A] : memref<16x640xf32, #tpu.memory_space<vmem>> -> memref<1x640xf32, #tpu.memory_space<vmem>>
      %dma_wait3A_106 = tpu.memref_squeeze %dma_wait3A_105 : memref<1x640xf32, #tpu.memory_space<vmem>> -> memref<640xf32, #tpu.memory_space<vmem>>
      %dma_wait3A_107 = tpu.memref_slice %arg7[%run_scoped3A_32, %mul3A_31] : memref<16x10240xf32, #tpu.memory_space<vmem_shared>> -> memref<1x640xf32, #tpu.memory_space<vmem_shared>>
      %dma_wait3A_108 = tpu.memref_squeeze %dma_wait3A_107 : memref<1x640xf32, #tpu.memory_space<vmem_shared>> -> memref<640xf32, #tpu.memory_space<vmem_shared>>
      %dma_wait3A_109 = arith.constant 0 : i32
      %dma_wait3A_110 = tpu.memref_slice %arg6[%run_scoped3A_33, %dma_wait3A_109] : memref<16x640xf32, #tpu.memory_space<vmem>> -> memref<1x640xf32, #tpu.memory_space<vmem>>
      %dma_wait3A_111 = tpu.memref_squeeze %dma_wait3A_110 : memref<1x640xf32, #tpu.memory_space<vmem>> -> memref<640xf32, #tpu.memory_space<vmem>>
      %dma_wait3A_112 = tpu.memref_slice %arg7[%run_scoped3A_32, %mul3A_31] : memref<16x10240xf32, #tpu.memory_space<vmem_shared>> -> memref<1x640xf32, #tpu.memory_space<vmem_shared>>
      %dma_wait3A_113 = tpu.memref_squeeze %dma_wait3A_112 : memref<1x640xf32, #tpu.memory_space<vmem_shared>> -> memref<640xf32, #tpu.memory_space<vmem_shared>>
      tpu.wait_dma2 semaphore(%run_scoped3A_95 : memref<!tpu.dma_semaphore, #tpu.memory_space<semaphore_mem>>) src(%dma_wait3A_113 : memref<640xf32, #tpu.memory_space<vmem_shared>>) dst(%dma_wait3A_111 : memref<640xf32, #tpu.memory_space<vmem>>)
      tpu.yield
    }) : () -> ()
    %mul3A_34 = arith.constant 640 : i32
    %mul3A_35 = arith.muli %arg1, %mul3A_34 : i32
    %run_scoped3A_36 = arith.constant 3 : i32
    %run_scoped3A_37 = arith.constant 3 : i32
    "tpu.region"() ({
      %run_scoped3A_95 = tpu.sem_alloc : memref<!tpu.dma_semaphore, #tpu.memory_space<semaphore_mem>>
      %dma_start3A = arith.constant 0 : i32
      %dma_start3A_96 = tpu.memref_slice %arg6[%run_scoped3A_37, %dma_start3A] : memref<16x640xf32, #tpu.memory_space<vmem>> -> memref<1x640xf32, #tpu.memory_space<vmem>>
      %dma_start3A_97 = tpu.memref_squeeze %dma_start3A_96 : memref<1x640xf32, #tpu.memory_space<vmem>> -> memref<640xf32, #tpu.memory_space<vmem>>
      %dma_start3A_98 = tpu.memref_slice %arg7[%run_scoped3A_36, %mul3A_35] : memref<16x10240xf32, #tpu.memory_space<vmem_shared>> -> memref<1x640xf32, #tpu.memory_space<vmem_shared>>
      %dma_start3A_99 = tpu.memref_squeeze %dma_start3A_98 : memref<1x640xf32, #tpu.memory_space<vmem_shared>> -> memref<640xf32, #tpu.memory_space<vmem_shared>>
      %dma_start3A_100 = arith.constant 0 : i32
      %dma_start3A_101 = tpu.memref_slice %arg6[%run_scoped3A_37, %dma_start3A_100] : memref<16x640xf32, #tpu.memory_space<vmem>> -> memref<1x640xf32, #tpu.memory_space<vmem>>
      %dma_start3A_102 = tpu.memref_squeeze %dma_start3A_101 : memref<1x640xf32, #tpu.memory_space<vmem>> -> memref<640xf32, #tpu.memory_space<vmem>>
      %dma_start3A_103 = tpu.memref_slice %arg7[%run_scoped3A_36, %mul3A_35] : memref<16x10240xf32, #tpu.memory_space<vmem_shared>> -> memref<1x640xf32, #tpu.memory_space<vmem_shared>>
      %dma_start3A_104 = tpu.memref_squeeze %dma_start3A_103 : memref<1x640xf32, #tpu.memory_space<vmem_shared>> -> memref<640xf32, #tpu.memory_space<vmem_shared>>
      tpu.enqueue_dma source(%dma_start3A_104 : memref<640xf32, #tpu.memory_space<vmem_shared>>) target(%dma_start3A_102 : memref<640xf32, #tpu.memory_space<vmem>>) target_semaphore(%run_scoped3A_95 : memref<!tpu.dma_semaphore, #tpu.memory_space<semaphore_mem>>)
      %dma_wait3A = arith.constant 0 : i32
      %dma_wait3A_105 = tpu.memref_slice %arg6[%run_scoped3A_37, %dma_wait3A] : memref<16x640xf32, #tpu.memory_space<vmem>> -> memref<1x640xf32, #tpu.memory_space<vmem>>
      %dma_wait3A_106 = tpu.memref_squeeze %dma_wait3A_105 : memref<1x640xf32, #tpu.memory_space<vmem>> -> memref<640xf32, #tpu.memory_space<vmem>>
      %dma_wait3A_107 = tpu.memref_slice %arg7[%run_scoped3A_36, %mul3A_35] : memref<16x10240xf32, #tpu.memory_space<vmem_shared>> -> memref<1x640xf32, #tpu.memory_space<vmem_shared>>
      %dma_wait3A_108 = tpu.memref_squeeze %dma_wait3A_107 : memref<1x640xf32, #tpu.memory_space<vmem_shared>> -> memref<640xf32, #tpu.memory_space<vmem_shared>>
      %dma_wait3A_109 = arith.constant 0 : i32
      %dma_wait3A_110 = tpu.memref_slice %arg6[%run_scoped3A_37, %dma_wait3A_109] : memref<16x640xf32, #tpu.memory_space<vmem>> -> memref<1x640xf32, #tpu.memory_space<vmem>>
      %dma_wait3A_111 = tpu.memref_squeeze %dma_wait3A_110 : memref<1x640xf32, #tpu.memory_space<vmem>> -> memref<640xf32, #tpu.memory_space<vmem>>
      %dma_wait3A_112 = tpu.memref_slice %arg7[%run_scoped3A_36, %mul3A_35] : memref<16x10240xf32, #tpu.memory_space<vmem_shared>> -> memref<1x640xf32, #tpu.memory_space<vmem_shared>>
      %dma_wait3A_113 = tpu.memref_squeeze %dma_wait3A_112 : memref<1x640xf32, #tpu.memory_space<vmem_shared>> -> memref<640xf32, #tpu.memory_space<vmem_shared>>
      tpu.wait_dma2 semaphore(%run_scoped3A_95 : memref<!tpu.dma_semaphore, #tpu.memory_space<semaphore_mem>>) src(%dma_wait3A_113 : memref<640xf32, #tpu.memory_space<vmem_shared>>) dst(%dma_wait3A_111 : memref<640xf32, #tpu.memory_space<vmem>>)
      tpu.yield
    }) : () -> ()
    %mul3A_38 = arith.constant 640 : i32
    %mul3A_39 = arith.muli %arg1, %mul3A_38 : i32
    %run_scoped3A_40 = arith.constant 4 : i32
    %run_scoped3A_41 = arith.constant 4 : i32
    "tpu.region"() ({
      %run_scoped3A_95 = tpu.sem_alloc : memref<!tpu.dma_semaphore, #tpu.memory_space<semaphore_mem>>
      %dma_start3A = arith.constant 0 : i32
      %dma_start3A_96 = tpu.memref_slice %arg6[%run_scoped3A_41, %dma_start3A] : memref<16x640xf32, #tpu.memory_space<vmem>> -> memref<1x640xf32, #tpu.memory_space<vmem>>
      %dma_start3A_97 = tpu.memref_squeeze %dma_start3A_96 : memref<1x640xf32, #tpu.memory_space<vmem>> -> memref<640xf32, #tpu.memory_space<vmem>>
      %dma_start3A_98 = tpu.memref_slice %arg7[%run_scoped3A_40, %mul3A_39] : memref<16x10240xf32, #tpu.memory_space<vmem_shared>> -> memref<1x640xf32, #tpu.memory_space<vmem_shared>>
      %dma_start3A_99 = tpu.memref_squeeze %dma_start3A_98 : memref<1x640xf32, #tpu.memory_space<vmem_shared>> -> memref<640xf32, #tpu.memory_space<vmem_shared>>
      %dma_start3A_100 = arith.constant 0 : i32
      %dma_start3A_101 = tpu.memref_slice %arg6[%run_scoped3A_41, %dma_start3A_100] : memref<16x640xf32, #tpu.memory_space<vmem>> -> memref<1x640xf32, #tpu.memory_space<vmem>>
      %dma_start3A_102 = tpu.memref_squeeze %dma_start3A_101 : memref<1x640xf32, #tpu.memory_space<vmem>> -> memref<640xf32, #tpu.memory_space<vmem>>
      %dma_start3A_103 = tpu.memref_slice %arg7[%run_scoped3A_40, %mul3A_39] : memref<16x10240xf32, #tpu.memory_space<vmem_shared>> -> memref<1x640xf32, #tpu.memory_space<vmem_shared>>
      %dma_start3A_104 = tpu.memref_squeeze %dma_start3A_103 : memref<1x640xf32, #tpu.memory_space<vmem_shared>> -> memref<640xf32, #tpu.memory_space<vmem_shared>>
      tpu.enqueue_dma source(%dma_start3A_104 : memref<640xf32, #tpu.memory_space<vmem_shared>>) target(%dma_start3A_102 : memref<640xf32, #tpu.memory_space<vmem>>) target_semaphore(%run_scoped3A_95 : memref<!tpu.dma_semaphore, #tpu.memory_space<semaphore_mem>>)
      %dma_wait3A = arith.constant 0 : i32
      %dma_wait3A_105 = tpu.memref_slice %arg6[%run_scoped3A_41, %dma_wait3A] : memref<16x640xf32, #tpu.memory_space<vmem>> -> memref<1x640xf32, #tpu.memory_space<vmem>>
      %dma_wait3A_106 = tpu.memref_squeeze %dma_wait3A_105 : memref<1x640xf32, #tpu.memory_space<vmem>> -> memref<640xf32, #tpu.memory_space<vmem>>
      %dma_wait3A_107 = tpu.memref_slice %arg7[%run_scoped3A_40, %mul3A_39] : memref<16x10240xf32, #tpu.memory_space<vmem_shared>> -> memref<1x640xf32, #tpu.memory_space<vmem_shared>>
      %dma_wait3A_108 = tpu.memref_squeeze %dma_wait3A_107 : memref<1x640xf32, #tpu.memory_space<vmem_shared>> -> memref<640xf32, #tpu.memory_space<vmem_shared>>
      %dma_wait3A_109 = arith.constant 0 : i32
      %dma_wait3A_110 = tpu.memref_slice %arg6[%run_scoped3A_41, %dma_wait3A_109] : memref<16x640xf32, #tpu.memory_space<vmem>> -> memref<1x640xf32, #tpu.memory_space<vmem>>
      %dma_wait3A_111 = tpu.memref_squeeze %dma_wait3A_110 : memref<1x640xf32, #tpu.memory_space<vmem>> -> memref<640xf32, #tpu.memory_space<vmem>>
      %dma_wait3A_112 = tpu.memref_slice %arg7[%run_scoped3A_40, %mul3A_39] : memref<16x10240xf32, #tpu.memory_space<vmem_shared>> -> memref<1x640xf32, #tpu.memory_space<vmem_shared>>
      %dma_wait3A_113 = tpu.memref_squeeze %dma_wait3A_112 : memref<1x640xf32, #tpu.memory_space<vmem_shared>> -> memref<640xf32, #tpu.memory_space<vmem_shared>>
      tpu.wait_dma2 semaphore(%run_scoped3A_95 : memref<!tpu.dma_semaphore, #tpu.memory_space<semaphore_mem>>) src(%dma_wait3A_113 : memref<640xf32, #tpu.memory_space<vmem_shared>>) dst(%dma_wait3A_111 : memref<640xf32, #tpu.memory_space<vmem>>)
      tpu.yield
    }) : () -> ()
    %mul3A_42 = arith.constant 640 : i32
    %mul3A_43 = arith.muli %arg1, %mul3A_42 : i32
    %run_scoped3A_44 = arith.constant 5 : i32
    %run_scoped3A_45 = arith.constant 5 : i32
    "tpu.region"() ({
      %run_scoped3A_95 = tpu.sem_alloc : memref<!tpu.dma_semaphore, #tpu.memory_space<semaphore_mem>>
      %dma_start3A = arith.constant 0 : i32
      %dma_start3A_96 = tpu.memref_slice %arg6[%run_scoped3A_45, %dma_start3A] : memref<16x640xf32, #tpu.memory_space<vmem>> -> memref<1x640xf32, #tpu.memory_space<vmem>>
      %dma_start3A_97 = tpu.memref_squeeze %dma_start3A_96 : memref<1x640xf32, #tpu.memory_space<vmem>> -> memref<640xf32, #tpu.memory_space<vmem>>
      %dma_start3A_98 = tpu.memref_slice %arg7[%run_scoped3A_44, %mul3A_43] : memref<16x10240xf32, #tpu.memory_space<vmem_shared>> -> memref<1x640xf32, #tpu.memory_space<vmem_shared>>
      %dma_start3A_99 = tpu.memref_squeeze %dma_start3A_98 : memref<1x640xf32, #tpu.memory_space<vmem_shared>> -> memref<640xf32, #tpu.memory_space<vmem_shared>>
      %dma_start3A_100 = arith.constant 0 : i32
      %dma_start3A_101 = tpu.memref_slice %arg6[%run_scoped3A_45, %dma_start3A_100] : memref<16x640xf32, #tpu.memory_space<vmem>> -> memref<1x640xf32, #tpu.memory_space<vmem>>
      %dma_start3A_102 = tpu.memref_squeeze %dma_start3A_101 : memref<1x640xf32, #tpu.memory_space<vmem>> -> memref<640xf32, #tpu.memory_space<vmem>>
      %dma_start3A_103 = tpu.memref_slice %arg7[%run_scoped3A_44, %mul3A_43] : memref<16x10240xf32, #tpu.memory_space<vmem_shared>> -> memref<1x640xf32, #tpu.memory_space<vmem_shared>>
      %dma_start3A_104 = tpu.memref_squeeze %dma_start3A_103 : memref<1x640xf32, #tpu.memory_space<vmem_shared>> -> memref<640xf32, #tpu.memory_space<vmem_shared>>
      tpu.enqueue_dma source(%dma_start3A_104 : memref<640xf32, #tpu.memory_space<vmem_shared>>) target(%dma_start3A_102 : memref<640xf32, #tpu.memory_space<vmem>>) target_semaphore(%run_scoped3A_95 : memref<!tpu.dma_semaphore, #tpu.memory_space<semaphore_mem>>)
      %dma_wait3A = arith.constant 0 : i32
      %dma_wait3A_105 = tpu.memref_slice %arg6[%run_scoped3A_45, %dma_wait3A] : memref<16x640xf32, #tpu.memory_space<vmem>> -> memref<1x640xf32, #tpu.memory_space<vmem>>
      %dma_wait3A_106 = tpu.memref_squeeze %dma_wait3A_105 : memref<1x640xf32, #tpu.memory_space<vmem>> -> memref<640xf32, #tpu.memory_space<vmem>>
      %dma_wait3A_107 = tpu.memref_slice %arg7[%run_scoped3A_44, %mul3A_43] : memref<16x10240xf32, #tpu.memory_space<vmem_shared>> -> memref<1x640xf32, #tpu.memory_space<vmem_shared>>
      %dma_wait3A_108 = tpu.memref_squeeze %dma_wait3A_107 : memref<1x640xf32, #tpu.memory_space<vmem_shared>> -> memref<640xf32, #tpu.memory_space<vmem_shared>>
      %dma_wait3A_109 = arith.constant 0 : i32
      %dma_wait3A_110 = tpu.memref_slice %arg6[%run_scoped3A_45, %dma_wait3A_109] : memref<16x640xf32, #tpu.memory_space<vmem>> -> memref<1x640xf32, #tpu.memory_space<vmem>>
      %dma_wait3A_111 = tpu.memref_squeeze %dma_wait3A_110 : memref<1x640xf32, #tpu.memory_space<vmem>> -> memref<640xf32, #tpu.memory_space<vmem>>
      %dma_wait3A_112 = tpu.memref_slice %arg7[%run_scoped3A_44, %mul3A_43] : memref<16x10240xf32, #tpu.memory_space<vmem_shared>> -> memref<1x640xf32, #tpu.memory_space<vmem_shared>>
      %dma_wait3A_113 = tpu.memref_squeeze %dma_wait3A_112 : memref<1x640xf32, #tpu.memory_space<vmem_shared>> -> memref<640xf32, #tpu.memory_space<vmem_shared>>
      tpu.wait_dma2 semaphore(%run_scoped3A_95 : memref<!tpu.dma_semaphore, #tpu.memory_space<semaphore_mem>>) src(%dma_wait3A_113 : memref<640xf32, #tpu.memory_space<vmem_shared>>) dst(%dma_wait3A_111 : memref<640xf32, #tpu.memory_space<vmem>>)
      tpu.yield
    }) : () -> ()
    %mul3A_46 = arith.constant 640 : i32
    %mul3A_47 = arith.muli %arg1, %mul3A_46 : i32
    %run_scoped3A_48 = arith.constant 6 : i32
    %run_scoped3A_49 = arith.constant 6 : i32
    "tpu.region"() ({
      %run_scoped3A_95 = tpu.sem_alloc : memref<!tpu.dma_semaphore, #tpu.memory_space<semaphore_mem>>
      %dma_start3A = arith.constant 0 : i32
      %dma_start3A_96 = tpu.memref_slice %arg6[%run_scoped3A_49, %dma_start3A] : memref<16x640xf32, #tpu.memory_space<vmem>> -> memref<1x640xf32, #tpu.memory_space<vmem>>
      %dma_start3A_97 = tpu.memref_squeeze %dma_start3A_96 : memref<1x640xf32, #tpu.memory_space<vmem>> -> memref<640xf32, #tpu.memory_space<vmem>>
      %dma_start3A_98 = tpu.memref_slice %arg7[%run_scoped3A_48, %mul3A_47] : memref<16x10240xf32, #tpu.memory_space<vmem_shared>> -> memref<1x640xf32, #tpu.memory_space<vmem_shared>>
      %dma_start3A_99 = tpu.memref_squeeze %dma_start3A_98 : memref<1x640xf32, #tpu.memory_space<vmem_shared>> -> memref<640xf32, #tpu.memory_space<vmem_shared>>
      %dma_start3A_100 = arith.constant 0 : i32
      %dma_start3A_101 = tpu.memref_slice %arg6[%run_scoped3A_49, %dma_start3A_100] : memref<16x640xf32, #tpu.memory_space<vmem>> -> memref<1x640xf32, #tpu.memory_space<vmem>>
      %dma_start3A_102 = tpu.memref_squeeze %dma_start3A_101 : memref<1x640xf32, #tpu.memory_space<vmem>> -> memref<640xf32, #tpu.memory_space<vmem>>
      %dma_start3A_103 = tpu.memref_slice %arg7[%run_scoped3A_48, %mul3A_47] : memref<16x10240xf32, #tpu.memory_space<vmem_shared>> -> memref<1x640xf32, #tpu.memory_space<vmem_shared>>
      %dma_start3A_104 = tpu.memref_squeeze %dma_start3A_103 : memref<1x640xf32, #tpu.memory_space<vmem_shared>> -> memref<640xf32, #tpu.memory_space<vmem_shared>>
      tpu.enqueue_dma source(%dma_start3A_104 : memref<640xf32, #tpu.memory_space<vmem_shared>>) target(%dma_start3A_102 : memref<640xf32, #tpu.memory_space<vmem>>) target_semaphore(%run_scoped3A_95 : memref<!tpu.dma_semaphore, #tpu.memory_space<semaphore_mem>>)
      %dma_wait3A = arith.constant 0 : i32
      %dma_wait3A_105 = tpu.memref_slice %arg6[%run_scoped3A_49, %dma_wait3A] : memref<16x640xf32, #tpu.memory_space<vmem>> -> memref<1x640xf32, #tpu.memory_space<vmem>>
      %dma_wait3A_106 = tpu.memref_squeeze %dma_wait3A_105 : memref<1x640xf32, #tpu.memory_space<vmem>> -> memref<640xf32, #tpu.memory_space<vmem>>
      %dma_wait3A_107 = tpu.memref_slice %arg7[%run_scoped3A_48, %mul3A_47] : memref<16x10240xf32, #tpu.memory_space<vmem_shared>> -> memref<1x640xf32, #tpu.memory_space<vmem_shared>>
      %dma_wait3A_108 = tpu.memref_squeeze %dma_wait3A_107 : memref<1x640xf32, #tpu.memory_space<vmem_shared>> -> memref<640xf32, #tpu.memory_space<vmem_shared>>
      %dma_wait3A_109 = arith.constant 0 : i32
      %dma_wait3A_110 = tpu.memref_slice %arg6[%run_scoped3A_49, %dma_wait3A_109] : memref<16x640xf32, #tpu.memory_space<vmem>> -> memref<1x640xf32, #tpu.memory_space<vmem>>
      %dma_wait3A_111 = tpu.memref_squeeze %dma_wait3A_110 : memref<1x640xf32, #tpu.memory_space<vmem>> -> memref<640xf32, #tpu.memory_space<vmem>>
      %dma_wait3A_112 = tpu.memref_slice %arg7[%run_scoped3A_48, %mul3A_47] : memref<16x10240xf32, #tpu.memory_space<vmem_shared>> -> memref<1x640xf32, #tpu.memory_space<vmem_shared>>
      %dma_wait3A_113 = tpu.memref_squeeze %dma_wait3A_112 : memref<1x640xf32, #tpu.memory_space<vmem_shared>> -> memref<640xf32, #tpu.memory_space<vmem_shared>>
      tpu.wait_dma2 semaphore(%run_scoped3A_95 : memref<!tpu.dma_semaphore, #tpu.memory_space<semaphore_mem>>) src(%dma_wait3A_113 : memref<640xf32, #tpu.memory_space<vmem_shared>>) dst(%dma_wait3A_111 : memref<640xf32, #tpu.memory_space<vmem>>)
      tpu.yield
    }) : () -> ()
    %mul3A_50 = arith.constant 640 : i32
    %mul3A_51 = arith.muli %arg1, %mul3A_50 : i32
    %run_scoped3A_52 = arith.constant 7 : i32
    %run_scoped3A_53 = arith.constant 7 : i32
    "tpu.region"() ({
      %run_scoped3A_95 = tpu.sem_alloc : memref<!tpu.dma_semaphore, #tpu.memory_space<semaphore_mem>>
      %dma_start3A = arith.constant 0 : i32
      %dma_start3A_96 = tpu.memref_slice %arg6[%run_scoped3A_53, %dma_start3A] : memref<16x640xf32, #tpu.memory_space<vmem>> -> memref<1x640xf32, #tpu.memory_space<vmem>>
      %dma_start3A_97 = tpu.memref_squeeze %dma_start3A_96 : memref<1x640xf32, #tpu.memory_space<vmem>> -> memref<640xf32, #tpu.memory_space<vmem>>
      %dma_start3A_98 = tpu.memref_slice %arg7[%run_scoped3A_52, %mul3A_51] : memref<16x10240xf32, #tpu.memory_space<vmem_shared>> -> memref<1x640xf32, #tpu.memory_space<vmem_shared>>
      %dma_start3A_99 = tpu.memref_squeeze %dma_start3A_98 : memref<1x640xf32, #tpu.memory_space<vmem_shared>> -> memref<640xf32, #tpu.memory_space<vmem_shared>>
      %dma_start3A_100 = arith.constant 0 : i32
      %dma_start3A_101 = tpu.memref_slice %arg6[%run_scoped3A_53, %dma_start3A_100] : memref<16x640xf32, #tpu.memory_space<vmem>> -> memref<1x640xf32, #tpu.memory_space<vmem>>
      %dma_start3A_102 = tpu.memref_squeeze %dma_start3A_101 : memref<1x640xf32, #tpu.memory_space<vmem>> -> memref<640xf32, #tpu.memory_space<vmem>>
      %dma_start3A_103 = tpu.memref_slice %arg7[%run_scoped3A_52, %mul3A_51] : memref<16x10240xf32, #tpu.memory_space<vmem_shared>> -> memref<1x640xf32, #tpu.memory_space<vmem_shared>>
      %dma_start3A_104 = tpu.memref_squeeze %dma_start3A_103 : memref<1x640xf32, #tpu.memory_space<vmem_shared>> -> memref<640xf32, #tpu.memory_space<vmem_shared>>
      tpu.enqueue_dma source(%dma_start3A_104 : memref<640xf32, #tpu.memory_space<vmem_shared>>) target(%dma_start3A_102 : memref<640xf32, #tpu.memory_space<vmem>>) target_semaphore(%run_scoped3A_95 : memref<!tpu.dma_semaphore, #tpu.memory_space<semaphore_mem>>)
      %dma_wait3A = arith.constant 0 : i32
      %dma_wait3A_105 = tpu.memref_slice %arg6[%run_scoped3A_53, %dma_wait3A] : memref<16x640xf32, #tpu.memory_space<vmem>> -> memref<1x640xf32, #tpu.memory_space<vmem>>
      %dma_wait3A_106 = tpu.memref_squeeze %dma_wait3A_105 : memref<1x640xf32, #tpu.memory_space<vmem>> -> memref<640xf32, #tpu.memory_space<vmem>>
      %dma_wait3A_107 = tpu.memref_slice %arg7[%run_scoped3A_52, %mul3A_51] : memref<16x10240xf32, #tpu.memory_space<vmem_shared>> -> memref<1x640xf32, #tpu.memory_space<vmem_shared>>
      %dma_wait3A_108 = tpu.memref_squeeze %dma_wait3A_107 : memref<1x640xf32, #tpu.memory_space<vmem_shared>> -> memref<640xf32, #tpu.memory_space<vmem_shared>>
      %dma_wait3A_109 = arith.constant 0 : i32
      %dma_wait3A_110 = tpu.memref_slice %arg6[%run_scoped3A_53, %dma_wait3A_109] : memref<16x640xf32, #tpu.memory_space<vmem>> -> memref<1x640xf32, #tpu.memory_space<vmem>>
      %dma_wait3A_111 = tpu.memref_squeeze %dma_wait3A_110 : memref<1x640xf32, #tpu.memory_space<vmem>> -> memref<640xf32, #tpu.memory_space<vmem>>
      %dma_wait3A_112 = tpu.memref_slice %arg7[%run_scoped3A_52, %mul3A_51] : memref<16x10240xf32, #tpu.memory_space<vmem_shared>> -> memref<1x640xf32, #tpu.memory_space<vmem_shared>>
      %dma_wait3A_113 = tpu.memref_squeeze %dma_wait3A_112 : memref<1x640xf32, #tpu.memory_space<vmem_shared>> -> memref<640xf32, #tpu.memory_space<vmem_shared>>
      tpu.wait_dma2 semaphore(%run_scoped3A_95 : memref<!tpu.dma_semaphore, #tpu.memory_space<semaphore_mem>>) src(%dma_wait3A_113 : memref<640xf32, #tpu.memory_space<vmem_shared>>) dst(%dma_wait3A_111 : memref<640xf32, #tpu.memory_space<vmem>>)
      tpu.yield
    }) : () -> ()
    %mul3A_54 = arith.constant 640 : i32
    %mul3A_55 = arith.muli %arg1, %mul3A_54 : i32
    %run_scoped3A_56 = arith.constant 8 : i32
    %run_scoped3A_57 = arith.constant 8 : i32
    "tpu.region"() ({
      %run_scoped3A_95 = tpu.sem_alloc : memref<!tpu.dma_semaphore, #tpu.memory_space<semaphore_mem>>
      %dma_start3A = arith.constant 0 : i32
      %dma_start3A_96 = tpu.memref_slice %arg6[%run_scoped3A_57, %dma_start3A] : memref<16x640xf32, #tpu.memory_space<vmem>> -> memref<1x640xf32, #tpu.memory_space<vmem>>
      %dma_start3A_97 = tpu.memref_squeeze %dma_start3A_96 : memref<1x640xf32, #tpu.memory_space<vmem>> -> memref<640xf32, #tpu.memory_space<vmem>>
      %dma_start3A_98 = tpu.memref_slice %arg7[%run_scoped3A_56, %mul3A_55] : memref<16x10240xf32, #tpu.memory_space<vmem_shared>> -> memref<1x640xf32, #tpu.memory_space<vmem_shared>>
      %dma_start3A_99 = tpu.memref_squeeze %dma_start3A_98 : memref<1x640xf32, #tpu.memory_space<vmem_shared>> -> memref<640xf32, #tpu.memory_space<vmem_shared>>
      %dma_start3A_100 = arith.constant 0 : i32
      %dma_start3A_101 = tpu.memref_slice %arg6[%run_scoped3A_57, %dma_start3A_100] : memref<16x640xf32, #tpu.memory_space<vmem>> -> memref<1x640xf32, #tpu.memory_space<vmem>>
      %dma_start3A_102 = tpu.memref_squeeze %dma_start3A_101 : memref<1x640xf32, #tpu.memory_space<vmem>> -> memref<640xf32, #tpu.memory_space<vmem>>
      %dma_start3A_103 = tpu.memref_slice %arg7[%run_scoped3A_56, %mul3A_55] : memref<16x10240xf32, #tpu.memory_space<vmem_shared>> -> memref<1x640xf32, #tpu.memory_space<vmem_shared>>
      %dma_start3A_104 = tpu.memref_squeeze %dma_start3A_103 : memref<1x640xf32, #tpu.memory_space<vmem_shared>> -> memref<640xf32, #tpu.memory_space<vmem_shared>>
      tpu.enqueue_dma source(%dma_start3A_104 : memref<640xf32, #tpu.memory_space<vmem_shared>>) target(%dma_start3A_102 : memref<640xf32, #tpu.memory_space<vmem>>) target_semaphore(%run_scoped3A_95 : memref<!tpu.dma_semaphore, #tpu.memory_space<semaphore_mem>>)
      %dma_wait3A = arith.constant 0 : i32
      %dma_wait3A_105 = tpu.memref_slice %arg6[%run_scoped3A_57, %dma_wait3A] : memref<16x640xf32, #tpu.memory_space<vmem>> -> memref<1x640xf32, #tpu.memory_space<vmem>>
      %dma_wait3A_106 = tpu.memref_squeeze %dma_wait3A_105 : memref<1x640xf32, #tpu.memory_space<vmem>> -> memref<640xf32, #tpu.memory_space<vmem>>
      %dma_wait3A_107 = tpu.memref_slice %arg7[%run_scoped3A_56, %mul3A_55] : memref<16x10240xf32, #tpu.memory_space<vmem_shared>> -> memref<1x640xf32, #tpu.memory_space<vmem_shared>>
      %dma_wait3A_108 = tpu.memref_squeeze %dma_wait3A_107 : memref<1x640xf32, #tpu.memory_space<vmem_shared>> -> memref<640xf32, #tpu.memory_space<vmem_shared>>
      %dma_wait3A_109 = arith.constant 0 : i32
      %dma_wait3A_110 = tpu.memref_slice %arg6[%run_scoped3A_57, %dma_wait3A_109] : memref<16x640xf32, #tpu.memory_space<vmem>> -> memref<1x640xf32, #tpu.memory_space<vmem>>
      %dma_wait3A_111 = tpu.memref_squeeze %dma_wait3A_110 : memref<1x640xf32, #tpu.memory_space<vmem>> -> memref<640xf32, #tpu.memory_space<vmem>>
      %dma_wait3A_112 = tpu.memref_slice %arg7[%run_scoped3A_56, %mul3A_55] : memref<16x10240xf32, #tpu.memory_space<vmem_shared>> -> memref<1x640xf32, #tpu.memory_space<vmem_shared>>
      %dma_wait3A_113 = tpu.memref_squeeze %dma_wait3A_112 : memref<1x640xf32, #tpu.memory_space<vmem_shared>> -> memref<640xf32, #tpu.memory_space<vmem_shared>>
      tpu.wait_dma2 semaphore(%run_scoped3A_95 : memref<!tpu.dma_semaphore, #tpu.memory_space<semaphore_mem>>) src(%dma_wait3A_113 : memref<640xf32, #tpu.memory_space<vmem_shared>>) dst(%dma_wait3A_111 : memref<640xf32, #tpu.memory_space<vmem>>)
      tpu.yield
    }) : () -> ()
    %mul3A_58 = arith.constant 640 : i32
    %mul3A_59 = arith.muli %arg1, %mul3A_58 : i32
    %run_scoped3A_60 = arith.constant 9 : i32
    %run_scoped3A_61 = arith.constant 9 : i32
    "tpu.region"() ({
      %run_scoped3A_95 = tpu.sem_alloc : memref<!tpu.dma_semaphore, #tpu.memory_space<semaphore_mem>>
      %dma_start3A = arith.constant 0 : i32
      %dma_start3A_96 = tpu.memref_slice %arg6[%run_scoped3A_61, %dma_start3A] : memref<16x640xf32, #tpu.memory_space<vmem>> -> memref<1x640xf32, #tpu.memory_space<vmem>>
      %dma_start3A_97 = tpu.memref_squeeze %dma_start3A_96 : memref<1x640xf32, #tpu.memory_space<vmem>> -> memref<640xf32, #tpu.memory_space<vmem>>
      %dma_start3A_98 = tpu.memref_slice %arg7[%run_scoped3A_60, %mul3A_59] : memref<16x10240xf32, #tpu.memory_space<vmem_shared>> -> memref<1x640xf32, #tpu.memory_space<vmem_shared>>
      %dma_start3A_99 = tpu.memref_squeeze %dma_start3A_98 : memref<1x640xf32, #tpu.memory_space<vmem_shared>> -> memref<640xf32, #tpu.memory_space<vmem_shared>>
      %dma_start3A_100 = arith.constant 0 : i32
      %dma_start3A_101 = tpu.memref_slice %arg6[%run_scoped3A_61, %dma_start3A_100] : memref<16x640xf32, #tpu.memory_space<vmem>> -> memref<1x640xf32, #tpu.memory_space<vmem>>
      %dma_start3A_102 = tpu.memref_squeeze %dma_start3A_101 : memref<1x640xf32, #tpu.memory_space<vmem>> -> memref<640xf32, #tpu.memory_space<vmem>>
      %dma_start3A_103 = tpu.memref_slice %arg7[%run_scoped3A_60, %mul3A_59] : memref<16x10240xf32, #tpu.memory_space<vmem_shared>> -> memref<1x640xf32, #tpu.memory_space<vmem_shared>>
      %dma_start3A_104 = tpu.memref_squeeze %dma_start3A_103 : memref<1x640xf32, #tpu.memory_space<vmem_shared>> -> memref<640xf32, #tpu.memory_space<vmem_shared>>
      tpu.enqueue_dma source(%dma_start3A_104 : memref<640xf32, #tpu.memory_space<vmem_shared>>) target(%dma_start3A_102 : memref<640xf32, #tpu.memory_space<vmem>>) target_semaphore(%run_scoped3A_95 : memref<!tpu.dma_semaphore, #tpu.memory_space<semaphore_mem>>)
      %dma_wait3A = arith.constant 0 : i32
      %dma_wait3A_105 = tpu.memref_slice %arg6[%run_scoped3A_61, %dma_wait3A] : memref<16x640xf32, #tpu.memory_space<vmem>> -> memref<1x640xf32, #tpu.memory_space<vmem>>
      %dma_wait3A_106 = tpu.memref_squeeze %dma_wait3A_105 : memref<1x640xf32, #tpu.memory_space<vmem>> -> memref<640xf32, #tpu.memory_space<vmem>>
      %dma_wait3A_107 = tpu.memref_slice %arg7[%run_scoped3A_60, %mul3A_59] : memref<16x10240xf32, #tpu.memory_space<vmem_shared>> -> memref<1x640xf32, #tpu.memory_space<vmem_shared>>
      %dma_wait3A_108 = tpu.memref_squeeze %dma_wait3A_107 : memref<1x640xf32, #tpu.memory_space<vmem_shared>> -> memref<640xf32, #tpu.memory_space<vmem_shared>>
      %dma_wait3A_109 = arith.constant 0 : i32
      %dma_wait3A_110 = tpu.memref_slice %arg6[%run_scoped3A_61, %dma_wait3A_109] : memref<16x640xf32, #tpu.memory_space<vmem>> -> memref<1x640xf32, #tpu.memory_space<vmem>>
      %dma_wait3A_111 = tpu.memref_squeeze %dma_wait3A_110 : memref<1x640xf32, #tpu.memory_space<vmem>> -> memref<640xf32, #tpu.memory_space<vmem>>
      %dma_wait3A_112 = tpu.memref_slice %arg7[%run_scoped3A_60, %mul3A_59] : memref<16x10240xf32, #tpu.memory_space<vmem_shared>> -> memref<1x640xf32, #tpu.memory_space<vmem_shared>>
      %dma_wait3A_113 = tpu.memref_squeeze %dma_wait3A_112 : memref<1x640xf32, #tpu.memory_space<vmem_shared>> -> memref<640xf32, #tpu.memory_space<vmem_shared>>
      tpu.wait_dma2 semaphore(%run_scoped3A_95 : memref<!tpu.dma_semaphore, #tpu.memory_space<semaphore_mem>>) src(%dma_wait3A_113 : memref<640xf32, #tpu.memory_space<vmem_shared>>) dst(%dma_wait3A_111 : memref<640xf32, #tpu.memory_space<vmem>>)
      tpu.yield
    }) : () -> ()
    %mul3A_62 = arith.constant 640 : i32
    %mul3A_63 = arith.muli %arg1, %mul3A_62 : i32
    %run_scoped3A_64 = arith.constant 10 : i32
    %run_scoped3A_65 = arith.constant 10 : i32
    "tpu.region"() ({
      %run_scoped3A_95 = tpu.sem_alloc : memref<!tpu.dma_semaphore, #tpu.memory_space<semaphore_mem>>
      %dma_start3A = arith.constant 0 : i32
      %dma_start3A_96 = tpu.memref_slice %arg6[%run_scoped3A_65, %dma_start3A] : memref<16x640xf32, #tpu.memory_space<vmem>> -> memref<1x640xf32, #tpu.memory_space<vmem>>
      %dma_start3A_97 = tpu.memref_squeeze %dma_start3A_96 : memref<1x640xf32, #tpu.memory_space<vmem>> -> memref<640xf32, #tpu.memory_space<vmem>>
      %dma_start3A_98 = tpu.memref_slice %arg7[%run_scoped3A_64, %mul3A_63] : memref<16x10240xf32, #tpu.memory_space<vmem_shared>> -> memref<1x640xf32, #tpu.memory_space<vmem_shared>>
      %dma_start3A_99 = tpu.memref_squeeze %dma_start3A_98 : memref<1x640xf32, #tpu.memory_space<vmem_shared>> -> memref<640xf32, #tpu.memory_space<vmem_shared>>
      %dma_start3A_100 = arith.constant 0 : i32
      %dma_start3A_101 = tpu.memref_slice %arg6[%run_scoped3A_65, %dma_start3A_100] : memref<16x640xf32, #tpu.memory_space<vmem>> -> memref<1x640xf32, #tpu.memory_space<vmem>>
      %dma_start3A_102 = tpu.memref_squeeze %dma_start3A_101 : memref<1x640xf32, #tpu.memory_space<vmem>> -> memref<640xf32, #tpu.memory_space<vmem>>
      %dma_start3A_103 = tpu.memref_slice %arg7[%run_scoped3A_64, %mul3A_63] : memref<16x10240xf32, #tpu.memory_space<vmem_shared>> -> memref<1x640xf32, #tpu.memory_space<vmem_shared>>
      %dma_start3A_104 = tpu.memref_squeeze %dma_start3A_103 : memref<1x640xf32, #tpu.memory_space<vmem_shared>> -> memref<640xf32, #tpu.memory_space<vmem_shared>>
      tpu.enqueue_dma source(%dma_start3A_104 : memref<640xf32, #tpu.memory_space<vmem_shared>>) target(%dma_start3A_102 : memref<640xf32, #tpu.memory_space<vmem>>) target_semaphore(%run_scoped3A_95 : memref<!tpu.dma_semaphore, #tpu.memory_space<semaphore_mem>>)
      %dma_wait3A = arith.constant 0 : i32
      %dma_wait3A_105 = tpu.memref_slice %arg6[%run_scoped3A_65, %dma_wait3A] : memref<16x640xf32, #tpu.memory_space<vmem>> -> memref<1x640xf32, #tpu.memory_space<vmem>>
      %dma_wait3A_106 = tpu.memref_squeeze %dma_wait3A_105 : memref<1x640xf32, #tpu.memory_space<vmem>> -> memref<640xf32, #tpu.memory_space<vmem>>
      %dma_wait3A_107 = tpu.memref_slice %arg7[%run_scoped3A_64, %mul3A_63] : memref<16x10240xf32, #tpu.memory_space<vmem_shared>> -> memref<1x640xf32, #tpu.memory_space<vmem_shared>>
      %dma_wait3A_108 = tpu.memref_squeeze %dma_wait3A_107 : memref<1x640xf32, #tpu.memory_space<vmem_shared>> -> memref<640xf32, #tpu.memory_space<vmem_shared>>
      %dma_wait3A_109 = arith.constant 0 : i32
      %dma_wait3A_110 = tpu.memref_slice %arg6[%run_scoped3A_65, %dma_wait3A_109] : memref<16x640xf32, #tpu.memory_space<vmem>> -> memref<1x640xf32, #tpu.memory_space<vmem>>
      %dma_wait3A_111 = tpu.memref_squeeze %dma_wait3A_110 : memref<1x640xf32, #tpu.memory_space<vmem>> -> memref<640xf32, #tpu.memory_space<vmem>>
      %dma_wait3A_112 = tpu.memref_slice %arg7[%run_scoped3A_64, %mul3A_63] : memref<16x10240xf32, #tpu.memory_space<vmem_shared>> -> memref<1x640xf32, #tpu.memory_space<vmem_shared>>
      %dma_wait3A_113 = tpu.memref_squeeze %dma_wait3A_112 : memref<1x640xf32, #tpu.memory_space<vmem_shared>> -> memref<640xf32, #tpu.memory_space<vmem_shared>>
      tpu.wait_dma2 semaphore(%run_scoped3A_95 : memref<!tpu.dma_semaphore, #tpu.memory_space<semaphore_mem>>) src(%dma_wait3A_113 : memref<640xf32, #tpu.memory_space<vmem_shared>>) dst(%dma_wait3A_111 : memref<640xf32, #tpu.memory_space<vmem>>)
      tpu.yield
    }) : () -> ()
    %mul3A_66 = arith.constant 640 : i32
    %mul3A_67 = arith.muli %arg1, %mul3A_66 : i32
    %run_scoped3A_68 = arith.constant 11 : i32
    %run_scoped3A_69 = arith.constant 11 : i32
    "tpu.region"() ({
      %run_scoped3A_95 = tpu.sem_alloc : memref<!tpu.dma_semaphore, #tpu.memory_space<semaphore_mem>>
      %dma_start3A = arith.constant 0 : i32
      %dma_start3A_96 = tpu.memref_slice %arg6[%run_scoped3A_69, %dma_start3A] : memref<16x640xf32, #tpu.memory_space<vmem>> -> memref<1x640xf32, #tpu.memory_space<vmem>>
      %dma_start3A_97 = tpu.memref_squeeze %dma_start3A_96 : memref<1x640xf32, #tpu.memory_space<vmem>> -> memref<640xf32, #tpu.memory_space<vmem>>
      %dma_start3A_98 = tpu.memref_slice %arg7[%run_scoped3A_68, %mul3A_67] : memref<16x10240xf32, #tpu.memory_space<vmem_shared>> -> memref<1x640xf32, #tpu.memory_space<vmem_shared>>
      %dma_start3A_99 = tpu.memref_squeeze %dma_start3A_98 : memref<1x640xf32, #tpu.memory_space<vmem_shared>> -> memref<640xf32, #tpu.memory_space<vmem_shared>>
      %dma_start3A_100 = arith.constant 0 : i32
      %dma_start3A_101 = tpu.memref_slice %arg6[%run_scoped3A_69, %dma_start3A_100] : memref<16x640xf32, #tpu.memory_space<vmem>> -> memref<1x640xf32, #tpu.memory_space<vmem>>
      %dma_start3A_102 = tpu.memref_squeeze %dma_start3A_101 : memref<1x640xf32, #tpu.memory_space<vmem>> -> memref<640xf32, #tpu.memory_space<vmem>>
      %dma_start3A_103 = tpu.memref_slice %arg7[%run_scoped3A_68, %mul3A_67] : memref<16x10240xf32, #tpu.memory_space<vmem_shared>> -> memref<1x640xf32, #tpu.memory_space<vmem_shared>>
      %dma_start3A_104 = tpu.memref_squeeze %dma_start3A_103 : memref<1x640xf32, #tpu.memory_space<vmem_shared>> -> memref<640xf32, #tpu.memory_space<vmem_shared>>
      tpu.enqueue_dma source(%dma_start3A_104 : memref<640xf32, #tpu.memory_space<vmem_shared>>) target(%dma_start3A_102 : memref<640xf32, #tpu.memory_space<vmem>>) target_semaphore(%run_scoped3A_95 : memref<!tpu.dma_semaphore, #tpu.memory_space<semaphore_mem>>)
      %dma_wait3A = arith.constant 0 : i32
      %dma_wait3A_105 = tpu.memref_slice %arg6[%run_scoped3A_69, %dma_wait3A] : memref<16x640xf32, #tpu.memory_space<vmem>> -> memref<1x640xf32, #tpu.memory_space<vmem>>
      %dma_wait3A_106 = tpu.memref_squeeze %dma_wait3A_105 : memref<1x640xf32, #tpu.memory_space<vmem>> -> memref<640xf32, #tpu.memory_space<vmem>>
      %dma_wait3A_107 = tpu.memref_slice %arg7[%run_scoped3A_68, %mul3A_67] : memref<16x10240xf32, #tpu.memory_space<vmem_shared>> -> memref<1x640xf32, #tpu.memory_space<vmem_shared>>
      %dma_wait3A_108 = tpu.memref_squeeze %dma_wait3A_107 : memref<1x640xf32, #tpu.memory_space<vmem_shared>> -> memref<640xf32, #tpu.memory_space<vmem_shared>>
      %dma_wait3A_109 = arith.constant 0 : i32
      %dma_wait3A_110 = tpu.memref_slice %arg6[%run_scoped3A_69, %dma_wait3A_109] : memref<16x640xf32, #tpu.memory_space<vmem>> -> memref<1x640xf32, #tpu.memory_space<vmem>>
      %dma_wait3A_111 = tpu.memref_squeeze %dma_wait3A_110 : memref<1x640xf32, #tpu.memory_space<vmem>> -> memref<640xf32, #tpu.memory_space<vmem>>
      %dma_wait3A_112 = tpu.memref_slice %arg7[%run_scoped3A_68, %mul3A_67] : memref<16x10240xf32, #tpu.memory_space<vmem_shared>> -> memref<1x640xf32, #tpu.memory_space<vmem_shared>>
      %dma_wait3A_113 = tpu.memref_squeeze %dma_wait3A_112 : memref<1x640xf32, #tpu.memory_space<vmem_shared>> -> memref<640xf32, #tpu.memory_space<vmem_shared>>
      tpu.wait_dma2 semaphore(%run_scoped3A_95 : memref<!tpu.dma_semaphore, #tpu.memory_space<semaphore_mem>>) src(%dma_wait3A_113 : memref<640xf32, #tpu.memory_space<vmem_shared>>) dst(%dma_wait3A_111 : memref<640xf32, #tpu.memory_space<vmem>>)
      tpu.yield
    }) : () -> ()
    %mul3A_70 = arith.constant 640 : i32
    %mul3A_71 = arith.muli %arg1, %mul3A_70 : i32
    %run_scoped3A_72 = arith.constant 12 : i32
    %run_scoped3A_73 = arith.constant 12 : i32
    "tpu.region"() ({
      %run_scoped3A_95 = tpu.sem_alloc : memref<!tpu.dma_semaphore, #tpu.memory_space<semaphore_mem>>
      %dma_start3A = arith.constant 0 : i32
      %dma_start3A_96 = tpu.memref_slice %arg6[%run_scoped3A_73, %dma_start3A] : memref<16x640xf32, #tpu.memory_space<vmem>> -> memref<1x640xf32, #tpu.memory_space<vmem>>
      %dma_start3A_97 = tpu.memref_squeeze %dma_start3A_96 : memref<1x640xf32, #tpu.memory_space<vmem>> -> memref<640xf32, #tpu.memory_space<vmem>>
      %dma_start3A_98 = tpu.memref_slice %arg7[%run_scoped3A_72, %mul3A_71] : memref<16x10240xf32, #tpu.memory_space<vmem_shared>> -> memref<1x640xf32, #tpu.memory_space<vmem_shared>>
      %dma_start3A_99 = tpu.memref_squeeze %dma_start3A_98 : memref<1x640xf32, #tpu.memory_space<vmem_shared>> -> memref<640xf32, #tpu.memory_space<vmem_shared>>
      %dma_start3A_100 = arith.constant 0 : i32
      %dma_start3A_101 = tpu.memref_slice %arg6[%run_scoped3A_73, %dma_start3A_100] : memref<16x640xf32, #tpu.memory_space<vmem>> -> memref<1x640xf32, #tpu.memory_space<vmem>>
      %dma_start3A_102 = tpu.memref_squeeze %dma_start3A_101 : memref<1x640xf32, #tpu.memory_space<vmem>> -> memref<640xf32, #tpu.memory_space<vmem>>
      %dma_start3A_103 = tpu.memref_slice %arg7[%run_scoped3A_72, %mul3A_71] : memref<16x10240xf32, #tpu.memory_space<vmem_shared>> -> memref<1x640xf32, #tpu.memory_space<vmem_shared>>
      %dma_start3A_104 = tpu.memref_squeeze %dma_start3A_103 : memref<1x640xf32, #tpu.memory_space<vmem_shared>> -> memref<640xf32, #tpu.memory_space<vmem_shared>>
      tpu.enqueue_dma source(%dma_start3A_104 : memref<640xf32, #tpu.memory_space<vmem_shared>>) target(%dma_start3A_102 : memref<640xf32, #tpu.memory_space<vmem>>) target_semaphore(%run_scoped3A_95 : memref<!tpu.dma_semaphore, #tpu.memory_space<semaphore_mem>>)
      %dma_wait3A = arith.constant 0 : i32
      %dma_wait3A_105 = tpu.memref_slice %arg6[%run_scoped3A_73, %dma_wait3A] : memref<16x640xf32, #tpu.memory_space<vmem>> -> memref<1x640xf32, #tpu.memory_space<vmem>>
      %dma_wait3A_106 = tpu.memref_squeeze %dma_wait3A_105 : memref<1x640xf32, #tpu.memory_space<vmem>> -> memref<640xf32, #tpu.memory_space<vmem>>
      %dma_wait3A_107 = tpu.memref_slice %arg7[%run_scoped3A_72, %mul3A_71] : memref<16x10240xf32, #tpu.memory_space<vmem_shared>> -> memref<1x640xf32, #tpu.memory_space<vmem_shared>>
      %dma_wait3A_108 = tpu.memref_squeeze %dma_wait3A_107 : memref<1x640xf32, #tpu.memory_space<vmem_shared>> -> memref<640xf32, #tpu.memory_space<vmem_shared>>
      %dma_wait3A_109 = arith.constant 0 : i32
      %dma_wait3A_110 = tpu.memref_slice %arg6[%run_scoped3A_73, %dma_wait3A_109] : memref<16x640xf32, #tpu.memory_space<vmem>> -> memref<1x640xf32, #tpu.memory_space<vmem>>
      %dma_wait3A_111 = tpu.memref_squeeze %dma_wait3A_110 : memref<1x640xf32, #tpu.memory_space<vmem>> -> memref<640xf32, #tpu.memory_space<vmem>>
      %dma_wait3A_112 = tpu.memref_slice %arg7[%run_scoped3A_72, %mul3A_71] : memref<16x10240xf32, #tpu.memory_space<vmem_shared>> -> memref<1x640xf32, #tpu.memory_space<vmem_shared>>
      %dma_wait3A_113 = tpu.memref_squeeze %dma_wait3A_112 : memref<1x640xf32, #tpu.memory_space<vmem_shared>> -> memref<640xf32, #tpu.memory_space<vmem_shared>>
      tpu.wait_dma2 semaphore(%run_scoped3A_95 : memref<!tpu.dma_semaphore, #tpu.memory_space<semaphore_mem>>) src(%dma_wait3A_113 : memref<640xf32, #tpu.memory_space<vmem_shared>>) dst(%dma_wait3A_111 : memref<640xf32, #tpu.memory_space<vmem>>)
      tpu.yield
    }) : () -> ()
    %mul3A_74 = arith.constant 640 : i32
    %mul3A_75 = arith.muli %arg1, %mul3A_74 : i32
    %run_scoped3A_76 = arith.constant 13 : i32
    %run_scoped3A_77 = arith.constant 13 : i32
    "tpu.region"() ({
      %run_scoped3A_95 = tpu.sem_alloc : memref<!tpu.dma_semaphore, #tpu.memory_space<semaphore_mem>>
      %dma_start3A = arith.constant 0 : i32
      %dma_start3A_96 = tpu.memref_slice %arg6[%run_scoped3A_77, %dma_start3A] : memref<16x640xf32, #tpu.memory_space<vmem>> -> memref<1x640xf32, #tpu.memory_space<vmem>>
      %dma_start3A_97 = tpu.memref_squeeze %dma_start3A_96 : memref<1x640xf32, #tpu.memory_space<vmem>> -> memref<640xf32, #tpu.memory_space<vmem>>
      %dma_start3A_98 = tpu.memref_slice %arg7[%run_scoped3A_76, %mul3A_75] : memref<16x10240xf32, #tpu.memory_space<vmem_shared>> -> memref<1x640xf32, #tpu.memory_space<vmem_shared>>
      %dma_start3A_99 = tpu.memref_squeeze %dma_start3A_98 : memref<1x640xf32, #tpu.memory_space<vmem_shared>> -> memref<640xf32, #tpu.memory_space<vmem_shared>>
      %dma_start3A_100 = arith.constant 0 : i32
      %dma_start3A_101 = tpu.memref_slice %arg6[%run_scoped3A_77, %dma_start3A_100] : memref<16x640xf32, #tpu.memory_space<vmem>> -> memref<1x640xf32, #tpu.memory_space<vmem>>
      %dma_start3A_102 = tpu.memref_squeeze %dma_start3A_101 : memref<1x640xf32, #tpu.memory_space<vmem>> -> memref<640xf32, #tpu.memory_space<vmem>>
      %dma_start3A_103 = tpu.memref_slice %arg7[%run_scoped3A_76, %mul3A_75] : memref<16x10240xf32, #tpu.memory_space<vmem_shared>> -> memref<1x640xf32, #tpu.memory_space<vmem_shared>>
      %dma_start3A_104 = tpu.memref_squeeze %dma_start3A_103 : memref<1x640xf32, #tpu.memory_space<vmem_shared>> -> memref<640xf32, #tpu.memory_space<vmem_shared>>
      tpu.enqueue_dma source(%dma_start3A_104 : memref<640xf32, #tpu.memory_space<vmem_shared>>) target(%dma_start3A_102 : memref<640xf32, #tpu.memory_space<vmem>>) target_semaphore(%run_scoped3A_95 : memref<!tpu.dma_semaphore, #tpu.memory_space<semaphore_mem>>)
      %dma_wait3A = arith.constant 0 : i32
      %dma_wait3A_105 = tpu.memref_slice %arg6[%run_scoped3A_77, %dma_wait3A] : memref<16x640xf32, #tpu.memory_space<vmem>> -> memref<1x640xf32, #tpu.memory_space<vmem>>
      %dma_wait3A_106 = tpu.memref_squeeze %dma_wait3A_105 : memref<1x640xf32, #tpu.memory_space<vmem>> -> memref<640xf32, #tpu.memory_space<vmem>>
      %dma_wait3A_107 = tpu.memref_slice %arg7[%run_scoped3A_76, %mul3A_75] : memref<16x10240xf32, #tpu.memory_space<vmem_shared>> -> memref<1x640xf32, #tpu.memory_space<vmem_shared>>
      %dma_wait3A_108 = tpu.memref_squeeze %dma_wait3A_107 : memref<1x640xf32, #tpu.memory_space<vmem_shared>> -> memref<640xf32, #tpu.memory_space<vmem_shared>>
      %dma_wait3A_109 = arith.constant 0 : i32
      %dma_wait3A_110 = tpu.memref_slice %arg6[%run_scoped3A_77, %dma_wait3A_109] : memref<16x640xf32, #tpu.memory_space<vmem>> -> memref<1x640xf32, #tpu.memory_space<vmem>>
      %dma_wait3A_111 = tpu.memref_squeeze %dma_wait3A_110 : memref<1x640xf32, #tpu.memory_space<vmem>> -> memref<640xf32, #tpu.memory_space<vmem>>
      %dma_wait3A_112 = tpu.memref_slice %arg7[%run_scoped3A_76, %mul3A_75] : memref<16x10240xf32, #tpu.memory_space<vmem_shared>> -> memref<1x640xf32, #tpu.memory_space<vmem_shared>>
      %dma_wait3A_113 = tpu.memref_squeeze %dma_wait3A_112 : memref<1x640xf32, #tpu.memory_space<vmem_shared>> -> memref<640xf32, #tpu.memory_space<vmem_shared>>
      tpu.wait_dma2 semaphore(%run_scoped3A_95 : memref<!tpu.dma_semaphore, #tpu.memory_space<semaphore_mem>>) src(%dma_wait3A_113 : memref<640xf32, #tpu.memory_space<vmem_shared>>) dst(%dma_wait3A_111 : memref<640xf32, #tpu.memory_space<vmem>>)
      tpu.yield
    }) : () -> ()
    %mul3A_78 = arith.constant 640 : i32
    %mul3A_79 = arith.muli %arg1, %mul3A_78 : i32
    %run_scoped3A_80 = arith.constant 14 : i32
    %run_scoped3A_81 = arith.constant 14 : i32
    "tpu.region"() ({
      %run_scoped3A_95 = tpu.sem_alloc : memref<!tpu.dma_semaphore, #tpu.memory_space<semaphore_mem>>
      %dma_start3A = arith.constant 0 : i32
      %dma_start3A_96 = tpu.memref_slice %arg6[%run_scoped3A_81, %dma_start3A] : memref<16x640xf32, #tpu.memory_space<vmem>> -> memref<1x640xf32, #tpu.memory_space<vmem>>
      %dma_start3A_97 = tpu.memref_squeeze %dma_start3A_96 : memref<1x640xf32, #tpu.memory_space<vmem>> -> memref<640xf32, #tpu.memory_space<vmem>>
      %dma_start3A_98 = tpu.memref_slice %arg7[%run_scoped3A_80, %mul3A_79] : memref<16x10240xf32, #tpu.memory_space<vmem_shared>> -> memref<1x640xf32, #tpu.memory_space<vmem_shared>>
      %dma_start3A_99 = tpu.memref_squeeze %dma_start3A_98 : memref<1x640xf32, #tpu.memory_space<vmem_shared>> -> memref<640xf32, #tpu.memory_space<vmem_shared>>
      %dma_start3A_100 = arith.constant 0 : i32
      %dma_start3A_101 = tpu.memref_slice %arg6[%run_scoped3A_81, %dma_start3A_100] : memref<16x640xf32, #tpu.memory_space<vmem>> -> memref<1x640xf32, #tpu.memory_space<vmem>>
      %dma_start3A_102 = tpu.memref_squeeze %dma_start3A_101 : memref<1x640xf32, #tpu.memory_space<vmem>> -> memref<640xf32, #tpu.memory_space<vmem>>
      %dma_start3A_103 = tpu.memref_slice %arg7[%run_scoped3A_80, %mul3A_79] : memref<16x10240xf32, #tpu.memory_space<vmem_shared>> -> memref<1x640xf32, #tpu.memory_space<vmem_shared>>
      %dma_start3A_104 = tpu.memref_squeeze %dma_start3A_103 : memref<1x640xf32, #tpu.memory_space<vmem_shared>> -> memref<640xf32, #tpu.memory_space<vmem_shared>>
      tpu.enqueue_dma source(%dma_start3A_104 : memref<640xf32, #tpu.memory_space<vmem_shared>>) target(%dma_start3A_102 : memref<640xf32, #tpu.memory_space<vmem>>) target_semaphore(%run_scoped3A_95 : memref<!tpu.dma_semaphore, #tpu.memory_space<semaphore_mem>>)
      %dma_wait3A = arith.constant 0 : i32
      %dma_wait3A_105 = tpu.memref_slice %arg6[%run_scoped3A_81, %dma_wait3A] : memref<16x640xf32, #tpu.memory_space<vmem>> -> memref<1x640xf32, #tpu.memory_space<vmem>>
      %dma_wait3A_106 = tpu.memref_squeeze %dma_wait3A_105 : memref<1x640xf32, #tpu.memory_space<vmem>> -> memref<640xf32, #tpu.memory_space<vmem>>
      %dma_wait3A_107 = tpu.memref_slice %arg7[%run_scoped3A_80, %mul3A_79] : memref<16x10240xf32, #tpu.memory_space<vmem_shared>> -> memref<1x640xf32, #tpu.memory_space<vmem_shared>>
      %dma_wait3A_108 = tpu.memref_squeeze %dma_wait3A_107 : memref<1x640xf32, #tpu.memory_space<vmem_shared>> -> memref<640xf32, #tpu.memory_space<vmem_shared>>
      %dma_wait3A_109 = arith.constant 0 : i32
      %dma_wait3A_110 = tpu.memref_slice %arg6[%run_scoped3A_81, %dma_wait3A_109] : memref<16x640xf32, #tpu.memory_space<vmem>> -> memref<1x640xf32, #tpu.memory_space<vmem>>
      %dma_wait3A_111 = tpu.memref_squeeze %dma_wait3A_110 : memref<1x640xf32, #tpu.memory_space<vmem>> -> memref<640xf32, #tpu.memory_space<vmem>>
      %dma_wait3A_112 = tpu.memref_slice %arg7[%run_scoped3A_80, %mul3A_79] : memref<16x10240xf32, #tpu.memory_space<vmem_shared>> -> memref<1x640xf32, #tpu.memory_space<vmem_shared>>
      %dma_wait3A_113 = tpu.memref_squeeze %dma_wait3A_112 : memref<1x640xf32, #tpu.memory_space<vmem_shared>> -> memref<640xf32, #tpu.memory_space<vmem_shared>>
      tpu.wait_dma2 semaphore(%run_scoped3A_95 : memref<!tpu.dma_semaphore, #tpu.memory_space<semaphore_mem>>) src(%dma_wait3A_113 : memref<640xf32, #tpu.memory_space<vmem_shared>>) dst(%dma_wait3A_111 : memref<640xf32, #tpu.memory_space<vmem>>)
      tpu.yield
    }) : () -> ()
    %mul3A_82 = arith.constant 640 : i32
    %mul3A_83 = arith.muli %arg1, %mul3A_82 : i32
    %run_scoped3A_84 = arith.constant 15 : i32
    %run_scoped3A_85 = arith.constant 15 : i32
    "tpu.region"() ({
      %run_scoped3A_95 = tpu.sem_alloc : memref<!tpu.dma_semaphore, #tpu.memory_space<semaphore_mem>>
      %dma_start3A = arith.constant 0 : i32
      %dma_start3A_96 = tpu.memref_slice %arg6[%run_scoped3A_85, %dma_start3A] : memref<16x640xf32, #tpu.memory_space<vmem>> -> memref<1x640xf32, #tpu.memory_space<vmem>>
      %dma_start3A_97 = tpu.memref_squeeze %dma_start3A_96 : memref<1x640xf32, #tpu.memory_space<vmem>> -> memref<640xf32, #tpu.memory_space<vmem>>
      %dma_start3A_98 = tpu.memref_slice %arg7[%run_scoped3A_84, %mul3A_83] : memref<16x10240xf32, #tpu.memory_space<vmem_shared>> -> memref<1x640xf32, #tpu.memory_space<vmem_shared>>
      %dma_start3A_99 = tpu.memref_squeeze %dma_start3A_98 : memref<1x640xf32, #tpu.memory_space<vmem_shared>> -> memref<640xf32, #tpu.memory_space<vmem_shared>>
      %dma_start3A_100 = arith.constant 0 : i32
      %dma_start3A_101 = tpu.memref_slice %arg6[%run_scoped3A_85, %dma_start3A_100] : memref<16x640xf32, #tpu.memory_space<vmem>> -> memref<1x640xf32, #tpu.memory_space<vmem>>
      %dma_start3A_102 = tpu.memref_squeeze %dma_start3A_101 : memref<1x640xf32, #tpu.memory_space<vmem>> -> memref<640xf32, #tpu.memory_space<vmem>>
      %dma_start3A_103 = tpu.memref_slice %arg7[%run_scoped3A_84, %mul3A_83] : memref<16x10240xf32, #tpu.memory_space<vmem_shared>> -> memref<1x640xf32, #tpu.memory_space<vmem_shared>>
      %dma_start3A_104 = tpu.memref_squeeze %dma_start3A_103 : memref<1x640xf32, #tpu.memory_space<vmem_shared>> -> memref<640xf32, #tpu.memory_space<vmem_shared>>
      tpu.enqueue_dma source(%dma_start3A_104 : memref<640xf32, #tpu.memory_space<vmem_shared>>) target(%dma_start3A_102 : memref<640xf32, #tpu.memory_space<vmem>>) target_semaphore(%run_scoped3A_95 : memref<!tpu.dma_semaphore, #tpu.memory_space<semaphore_mem>>)
      %dma_wait3A = arith.constant 0 : i32
      %dma_wait3A_105 = tpu.memref_slice %arg6[%run_scoped3A_85, %dma_wait3A] : memref<16x640xf32, #tpu.memory_space<vmem>> -> memref<1x640xf32, #tpu.memory_space<vmem>>
      %dma_wait3A_106 = tpu.memref_squeeze %dma_wait3A_105 : memref<1x640xf32, #tpu.memory_space<vmem>> -> memref<640xf32, #tpu.memory_space<vmem>>
      %dma_wait3A_107 = tpu.memref_slice %arg7[%run_scoped3A_84, %mul3A_83] : memref<16x10240xf32, #tpu.memory_space<vmem_shared>> -> memref<1x640xf32, #tpu.memory_space<vmem_shared>>
      %dma_wait3A_108 = tpu.memref_squeeze %dma_wait3A_107 : memref<1x640xf32, #tpu.memory_space<vmem_shared>> -> memref<640xf32, #tpu.memory_space<vmem_shared>>
      %dma_wait3A_109 = arith.constant 0 : i32
      %dma_wait3A_110 = tpu.memref_slice %arg6[%run_scoped3A_85, %dma_wait3A_109] : memref<16x640xf32, #tpu.memory_space<vmem>> -> memref<1x640xf32, #tpu.memory_space<vmem>>
      %dma_wait3A_111 = tpu.memref_squeeze %dma_wait3A_110 : memref<1x640xf32, #tpu.memory_space<vmem>> -> memref<640xf32, #tpu.memory_space<vmem>>
      %dma_wait3A_112 = tpu.memref_slice %arg7[%run_scoped3A_84, %mul3A_83] : memref<16x10240xf32, #tpu.memory_space<vmem_shared>> -> memref<1x640xf32, #tpu.memory_space<vmem_shared>>
      %dma_wait3A_113 = tpu.memref_squeeze %dma_wait3A_112 : memref<1x640xf32, #tpu.memory_space<vmem_shared>> -> memref<640xf32, #tpu.memory_space<vmem_shared>>
      tpu.wait_dma2 semaphore(%run_scoped3A_95 : memref<!tpu.dma_semaphore, #tpu.memory_space<semaphore_mem>>) src(%dma_wait3A_113 : memref<640xf32, #tpu.memory_space<vmem_shared>>) dst(%dma_wait3A_111 : memref<640xf32, #tpu.memory_space<vmem>>)
      tpu.yield
    }) : () -> ()
    %scan3A_86 = arith.constant 0 : i32
    %scan3A_87 = arith.constant 0 : i32
    %scan3A_88 = arith.constant 40 : i32
    %scan3A_89 = arith.addi %scan3A_87, %scan3A_88 : i32
    %scan3A_90 = arith.constant 1 : i32
    %scan3A_91 = scf.for %scan3A_95 = %scan3A_87 to %scan3A_89 step %scan3A_90 iter_args(%scan3A_96 = %scan3A_86) -> (i32)  : i32 {
      %mul3A_97 = arith.constant 16 : i32
      %mul3A_98 = arith.muli %scan3A_95, %mul3A_97 : i32
      %get3A_99 = arith.constant 0 : i32
      %get3A_100 = arith.index_cast %get3A_99 : i32 to index
      %get3A_101 = arith.index_cast %mul3A_98 : i32 to index
      %get3A_102 = tpu.vector_load %arg6[%get3A_100, %get3A_101] {strides = array<i32>} : memref<16x640xf32, #tpu.memory_space<vmem>>, vector<16xf32>,
      %mul3A_103 = arith.constant 16 : i32
      %mul3A_104 = arith.muli %scan3A_95, %mul3A_103 : i32
      %get3A_105 = arith.constant 1 : i32
      %get3A_106 = arith.index_cast %get3A_105 : i32 to index
      %get3A_107 = arith.index_cast %mul3A_104 : i32 to index
      %get3A_108 = tpu.vector_load %arg6[%get3A_106, %get3A_107] {strides = array<i32>} : memref<16x640xf32, #tpu.memory_space<vmem>>, vector<16xf32>,
      %add3A_109 = arith.addf %get3A_102, %get3A_108 : vector<16xf32>
      %mul3A_110 = arith.constant 16 : i32
      %mul3A_111 = arith.muli %scan3A_95, %mul3A_110 : i32
      %get3A_112 = arith.constant 2 : i32
      %get3A_113 = arith.index_cast %get3A_112 : i32 to index
      %get3A_114 = arith.index_cast %mul3A_111 : i32 to index
      %get3A_115 = tpu.vector_load %arg6[%get3A_113, %get3A_114] {strides = array<i32>} : memref<16x640xf32, #tpu.memory_space<vmem>>, vector<16xf32>,
      %add3A_116 = arith.addf %add3A_109, %get3A_115 : vector<16xf32>
      %mul3A_117 = arith.constant 16 : i32
      %mul3A_118 = arith.muli %scan3A_95, %mul3A_117 : i32
      %get3A_119 = arith.constant 3 : i32
      %get3A_120 = arith.index_cast %get3A_119 : i32 to index
      %get3A_121 = arith.index_cast %mul3A_118 : i32 to index
      %get3A_122 = tpu.vector_load %arg6[%get3A_120, %get3A_121] {strides = array<i32>} : memref<16x640xf32, #tpu.memory_space<vmem>>, vector<16xf32>,
      %add3A_123 = arith.addf %add3A_116, %get3A_122 : vector<16xf32>
      %mul3A_124 = arith.constant 16 : i32
      %mul3A_125 = arith.muli %scan3A_95, %mul3A_124 : i32
      %get3A_126 = arith.constant 4 : i32
      %get3A_127 = arith.index_cast %get3A_126 : i32 to index
      %get3A_128 = arith.index_cast %mul3A_125 : i32 to index
      %get3A_129 = tpu.vector_load %arg6[%get3A_127, %get3A_128] {strides = array<i32>} : memref<16x640xf32, #tpu.memory_space<vmem>>, vector<16xf32>,
      %add3A_130 = arith.addf %add3A_123, %get3A_129 : vector<16xf32>
      %mul3A_131 = arith.constant 16 : i32
      %mul3A_132 = arith.muli %scan3A_95, %mul3A_131 : i32
      %get3A_133 = arith.constant 5 : i32
      %get3A_134 = arith.index_cast %get3A_133 : i32 to index
      %get3A_135 = arith.index_cast %mul3A_132 : i32 to index
      %get3A_136 = tpu.vector_load %arg6[%get3A_134, %get3A_135] {strides = array<i32>} : memref<16x640xf32, #tpu.memory_space<vmem>>, vector<16xf32>,
      %add3A_137 = arith.addf %add3A_130, %get3A_136 : vector<16xf32>
      %mul3A_138 = arith.constant 16 : i32
      %mul3A_139 = arith.muli %scan3A_95, %mul3A_138 : i32
      %get3A_140 = arith.constant 6 : i32
      %get3A_141 = arith.index_cast %get3A_140 : i32 to index
      %get3A_142 = arith.index_cast %mul3A_139 : i32 to index
      %get3A_143 = tpu.vector_load %arg6[%get3A_141, %get3A_142] {strides = array<i32>} : memref<16x640xf32, #tpu.memory_space<vmem>>, vector<16xf32>,
      %add3A_144 = arith.addf %add3A_137, %get3A_143 : vector<16xf32>
      %mul3A_145 = arith.constant 16 : i32
      %mul3A_146 = arith.muli %scan3A_95, %mul3A_145 : i32
      %get3A_147 = arith.constant 7 : i32
      %get3A_148 = arith.index_cast %get3A_147 : i32 to index
      %get3A_149 = arith.index_cast %mul3A_146 : i32 to index
      %get3A_150 = tpu.vector_load %arg6[%get3A_148, %get3A_149] {strides = array<i32>} : memref<16x640xf32, #tpu.memory_space<vmem>>, vector<16xf32>,
      %add3A_151 = arith.addf %add3A_144, %get3A_150 : vector<16xf32>
      %mul3A_152 = arith.constant 16 : i32
      %mul3A_153 = arith.muli %scan3A_95, %mul3A_152 : i32
      %get3A_154 = arith.constant 8 : i32
      %get3A_155 = arith.index_cast %get3A_154 : i32 to index
      %get3A_156 = arith.index_cast %mul3A_153 : i32 to index
      %get3A_157 = tpu.vector_load %arg6[%get3A_155, %get3A_156] {strides = array<i32>} : memref<16x640xf32, #tpu.memory_space<vmem>>, vector<16xf32>,
      %add3A_158 = arith.addf %add3A_151, %get3A_157 : vector<16xf32>
      %mul3A_159 = arith.constant 16 : i32
      %mul3A_160 = arith.muli %scan3A_95, %mul3A_159 : i32
      %get3A_161 = arith.constant 9 : i32
      %get3A_162 = arith.index_cast %get3A_161 : i32 to index
      %get3A_163 = arith.index_cast %mul3A_160 : i32 to index
      %get3A_164 = tpu.vector_load %arg6[%get3A_162, %get3A_163] {strides = array<i32>} : memref<16x640xf32, #tpu.memory_space<vmem>>, vector<16xf32>,
      %add3A_165 = arith.addf %add3A_158, %get3A_164 : vector<16xf32>
      %mul3A_166 = arith.constant 16 : i32
      %mul3A_167 = arith.muli %scan3A_95, %mul3A_166 : i32
      %get3A_168 = arith.constant 10 : i32
      %get3A_169 = arith.index_cast %get3A_168 : i32 to index
      %get3A_170 = arith.index_cast %mul3A_167 : i32 to index
      %get3A_171 = tpu.vector_load %arg6[%get3A_169, %get3A_170] {strides = array<i32>} : memref<16x640xf32, #tpu.memory_space<vmem>>, vector<16xf32>,
      %add3A_172 = arith.addf %add3A_165, %get3A_171 : vector<16xf32>
      %mul3A_173 = arith.constant 16 : i32
      %mul3A_174 = arith.muli %scan3A_95, %mul3A_173 : i32
      %get3A_175 = arith.constant 11 : i32
      %get3A_176 = arith.index_cast %get3A_175 : i32 to index
      %get3A_177 = arith.index_cast %mul3A_174 : i32 to index
      %get3A_178 = tpu.vector_load %arg6[%get3A_176, %get3A_177] {strides = array<i32>} : memref<16x640xf32, #tpu.memory_space<vmem>>, vector<16xf32>,
      %add3A_179 = arith.addf %add3A_172, %get3A_178 : vector<16xf32>
      %mul3A_180 = arith.constant 16 : i32
      %mul3A_181 = arith.muli %scan3A_95, %mul3A_180 : i32
      %get3A_182 = arith.constant 12 : i32
      %get3A_183 = arith.index_cast %get3A_182 : i32 to index
      %get3A_184 = arith.index_cast %mul3A_181 : i32 to index
      %get3A_185 = tpu.vector_load %arg6[%get3A_183, %get3A_184] {strides = array<i32>} : memref<16x640xf32, #tpu.memory_space<vmem>>, vector<16xf32>,
      %add3A_186 = arith.addf %add3A_179, %get3A_185 : vector<16xf32>
      %mul3A_187 = arith.constant 16 : i32
      %mul3A_188 = arith.muli %scan3A_95, %mul3A_187 : i32
      %get3A_189 = arith.constant 13 : i32
      %get3A_190 = arith.index_cast %get3A_189 : i32 to index
      %get3A_191 = arith.index_cast %mul3A_188 : i32 to index
      %get3A_192 = tpu.vector_load %arg6[%get3A_190, %get3A_191] {strides = array<i32>} : memref<16x640xf32, #tpu.memory_space<vmem>>, vector<16xf32>,
      %add3A_193 = arith.addf %add3A_186, %get3A_192 : vector<16xf32>
      %mul3A_194 = arith.constant 16 : i32
      %mul3A_195 = arith.muli %scan3A_95, %mul3A_194 : i32
      %get3A_196 = arith.constant 14 : i32
      %get3A_197 = arith.index_cast %get3A_196 : i32 to index
      %get3A_198 = arith.index_cast %mul3A_195 : i32 to index
      %get3A_199 = tpu.vector_load %arg6[%get3A_197, %get3A_198] {strides = array<i32>} : memref<16x640xf32, #tpu.memory_space<vmem>>, vector<16xf32>,
      %add3A_200 = arith.addf %add3A_193, %get3A_199 : vector<16xf32>
      %mul3A_201 = arith.constant 16 : i32
      %mul3A_202 = arith.muli %scan3A_95, %mul3A_201 : i32
      %get3A_203 = arith.constant 15 : i32
      %get3A_204 = arith.index_cast %get3A_203 : i32 to index
      %get3A_205 = arith.index_cast %mul3A_202 : i32 to index
      %get3A_206 = tpu.vector_load %arg6[%get3A_204, %get3A_205] {strides = array<i32>} : memref<16x640xf32, #tpu.memory_space<vmem>>, vector<16xf32>,
      %add3A_207 = arith.addf %add3A_200, %get3A_206 : vector<16xf32>
      %mul3A_208 = arith.constant 16 : i32
      %mul3A_209 = arith.muli %scan3A_95, %mul3A_208 : i32
      %swap3A = arith.index_cast %mul3A_209 : i32 to index
      %swap3A_210 = tpu.vector_load %arg4[%swap3A] {strides = array<i32>} : memref<10240xf32, #tpu.memory_space<vmem>>, vector<16xf32>,
      tpu.vector_store %arg4[%swap3A], %add3A_207 {strides = array<i32>} : memref<10240xf32, #tpu.memory_space<vmem>>, vector<16xf32>,
      %scan3A_211 = arith.constant 0 : i32
      scf.yield %scan3A_211 : i32
    }
    %scan3A_92 = arith.constant 40 : i32
    %mul3A_93 = arith.constant 640 : i32
    %mul3A_94 = arith.muli %arg1, %mul3A_93 : i32
    "tpu.region"() ({
      %run_scoped3A_95 = tpu.sem_alloc : memref<!tpu.dma_semaphore, #tpu.memory_space<semaphore_mem>>
      %dma_start3A = arith.constant 0 : i32
      %dma_start3A_96 = tpu.memref_slice %arg4[%dma_start3A] : memref<10240xf32, #tpu.memory_space<vmem>> -> memref<640xf32, #tpu.memory_space<vmem>>
      %dma_start3A_97 = tpu.memref_slice %arg3[%arg0, %mul3A_94] : memref<2x10240xf32, #tpu.memory_space<hbm>> -> memref<1x640xf32, #tpu.memory_space<hbm>>
      %dma_start3A_98 = tpu.memref_squeeze %dma_start3A_97 : memref<1x640xf32, #tpu.memory_space<hbm>> -> memref<640xf32, #tpu.memory_space<hbm>>
      %dma_start3A_99 = tpu.memref_slice %arg3[%arg0, %mul3A_94] : memref<2x10240xf32, #tpu.memory_space<hbm>> -> memref<1x640xf32, #tpu.memory_space<hbm>>
      %dma_start3A_100 = tpu.memref_squeeze %dma_start3A_99 : memref<1x640xf32, #tpu.memory_space<hbm>> -> memref<640xf32, #tpu.memory_space<hbm>>
      %dma_start3A_101 = arith.constant 0 : i32
      %dma_start3A_102 = tpu.memref_slice %arg4[%dma_start3A_101] : memref<10240xf32, #tpu.memory_space<vmem>> -> memref<640xf32, #tpu.memory_space<vmem>>
      tpu.enqueue_dma source(%dma_start3A_102 : memref<640xf32, #tpu.memory_space<vmem>>) target(%dma_start3A_100 : memref<640xf32, #tpu.memory_space<hbm>>) target_semaphore(%run_scoped3A_95 : memref<!tpu.dma_semaphore, #tpu.memory_space<semaphore_mem>>)
      %dma_wait3A = arith.constant 0 : i32
      %dma_wait3A_103 = tpu.memref_slice %arg4[%dma_wait3A] : memref<10240xf32, #tpu.memory_space<vmem>> -> memref<640xf32, #tpu.memory_space<vmem>>
      %dma_wait3A_104 = tpu.memref_slice %arg3[%arg0, %mul3A_94] : memref<2x10240xf32, #tpu.memory_space<hbm>> -> memref<1x640xf32, #tpu.memory_space<hbm>>
      %dma_wait3A_105 = tpu.memref_squeeze %dma_wait3A_104 : memref<1x640xf32, #tpu.memory_space<hbm>> -> memref<640xf32, #tpu.memory_space<hbm>>
      %dma_wait3A_106 = tpu.memref_slice %arg3[%arg0, %mul3A_94] : memref<2x10240xf32, #tpu.memory_space<hbm>> -> memref<1x640xf32, #tpu.memory_space<hbm>>
      %dma_wait3A_107 = tpu.memref_squeeze %dma_wait3A_106 : memref<1x640xf32, #tpu.memory_space<hbm>> -> memref<640xf32, #tpu.memory_space<hbm>>
      %dma_wait3A_108 = arith.constant 0 : i32
      %dma_wait3A_109 = tpu.memref_slice %arg4[%dma_wait3A_108] : memref<10240xf32, #tpu.memory_space<vmem>> -> memref<640xf32, #tpu.memory_space<vmem>>
      tpu.wait_dma2 semaphore(%run_scoped3A_95 : memref<!tpu.dma_semaphore, #tpu.memory_space<semaphore_mem>>) src(%dma_wait3A_109 : memref<640xf32, #tpu.memory_space<vmem>>) dst(%dma_wait3A_107 : memref<640xf32, #tpu.memory_space<hbm>>)
      tpu.yield
    }) : () -> ()
    return
  }
}

#map = affine_map<(d0, d1) -> (0, 0)>
module attributes {stable_mosaic.version = 14 : i64} {
  func.func @_agg256_body(%arg0: i32, %arg1: i32, %arg2: memref<10240x128xf32, #tpu.memory_space<hbm>>, %arg3: memref<10240x128xf32, #tpu.memory_space<hbm>>, %arg4: memref<2x160000xi32, #tpu.memory_space<hbm>>, %arg5: memref<128x128xf32, #tpu.memory_space<hbm>>, %arg6: memref<10240x128xf32, #tpu.memory_space<hbm>>, %arg7: memref<10240x128xf32, #tpu.memory_space<hbm>>, %arg8: memref<10240x128xf32, #tpu.memory_space<vmem_shared>>, %arg9: memref<64xi32, #tpu.memory_space<vmem>>, %arg10: memref<64xi32, #tpu.memory_space<vmem>>, %arg11: memref<64x128xf32, #tpu.memory_space<vmem>>, %arg12: memref<64xi32, #tpu.memory_space<vmem>>, %arg13: memref<64xi32, #tpu.memory_space<vmem>>, %arg14: memref<64x128xf32, #tpu.memory_space<vmem>>, %arg15: memref<64xi32, #tpu.memory_space<vmem>>, %arg16: memref<64xi32, #tpu.memory_space<vmem>>, %arg17: memref<64x128xf32, #tpu.memory_space<vmem>>, %arg18: memref<16xi32, #tpu.memory_space<vmem>>, %arg19: memref<16xi32, #tpu.memory_space<vmem>>, %arg20: memref<16x128xf32, #tpu.memory_space<vmem>>, %arg21: memref<!tpu.dma_semaphore, #tpu.memory_space<semaphore_mem>>, %arg22: memref<!tpu.dma_semaphore, #tpu.memory_space<semaphore_mem>>, %arg23: memref<!tpu.dma_semaphore, #tpu.memory_space<semaphore_mem>>, %arg24: memref<!tpu.dma_semaphore, #tpu.memory_space<semaphore_mem>>, %arg25: memref<!tpu.dma_semaphore, #tpu.memory_space<semaphore_mem>>, %arg26: memref<!tpu.dma_semaphore, #tpu.memory_space<semaphore_mem>>, %arg27: memref<!tpu.dma_semaphore, #tpu.memory_space<semaphore_mem>>) attributes {dimension_semantics = [#tpu.dimension_semantics<core_parallel>, #tpu.dimension_semantics<subcore_parallel>], iteration_bounds = array<i64: 2, 16>, scalar_prefetch = 0 : i64, scratch_operands = 20 : i64, tpu.core_type = #tpu.core_type<sc_vector_subcore>, window_params = [{transform_indices = #map}, {transform_indices = #map}, {transform_indices = #map}, {transform_indices = #map}, {transform_indices = #map}, {transform_indices = #map}]} {
    %eq3A = arith.constant 0 : i32
    %eq3A_0 = arith.cmpi eq, %arg0, %eq3A : i32
    %convert_element_type3A = arith.extui %eq3A_0 : i1 to i32
    %cond3A = arith.constant 0 : i32
    %cond3A_1 = arith.cmpi ne, %convert_element_type3A, %cond3A : i32
    scf.if %cond3A_1 {
      %mul3A = arith.constant 640 : i32
      %mul3A_7 = arith.muli %arg1, %mul3A : i32
      %add3A = arith.constant 0 : i32
      %add3A_8 = arith.addi %mul3A_7, %add3A : i32
      "tpu.region"() ({
        %run_scoped3A_76 = tpu.sem_alloc : memref<!tpu.dma_semaphore, #tpu.memory_space<semaphore_mem>>
        %dma_start3A_77 = arith.constant 0 : i32
        %dma_start3A_78 = tpu.memref_slice %arg8[%add3A_8, %dma_start3A_77] : memref<10240x128xf32, #tpu.memory_space<vmem_shared>> -> memref<128x128xf32, #tpu.memory_space<vmem_shared>>
        tpu.enqueue_dma source(%arg5 : memref<128x128xf32, #tpu.memory_space<hbm>>) target(%dma_start3A_78 : memref<128x128xf32, #tpu.memory_space<vmem_shared>>) target_semaphore(%run_scoped3A_76 : memref<!tpu.dma_semaphore, #tpu.memory_space<semaphore_mem>>)
        %dma_wait3A_79 = arith.constant 0 : i32
        %dma_wait3A_80 = tpu.memref_slice %arg8[%add3A_8, %dma_wait3A_79] : memref<10240x128xf32, #tpu.memory_space<vmem_shared>> -> memref<128x128xf32, #tpu.memory_space<vmem_shared>>
        tpu.wait_dma2 semaphore(%run_scoped3A_76 : memref<!tpu.dma_semaphore, #tpu.memory_space<semaphore_mem>>) src(%arg5 : memref<128x128xf32, #tpu.memory_space<hbm>>) dst(%dma_wait3A_80 : memref<128x128xf32, #tpu.memory_space<vmem_shared>>)
        tpu.yield
      }) : () -> ()
      %mul3A_9 = arith.constant 640 : i32
      %mul3A_10 = arith.muli %arg1, %mul3A_9 : i32
      %add3A_11 = arith.constant 128 : i32
      %add3A_12 = arith.addi %mul3A_10, %add3A_11 : i32
      "tpu.region"() ({
        %run_scoped3A_76 = tpu.sem_alloc : memref<!tpu.dma_semaphore, #tpu.memory_space<semaphore_mem>>
        %dma_start3A_77 = arith.constant 0 : i32
        %dma_start3A_78 = tpu.memref_slice %arg8[%add3A_12, %dma_start3A_77] : memref<10240x128xf32, #tpu.memory_space<vmem_shared>> -> memref<128x128xf32, #tpu.memory_space<vmem_shared>>
        tpu.enqueue_dma source(%arg5 : memref<128x128xf32, #tpu.memory_space<hbm>>) target(%dma_start3A_78 : memref<128x128xf32, #tpu.memory_space<vmem_shared>>) target_semaphore(%run_scoped3A_76 : memref<!tpu.dma_semaphore, #tpu.memory_space<semaphore_mem>>)
        %dma_wait3A_79 = arith.constant 0 : i32
        %dma_wait3A_80 = tpu.memref_slice %arg8[%add3A_12, %dma_wait3A_79] : memref<10240x128xf32, #tpu.memory_space<vmem_shared>> -> memref<128x128xf32, #tpu.memory_space<vmem_shared>>
        tpu.wait_dma2 semaphore(%run_scoped3A_76 : memref<!tpu.dma_semaphore, #tpu.memory_space<semaphore_mem>>) src(%arg5 : memref<128x128xf32, #tpu.memory_space<hbm>>) dst(%dma_wait3A_80 : memref<128x128xf32, #tpu.memory_space<vmem_shared>>)
        tpu.yield
      }) : () -> ()
      %mul3A_13 = arith.constant 640 : i32
      %mul3A_14 = arith.muli %arg1, %mul3A_13 : i32
      %add3A_15 = arith.constant 256 : i32
      %add3A_16 = arith.addi %mul3A_14, %add3A_15 : i32
      "tpu.region"() ({
        %run_scoped3A_76 = tpu.sem_alloc : memref<!tpu.dma_semaphore, #tpu.memory_space<semaphore_mem>>
        %dma_start3A_77 = arith.constant 0 : i32
        %dma_start3A_78 = tpu.memref_slice %arg8[%add3A_16, %dma_start3A_77] : memref<10240x128xf32, #tpu.memory_space<vmem_shared>> -> memref<128x128xf32, #tpu.memory_space<vmem_shared>>
        tpu.enqueue_dma source(%arg5 : memref<128x128xf32, #tpu.memory_space<hbm>>) target(%dma_start3A_78 : memref<128x128xf32, #tpu.memory_space<vmem_shared>>) target_semaphore(%run_scoped3A_76 : memref<!tpu.dma_semaphore, #tpu.memory_space<semaphore_mem>>)
        %dma_wait3A_79 = arith.constant 0 : i32
        %dma_wait3A_80 = tpu.memref_slice %arg8[%add3A_16, %dma_wait3A_79] : memref<10240x128xf32, #tpu.memory_space<vmem_shared>> -> memref<128x128xf32, #tpu.memory_space<vmem_shared>>
        tpu.wait_dma2 semaphore(%run_scoped3A_76 : memref<!tpu.dma_semaphore, #tpu.memory_space<semaphore_mem>>) src(%arg5 : memref<128x128xf32, #tpu.memory_space<hbm>>) dst(%dma_wait3A_80 : memref<128x128xf32, #tpu.memory_space<vmem_shared>>)
        tpu.yield
      }) : () -> ()
      %mul3A_17 = arith.constant 640 : i32
      %mul3A_18 = arith.muli %arg1, %mul3A_17 : i32
      %add3A_19 = arith.constant 384 : i32
      %add3A_20 = arith.addi %mul3A_18, %add3A_19 : i32
      "tpu.region"() ({
        %run_scoped3A_76 = tpu.sem_alloc : memref<!tpu.dma_semaphore, #tpu.memory_space<semaphore_mem>>
        %dma_start3A_77 = arith.constant 0 : i32
        %dma_start3A_78 = tpu.memref_slice %arg8[%add3A_20, %dma_start3A_77] : memref<10240x128xf32, #tpu.memory_space<vmem_shared>> -> memref<128x128xf32, #tpu.memory_space<vmem_shared>>
        tpu.enqueue_dma source(%arg5 : memref<128x128xf32, #tpu.memory_space<hbm>>) target(%dma_start3A_78 : memref<128x128xf32, #tpu.memory_space<vmem_shared>>) target_semaphore(%run_scoped3A_76 : memref<!tpu.dma_semaphore, #tpu.memory_space<semaphore_mem>>)
        %dma_wait3A_79 = arith.constant 0 : i32
        %dma_wait3A_80 = tpu.memref_slice %arg8[%add3A_20, %dma_wait3A_79] : memref<10240x128xf32, #tpu.memory_space<vmem_shared>> -> memref<128x128xf32, #tpu.memory_space<vmem_shared>>
        tpu.wait_dma2 semaphore(%run_scoped3A_76 : memref<!tpu.dma_semaphore, #tpu.memory_space<semaphore_mem>>) src(%arg5 : memref<128x128xf32, #tpu.memory_space<hbm>>) dst(%dma_wait3A_80 : memref<128x128xf32, #tpu.memory_space<vmem_shared>>)
        tpu.yield
      }) : () -> ()
      %mul3A_21 = arith.constant 640 : i32
      %mul3A_22 = arith.muli %arg1, %mul3A_21 : i32
      %add3A_23 = arith.constant 512 : i32
      %add3A_24 = arith.addi %mul3A_22, %add3A_23 : i32
      "tpu.region"() ({
        %run_scoped3A_76 = tpu.sem_alloc : memref<!tpu.dma_semaphore, #tpu.memory_space<semaphore_mem>>
        %dma_start3A_77 = arith.constant 0 : i32
        %dma_start3A_78 = tpu.memref_slice %arg8[%add3A_24, %dma_start3A_77] : memref<10240x128xf32, #tpu.memory_space<vmem_shared>> -> memref<128x128xf32, #tpu.memory_space<vmem_shared>>
        tpu.enqueue_dma source(%arg5 : memref<128x128xf32, #tpu.memory_space<hbm>>) target(%dma_start3A_78 : memref<128x128xf32, #tpu.memory_space<vmem_shared>>) target_semaphore(%run_scoped3A_76 : memref<!tpu.dma_semaphore, #tpu.memory_space<semaphore_mem>>)
        %dma_wait3A_79 = arith.constant 0 : i32
        %dma_wait3A_80 = tpu.memref_slice %arg8[%add3A_24, %dma_wait3A_79] : memref<10240x128xf32, #tpu.memory_space<vmem_shared>> -> memref<128x128xf32, #tpu.memory_space<vmem_shared>>
        tpu.wait_dma2 semaphore(%run_scoped3A_76 : memref<!tpu.dma_semaphore, #tpu.memory_space<semaphore_mem>>) src(%arg5 : memref<128x128xf32, #tpu.memory_space<hbm>>) dst(%dma_wait3A_80 : memref<128x128xf32, #tpu.memory_space<vmem_shared>>)
        tpu.yield
      }) : () -> ()
      %barrier3A = arith.constant 0 : index
      tpu.barrier barrier_id(%barrier3A)
      %mul3A_25 = arith.constant 10000 : i32
      %mul3A_26 = arith.muli %arg1, %mul3A_25 : i32
      %run_scoped3A = arith.constant 0 : i32
      "tpu.region"() ({
        %run_scoped3A_76 = tpu.sem_alloc : memref<!tpu.dma_semaphore, #tpu.memory_space<semaphore_mem>>
        %dma_start3A_77 = tpu.memref_slice %arg4[%run_scoped3A, %mul3A_26] : memref<2x160000xi32, #tpu.memory_space<hbm>> -> memref<1x64xi32, #tpu.memory_space<hbm>>
        %dma_start3A_78 = tpu.memref_squeeze %dma_start3A_77 : memref<1x64xi32, #tpu.memory_space<hbm>> -> memref<64xi32, #tpu.memory_space<hbm>>
        %dma_start3A_79 = tpu.memref_slice %arg4[%run_scoped3A, %mul3A_26] : memref<2x160000xi32, #tpu.memory_space<hbm>> -> memref<1x64xi32, #tpu.memory_space<hbm>>
        %dma_start3A_80 = tpu.memref_squeeze %dma_start3A_79 : memref<1x64xi32, #tpu.memory_space<hbm>> -> memref<64xi32, #tpu.memory_space<hbm>>
        tpu.enqueue_dma source(%dma_start3A_80 : memref<64xi32, #tpu.memory_space<hbm>>) target(%arg9 : memref<64xi32, #tpu.memory_space<vmem>>) target_semaphore(%run_scoped3A_76 : memref<!tpu.dma_semaphore, #tpu.memory_space<semaphore_mem>>)
        %dma_wait3A_81 = tpu.memref_slice %arg4[%run_scoped3A, %mul3A_26] : memref<2x160000xi32, #tpu.memory_space<hbm>> -> memref<1x64xi32, #tpu.memory_space<hbm>>
        %dma_wait3A_82 = tpu.memref_squeeze %dma_wait3A_81 : memref<1x64xi32, #tpu.memory_space<hbm>> -> memref<64xi32, #tpu.memory_space<hbm>>
        %dma_wait3A_83 = tpu.memref_slice %arg4[%run_scoped3A, %mul3A_26] : memref<2x160000xi32, #tpu.memory_space<hbm>> -> memref<1x64xi32, #tpu.memory_space<hbm>>
        %dma_wait3A_84 = tpu.memref_squeeze %dma_wait3A_83 : memref<1x64xi32, #tpu.memory_space<hbm>> -> memref<64xi32, #tpu.memory_space<hbm>>
        tpu.wait_dma2 semaphore(%run_scoped3A_76 : memref<!tpu.dma_semaphore, #tpu.memory_space<semaphore_mem>>) src(%dma_wait3A_84 : memref<64xi32, #tpu.memory_space<hbm>>) dst(%arg9 : memref<64xi32, #tpu.memory_space<vmem>>)
        tpu.yield
      }) : () -> ()
      %run_scoped3A_27 = arith.constant 1 : i32
      "tpu.region"() ({
        %run_scoped3A_76 = tpu.sem_alloc : memref<!tpu.dma_semaphore, #tpu.memory_space<semaphore_mem>>
        %dma_start3A_77 = tpu.memref_slice %arg4[%run_scoped3A_27, %mul3A_26] : memref<2x160000xi32, #tpu.memory_space<hbm>> -> memref<1x64xi32, #tpu.memory_space<hbm>>
        %dma_start3A_78 = tpu.memref_squeeze %dma_start3A_77 : memref<1x64xi32, #tpu.memory_space<hbm>> -> memref<64xi32, #tpu.memory_space<hbm>>
        %dma_start3A_79 = tpu.memref_slice %arg4[%run_scoped3A_27, %mul3A_26] : memref<2x160000xi32, #tpu.memory_space<hbm>> -> memref<1x64xi32, #tpu.memory_space<hbm>>
        %dma_start3A_80 = tpu.memref_squeeze %dma_start3A_79 : memref<1x64xi32, #tpu.memory_space<hbm>> -> memref<64xi32, #tpu.memory_space<hbm>>
        tpu.enqueue_dma source(%dma_start3A_80 : memref<64xi32, #tpu.memory_space<hbm>>) target(%arg10 : memref<64xi32, #tpu.memory_space<vmem>>) target_semaphore(%run_scoped3A_76 : memref<!tpu.dma_semaphore, #tpu.memory_space<semaphore_mem>>)
        %dma_wait3A_81 = tpu.memref_slice %arg4[%run_scoped3A_27, %mul3A_26] : memref<2x160000xi32, #tpu.memory_space<hbm>> -> memref<1x64xi32, #tpu.memory_space<hbm>>
        %dma_wait3A_82 = tpu.memref_squeeze %dma_wait3A_81 : memref<1x64xi32, #tpu.memory_space<hbm>> -> memref<64xi32, #tpu.memory_space<hbm>>
        %dma_wait3A_83 = tpu.memref_slice %arg4[%run_scoped3A_27, %mul3A_26] : memref<2x160000xi32, #tpu.memory_space<hbm>> -> memref<1x64xi32, #tpu.memory_space<hbm>>
        %dma_wait3A_84 = tpu.memref_squeeze %dma_wait3A_83 : memref<1x64xi32, #tpu.memory_space<hbm>> -> memref<64xi32, #tpu.memory_space<hbm>>
        tpu.wait_dma2 semaphore(%run_scoped3A_76 : memref<!tpu.dma_semaphore, #tpu.memory_space<semaphore_mem>>) src(%dma_wait3A_84 : memref<64xi32, #tpu.memory_space<hbm>>) dst(%arg10 : memref<64xi32, #tpu.memory_space<vmem>>)
        tpu.yield
      }) : () -> ()
      %dma_start3A = arith.constant 0 : i32
      %dma_start3A_28 = arith.constant 0 : i32
      %dma_start3A_29 = tpu.memref_slice %arg2[%dma_start3A, %dma_start3A_28] : memref<10240x128xf32, #tpu.memory_space<hbm>> -> memref<10240x128xf32, #tpu.memory_space<hbm>>
      tpu.enqueue_indirect_dma source(%dma_start3A_29 : memref<10240x128xf32, #tpu.memory_space<hbm>>) target(%arg11 : memref<64x128xf32, #tpu.memory_space<vmem>>) offsets(%arg9 : memref<64xi32, #tpu.memory_space<vmem>>) semaphore(%arg21 : memref<!tpu.dma_semaphore, #tpu.memory_space<semaphore_mem>>)
      %add3A_30 = arith.constant 64 : i32
      %add3A_31 = arith.addi %mul3A_26, %add3A_30 : i32
      %run_scoped3A_32 = arith.constant 0 : i32
      "tpu.region"() ({
        %run_scoped3A_76 = tpu.sem_alloc : memref<!tpu.dma_semaphore, #tpu.memory_space<semaphore_mem>>
        %dma_start3A_77 = tpu.memref_slice %arg4[%run_scoped3A_32, %add3A_31] : memref<2x160000xi32, #tpu.memory_space<hbm>> -> memref<1x64xi32, #tpu.memory_space<hbm>>
        %dma_start3A_78 = tpu.memref_squeeze %dma_start3A_77 : memref<1x64xi32, #tpu.memory_space<hbm>> -> memref<64xi32, #tpu.memory_space<hbm>>
        %dma_start3A_79 = tpu.memref_slice %arg4[%run_scoped3A_32, %add3A_31] : memref<2x160000xi32, #tpu.memory_space<hbm>> -> memref<1x64xi32, #tpu.memory_space<hbm>>
        %dma_start3A_80 = tpu.memref_squeeze %dma_start3A_79 : memref<1x64xi32, #tpu.memory_space<hbm>> -> memref<64xi32, #tpu.memory_space<hbm>>
        tpu.enqueue_dma source(%dma_start3A_80 : memref<64xi32, #tpu.memory_space<hbm>>) target(%arg12 : memref<64xi32, #tpu.memory_space<vmem>>) target_semaphore(%run_scoped3A_76 : memref<!tpu.dma_semaphore, #tpu.memory_space<semaphore_mem>>)
        %dma_wait3A_81 = tpu.memref_slice %arg4[%run_scoped3A_32, %add3A_31] : memref<2x160000xi32, #tpu.memory_space<hbm>> -> memref<1x64xi32, #tpu.memory_space<hbm>>
        %dma_wait3A_82 = tpu.memref_squeeze %dma_wait3A_81 : memref<1x64xi32, #tpu.memory_space<hbm>> -> memref<64xi32, #tpu.memory_space<hbm>>
        %dma_wait3A_83 = tpu.memref_slice %arg4[%run_scoped3A_32, %add3A_31] : memref<2x160000xi32, #tpu.memory_space<hbm>> -> memref<1x64xi32, #tpu.memory_space<hbm>>
        %dma_wait3A_84 = tpu.memref_squeeze %dma_wait3A_83 : memref<1x64xi32, #tpu.memory_space<hbm>> -> memref<64xi32, #tpu.memory_space<hbm>>
        tpu.wait_dma2 semaphore(%run_scoped3A_76 : memref<!tpu.dma_semaphore, #tpu.memory_space<semaphore_mem>>) src(%dma_wait3A_84 : memref<64xi32, #tpu.memory_space<hbm>>) dst(%arg12 : memref<64xi32, #tpu.memory_space<vmem>>)
        tpu.yield
      }) : () -> ()
      %run_scoped3A_33 = arith.constant 1 : i32
      "tpu.region"() ({
        %run_scoped3A_76 = tpu.sem_alloc : memref<!tpu.dma_semaphore, #tpu.memory_space<semaphore_mem>>
        %dma_start3A_77 = tpu.memref_slice %arg4[%run_scoped3A_33, %add3A_31] : memref<2x160000xi32, #tpu.memory_space<hbm>> -> memref<1x64xi32, #tpu.memory_space<hbm>>
        %dma_start3A_78 = tpu.memref_squeeze %dma_start3A_77 : memref<1x64xi32, #tpu.memory_space<hbm>> -> memref<64xi32, #tpu.memory_space<hbm>>
        %dma_start3A_79 = tpu.memref_slice %arg4[%run_scoped3A_33, %add3A_31] : memref<2x160000xi32, #tpu.memory_space<hbm>> -> memref<1x64xi32, #tpu.memory_space<hbm>>
        %dma_start3A_80 = tpu.memref_squeeze %dma_start3A_79 : memref<1x64xi32, #tpu.memory_space<hbm>> -> memref<64xi32, #tpu.memory_space<hbm>>
        tpu.enqueue_dma source(%dma_start3A_80 : memref<64xi32, #tpu.memory_space<hbm>>) target(%arg13 : memref<64xi32, #tpu.memory_space<vmem>>) target_semaphore(%run_scoped3A_76 : memref<!tpu.dma_semaphore, #tpu.memory_space<semaphore_mem>>)
        %dma_wait3A_81 = tpu.memref_slice %arg4[%run_scoped3A_33, %add3A_31] : memref<2x160000xi32, #tpu.memory_space<hbm>> -> memref<1x64xi32, #tpu.memory_space<hbm>>
        %dma_wait3A_82 = tpu.memref_squeeze %dma_wait3A_81 : memref<1x64xi32, #tpu.memory_space<hbm>> -> memref<64xi32, #tpu.memory_space<hbm>>
        %dma_wait3A_83 = tpu.memref_slice %arg4[%run_scoped3A_33, %add3A_31] : memref<2x160000xi32, #tpu.memory_space<hbm>> -> memref<1x64xi32, #tpu.memory_space<hbm>>
        %dma_wait3A_84 = tpu.memref_squeeze %dma_wait3A_83 : memref<1x64xi32, #tpu.memory_space<hbm>> -> memref<64xi32, #tpu.memory_space<hbm>>
        tpu.wait_dma2 semaphore(%run_scoped3A_76 : memref<!tpu.dma_semaphore, #tpu.memory_space<semaphore_mem>>) src(%dma_wait3A_84 : memref<64xi32, #tpu.memory_space<hbm>>) dst(%arg13 : memref<64xi32, #tpu.memory_space<vmem>>)
        tpu.yield
      }) : () -> ()
      %dma_start3A_34 = arith.constant 0 : i32
      %dma_start3A_35 = arith.constant 0 : i32
      %dma_start3A_36 = tpu.memref_slice %arg2[%dma_start3A_34, %dma_start3A_35] : memref<10240x128xf32, #tpu.memory_space<hbm>> -> memref<10240x128xf32, #tpu.memory_space<hbm>>
      tpu.enqueue_indirect_dma source(%dma_start3A_36 : memref<10240x128xf32, #tpu.memory_space<hbm>>) target(%arg14 : memref<64x128xf32, #tpu.memory_space<vmem>>) offsets(%arg12 : memref<64xi32, #tpu.memory_space<vmem>>) semaphore(%arg23 : memref<!tpu.dma_semaphore, #tpu.memory_space<semaphore_mem>>)
      %scan3A = arith.constant 0 : i32
      %scan3A_37 = arith.constant 0 : i32
      %scan3A_38 = arith.constant 52 : i32
      %scan3A_39 = arith.addi %scan3A_37, %scan3A_38 : i32
      %scan3A_40 = arith.constant 1 : i32
      %scan3A_41 = scf.for %scan3A_76 = %scan3A_37 to %scan3A_39 step %scan3A_40 iter_args(%scan3A_77 = %scan3A) -> (i32)  : i32 {
        %dma_wait3A_78 = arith.constant 0 : i32
        %dma_wait3A_79 = arith.constant 0 : i32
        %dma_wait3A_80 = tpu.memref_slice %arg2[%dma_wait3A_78, %dma_wait3A_79] : memref<10240x128xf32, #tpu.memory_space<hbm>> -> memref<10240x128xf32, #tpu.memory_space<hbm>>
        tpu.wait_indirect_dma semaphore(%arg21 : memref<!tpu.dma_semaphore, #tpu.memory_space<semaphore_mem>>) src(%dma_wait3A_80 : memref<10240x128xf32, #tpu.memory_space<hbm>>) dst(%arg11 : memref<64x128xf32, #tpu.memory_space<vmem>>)
        %dma_start3A_81 = arith.constant 0 : i32
        %dma_start3A_82 = arith.constant 0 : i32
        %dma_start3A_83 = tpu.memref_slice %arg8[%dma_start3A_81, %dma_start3A_82] : memref<10240x128xf32, #tpu.memory_space<vmem_shared>> -> memref<10240x128xf32, #tpu.memory_space<vmem_shared>>
        tpu.enqueue_indirect_dma source(%arg11 : memref<64x128xf32, #tpu.memory_space<vmem>>) target(%dma_start3A_83 : memref<10240x128xf32, #tpu.memory_space<vmem_shared>>) offsets(%arg10 : memref<64xi32, #tpu.memory_space<vmem>>) semaphore(%arg22 : memref<!tpu.dma_semaphore, #tpu.memory_space<semaphore_mem>>) {add = true}
        %gt3A = arith.constant 0 : i32
        %gt3A_84 = arith.cmpi sgt, %scan3A_76, %gt3A : i32
        %convert_element_type3A_85 = arith.extui %gt3A_84 : i1 to i32
        %cond3A_86 = arith.constant 0 : i32
        %cond3A_87 = arith.cmpi ne, %convert_element_type3A_85, %cond3A_86 : i32
        scf.if %cond3A_87 {
          %dma_wait3A_142 = arith.constant 0 : i32
          %dma_wait3A_143 = arith.constant 0 : i32
          %dma_wait3A_144 = tpu.memref_slice %arg8[%dma_wait3A_142, %dma_wait3A_143] : memref<10240x128xf32, #tpu.memory_space<vmem_shared>> -> memref<10240x128xf32, #tpu.memory_space<vmem_shared>>
          tpu.wait_indirect_dma semaphore(%arg26 : memref<!tpu.dma_semaphore, #tpu.memory_space<semaphore_mem>>) src(%arg17 : memref<64x128xf32, #tpu.memory_space<vmem>>) dst(%dma_wait3A_144 : memref<10240x128xf32, #tpu.memory_space<vmem_shared>>)
        } else {
        }
        %mul3A_88 = arith.constant 3 : i32
        %mul3A_89 = arith.muli %mul3A_88, %scan3A_76 : i32
        %add3A_90 = arith.constant 0 : i32
        %add3A_91 = arith.addi %mul3A_89, %add3A_90 : i32
        %add3A_92 = arith.constant 2 : i32
        %add3A_93 = arith.addi %add3A_91, %add3A_92 : i32
        %mul3A_94 = arith.constant 64 : i32
        %mul3A_95 = arith.muli %add3A_93, %mul3A_94 : i32
        %add3A_96 = arith.addi %mul3A_26, %mul3A_95 : i32
        %run_scoped3A_97 = arith.constant 0 : i32
        "tpu.region"() ({
          %run_scoped3A_142 = tpu.sem_alloc : memref<!tpu.dma_semaphore, #tpu.memory_space<semaphore_mem>>
          %dma_start3A_143 = tpu.memref_slice %arg4[%run_scoped3A_97, %add3A_96] : memref<2x160000xi32, #tpu.memory_space<hbm>> -> memref<1x64xi32, #tpu.memory_space<hbm>>
          %dma_start3A_144 = tpu.memref_squeeze %dma_start3A_143 : memref<1x64xi32, #tpu.memory_space<hbm>> -> memref<64xi32, #tpu.memory_space<hbm>>
          %dma_start3A_145 = tpu.memref_slice %arg4[%run_scoped3A_97, %add3A_96] : memref<2x160000xi32, #tpu.memory_space<hbm>> -> memref<1x64xi32, #tpu.memory_space<hbm>>
          %dma_start3A_146 = tpu.memref_squeeze %dma_start3A_145 : memref<1x64xi32, #tpu.memory_space<hbm>> -> memref<64xi32, #tpu.memory_space<hbm>>
          tpu.enqueue_dma source(%dma_start3A_146 : memref<64xi32, #tpu.memory_space<hbm>>) target(%arg15 : memref<64xi32, #tpu.memory_space<vmem>>) target_semaphore(%run_scoped3A_142 : memref<!tpu.dma_semaphore, #tpu.memory_space<semaphore_mem>>)
          %dma_wait3A_147 = tpu.memref_slice %arg4[%run_scoped3A_97, %add3A_96] : memref<2x160000xi32, #tpu.memory_space<hbm>> -> memref<1x64xi32, #tpu.memory_space<hbm>>
          %dma_wait3A_148 = tpu.memref_squeeze %dma_wait3A_147 : memref<1x64xi32, #tpu.memory_space<hbm>> -> memref<64xi32, #tpu.memory_space<hbm>>
          %dma_wait3A_149 = tpu.memref_slice %arg4[%run_scoped3A_97, %add3A_96] : memref<2x160000xi32, #tpu.memory_space<hbm>> -> memref<1x64xi32, #tpu.memory_space<hbm>>
          %dma_wait3A_150 = tpu.memref_squeeze %dma_wait3A_149 : memref<1x64xi32, #tpu.memory_space<hbm>> -> memref<64xi32, #tpu.memory_space<hbm>>
          tpu.wait_dma2 semaphore(%run_scoped3A_142 : memref<!tpu.dma_semaphore, #tpu.memory_space<semaphore_mem>>) src(%dma_wait3A_150 : memref<64xi32, #tpu.memory_space<hbm>>) dst(%arg15 : memref<64xi32, #tpu.memory_space<vmem>>)
          tpu.yield
        }) : () -> ()
        %run_scoped3A_98 = arith.constant 1 : i32
        "tpu.region"() ({
          %run_scoped3A_142 = tpu.sem_alloc : memref<!tpu.dma_semaphore, #tpu.memory_space<semaphore_mem>>
          %dma_start3A_143 = tpu.memref_slice %arg4[%run_scoped3A_98, %add3A_96] : memref<2x160000xi32, #tpu.memory_space<hbm>> -> memref<1x64xi32, #tpu.memory_space<hbm>>
          %dma_start3A_144 = tpu.memref_squeeze %dma_start3A_143 : memref<1x64xi32, #tpu.memory_space<hbm>> -> memref<64xi32, #tpu.memory_space<hbm>>
          %dma_start3A_145 = tpu.memref_slice %arg4[%run_scoped3A_98, %add3A_96] : memref<2x160000xi32, #tpu.memory_space<hbm>> -> memref<1x64xi32, #tpu.memory_space<hbm>>
          %dma_start3A_146 = tpu.memref_squeeze %dma_start3A_145 : memref<1x64xi32, #tpu.memory_space<hbm>> -> memref<64xi32, #tpu.memory_space<hbm>>
          tpu.enqueue_dma source(%dma_start3A_146 : memref<64xi32, #tpu.memory_space<hbm>>) target(%arg16 : memref<64xi32, #tpu.memory_space<vmem>>) target_semaphore(%run_scoped3A_142 : memref<!tpu.dma_semaphore, #tpu.memory_space<semaphore_mem>>)
          %dma_wait3A_147 = tpu.memref_slice %arg4[%run_scoped3A_98, %add3A_96] : memref<2x160000xi32, #tpu.memory_space<hbm>> -> memref<1x64xi32, #tpu.memory_space<hbm>>
          %dma_wait3A_148 = tpu.memref_squeeze %dma_wait3A_147 : memref<1x64xi32, #tpu.memory_space<hbm>> -> memref<64xi32, #tpu.memory_space<hbm>>
          %dma_wait3A_149 = tpu.memref_slice %arg4[%run_scoped3A_98, %add3A_96] : memref<2x160000xi32, #tpu.memory_space<hbm>> -> memref<1x64xi32, #tpu.memory_space<hbm>>
          %dma_wait3A_150 = tpu.memref_squeeze %dma_wait3A_149 : memref<1x64xi32, #tpu.memory_space<hbm>> -> memref<64xi32, #tpu.memory_space<hbm>>
          tpu.wait_dma2 semaphore(%run_scoped3A_142 : memref<!tpu.dma_semaphore, #tpu.memory_space<semaphore_mem>>) src(%dma_wait3A_150 : memref<64xi32, #tpu.memory_space<hbm>>) dst(%arg16 : memref<64xi32, #tpu.memory_space<vmem>>)
          tpu.yield
        }) : () -> ()
        %dma_start3A_99 = arith.constant 0 : i32
        %dma_start3A_100 = arith.constant 0 : i32
        %dma_start3A_101 = tpu.memref_slice %arg2[%dma_start3A_99, %dma_start3A_100] : memref<10240x128xf32, #tpu.memory_space<hbm>> -> memref<10240x128xf32, #tpu.memory_space<hbm>>
        tpu.enqueue_indirect_dma source(%dma_start3A_101 : memref<10240x128xf32, #tpu.memory_space<hbm>>) target(%arg17 : memref<64x128xf32, #tpu.memory_space<vmem>>) offsets(%arg15 : memref<64xi32, #tpu.memory_space<vmem>>) semaphore(%arg25 : memref<!tpu.dma_semaphore, #tpu.memory_space<semaphore_mem>>)
        %dma_wait3A_102 = arith.constant 0 : i32
        %dma_wait3A_103 = arith.constant 0 : i32
        %dma_wait3A_104 = tpu.memref_slice %arg2[%dma_wait3A_102, %dma_wait3A_103] : memref<10240x128xf32, #tpu.memory_space<hbm>> -> memref<10240x128xf32, #tpu.memory_space<hbm>>
        tpu.wait_indirect_dma semaphore(%arg23 : memref<!tpu.dma_semaphore, #tpu.memory_space<semaphore_mem>>) src(%dma_wait3A_104 : memref<10240x128xf32, #tpu.memory_space<hbm>>) dst(%arg14 : memref<64x128xf32, #tpu.memory_space<vmem>>)
        %dma_start3A_105 = arith.constant 0 : i32
        %dma_start3A_106 = arith.constant 0 : i32
        %dma_start3A_107 = tpu.memref_slice %arg8[%dma_start3A_105, %dma_start3A_106] : memref<10240x128xf32, #tpu.memory_space<vmem_shared>> -> memref<10240x128xf32, #tpu.memory_space<vmem_shared>>
        tpu.enqueue_indirect_dma source(%arg14 : memref<64x128xf32, #tpu.memory_space<vmem>>) target(%dma_start3A_107 : memref<10240x128xf32, #tpu.memory_space<vmem_shared>>) offsets(%arg13 : memref<64xi32, #tpu.memory_space<vmem>>) semaphore(%arg24 : memref<!tpu.dma_semaphore, #tpu.memory_space<semaphore_mem>>) {add = true}
        %dma_wait3A_108 = arith.constant 0 : i32
        %dma_wait3A_109 = arith.constant 0 : i32
        %dma_wait3A_110 = tpu.memref_slice %arg8[%dma_wait3A_108, %dma_wait3A_109] : memref<10240x128xf32, #tpu.memory_space<vmem_shared>> -> memref<10240x128xf32, #tpu.memory_space<vmem_shared>>
        tpu.wait_indirect_dma semaphore(%arg22 : memref<!tpu.dma_semaphore, #tpu.memory_space<semaphore_mem>>) src(%arg11 : memref<64x128xf32, #tpu.memory_space<vmem>>) dst(%dma_wait3A_110 : memref<10240x128xf32, #tpu.memory_space<vmem_shared>>)
        %mul3A_111 = arith.constant 3 : i32
        %mul3A_112 = arith.muli %mul3A_111, %scan3A_76 : i32
        %add3A_113 = arith.constant 1 : i32
        %add3A_114 = arith.addi %mul3A_112, %add3A_113 : i32
        %add3A_115 = arith.constant 2 : i32
        %add3A_116 = arith.addi %add3A_114, %add3A_115 : i32
        %lt3A = arith.constant 156 : i32
        %lt3A_117 = arith.cmpi slt, %add3A_116, %lt3A : i32
        %convert_element_type3A_118 = arith.extui %lt3A_117 : i1 to i32
        %cond3A_119 = arith.constant 0 : i32
        %cond3A_120 = arith.cmpi ne, %convert_element_type3A_118, %cond3A_119 : i32
        scf.if %cond3A_120 {
          %mul3A_142 = arith.constant 3 : i32
          %mul3A_143 = arith.muli %mul3A_142, %scan3A_76 : i32
          %add3A_144 = arith.constant 1 : i32
          %add3A_145 = arith.addi %mul3A_143, %add3A_144 : i32
          %add3A_146 = arith.constant 2 : i32
          %add3A_147 = arith.addi %add3A_145, %add3A_146 : i32
          %mul3A_148 = arith.constant 64 : i32
          %mul3A_149 = arith.muli %add3A_147, %mul3A_148 : i32
          %add3A_150 = arith.addi %mul3A_26, %mul3A_149 : i32
          %run_scoped3A_151 = arith.constant 0 : i32
          "tpu.region"() ({
            %run_scoped3A_156 = tpu.sem_alloc : memref<!tpu.dma_semaphore, #tpu.memory_space<semaphore_mem>>
            %dma_start3A_157 = tpu.memref_slice %arg4[%run_scoped3A_151, %add3A_150] : memref<2x160000xi32, #tpu.memory_space<hbm>> -> memref<1x64xi32, #tpu.memory_space<hbm>>
            %dma_start3A_158 = tpu.memref_squeeze %dma_start3A_157 : memref<1x64xi32, #tpu.memory_space<hbm>> -> memref<64xi32, #tpu.memory_space<hbm>>
            %dma_start3A_159 = tpu.memref_slice %arg4[%run_scoped3A_151, %add3A_150] : memref<2x160000xi32, #tpu.memory_space<hbm>> -> memref<1x64xi32, #tpu.memory_space<hbm>>
            %dma_start3A_160 = tpu.memref_squeeze %dma_start3A_159 : memref<1x64xi32, #tpu.memory_space<hbm>> -> memref<64xi32, #tpu.memory_space<hbm>>
            tpu.enqueue_dma source(%dma_start3A_160 : memref<64xi32, #tpu.memory_space<hbm>>) target(%arg9 : memref<64xi32, #tpu.memory_space<vmem>>) target_semaphore(%run_scoped3A_156 : memref<!tpu.dma_semaphore, #tpu.memory_space<semaphore_mem>>)
            %dma_wait3A_161 = tpu.memref_slice %arg4[%run_scoped3A_151, %add3A_150] : memref<2x160000xi32, #tpu.memory_space<hbm>> -> memref<1x64xi32, #tpu.memory_space<hbm>>
            %dma_wait3A_162 = tpu.memref_squeeze %dma_wait3A_161 : memref<1x64xi32, #tpu.memory_space<hbm>> -> memref<64xi32, #tpu.memory_space<hbm>>
            %dma_wait3A_163 = tpu.memref_slice %arg4[%run_scoped3A_151, %add3A_150] : memref<2x160000xi32, #tpu.memory_space<hbm>> -> memref<1x64xi32, #tpu.memory_space<hbm>>
            %dma_wait3A_164 = tpu.memref_squeeze %dma_wait3A_163 : memref<1x64xi32, #tpu.memory_space<hbm>> -> memref<64xi32, #tpu.memory_space<hbm>>
            tpu.wait_dma2 semaphore(%run_scoped3A_156 : memref<!tpu.dma_semaphore, #tpu.memory_space<semaphore_mem>>) src(%dma_wait3A_164 : memref<64xi32, #tpu.memory_space<hbm>>) dst(%arg9 : memref<64xi32, #tpu.memory_space<vmem>>)
            tpu.yield
          }) : () -> ()
          %run_scoped3A_152 = arith.constant 1 : i32
          "tpu.region"() ({
            %run_scoped3A_156 = tpu.sem_alloc : memref<!tpu.dma_semaphore, #tpu.memory_space<semaphore_mem>>
            %dma_start3A_157 = tpu.memref_slice %arg4[%run_scoped3A_152, %add3A_150] : memref<2x160000xi32, #tpu.memory_space<hbm>> -> memref<1x64xi32, #tpu.memory_space<hbm>>
            %dma_start3A_158 = tpu.memref_squeeze %dma_start3A_157 : memref<1x64xi32, #tpu.memory_space<hbm>> -> memref<64xi32, #tpu.memory_space<hbm>>
            %dma_start3A_159 = tpu.memref_slice %arg4[%run_scoped3A_152, %add3A_150] : memref<2x160000xi32, #tpu.memory_space<hbm>> -> memref<1x64xi32, #tpu.memory_space<hbm>>
            %dma_start3A_160 = tpu.memref_squeeze %dma_start3A_159 : memref<1x64xi32, #tpu.memory_space<hbm>> -> memref<64xi32, #tpu.memory_space<hbm>>
            tpu.enqueue_dma source(%dma_start3A_160 : memref<64xi32, #tpu.memory_space<hbm>>) target(%arg10 : memref<64xi32, #tpu.memory_space<vmem>>) target_semaphore(%run_scoped3A_156 : memref<!tpu.dma_semaphore, #tpu.memory_space<semaphore_mem>>)
            %dma_wait3A_161 = tpu.memref_slice %arg4[%run_scoped3A_152, %add3A_150] : memref<2x160000xi32, #tpu.memory_space<hbm>> -> memref<1x64xi32, #tpu.memory_space<hbm>>
            %dma_wait3A_162 = tpu.memref_squeeze %dma_wait3A_161 : memref<1x64xi32, #tpu.memory_space<hbm>> -> memref<64xi32, #tpu.memory_space<hbm>>
            %dma_wait3A_163 = tpu.memref_slice %arg4[%run_scoped3A_152, %add3A_150] : memref<2x160000xi32, #tpu.memory_space<hbm>> -> memref<1x64xi32, #tpu.memory_space<hbm>>
            %dma_wait3A_164 = tpu.memref_squeeze %dma_wait3A_163 : memref<1x64xi32, #tpu.memory_space<hbm>> -> memref<64xi32, #tpu.memory_space<hbm>>
            tpu.wait_dma2 semaphore(%run_scoped3A_156 : memref<!tpu.dma_semaphore, #tpu.memory_space<semaphore_mem>>) src(%dma_wait3A_164 : memref<64xi32, #tpu.memory_space<hbm>>) dst(%arg10 : memref<64xi32, #tpu.memory_space<vmem>>)
            tpu.yield
          }) : () -> ()
          %dma_start3A_153 = arith.constant 0 : i32
          %dma_start3A_154 = arith.constant 0 : i32
          %dma_start3A_155 = tpu.memref_slice %arg2[%dma_start3A_153, %dma_start3A_154] : memref<10240x128xf32, #tpu.memory_space<hbm>> -> memref<10240x128xf32, #tpu.memory_space<hbm>>
          tpu.enqueue_indirect_dma source(%dma_start3A_155 : memref<10240x128xf32, #tpu.memory_space<hbm>>) target(%arg11 : memref<64x128xf32, #tpu.memory_space<vmem>>) offsets(%arg9 : memref<64xi32, #tpu.memory_space<vmem>>) semaphore(%arg21 : memref<!tpu.dma_semaphore, #tpu.memory_space<semaphore_mem>>)
        } else {
        }
        %dma_wait3A_121 = arith.constant 0 : i32
        %dma_wait3A_122 = arith.constant 0 : i32
        %dma_wait3A_123 = tpu.memref_slice %arg2[%dma_wait3A_121, %dma_wait3A_122] : memref<10240x128xf32, #tpu.memory_space<hbm>> -> memref<10240x128xf32, #tpu.memory_space<hbm>>
        tpu.wait_indirect_dma semaphore(%arg25 : memref<!tpu.dma_semaphore, #tpu.memory_space<semaphore_mem>>) src(%dma_wait3A_123 : memref<10240x128xf32, #tpu.memory_space<hbm>>) dst(%arg17 : memref<64x128xf32, #tpu.memory_space<vmem>>)
        %dma_start3A_124 = arith.constant 0 : i32
        %dma_start3A_125 = arith.constant 0 : i32
        %dma_start3A_126 = tpu.memref_slice %arg8[%dma_start3A_124, %dma_start3A_125] : memref<10240x128xf32, #tpu.memory_space<vmem_shared>> -> memref<10240x128xf32, #tpu.memory_space<vmem_shared>>
        tpu.enqueue_indirect_dma source(%arg17 : memref<64x128xf32, #tpu.memory_space<vmem>>) target(%dma_start3A_126 : memref<10240x128xf32, #tpu.memory_space<vmem_shared>>) offsets(%arg16 : memref<64xi32, #tpu.memory_space<vmem>>) semaphore(%arg26 : memref<!tpu.dma_semaphore, #tpu.memory_space<semaphore_mem>>) {add = true}
        %dma_wait3A_127 = arith.constant 0 : i32
        %dma_wait3A_128 = arith.constant 0 : i32
        %dma_wait3A_129 = tpu.memref_slice %arg8[%dma_wait3A_127, %dma_wait3A_128] : memref<10240x128xf32, #tpu.memory_space<vmem_shared>> -> memref<10240x128xf32, #tpu.memory_space<vmem_shared>>
        tpu.wait_indirect_dma semaphore(%arg24 : memref<!tpu.dma_semaphore, #tpu.memory_space<semaphore_mem>>) src(%arg14 : memref<64x128xf32, #tpu.memory_space<vmem>>) dst(%dma_wait3A_129 : memref<10240x128xf32, #tpu.memory_space<vmem_shared>>)
        %mul3A_130 = arith.constant 3 : i32
        %mul3A_131 = arith.muli %mul3A_130, %scan3A_76 : i32
        %add3A_132 = arith.constant 2 : i32
        %add3A_133 = arith.addi %mul3A_131, %add3A_132 : i32
        %add3A_134 = arith.constant 2 : i32
        %add3A_135 = arith.addi %add3A_133, %add3A_134 : i32
        %lt3A_136 = arith.constant 156 : i32
        %lt3A_137 = arith.cmpi slt, %add3A_135, %lt3A_136 : i32
        %convert_element_type3A_138 = arith.extui %lt3A_137 : i1 to i32
        %cond3A_139 = arith.constant 0 : i32
        %cond3A_140 = arith.cmpi ne, %convert_element_type3A_138, %cond3A_139 : i32
        scf.if %cond3A_140 {
          %mul3A_142 = arith.constant 3 : i32
          %mul3A_143 = arith.muli %mul3A_142, %scan3A_76 : i32
          %add3A_144 = arith.constant 2 : i32
          %add3A_145 = arith.addi %mul3A_143, %add3A_144 : i32
          %add3A_146 = arith.constant 2 : i32
          %add3A_147 = arith.addi %add3A_145, %add3A_146 : i32
          %mul3A_148 = arith.constant 64 : i32
          %mul3A_149 = arith.muli %add3A_147, %mul3A_148 : i32
          %add3A_150 = arith.addi %mul3A_26, %mul3A_149 : i32
          %run_scoped3A_151 = arith.constant 0 : i32
          "tpu.region"() ({
            %run_scoped3A_156 = tpu.sem_alloc : memref<!tpu.dma_semaphore, #tpu.memory_space<semaphore_mem>>
            %dma_start3A_157 = tpu.memref_slice %arg4[%run_scoped3A_151, %add3A_150] : memref<2x160000xi32, #tpu.memory_space<hbm>> -> memref<1x64xi32, #tpu.memory_space<hbm>>
            %dma_start3A_158 = tpu.memref_squeeze %dma_start3A_157 : memref<1x64xi32, #tpu.memory_space<hbm>> -> memref<64xi32, #tpu.memory_space<hbm>>
            %dma_start3A_159 = tpu.memref_slice %arg4[%run_scoped3A_151, %add3A_150] : memref<2x160000xi32, #tpu.memory_space<hbm>> -> memref<1x64xi32, #tpu.memory_space<hbm>>
            %dma_start3A_160 = tpu.memref_squeeze %dma_start3A_159 : memref<1x64xi32, #tpu.memory_space<hbm>> -> memref<64xi32, #tpu.memory_space<hbm>>
            tpu.enqueue_dma source(%dma_start3A_160 : memref<64xi32, #tpu.memory_space<hbm>>) target(%arg12 : memref<64xi32, #tpu.memory_space<vmem>>) target_semaphore(%run_scoped3A_156 : memref<!tpu.dma_semaphore, #tpu.memory_space<semaphore_mem>>)
            %dma_wait3A_161 = tpu.memref_slice %arg4[%run_scoped3A_151, %add3A_150] : memref<2x160000xi32, #tpu.memory_space<hbm>> -> memref<1x64xi32, #tpu.memory_space<hbm>>
            %dma_wait3A_162 = tpu.memref_squeeze %dma_wait3A_161 : memref<1x64xi32, #tpu.memory_space<hbm>> -> memref<64xi32, #tpu.memory_space<hbm>>
            %dma_wait3A_163 = tpu.memref_slice %arg4[%run_scoped3A_151, %add3A_150] : memref<2x160000xi32, #tpu.memory_space<hbm>> -> memref<1x64xi32, #tpu.memory_space<hbm>>
            %dma_wait3A_164 = tpu.memref_squeeze %dma_wait3A_163 : memref<1x64xi32, #tpu.memory_space<hbm>> -> memref<64xi32, #tpu.memory_space<hbm>>
            tpu.wait_dma2 semaphore(%run_scoped3A_156 : memref<!tpu.dma_semaphore, #tpu.memory_space<semaphore_mem>>) src(%dma_wait3A_164 : memref<64xi32, #tpu.memory_space<hbm>>) dst(%arg12 : memref<64xi32, #tpu.memory_space<vmem>>)
            tpu.yield
          }) : () -> ()
          %run_scoped3A_152 = arith.constant 1 : i32
          "tpu.region"() ({
            %run_scoped3A_156 = tpu.sem_alloc : memref<!tpu.dma_semaphore, #tpu.memory_space<semaphore_mem>>
            %dma_start3A_157 = tpu.memref_slice %arg4[%run_scoped3A_152, %add3A_150] : memref<2x160000xi32, #tpu.memory_space<hbm>> -> memref<1x64xi32, #tpu.memory_space<hbm>>
            %dma_start3A_158 = tpu.memref_squeeze %dma_start3A_157 : memref<1x64xi32, #tpu.memory_space<hbm>> -> memref<64xi32, #tpu.memory_space<hbm>>
            %dma_start3A_159 = tpu.memref_slice %arg4[%run_scoped3A_152, %add3A_150] : memref<2x160000xi32, #tpu.memory_space<hbm>> -> memref<1x64xi32, #tpu.memory_space<hbm>>
            %dma_start3A_160 = tpu.memref_squeeze %dma_start3A_159 : memref<1x64xi32, #tpu.memory_space<hbm>> -> memref<64xi32, #tpu.memory_space<hbm>>
            tpu.enqueue_dma source(%dma_start3A_160 : memref<64xi32, #tpu.memory_space<hbm>>) target(%arg13 : memref<64xi32, #tpu.memory_space<vmem>>) target_semaphore(%run_scoped3A_156 : memref<!tpu.dma_semaphore, #tpu.memory_space<semaphore_mem>>)
            %dma_wait3A_161 = tpu.memref_slice %arg4[%run_scoped3A_152, %add3A_150] : memref<2x160000xi32, #tpu.memory_space<hbm>> -> memref<1x64xi32, #tpu.memory_space<hbm>>
            %dma_wait3A_162 = tpu.memref_squeeze %dma_wait3A_161 : memref<1x64xi32, #tpu.memory_space<hbm>> -> memref<64xi32, #tpu.memory_space<hbm>>
            %dma_wait3A_163 = tpu.memref_slice %arg4[%run_scoped3A_152, %add3A_150] : memref<2x160000xi32, #tpu.memory_space<hbm>> -> memref<1x64xi32, #tpu.memory_space<hbm>>
            %dma_wait3A_164 = tpu.memref_squeeze %dma_wait3A_163 : memref<1x64xi32, #tpu.memory_space<hbm>> -> memref<64xi32, #tpu.memory_space<hbm>>
            tpu.wait_dma2 semaphore(%run_scoped3A_156 : memref<!tpu.dma_semaphore, #tpu.memory_space<semaphore_mem>>) src(%dma_wait3A_164 : memref<64xi32, #tpu.memory_space<hbm>>) dst(%arg13 : memref<64xi32, #tpu.memory_space<vmem>>)
            tpu.yield
          }) : () -> ()
          %dma_start3A_153 = arith.constant 0 : i32
          %dma_start3A_154 = arith.constant 0 : i32
          %dma_start3A_155 = tpu.memref_slice %arg2[%dma_start3A_153, %dma_start3A_154] : memref<10240x128xf32, #tpu.memory_space<hbm>> -> memref<10240x128xf32, #tpu.memory_space<hbm>>
          tpu.enqueue_indirect_dma source(%dma_start3A_155 : memref<10240x128xf32, #tpu.memory_space<hbm>>) target(%arg14 : memref<64x128xf32, #tpu.memory_space<vmem>>) offsets(%arg12 : memref<64xi32, #tpu.memory_space<vmem>>) semaphore(%arg23 : memref<!tpu.dma_semaphore, #tpu.memory_space<semaphore_mem>>)
        } else {
        }
        %scan3A_141 = arith.constant 0 : i32
        scf.yield %scan3A_141 : i32
      }
      %scan3A_42 = arith.constant 52 : i32
      %dma_wait3A = arith.constant 0 : i32
      %dma_wait3A_43 = arith.constant 0 : i32
      %dma_wait3A_44 = tpu.memref_slice %arg8[%dma_wait3A, %dma_wait3A_43] : memref<10240x128xf32, #tpu.memory_space<vmem_shared>> -> memref<10240x128xf32, #tpu.memory_space<vmem_shared>>
      tpu.wait_indirect_dma semaphore(%arg26 : memref<!tpu.dma_semaphore, #tpu.memory_space<semaphore_mem>>) src(%arg17 : memref<64x128xf32, #tpu.memory_space<vmem>>) dst(%dma_wait3A_44 : memref<10240x128xf32, #tpu.memory_space<vmem_shared>>)
      %add3A_45 = arith.constant 9984 : i32
      %add3A_46 = arith.addi %mul3A_26, %add3A_45 : i32
      %run_scoped3A_47 = arith.constant 0 : i32
      "tpu.region"() ({
        %run_scoped3A_76 = tpu.sem_alloc : memref<!tpu.dma_semaphore, #tpu.memory_space<semaphore_mem>>
        %dma_start3A_77 = tpu.memref_slice %arg4[%run_scoped3A_47, %add3A_46] : memref<2x160000xi32, #tpu.memory_space<hbm>> -> memref<1x16xi32, #tpu.memory_space<hbm>>
        %dma_start3A_78 = tpu.memref_squeeze %dma_start3A_77 : memref<1x16xi32, #tpu.memory_space<hbm>> -> memref<16xi32, #tpu.memory_space<hbm>>
        %dma_start3A_79 = tpu.memref_slice %arg4[%run_scoped3A_47, %add3A_46] : memref<2x160000xi32, #tpu.memory_space<hbm>> -> memref<1x16xi32, #tpu.memory_space<hbm>>
        %dma_start3A_80 = tpu.memref_squeeze %dma_start3A_79 : memref<1x16xi32, #tpu.memory_space<hbm>> -> memref<16xi32, #tpu.memory_space<hbm>>
        tpu.enqueue_dma source(%dma_start3A_80 : memref<16xi32, #tpu.memory_space<hbm>>) target(%arg18 : memref<16xi32, #tpu.memory_space<vmem>>) target_semaphore(%run_scoped3A_76 : memref<!tpu.dma_semaphore, #tpu.memory_space<semaphore_mem>>)
        %dma_wait3A_81 = tpu.memref_slice %arg4[%run_scoped3A_47, %add3A_46] : memref<2x160000xi32, #tpu.memory_space<hbm>> -> memref<1x16xi32, #tpu.memory_space<hbm>>
        %dma_wait3A_82 = tpu.memref_squeeze %dma_wait3A_81 : memref<1x16xi32, #tpu.memory_space<hbm>> -> memref<16xi32, #tpu.memory_space<hbm>>
        %dma_wait3A_83 = tpu.memref_slice %arg4[%run_scoped3A_47, %add3A_46] : memref<2x160000xi32, #tpu.memory_space<hbm>> -> memref<1x16xi32, #tpu.memory_space<hbm>>
        %dma_wait3A_84 = tpu.memref_squeeze %dma_wait3A_83 : memref<1x16xi32, #tpu.memory_space<hbm>> -> memref<16xi32, #tpu.memory_space<hbm>>
        tpu.wait_dma2 semaphore(%run_scoped3A_76 : memref<!tpu.dma_semaphore, #tpu.memory_space<semaphore_mem>>) src(%dma_wait3A_84 : memref<16xi32, #tpu.memory_space<hbm>>) dst(%arg18 : memref<16xi32, #tpu.memory_space<vmem>>)
        tpu.yield
      }) : () -> ()
      %run_scoped3A_48 = arith.constant 1 : i32
      "tpu.region"() ({
        %run_scoped3A_76 = tpu.sem_alloc : memref<!tpu.dma_semaphore, #tpu.memory_space<semaphore_mem>>
        %dma_start3A_77 = tpu.memref_slice %arg4[%run_scoped3A_48, %add3A_46] : memref<2x160000xi32, #tpu.memory_space<hbm>> -> memref<1x16xi32, #tpu.memory_space<hbm>>
        %dma_start3A_78 = tpu.memref_squeeze %dma_start3A_77 : memref<1x16xi32, #tpu.memory_space<hbm>> -> memref<16xi32, #tpu.memory_space<hbm>>
        %dma_start3A_79 = tpu.memref_slice %arg4[%run_scoped3A_48, %add3A_46] : memref<2x160000xi32, #tpu.memory_space<hbm>> -> memref<1x16xi32, #tpu.memory_space<hbm>>
        %dma_start3A_80 = tpu.memref_squeeze %dma_start3A_79 : memref<1x16xi32, #tpu.memory_space<hbm>> -> memref<16xi32, #tpu.memory_space<hbm>>
        tpu.enqueue_dma source(%dma_start3A_80 : memref<16xi32, #tpu.memory_space<hbm>>) target(%arg19 : memref<16xi32, #tpu.memory_space<vmem>>) target_semaphore(%run_scoped3A_76 : memref<!tpu.dma_semaphore, #tpu.memory_space<semaphore_mem>>)
        %dma_wait3A_81 = tpu.memref_slice %arg4[%run_scoped3A_48, %add3A_46] : memref<2x160000xi32, #tpu.memory_space<hbm>> -> memref<1x16xi32, #tpu.memory_space<hbm>>
        %dma_wait3A_82 = tpu.memref_squeeze %dma_wait3A_81 : memref<1x16xi32, #tpu.memory_space<hbm>> -> memref<16xi32, #tpu.memory_space<hbm>>
        %dma_wait3A_83 = tpu.memref_slice %arg4[%run_scoped3A_48, %add3A_46] : memref<2x160000xi32, #tpu.memory_space<hbm>> -> memref<1x16xi32, #tpu.memory_space<hbm>>
        %dma_wait3A_84 = tpu.memref_squeeze %dma_wait3A_83 : memref<1x16xi32, #tpu.memory_space<hbm>> -> memref<16xi32, #tpu.memory_space<hbm>>
        tpu.wait_dma2 semaphore(%run_scoped3A_76 : memref<!tpu.dma_semaphore, #tpu.memory_space<semaphore_mem>>) src(%dma_wait3A_84 : memref<16xi32, #tpu.memory_space<hbm>>) dst(%arg19 : memref<16xi32, #tpu.memory_space<vmem>>)
        tpu.yield
      }) : () -> ()
      %dma_start3A_49 = arith.constant 0 : i32
      %dma_start3A_50 = arith.constant 0 : i32
      %dma_start3A_51 = tpu.memref_slice %arg2[%dma_start3A_49, %dma_start3A_50] : memref<10240x128xf32, #tpu.memory_space<hbm>> -> memref<10240x128xf32, #tpu.memory_space<hbm>>
      tpu.enqueue_indirect_dma source(%dma_start3A_51 : memref<10240x128xf32, #tpu.memory_space<hbm>>) target(%arg20 : memref<16x128xf32, #tpu.memory_space<vmem>>) offsets(%arg18 : memref<16xi32, #tpu.memory_space<vmem>>) semaphore(%arg27 : memref<!tpu.dma_semaphore, #tpu.memory_space<semaphore_mem>>)
      %dma_wait3A_52 = arith.constant 0 : i32
      %dma_wait3A_53 = arith.constant 0 : i32
      %dma_wait3A_54 = tpu.memref_slice %arg2[%dma_wait3A_52, %dma_wait3A_53] : memref<10240x128xf32, #tpu.memory_space<hbm>> -> memref<10240x128xf32, #tpu.memory_space<hbm>>
      tpu.wait_indirect_dma semaphore(%arg27 : memref<!tpu.dma_semaphore, #tpu.memory_space<semaphore_mem>>) src(%dma_wait3A_54 : memref<10240x128xf32, #tpu.memory_space<hbm>>) dst(%arg20 : memref<16x128xf32, #tpu.memory_space<vmem>>)
      "tpu.region"() ({
        %run_scoped3A_76 = tpu.sem_alloc : memref<!tpu.dma_semaphore, #tpu.memory_space<semaphore_mem>>
        %dma_start3A_77 = arith.constant 0 : i32
        %dma_start3A_78 = arith.constant 0 : i32
        %dma_start3A_79 = tpu.memref_slice %arg8[%dma_start3A_77, %dma_start3A_78] : memref<10240x128xf32, #tpu.memory_space<vmem_shared>> -> memref<10240x128xf32, #tpu.memory_space<vmem_shared>>
        tpu.enqueue_indirect_dma source(%arg20 : memref<16x128xf32, #tpu.memory_space<vmem>>) target(%dma_start3A_79 : memref<10240x128xf32, #tpu.memory_space<vmem_shared>>) offsets(%arg19 : memref<16xi32, #tpu.memory_space<vmem>>) semaphore(%run_scoped3A_76 : memref<!tpu.dma_semaphore, #tpu.memory_space<semaphore_mem>>) {add = true}
        %dma_wait3A_80 = arith.constant 0 : i32
        %dma_wait3A_81 = arith.constant 0 : i32
        %dma_wait3A_82 = tpu.memref_slice %arg8[%dma_wait3A_80, %dma_wait3A_81] : memref<10240x128xf32, #tpu.memory_space<vmem_shared>> -> memref<10240x128xf32, #tpu.memory_space<vmem_shared>>
        tpu.wait_indirect_dma semaphore(%run_scoped3A_76 : memref<!tpu.dma_semaphore, #tpu.memory_space<semaphore_mem>>) src(%arg20 : memref<16x128xf32, #tpu.memory_space<vmem>>) dst(%dma_wait3A_82 : memref<10240x128xf32, #tpu.memory_space<vmem_shared>>)
        tpu.yield
      }) : () -> ()
      %barrier3A_55 = arith.constant 0 : index
      tpu.barrier barrier_id(%barrier3A_55)
      %mul3A_56 = arith.constant 640 : i32
      %mul3A_57 = arith.muli %arg1, %mul3A_56 : i32
      %add3A_58 = arith.constant 0 : i32
      %add3A_59 = arith.addi %mul3A_57, %add3A_58 : i32
      "tpu.region"() ({
        %run_scoped3A_76 = tpu.sem_alloc : memref<!tpu.dma_semaphore, #tpu.memory_space<semaphore_mem>>
        %dma_start3A_77 = arith.constant 0 : i32
        %dma_start3A_78 = tpu.memref_slice %arg6[%add3A_59, %dma_start3A_77] : memref<10240x128xf32, #tpu.memory_space<hbm>> -> memref<128x128xf32, #tpu.memory_space<hbm>>
        %dma_start3A_79 = arith.constant 0 : i32
        %dma_start3A_80 = tpu.memref_slice %arg8[%add3A_59, %dma_start3A_79] : memref<10240x128xf32, #tpu.memory_space<vmem_shared>> -> memref<128x128xf32, #tpu.memory_space<vmem_shared>>
        tpu.enqueue_dma source(%dma_start3A_80 : memref<128x128xf32, #tpu.memory_space<vmem_shared>>) target(%dma_start3A_78 : memref<128x128xf32, #tpu.memory_space<hbm>>) target_semaphore(%run_scoped3A_76 : memref<!tpu.dma_semaphore, #tpu.memory_space<semaphore_mem>>)
        %dma_wait3A_81 = arith.constant 0 : i32
        %dma_wait3A_82 = tpu.memref_slice %arg6[%add3A_59, %dma_wait3A_81] : memref<10240x128xf32, #tpu.memory_space<hbm>> -> memref<128x128xf32, #tpu.memory_space<hbm>>
        %dma_wait3A_83 = arith.constant 0 : i32
        %dma_wait3A_84 = tpu.memref_slice %arg8[%add3A_59, %dma_wait3A_83] : memref<10240x128xf32, #tpu.memory_space<vmem_shared>> -> memref<128x128xf32, #tpu.memory_space<vmem_shared>>
        tpu.wait_dma2 semaphore(%run_scoped3A_76 : memref<!tpu.dma_semaphore, #tpu.memory_space<semaphore_mem>>) src(%dma_wait3A_84 : memref<128x128xf32, #tpu.memory_space<vmem_shared>>) dst(%dma_wait3A_82 : memref<128x128xf32, #tpu.memory_space<hbm>>)
        tpu.yield
      }) : () -> ()
      %mul3A_60 = arith.constant 640 : i32
      %mul3A_61 = arith.muli %arg1, %mul3A_60 : i32
      %add3A_62 = arith.constant 128 : i32
      %add3A_63 = arith.addi %mul3A_61, %add3A_62 : i32
      "tpu.region"() ({
        %run_scoped3A_76 = tpu.sem_alloc : memref<!tpu.dma_semaphore, #tpu.memory_space<semaphore_mem>>
        %dma_start3A_77 = arith.constant 0 : i32
        %dma_start3A_78 = tpu.memref_slice %arg6[%add3A_63, %dma_start3A_77] : memref<10240x128xf32, #tpu.memory_space<hbm>> -> memref<128x128xf32, #tpu.memory_space<hbm>>
        %dma_start3A_79 = arith.constant 0 : i32
        %dma_start3A_80 = tpu.memref_slice %arg8[%add3A_63, %dma_start3A_79] : memref<10240x128xf32, #tpu.memory_space<vmem_shared>> -> memref<128x128xf32, #tpu.memory_space<vmem_shared>>
        tpu.enqueue_dma source(%dma_start3A_80 : memref<128x128xf32, #tpu.memory_space<vmem_shared>>) target(%dma_start3A_78 : memref<128x128xf32, #tpu.memory_space<hbm>>) target_semaphore(%run_scoped3A_76 : memref<!tpu.dma_semaphore, #tpu.memory_space<semaphore_mem>>)
        %dma_wait3A_81 = arith.constant 0 : i32
        %dma_wait3A_82 = tpu.memref_slice %arg6[%add3A_63, %dma_wait3A_81] : memref<10240x128xf32, #tpu.memory_space<hbm>> -> memref<128x128xf32, #tpu.memory_space<hbm>>
        %dma_wait3A_83 = arith.constant 0 : i32
        %dma_wait3A_84 = tpu.memref_slice %arg8[%add3A_63, %dma_wait3A_83] : memref<10240x128xf32, #tpu.memory_space<vmem_shared>> -> memref<128x128xf32, #tpu.memory_space<vmem_shared>>
        tpu.wait_dma2 semaphore(%run_scoped3A_76 : memref<!tpu.dma_semaphore, #tpu.memory_space<semaphore_mem>>) src(%dma_wait3A_84 : memref<128x128xf32, #tpu.memory_space<vmem_shared>>) dst(%dma_wait3A_82 : memref<128x128xf32, #tpu.memory_space<hbm>>)
        tpu.yield
      }) : () -> ()
      %mul3A_64 = arith.constant 640 : i32
      %mul3A_65 = arith.muli %arg1, %mul3A_64 : i32
      %add3A_66 = arith.constant 256 : i32
      %add3A_67 = arith.addi %mul3A_65, %add3A_66 : i32
      "tpu.region"() ({
        %run_scoped3A_76 = tpu.sem_alloc : memref<!tpu.dma_semaphore, #tpu.memory_space<semaphore_mem>>
        %dma_start3A_77 = arith.constant 0 : i32
        %dma_start3A_78 = tpu.memref_slice %arg6[%add3A_67, %dma_start3A_77] : memref<10240x128xf32, #tpu.memory_space<hbm>> -> memref<128x128xf32, #tpu.memory_space<hbm>>
        %dma_start3A_79 = arith.constant 0 : i32
        %dma_start3A_80 = tpu.memref_slice %arg8[%add3A_67, %dma_start3A_79] : memref<10240x128xf32, #tpu.memory_space<vmem_shared>> -> memref<128x128xf32, #tpu.memory_space<vmem_shared>>
        tpu.enqueue_dma source(%dma_start3A_80 : memref<128x128xf32, #tpu.memory_space<vmem_shared>>) target(%dma_start3A_78 : memref<128x128xf32, #tpu.memory_space<hbm>>) target_semaphore(%run_scoped3A_76 : memref<!tpu.dma_semaphore, #tpu.memory_space<semaphore_mem>>)
        %dma_wait3A_81 = arith.constant 0 : i32
        %dma_wait3A_82 = tpu.memref_slice %arg6[%add3A_67, %dma_wait3A_81] : memref<10240x128xf32, #tpu.memory_space<hbm>> -> memref<128x128xf32, #tpu.memory_space<hbm>>
        %dma_wait3A_83 = arith.constant 0 : i32
        %dma_wait3A_84 = tpu.memref_slice %arg8[%add3A_67, %dma_wait3A_83] : memref<10240x128xf32, #tpu.memory_space<vmem_shared>> -> memref<128x128xf32, #tpu.memory_space<vmem_shared>>
        tpu.wait_dma2 semaphore(%run_scoped3A_76 : memref<!tpu.dma_semaphore, #tpu.memory_space<semaphore_mem>>) src(%dma_wait3A_84 : memref<128x128xf32, #tpu.memory_space<vmem_shared>>) dst(%dma_wait3A_82 : memref<128x128xf32, #tpu.memory_space<hbm>>)
        tpu.yield
      }) : () -> ()
      %mul3A_68 = arith.constant 640 : i32
      %mul3A_69 = arith.muli %arg1, %mul3A_68 : i32
      %add3A_70 = arith.constant 384 : i32
      %add3A_71 = arith.addi %mul3A_69, %add3A_70 : i32
      "tpu.region"() ({
        %run_scoped3A_76 = tpu.sem_alloc : memref<!tpu.dma_semaphore, #tpu.memory_space<semaphore_mem>>
        %dma_start3A_77 = arith.constant 0 : i32
        %dma_start3A_78 = tpu.memref_slice %arg6[%add3A_71, %dma_start3A_77] : memref<10240x128xf32, #tpu.memory_space<hbm>> -> memref<128x128xf32, #tpu.memory_space<hbm>>
        %dma_start3A_79 = arith.constant 0 : i32
        %dma_start3A_80 = tpu.memref_slice %arg8[%add3A_71, %dma_start3A_79] : memref<10240x128xf32, #tpu.memory_space<vmem_shared>> -> memref<128x128xf32, #tpu.memory_space<vmem_shared>>
        tpu.enqueue_dma source(%dma_start3A_80 : memref<128x128xf32, #tpu.memory_space<vmem_shared>>) target(%dma_start3A_78 : memref<128x128xf32, #tpu.memory_space<hbm>>) target_semaphore(%run_scoped3A_76 : memref<!tpu.dma_semaphore, #tpu.memory_space<semaphore_mem>>)
        %dma_wait3A_81 = arith.constant 0 : i32
        %dma_wait3A_82 = tpu.memref_slice %arg6[%add3A_71, %dma_wait3A_81] : memref<10240x128xf32, #tpu.memory_space<hbm>> -> memref<128x128xf32, #tpu.memory_space<hbm>>
        %dma_wait3A_83 = arith.constant 0 : i32
        %dma_wait3A_84 = tpu.memref_slice %arg8[%add3A_71, %dma_wait3A_83] : memref<10240x128xf32, #tpu.memory_space<vmem_shared>> -> memref<128x128xf32, #tpu.memory_space<vmem_shared>>
        tpu.wait_dma2 semaphore(%run_scoped3A_76 : memref<!tpu.dma_semaphore, #tpu.memory_space<semaphore_mem>>) src(%dma_wait3A_84 : memref<128x128xf32, #tpu.memory_space<vmem_shared>>) dst(%dma_wait3A_82 : memref<128x128xf32, #tpu.memory_space<hbm>>)
        tpu.yield
      }) : () -> ()
      %mul3A_72 = arith.constant 640 : i32
      %mul3A_73 = arith.muli %arg1, %mul3A_72 : i32
      %add3A_74 = arith.constant 512 : i32
      %add3A_75 = arith.addi %mul3A_73, %add3A_74 : i32
      "tpu.region"() ({
        %run_scoped3A_76 = tpu.sem_alloc : memref<!tpu.dma_semaphore, #tpu.memory_space<semaphore_mem>>
        %dma_start3A_77 = arith.constant 0 : i32
        %dma_start3A_78 = tpu.memref_slice %arg6[%add3A_75, %dma_start3A_77] : memref<10240x128xf32, #tpu.memory_space<hbm>> -> memref<128x128xf32, #tpu.memory_space<hbm>>
        %dma_start3A_79 = arith.constant 0 : i32
        %dma_start3A_80 = tpu.memref_slice %arg8[%add3A_75, %dma_start3A_79] : memref<10240x128xf32, #tpu.memory_space<vmem_shared>> -> memref<128x128xf32, #tpu.memory_space<vmem_shared>>
        tpu.enqueue_dma source(%dma_start3A_80 : memref<128x128xf32, #tpu.memory_space<vmem_shared>>) target(%dma_start3A_78 : memref<128x128xf32, #tpu.memory_space<hbm>>) target_semaphore(%run_scoped3A_76 : memref<!tpu.dma_semaphore, #tpu.memory_space<semaphore_mem>>)
        %dma_wait3A_81 = arith.constant 0 : i32
        %dma_wait3A_82 = tpu.memref_slice %arg6[%add3A_75, %dma_wait3A_81] : memref<10240x128xf32, #tpu.memory_space<hbm>> -> memref<128x128xf32, #tpu.memory_space<hbm>>
        %dma_wait3A_83 = arith.constant 0 : i32
        %dma_wait3A_84 = tpu.memref_slice %arg8[%add3A_75, %dma_wait3A_83] : memref<10240x128xf32, #tpu.memory_space<vmem_shared>> -> memref<128x128xf32, #tpu.memory_space<vmem_shared>>
        tpu.wait_dma2 semaphore(%run_scoped3A_76 : memref<!tpu.dma_semaphore, #tpu.memory_space<semaphore_mem>>) src(%dma_wait3A_84 : memref<128x128xf32, #tpu.memory_space<vmem_shared>>) dst(%dma_wait3A_82 : memref<128x128xf32, #tpu.memory_space<hbm>>)
        tpu.yield
      }) : () -> ()
    } else {
    }
    %eq3A_2 = arith.constant 1 : i32
    %eq3A_3 = arith.cmpi eq, %arg0, %eq3A_2 : i32
    %convert_element_type3A_4 = arith.extui %eq3A_3 : i1 to i32
    %cond3A_5 = arith.constant 0 : i32
    %cond3A_6 = arith.cmpi ne, %convert_element_type3A_4, %cond3A_5 : i32
    scf.if %cond3A_6 {
      %mul3A = arith.constant 640 : i32
      %mul3A_7 = arith.muli %arg1, %mul3A : i32
      %add3A = arith.constant 0 : i32
      %add3A_8 = arith.addi %mul3A_7, %add3A : i32
      "tpu.region"() ({
        %run_scoped3A_76 = tpu.sem_alloc : memref<!tpu.dma_semaphore, #tpu.memory_space<semaphore_mem>>
        %dma_start3A_77 = arith.constant 0 : i32
        %dma_start3A_78 = tpu.memref_slice %arg8[%add3A_8, %dma_start3A_77] : memref<10240x128xf32, #tpu.memory_space<vmem_shared>> -> memref<128x128xf32, #tpu.memory_space<vmem_shared>>
        tpu.enqueue_dma source(%arg5 : memref<128x128xf32, #tpu.memory_space<hbm>>) target(%dma_start3A_78 : memref<128x128xf32, #tpu.memory_space<vmem_shared>>) target_semaphore(%run_scoped3A_76 : memref<!tpu.dma_semaphore, #tpu.memory_space<semaphore_mem>>)
        %dma_wait3A_79 = arith.constant 0 : i32
        %dma_wait3A_80 = tpu.memref_slice %arg8[%add3A_8, %dma_wait3A_79] : memref<10240x128xf32, #tpu.memory_space<vmem_shared>> -> memref<128x128xf32, #tpu.memory_space<vmem_shared>>
        tpu.wait_dma2 semaphore(%run_scoped3A_76 : memref<!tpu.dma_semaphore, #tpu.memory_space<semaphore_mem>>) src(%arg5 : memref<128x128xf32, #tpu.memory_space<hbm>>) dst(%dma_wait3A_80 : memref<128x128xf32, #tpu.memory_space<vmem_shared>>)
        tpu.yield
      }) : () -> ()
      %mul3A_9 = arith.constant 640 : i32
      %mul3A_10 = arith.muli %arg1, %mul3A_9 : i32
      %add3A_11 = arith.constant 128 : i32
      %add3A_12 = arith.addi %mul3A_10, %add3A_11 : i32
      "tpu.region"() ({
        %run_scoped3A_76 = tpu.sem_alloc : memref<!tpu.dma_semaphore, #tpu.memory_space<semaphore_mem>>
        %dma_start3A_77 = arith.constant 0 : i32
        %dma_start3A_78 = tpu.memref_slice %arg8[%add3A_12, %dma_start3A_77] : memref<10240x128xf32, #tpu.memory_space<vmem_shared>> -> memref<128x128xf32, #tpu.memory_space<vmem_shared>>
        tpu.enqueue_dma source(%arg5 : memref<128x128xf32, #tpu.memory_space<hbm>>) target(%dma_start3A_78 : memref<128x128xf32, #tpu.memory_space<vmem_shared>>) target_semaphore(%run_scoped3A_76 : memref<!tpu.dma_semaphore, #tpu.memory_space<semaphore_mem>>)
        %dma_wait3A_79 = arith.constant 0 : i32
        %dma_wait3A_80 = tpu.memref_slice %arg8[%add3A_12, %dma_wait3A_79] : memref<10240x128xf32, #tpu.memory_space<vmem_shared>> -> memref<128x128xf32, #tpu.memory_space<vmem_shared>>
        tpu.wait_dma2 semaphore(%run_scoped3A_76 : memref<!tpu.dma_semaphore, #tpu.memory_space<semaphore_mem>>) src(%arg5 : memref<128x128xf32, #tpu.memory_space<hbm>>) dst(%dma_wait3A_80 : memref<128x128xf32, #tpu.memory_space<vmem_shared>>)
        tpu.yield
      }) : () -> ()
      %mul3A_13 = arith.constant 640 : i32
      %mul3A_14 = arith.muli %arg1, %mul3A_13 : i32
      %add3A_15 = arith.constant 256 : i32
      %add3A_16 = arith.addi %mul3A_14, %add3A_15 : i32
      "tpu.region"() ({
        %run_scoped3A_76 = tpu.sem_alloc : memref<!tpu.dma_semaphore, #tpu.memory_space<semaphore_mem>>
        %dma_start3A_77 = arith.constant 0 : i32
        %dma_start3A_78 = tpu.memref_slice %arg8[%add3A_16, %dma_start3A_77] : memref<10240x128xf32, #tpu.memory_space<vmem_shared>> -> memref<128x128xf32, #tpu.memory_space<vmem_shared>>
        tpu.enqueue_dma source(%arg5 : memref<128x128xf32, #tpu.memory_space<hbm>>) target(%dma_start3A_78 : memref<128x128xf32, #tpu.memory_space<vmem_shared>>) target_semaphore(%run_scoped3A_76 : memref<!tpu.dma_semaphore, #tpu.memory_space<semaphore_mem>>)
        %dma_wait3A_79 = arith.constant 0 : i32
        %dma_wait3A_80 = tpu.memref_slice %arg8[%add3A_16, %dma_wait3A_79] : memref<10240x128xf32, #tpu.memory_space<vmem_shared>> -> memref<128x128xf32, #tpu.memory_space<vmem_shared>>
        tpu.wait_dma2 semaphore(%run_scoped3A_76 : memref<!tpu.dma_semaphore, #tpu.memory_space<semaphore_mem>>) src(%arg5 : memref<128x128xf32, #tpu.memory_space<hbm>>) dst(%dma_wait3A_80 : memref<128x128xf32, #tpu.memory_space<vmem_shared>>)
        tpu.yield
      }) : () -> ()
      %mul3A_17 = arith.constant 640 : i32
      %mul3A_18 = arith.muli %arg1, %mul3A_17 : i32
      %add3A_19 = arith.constant 384 : i32
      %add3A_20 = arith.addi %mul3A_18, %add3A_19 : i32
      "tpu.region"() ({
        %run_scoped3A_76 = tpu.sem_alloc : memref<!tpu.dma_semaphore, #tpu.memory_space<semaphore_mem>>
        %dma_start3A_77 = arith.constant 0 : i32
        %dma_start3A_78 = tpu.memref_slice %arg8[%add3A_20, %dma_start3A_77] : memref<10240x128xf32, #tpu.memory_space<vmem_shared>> -> memref<128x128xf32, #tpu.memory_space<vmem_shared>>
        tpu.enqueue_dma source(%arg5 : memref<128x128xf32, #tpu.memory_space<hbm>>) target(%dma_start3A_78 : memref<128x128xf32, #tpu.memory_space<vmem_shared>>) target_semaphore(%run_scoped3A_76 : memref<!tpu.dma_semaphore, #tpu.memory_space<semaphore_mem>>)
        %dma_wait3A_79 = arith.constant 0 : i32
        %dma_wait3A_80 = tpu.memref_slice %arg8[%add3A_20, %dma_wait3A_79] : memref<10240x128xf32, #tpu.memory_space<vmem_shared>> -> memref<128x128xf32, #tpu.memory_space<vmem_shared>>
        tpu.wait_dma2 semaphore(%run_scoped3A_76 : memref<!tpu.dma_semaphore, #tpu.memory_space<semaphore_mem>>) src(%arg5 : memref<128x128xf32, #tpu.memory_space<hbm>>) dst(%dma_wait3A_80 : memref<128x128xf32, #tpu.memory_space<vmem_shared>>)
        tpu.yield
      }) : () -> ()
      %mul3A_21 = arith.constant 640 : i32
      %mul3A_22 = arith.muli %arg1, %mul3A_21 : i32
      %add3A_23 = arith.constant 512 : i32
      %add3A_24 = arith.addi %mul3A_22, %add3A_23 : i32
      "tpu.region"() ({
        %run_scoped3A_76 = tpu.sem_alloc : memref<!tpu.dma_semaphore, #tpu.memory_space<semaphore_mem>>
        %dma_start3A_77 = arith.constant 0 : i32
        %dma_start3A_78 = tpu.memref_slice %arg8[%add3A_24, %dma_start3A_77] : memref<10240x128xf32, #tpu.memory_space<vmem_shared>> -> memref<128x128xf32, #tpu.memory_space<vmem_shared>>
        tpu.enqueue_dma source(%arg5 : memref<128x128xf32, #tpu.memory_space<hbm>>) target(%dma_start3A_78 : memref<128x128xf32, #tpu.memory_space<vmem_shared>>) target_semaphore(%run_scoped3A_76 : memref<!tpu.dma_semaphore, #tpu.memory_space<semaphore_mem>>)
        %dma_wait3A_79 = arith.constant 0 : i32
        %dma_wait3A_80 = tpu.memref_slice %arg8[%add3A_24, %dma_wait3A_79] : memref<10240x128xf32, #tpu.memory_space<vmem_shared>> -> memref<128x128xf32, #tpu.memory_space<vmem_shared>>
        tpu.wait_dma2 semaphore(%run_scoped3A_76 : memref<!tpu.dma_semaphore, #tpu.memory_space<semaphore_mem>>) src(%arg5 : memref<128x128xf32, #tpu.memory_space<hbm>>) dst(%dma_wait3A_80 : memref<128x128xf32, #tpu.memory_space<vmem_shared>>)
        tpu.yield
      }) : () -> ()
      %barrier3A = arith.constant 0 : index
      tpu.barrier barrier_id(%barrier3A)
      %mul3A_25 = arith.constant 10000 : i32
      %mul3A_26 = arith.muli %arg1, %mul3A_25 : i32
      %run_scoped3A = arith.constant 0 : i32
      "tpu.region"() ({
        %run_scoped3A_76 = tpu.sem_alloc : memref<!tpu.dma_semaphore, #tpu.memory_space<semaphore_mem>>
        %dma_start3A_77 = tpu.memref_slice %arg4[%run_scoped3A, %mul3A_26] : memref<2x160000xi32, #tpu.memory_space<hbm>> -> memref<1x64xi32, #tpu.memory_space<hbm>>
        %dma_start3A_78 = tpu.memref_squeeze %dma_start3A_77 : memref<1x64xi32, #tpu.memory_space<hbm>> -> memref<64xi32, #tpu.memory_space<hbm>>
        %dma_start3A_79 = tpu.memref_slice %arg4[%run_scoped3A, %mul3A_26] : memref<2x160000xi32, #tpu.memory_space<hbm>> -> memref<1x64xi32, #tpu.memory_space<hbm>>
        %dma_start3A_80 = tpu.memref_squeeze %dma_start3A_79 : memref<1x64xi32, #tpu.memory_space<hbm>> -> memref<64xi32, #tpu.memory_space<hbm>>
        tpu.enqueue_dma source(%dma_start3A_80 : memref<64xi32, #tpu.memory_space<hbm>>) target(%arg9 : memref<64xi32, #tpu.memory_space<vmem>>) target_semaphore(%run_scoped3A_76 : memref<!tpu.dma_semaphore, #tpu.memory_space<semaphore_mem>>)
        %dma_wait3A_81 = tpu.memref_slice %arg4[%run_scoped3A, %mul3A_26] : memref<2x160000xi32, #tpu.memory_space<hbm>> -> memref<1x64xi32, #tpu.memory_space<hbm>>
        %dma_wait3A_82 = tpu.memref_squeeze %dma_wait3A_81 : memref<1x64xi32, #tpu.memory_space<hbm>> -> memref<64xi32, #tpu.memory_space<hbm>>
        %dma_wait3A_83 = tpu.memref_slice %arg4[%run_scoped3A, %mul3A_26] : memref<2x160000xi32, #tpu.memory_space<hbm>> -> memref<1x64xi32, #tpu.memory_space<hbm>>
        %dma_wait3A_84 = tpu.memref_squeeze %dma_wait3A_83 : memref<1x64xi32, #tpu.memory_space<hbm>> -> memref<64xi32, #tpu.memory_space<hbm>>
        tpu.wait_dma2 semaphore(%run_scoped3A_76 : memref<!tpu.dma_semaphore, #tpu.memory_space<semaphore_mem>>) src(%dma_wait3A_84 : memref<64xi32, #tpu.memory_space<hbm>>) dst(%arg9 : memref<64xi32, #tpu.memory_space<vmem>>)
        tpu.yield
      }) : () -> ()
      %run_scoped3A_27 = arith.constant 1 : i32
      "tpu.region"() ({
        %run_scoped3A_76 = tpu.sem_alloc : memref<!tpu.dma_semaphore, #tpu.memory_space<semaphore_mem>>
        %dma_start3A_77 = tpu.memref_slice %arg4[%run_scoped3A_27, %mul3A_26] : memref<2x160000xi32, #tpu.memory_space<hbm>> -> memref<1x64xi32, #tpu.memory_space<hbm>>
        %dma_start3A_78 = tpu.memref_squeeze %dma_start3A_77 : memref<1x64xi32, #tpu.memory_space<hbm>> -> memref<64xi32, #tpu.memory_space<hbm>>
        %dma_start3A_79 = tpu.memref_slice %arg4[%run_scoped3A_27, %mul3A_26] : memref<2x160000xi32, #tpu.memory_space<hbm>> -> memref<1x64xi32, #tpu.memory_space<hbm>>
        %dma_start3A_80 = tpu.memref_squeeze %dma_start3A_79 : memref<1x64xi32, #tpu.memory_space<hbm>> -> memref<64xi32, #tpu.memory_space<hbm>>
        tpu.enqueue_dma source(%dma_start3A_80 : memref<64xi32, #tpu.memory_space<hbm>>) target(%arg10 : memref<64xi32, #tpu.memory_space<vmem>>) target_semaphore(%run_scoped3A_76 : memref<!tpu.dma_semaphore, #tpu.memory_space<semaphore_mem>>)
        %dma_wait3A_81 = tpu.memref_slice %arg4[%run_scoped3A_27, %mul3A_26] : memref<2x160000xi32, #tpu.memory_space<hbm>> -> memref<1x64xi32, #tpu.memory_space<hbm>>
        %dma_wait3A_82 = tpu.memref_squeeze %dma_wait3A_81 : memref<1x64xi32, #tpu.memory_space<hbm>> -> memref<64xi32, #tpu.memory_space<hbm>>
        %dma_wait3A_83 = tpu.memref_slice %arg4[%run_scoped3A_27, %mul3A_26] : memref<2x160000xi32, #tpu.memory_space<hbm>> -> memref<1x64xi32, #tpu.memory_space<hbm>>
        %dma_wait3A_84 = tpu.memref_squeeze %dma_wait3A_83 : memref<1x64xi32, #tpu.memory_space<hbm>> -> memref<64xi32, #tpu.memory_space<hbm>>
        tpu.wait_dma2 semaphore(%run_scoped3A_76 : memref<!tpu.dma_semaphore, #tpu.memory_space<semaphore_mem>>) src(%dma_wait3A_84 : memref<64xi32, #tpu.memory_space<hbm>>) dst(%arg10 : memref<64xi32, #tpu.memory_space<vmem>>)
        tpu.yield
      }) : () -> ()
      %dma_start3A = arith.constant 0 : i32
      %dma_start3A_28 = arith.constant 0 : i32
      %dma_start3A_29 = tpu.memref_slice %arg3[%dma_start3A, %dma_start3A_28] : memref<10240x128xf32, #tpu.memory_space<hbm>> -> memref<10240x128xf32, #tpu.memory_space<hbm>>
      tpu.enqueue_indirect_dma source(%dma_start3A_29 : memref<10240x128xf32, #tpu.memory_space<hbm>>) target(%arg11 : memref<64x128xf32, #tpu.memory_space<vmem>>) offsets(%arg9 : memref<64xi32, #tpu.memory_space<vmem>>) semaphore(%arg21 : memref<!tpu.dma_semaphore, #tpu.memory_space<semaphore_mem>>)
      %add3A_30 = arith.constant 64 : i32
      %add3A_31 = arith.addi %mul3A_26, %add3A_30 : i32
      %run_scoped3A_32 = arith.constant 0 : i32
      "tpu.region"() ({
        %run_scoped3A_76 = tpu.sem_alloc : memref<!tpu.dma_semaphore, #tpu.memory_space<semaphore_mem>>
        %dma_start3A_77 = tpu.memref_slice %arg4[%run_scoped3A_32, %add3A_31] : memref<2x160000xi32, #tpu.memory_space<hbm>> -> memref<1x64xi32, #tpu.memory_space<hbm>>
        %dma_start3A_78 = tpu.memref_squeeze %dma_start3A_77 : memref<1x64xi32, #tpu.memory_space<hbm>> -> memref<64xi32, #tpu.memory_space<hbm>>
        %dma_start3A_79 = tpu.memref_slice %arg4[%run_scoped3A_32, %add3A_31] : memref<2x160000xi32, #tpu.memory_space<hbm>> -> memref<1x64xi32, #tpu.memory_space<hbm>>
        %dma_start3A_80 = tpu.memref_squeeze %dma_start3A_79 : memref<1x64xi32, #tpu.memory_space<hbm>> -> memref<64xi32, #tpu.memory_space<hbm>>
        tpu.enqueue_dma source(%dma_start3A_80 : memref<64xi32, #tpu.memory_space<hbm>>) target(%arg12 : memref<64xi32, #tpu.memory_space<vmem>>) target_semaphore(%run_scoped3A_76 : memref<!tpu.dma_semaphore, #tpu.memory_space<semaphore_mem>>)
        %dma_wait3A_81 = tpu.memref_slice %arg4[%run_scoped3A_32, %add3A_31] : memref<2x160000xi32, #tpu.memory_space<hbm>> -> memref<1x64xi32, #tpu.memory_space<hbm>>
        %dma_wait3A_82 = tpu.memref_squeeze %dma_wait3A_81 : memref<1x64xi32, #tpu.memory_space<hbm>> -> memref<64xi32, #tpu.memory_space<hbm>>
        %dma_wait3A_83 = tpu.memref_slice %arg4[%run_scoped3A_32, %add3A_31] : memref<2x160000xi32, #tpu.memory_space<hbm>> -> memref<1x64xi32, #tpu.memory_space<hbm>>
        %dma_wait3A_84 = tpu.memref_squeeze %dma_wait3A_83 : memref<1x64xi32, #tpu.memory_space<hbm>> -> memref<64xi32, #tpu.memory_space<hbm>>
        tpu.wait_dma2 semaphore(%run_scoped3A_76 : memref<!tpu.dma_semaphore, #tpu.memory_space<semaphore_mem>>) src(%dma_wait3A_84 : memref<64xi32, #tpu.memory_space<hbm>>) dst(%arg12 : memref<64xi32, #tpu.memory_space<vmem>>)
        tpu.yield
      }) : () -> ()
      %run_scoped3A_33 = arith.constant 1 : i32
      "tpu.region"() ({
        %run_scoped3A_76 = tpu.sem_alloc : memref<!tpu.dma_semaphore, #tpu.memory_space<semaphore_mem>>
        %dma_start3A_77 = tpu.memref_slice %arg4[%run_scoped3A_33, %add3A_31] : memref<2x160000xi32, #tpu.memory_space<hbm>> -> memref<1x64xi32, #tpu.memory_space<hbm>>
        %dma_start3A_78 = tpu.memref_squeeze %dma_start3A_77 : memref<1x64xi32, #tpu.memory_space<hbm>> -> memref<64xi32, #tpu.memory_space<hbm>>
        %dma_start3A_79 = tpu.memref_slice %arg4[%run_scoped3A_33, %add3A_31] : memref<2x160000xi32, #tpu.memory_space<hbm>> -> memref<1x64xi32, #tpu.memory_space<hbm>>
        %dma_start3A_80 = tpu.memref_squeeze %dma_start3A_79 : memref<1x64xi32, #tpu.memory_space<hbm>> -> memref<64xi32, #tpu.memory_space<hbm>>
        tpu.enqueue_dma source(%dma_start3A_80 : memref<64xi32, #tpu.memory_space<hbm>>) target(%arg13 : memref<64xi32, #tpu.memory_space<vmem>>) target_semaphore(%run_scoped3A_76 : memref<!tpu.dma_semaphore, #tpu.memory_space<semaphore_mem>>)
        %dma_wait3A_81 = tpu.memref_slice %arg4[%run_scoped3A_33, %add3A_31] : memref<2x160000xi32, #tpu.memory_space<hbm>> -> memref<1x64xi32, #tpu.memory_space<hbm>>
        %dma_wait3A_82 = tpu.memref_squeeze %dma_wait3A_81 : memref<1x64xi32, #tpu.memory_space<hbm>> -> memref<64xi32, #tpu.memory_space<hbm>>
        %dma_wait3A_83 = tpu.memref_slice %arg4[%run_scoped3A_33, %add3A_31] : memref<2x160000xi32, #tpu.memory_space<hbm>> -> memref<1x64xi32, #tpu.memory_space<hbm>>
        %dma_wait3A_84 = tpu.memref_squeeze %dma_wait3A_83 : memref<1x64xi32, #tpu.memory_space<hbm>> -> memref<64xi32, #tpu.memory_space<hbm>>
        tpu.wait_dma2 semaphore(%run_scoped3A_76 : memref<!tpu.dma_semaphore, #tpu.memory_space<semaphore_mem>>) src(%dma_wait3A_84 : memref<64xi32, #tpu.memory_space<hbm>>) dst(%arg13 : memref<64xi32, #tpu.memory_space<vmem>>)
        tpu.yield
      }) : () -> ()
      %dma_start3A_34 = arith.constant 0 : i32
      %dma_start3A_35 = arith.constant 0 : i32
      %dma_start3A_36 = tpu.memref_slice %arg3[%dma_start3A_34, %dma_start3A_35] : memref<10240x128xf32, #tpu.memory_space<hbm>> -> memref<10240x128xf32, #tpu.memory_space<hbm>>
      tpu.enqueue_indirect_dma source(%dma_start3A_36 : memref<10240x128xf32, #tpu.memory_space<hbm>>) target(%arg14 : memref<64x128xf32, #tpu.memory_space<vmem>>) offsets(%arg12 : memref<64xi32, #tpu.memory_space<vmem>>) semaphore(%arg23 : memref<!tpu.dma_semaphore, #tpu.memory_space<semaphore_mem>>)
      %scan3A = arith.constant 0 : i32
      %scan3A_37 = arith.constant 0 : i32
      %scan3A_38 = arith.constant 52 : i32
      %scan3A_39 = arith.addi %scan3A_37, %scan3A_38 : i32
      %scan3A_40 = arith.constant 1 : i32
      %scan3A_41 = scf.for %scan3A_76 = %scan3A_37 to %scan3A_39 step %scan3A_40 iter_args(%scan3A_77 = %scan3A) -> (i32)  : i32 {
        %dma_wait3A_78 = arith.constant 0 : i32
        %dma_wait3A_79 = arith.constant 0 : i32
        %dma_wait3A_80 = tpu.memref_slice %arg3[%dma_wait3A_78, %dma_wait3A_79] : memref<10240x128xf32, #tpu.memory_space<hbm>> -> memref<10240x128xf32, #tpu.memory_space<hbm>>
        tpu.wait_indirect_dma semaphore(%arg21 : memref<!tpu.dma_semaphore, #tpu.memory_space<semaphore_mem>>) src(%dma_wait3A_80 : memref<10240x128xf32, #tpu.memory_space<hbm>>) dst(%arg11 : memref<64x128xf32, #tpu.memory_space<vmem>>)
        %dma_start3A_81 = arith.constant 0 : i32
        %dma_start3A_82 = arith.constant 0 : i32
        %dma_start3A_83 = tpu.memref_slice %arg8[%dma_start3A_81, %dma_start3A_82] : memref<10240x128xf32, #tpu.memory_space<vmem_shared>> -> memref<10240x128xf32, #tpu.memory_space<vmem_shared>>
        tpu.enqueue_indirect_dma source(%arg11 : memref<64x128xf32, #tpu.memory_space<vmem>>) target(%dma_start3A_83 : memref<10240x128xf32, #tpu.memory_space<vmem_shared>>) offsets(%arg10 : memref<64xi32, #tpu.memory_space<vmem>>) semaphore(%arg22 : memref<!tpu.dma_semaphore, #tpu.memory_space<semaphore_mem>>) {add = true}
        %gt3A = arith.constant 0 : i32
        %gt3A_84 = arith.cmpi sgt, %scan3A_76, %gt3A : i32
        %convert_element_type3A_85 = arith.extui %gt3A_84 : i1 to i32
        %cond3A_86 = arith.constant 0 : i32
        %cond3A_87 = arith.cmpi ne, %convert_element_type3A_85, %cond3A_86 : i32
        scf.if %cond3A_87 {
          %dma_wait3A_142 = arith.constant 0 : i32
          %dma_wait3A_143 = arith.constant 0 : i32
          %dma_wait3A_144 = tpu.memref_slice %arg8[%dma_wait3A_142, %dma_wait3A_143] : memref<10240x128xf32, #tpu.memory_space<vmem_shared>> -> memref<10240x128xf32, #tpu.memory_space<vmem_shared>>
          tpu.wait_indirect_dma semaphore(%arg26 : memref<!tpu.dma_semaphore, #tpu.memory_space<semaphore_mem>>) src(%arg17 : memref<64x128xf32, #tpu.memory_space<vmem>>) dst(%dma_wait3A_144 : memref<10240x128xf32, #tpu.memory_space<vmem_shared>>)
        } else {
        }
        %mul3A_88 = arith.constant 3 : i32
        %mul3A_89 = arith.muli %mul3A_88, %scan3A_76 : i32
        %add3A_90 = arith.constant 0 : i32
        %add3A_91 = arith.addi %mul3A_89, %add3A_90 : i32
        %add3A_92 = arith.constant 2 : i32
        %add3A_93 = arith.addi %add3A_91, %add3A_92 : i32
        %mul3A_94 = arith.constant 64 : i32
        %mul3A_95 = arith.muli %add3A_93, %mul3A_94 : i32
        %add3A_96 = arith.addi %mul3A_26, %mul3A_95 : i32
        %run_scoped3A_97 = arith.constant 0 : i32
        "tpu.region"() ({
          %run_scoped3A_142 = tpu.sem_alloc : memref<!tpu.dma_semaphore, #tpu.memory_space<semaphore_mem>>
          %dma_start3A_143 = tpu.memref_slice %arg4[%run_scoped3A_97, %add3A_96] : memref<2x160000xi32, #tpu.memory_space<hbm>> -> memref<1x64xi32, #tpu.memory_space<hbm>>
          %dma_start3A_144 = tpu.memref_squeeze %dma_start3A_143 : memref<1x64xi32, #tpu.memory_space<hbm>> -> memref<64xi32, #tpu.memory_space<hbm>>
          %dma_start3A_145 = tpu.memref_slice %arg4[%run_scoped3A_97, %add3A_96] : memref<2x160000xi32, #tpu.memory_space<hbm>> -> memref<1x64xi32, #tpu.memory_space<hbm>>
          %dma_start3A_146 = tpu.memref_squeeze %dma_start3A_145 : memref<1x64xi32, #tpu.memory_space<hbm>> -> memref<64xi32, #tpu.memory_space<hbm>>
          tpu.enqueue_dma source(%dma_start3A_146 : memref<64xi32, #tpu.memory_space<hbm>>) target(%arg15 : memref<64xi32, #tpu.memory_space<vmem>>) target_semaphore(%run_scoped3A_142 : memref<!tpu.dma_semaphore, #tpu.memory_space<semaphore_mem>>)
          %dma_wait3A_147 = tpu.memref_slice %arg4[%run_scoped3A_97, %add3A_96] : memref<2x160000xi32, #tpu.memory_space<hbm>> -> memref<1x64xi32, #tpu.memory_space<hbm>>
          %dma_wait3A_148 = tpu.memref_squeeze %dma_wait3A_147 : memref<1x64xi32, #tpu.memory_space<hbm>> -> memref<64xi32, #tpu.memory_space<hbm>>
          %dma_wait3A_149 = tpu.memref_slice %arg4[%run_scoped3A_97, %add3A_96] : memref<2x160000xi32, #tpu.memory_space<hbm>> -> memref<1x64xi32, #tpu.memory_space<hbm>>
          %dma_wait3A_150 = tpu.memref_squeeze %dma_wait3A_149 : memref<1x64xi32, #tpu.memory_space<hbm>> -> memref<64xi32, #tpu.memory_space<hbm>>
          tpu.wait_dma2 semaphore(%run_scoped3A_142 : memref<!tpu.dma_semaphore, #tpu.memory_space<semaphore_mem>>) src(%dma_wait3A_150 : memref<64xi32, #tpu.memory_space<hbm>>) dst(%arg15 : memref<64xi32, #tpu.memory_space<vmem>>)
          tpu.yield
        }) : () -> ()
        %run_scoped3A_98 = arith.constant 1 : i32
        "tpu.region"() ({
          %run_scoped3A_142 = tpu.sem_alloc : memref<!tpu.dma_semaphore, #tpu.memory_space<semaphore_mem>>
          %dma_start3A_143 = tpu.memref_slice %arg4[%run_scoped3A_98, %add3A_96] : memref<2x160000xi32, #tpu.memory_space<hbm>> -> memref<1x64xi32, #tpu.memory_space<hbm>>
          %dma_start3A_144 = tpu.memref_squeeze %dma_start3A_143 : memref<1x64xi32, #tpu.memory_space<hbm>> -> memref<64xi32, #tpu.memory_space<hbm>>
          %dma_start3A_145 = tpu.memref_slice %arg4[%run_scoped3A_98, %add3A_96] : memref<2x160000xi32, #tpu.memory_space<hbm>> -> memref<1x64xi32, #tpu.memory_space<hbm>>
          %dma_start3A_146 = tpu.memref_squeeze %dma_start3A_145 : memref<1x64xi32, #tpu.memory_space<hbm>> -> memref<64xi32, #tpu.memory_space<hbm>>
          tpu.enqueue_dma source(%dma_start3A_146 : memref<64xi32, #tpu.memory_space<hbm>>) target(%arg16 : memref<64xi32, #tpu.memory_space<vmem>>) target_semaphore(%run_scoped3A_142 : memref<!tpu.dma_semaphore, #tpu.memory_space<semaphore_mem>>)
          %dma_wait3A_147 = tpu.memref_slice %arg4[%run_scoped3A_98, %add3A_96] : memref<2x160000xi32, #tpu.memory_space<hbm>> -> memref<1x64xi32, #tpu.memory_space<hbm>>
          %dma_wait3A_148 = tpu.memref_squeeze %dma_wait3A_147 : memref<1x64xi32, #tpu.memory_space<hbm>> -> memref<64xi32, #tpu.memory_space<hbm>>
          %dma_wait3A_149 = tpu.memref_slice %arg4[%run_scoped3A_98, %add3A_96] : memref<2x160000xi32, #tpu.memory_space<hbm>> -> memref<1x64xi32, #tpu.memory_space<hbm>>
          %dma_wait3A_150 = tpu.memref_squeeze %dma_wait3A_149 : memref<1x64xi32, #tpu.memory_space<hbm>> -> memref<64xi32, #tpu.memory_space<hbm>>
          tpu.wait_dma2 semaphore(%run_scoped3A_142 : memref<!tpu.dma_semaphore, #tpu.memory_space<semaphore_mem>>) src(%dma_wait3A_150 : memref<64xi32, #tpu.memory_space<hbm>>) dst(%arg16 : memref<64xi32, #tpu.memory_space<vmem>>)
          tpu.yield
        }) : () -> ()
        %dma_start3A_99 = arith.constant 0 : i32
        %dma_start3A_100 = arith.constant 0 : i32
        %dma_start3A_101 = tpu.memref_slice %arg3[%dma_start3A_99, %dma_start3A_100] : memref<10240x128xf32, #tpu.memory_space<hbm>> -> memref<10240x128xf32, #tpu.memory_space<hbm>>
        tpu.enqueue_indirect_dma source(%dma_start3A_101 : memref<10240x128xf32, #tpu.memory_space<hbm>>) target(%arg17 : memref<64x128xf32, #tpu.memory_space<vmem>>) offsets(%arg15 : memref<64xi32, #tpu.memory_space<vmem>>) semaphore(%arg25 : memref<!tpu.dma_semaphore, #tpu.memory_space<semaphore_mem>>)
        %dma_wait3A_102 = arith.constant 0 : i32
        %dma_wait3A_103 = arith.constant 0 : i32
        %dma_wait3A_104 = tpu.memref_slice %arg3[%dma_wait3A_102, %dma_wait3A_103] : memref<10240x128xf32, #tpu.memory_space<hbm>> -> memref<10240x128xf32, #tpu.memory_space<hbm>>
        tpu.wait_indirect_dma semaphore(%arg23 : memref<!tpu.dma_semaphore, #tpu.memory_space<semaphore_mem>>) src(%dma_wait3A_104 : memref<10240x128xf32, #tpu.memory_space<hbm>>) dst(%arg14 : memref<64x128xf32, #tpu.memory_space<vmem>>)
        %dma_start3A_105 = arith.constant 0 : i32
        %dma_start3A_106 = arith.constant 0 : i32
        %dma_start3A_107 = tpu.memref_slice %arg8[%dma_start3A_105, %dma_start3A_106] : memref<10240x128xf32, #tpu.memory_space<vmem_shared>> -> memref<10240x128xf32, #tpu.memory_space<vmem_shared>>
        tpu.enqueue_indirect_dma source(%arg14 : memref<64x128xf32, #tpu.memory_space<vmem>>) target(%dma_start3A_107 : memref<10240x128xf32, #tpu.memory_space<vmem_shared>>) offsets(%arg13 : memref<64xi32, #tpu.memory_space<vmem>>) semaphore(%arg24 : memref<!tpu.dma_semaphore, #tpu.memory_space<semaphore_mem>>) {add = true}
        %dma_wait3A_108 = arith.constant 0 : i32
        %dma_wait3A_109 = arith.constant 0 : i32
        %dma_wait3A_110 = tpu.memref_slice %arg8[%dma_wait3A_108, %dma_wait3A_109] : memref<10240x128xf32, #tpu.memory_space<vmem_shared>> -> memref<10240x128xf32, #tpu.memory_space<vmem_shared>>
        tpu.wait_indirect_dma semaphore(%arg22 : memref<!tpu.dma_semaphore, #tpu.memory_space<semaphore_mem>>) src(%arg11 : memref<64x128xf32, #tpu.memory_space<vmem>>) dst(%dma_wait3A_110 : memref<10240x128xf32, #tpu.memory_space<vmem_shared>>)
        %mul3A_111 = arith.constant 3 : i32
        %mul3A_112 = arith.muli %mul3A_111, %scan3A_76 : i32
        %add3A_113 = arith.constant 1 : i32
        %add3A_114 = arith.addi %mul3A_112, %add3A_113 : i32
        %add3A_115 = arith.constant 2 : i32
        %add3A_116 = arith.addi %add3A_114, %add3A_115 : i32
        %lt3A = arith.constant 156 : i32
        %lt3A_117 = arith.cmpi slt, %add3A_116, %lt3A : i32
        %convert_element_type3A_118 = arith.extui %lt3A_117 : i1 to i32
        %cond3A_119 = arith.constant 0 : i32
        %cond3A_120 = arith.cmpi ne, %convert_element_type3A_118, %cond3A_119 : i32
        scf.if %cond3A_120 {
          %mul3A_142 = arith.constant 3 : i32
          %mul3A_143 = arith.muli %mul3A_142, %scan3A_76 : i32
          %add3A_144 = arith.constant 1 : i32
          %add3A_145 = arith.addi %mul3A_143, %add3A_144 : i32
          %add3A_146 = arith.constant 2 : i32
          %add3A_147 = arith.addi %add3A_145, %add3A_146 : i32
          %mul3A_148 = arith.constant 64 : i32
          %mul3A_149 = arith.muli %add3A_147, %mul3A_148 : i32
          %add3A_150 = arith.addi %mul3A_26, %mul3A_149 : i32
          %run_scoped3A_151 = arith.constant 0 : i32
          "tpu.region"() ({
            %run_scoped3A_156 = tpu.sem_alloc : memref<!tpu.dma_semaphore, #tpu.memory_space<semaphore_mem>>
            %dma_start3A_157 = tpu.memref_slice %arg4[%run_scoped3A_151, %add3A_150] : memref<2x160000xi32, #tpu.memory_space<hbm>> -> memref<1x64xi32, #tpu.memory_space<hbm>>
            %dma_start3A_158 = tpu.memref_squeeze %dma_start3A_157 : memref<1x64xi32, #tpu.memory_space<hbm>> -> memref<64xi32, #tpu.memory_space<hbm>>
            %dma_start3A_159 = tpu.memref_slice %arg4[%run_scoped3A_151, %add3A_150] : memref<2x160000xi32, #tpu.memory_space<hbm>> -> memref<1x64xi32, #tpu.memory_space<hbm>>
            %dma_start3A_160 = tpu.memref_squeeze %dma_start3A_159 : memref<1x64xi32, #tpu.memory_space<hbm>> -> memref<64xi32, #tpu.memory_space<hbm>>
            tpu.enqueue_dma source(%dma_start3A_160 : memref<64xi32, #tpu.memory_space<hbm>>) target(%arg9 : memref<64xi32, #tpu.memory_space<vmem>>) target_semaphore(%run_scoped3A_156 : memref<!tpu.dma_semaphore, #tpu.memory_space<semaphore_mem>>)
            %dma_wait3A_161 = tpu.memref_slice %arg4[%run_scoped3A_151, %add3A_150] : memref<2x160000xi32, #tpu.memory_space<hbm>> -> memref<1x64xi32, #tpu.memory_space<hbm>>
            %dma_wait3A_162 = tpu.memref_squeeze %dma_wait3A_161 : memref<1x64xi32, #tpu.memory_space<hbm>> -> memref<64xi32, #tpu.memory_space<hbm>>
            %dma_wait3A_163 = tpu.memref_slice %arg4[%run_scoped3A_151, %add3A_150] : memref<2x160000xi32, #tpu.memory_space<hbm>> -> memref<1x64xi32, #tpu.memory_space<hbm>>
            %dma_wait3A_164 = tpu.memref_squeeze %dma_wait3A_163 : memref<1x64xi32, #tpu.memory_space<hbm>> -> memref<64xi32, #tpu.memory_space<hbm>>
            tpu.wait_dma2 semaphore(%run_scoped3A_156 : memref<!tpu.dma_semaphore, #tpu.memory_space<semaphore_mem>>) src(%dma_wait3A_164 : memref<64xi32, #tpu.memory_space<hbm>>) dst(%arg9 : memref<64xi32, #tpu.memory_space<vmem>>)
            tpu.yield
          }) : () -> ()
          %run_scoped3A_152 = arith.constant 1 : i32
          "tpu.region"() ({
            %run_scoped3A_156 = tpu.sem_alloc : memref<!tpu.dma_semaphore, #tpu.memory_space<semaphore_mem>>
            %dma_start3A_157 = tpu.memref_slice %arg4[%run_scoped3A_152, %add3A_150] : memref<2x160000xi32, #tpu.memory_space<hbm>> -> memref<1x64xi32, #tpu.memory_space<hbm>>
            %dma_start3A_158 = tpu.memref_squeeze %dma_start3A_157 : memref<1x64xi32, #tpu.memory_space<hbm>> -> memref<64xi32, #tpu.memory_space<hbm>>
            %dma_start3A_159 = tpu.memref_slice %arg4[%run_scoped3A_152, %add3A_150] : memref<2x160000xi32, #tpu.memory_space<hbm>> -> memref<1x64xi32, #tpu.memory_space<hbm>>
            %dma_start3A_160 = tpu.memref_squeeze %dma_start3A_159 : memref<1x64xi32, #tpu.memory_space<hbm>> -> memref<64xi32, #tpu.memory_space<hbm>>
            tpu.enqueue_dma source(%dma_start3A_160 : memref<64xi32, #tpu.memory_space<hbm>>) target(%arg10 : memref<64xi32, #tpu.memory_space<vmem>>) target_semaphore(%run_scoped3A_156 : memref<!tpu.dma_semaphore, #tpu.memory_space<semaphore_mem>>)
            %dma_wait3A_161 = tpu.memref_slice %arg4[%run_scoped3A_152, %add3A_150] : memref<2x160000xi32, #tpu.memory_space<hbm>> -> memref<1x64xi32, #tpu.memory_space<hbm>>
            %dma_wait3A_162 = tpu.memref_squeeze %dma_wait3A_161 : memref<1x64xi32, #tpu.memory_space<hbm>> -> memref<64xi32, #tpu.memory_space<hbm>>
            %dma_wait3A_163 = tpu.memref_slice %arg4[%run_scoped3A_152, %add3A_150] : memref<2x160000xi32, #tpu.memory_space<hbm>> -> memref<1x64xi32, #tpu.memory_space<hbm>>
            %dma_wait3A_164 = tpu.memref_squeeze %dma_wait3A_163 : memref<1x64xi32, #tpu.memory_space<hbm>> -> memref<64xi32, #tpu.memory_space<hbm>>
            tpu.wait_dma2 semaphore(%run_scoped3A_156 : memref<!tpu.dma_semaphore, #tpu.memory_space<semaphore_mem>>) src(%dma_wait3A_164 : memref<64xi32, #tpu.memory_space<hbm>>) dst(%arg10 : memref<64xi32, #tpu.memory_space<vmem>>)
            tpu.yield
          }) : () -> ()
          %dma_start3A_153 = arith.constant 0 : i32
          %dma_start3A_154 = arith.constant 0 : i32
          %dma_start3A_155 = tpu.memref_slice %arg3[%dma_start3A_153, %dma_start3A_154] : memref<10240x128xf32, #tpu.memory_space<hbm>> -> memref<10240x128xf32, #tpu.memory_space<hbm>>
          tpu.enqueue_indirect_dma source(%dma_start3A_155 : memref<10240x128xf32, #tpu.memory_space<hbm>>) target(%arg11 : memref<64x128xf32, #tpu.memory_space<vmem>>) offsets(%arg9 : memref<64xi32, #tpu.memory_space<vmem>>) semaphore(%arg21 : memref<!tpu.dma_semaphore, #tpu.memory_space<semaphore_mem>>)
        } else {
        }
        %dma_wait3A_121 = arith.constant 0 : i32
        %dma_wait3A_122 = arith.constant 0 : i32
        %dma_wait3A_123 = tpu.memref_slice %arg3[%dma_wait3A_121, %dma_wait3A_122] : memref<10240x128xf32, #tpu.memory_space<hbm>> -> memref<10240x128xf32, #tpu.memory_space<hbm>>
        tpu.wait_indirect_dma semaphore(%arg25 : memref<!tpu.dma_semaphore, #tpu.memory_space<semaphore_mem>>) src(%dma_wait3A_123 : memref<10240x128xf32, #tpu.memory_space<hbm>>) dst(%arg17 : memref<64x128xf32, #tpu.memory_space<vmem>>)
        %dma_start3A_124 = arith.constant 0 : i32
        %dma_start3A_125 = arith.constant 0 : i32
        %dma_start3A_126 = tpu.memref_slice %arg8[%dma_start3A_124, %dma_start3A_125] : memref<10240x128xf32, #tpu.memory_space<vmem_shared>> -> memref<10240x128xf32, #tpu.memory_space<vmem_shared>>
        tpu.enqueue_indirect_dma source(%arg17 : memref<64x128xf32, #tpu.memory_space<vmem>>) target(%dma_start3A_126 : memref<10240x128xf32, #tpu.memory_space<vmem_shared>>) offsets(%arg16 : memref<64xi32, #tpu.memory_space<vmem>>) semaphore(%arg26 : memref<!tpu.dma_semaphore, #tpu.memory_space<semaphore_mem>>) {add = true}
        %dma_wait3A_127 = arith.constant 0 : i32
        %dma_wait3A_128 = arith.constant 0 : i32
        %dma_wait3A_129 = tpu.memref_slice %arg8[%dma_wait3A_127, %dma_wait3A_128] : memref<10240x128xf32, #tpu.memory_space<vmem_shared>> -> memref<10240x128xf32, #tpu.memory_space<vmem_shared>>
        tpu.wait_indirect_dma semaphore(%arg24 : memref<!tpu.dma_semaphore, #tpu.memory_space<semaphore_mem>>) src(%arg14 : memref<64x128xf32, #tpu.memory_space<vmem>>) dst(%dma_wait3A_129 : memref<10240x128xf32, #tpu.memory_space<vmem_shared>>)
        %mul3A_130 = arith.constant 3 : i32
        %mul3A_131 = arith.muli %mul3A_130, %scan3A_76 : i32
        %add3A_132 = arith.constant 2 : i32
        %add3A_133 = arith.addi %mul3A_131, %add3A_132 : i32
        %add3A_134 = arith.constant 2 : i32
        %add3A_135 = arith.addi %add3A_133, %add3A_134 : i32
        %lt3A_136 = arith.constant 156 : i32
        %lt3A_137 = arith.cmpi slt, %add3A_135, %lt3A_136 : i32
        %convert_element_type3A_138 = arith.extui %lt3A_137 : i1 to i32
        %cond3A_139 = arith.constant 0 : i32
        %cond3A_140 = arith.cmpi ne, %convert_element_type3A_138, %cond3A_139 : i32
        scf.if %cond3A_140 {
          %mul3A_142 = arith.constant 3 : i32
          %mul3A_143 = arith.muli %mul3A_142, %scan3A_76 : i32
          %add3A_144 = arith.constant 2 : i32
          %add3A_145 = arith.addi %mul3A_143, %add3A_144 : i32
          %add3A_146 = arith.constant 2 : i32
          %add3A_147 = arith.addi %add3A_145, %add3A_146 : i32
          %mul3A_148 = arith.constant 64 : i32
          %mul3A_149 = arith.muli %add3A_147, %mul3A_148 : i32
          %add3A_150 = arith.addi %mul3A_26, %mul3A_149 : i32
          %run_scoped3A_151 = arith.constant 0 : i32
          "tpu.region"() ({
            %run_scoped3A_156 = tpu.sem_alloc : memref<!tpu.dma_semaphore, #tpu.memory_space<semaphore_mem>>
            %dma_start3A_157 = tpu.memref_slice %arg4[%run_scoped3A_151, %add3A_150] : memref<2x160000xi32, #tpu.memory_space<hbm>> -> memref<1x64xi32, #tpu.memory_space<hbm>>
            %dma_start3A_158 = tpu.memref_squeeze %dma_start3A_157 : memref<1x64xi32, #tpu.memory_space<hbm>> -> memref<64xi32, #tpu.memory_space<hbm>>
            %dma_start3A_159 = tpu.memref_slice %arg4[%run_scoped3A_151, %add3A_150] : memref<2x160000xi32, #tpu.memory_space<hbm>> -> memref<1x64xi32, #tpu.memory_space<hbm>>
            %dma_start3A_160 = tpu.memref_squeeze %dma_start3A_159 : memref<1x64xi32, #tpu.memory_space<hbm>> -> memref<64xi32, #tpu.memory_space<hbm>>
            tpu.enqueue_dma source(%dma_start3A_160 : memref<64xi32, #tpu.memory_space<hbm>>) target(%arg12 : memref<64xi32, #tpu.memory_space<vmem>>) target_semaphore(%run_scoped3A_156 : memref<!tpu.dma_semaphore, #tpu.memory_space<semaphore_mem>>)
            %dma_wait3A_161 = tpu.memref_slice %arg4[%run_scoped3A_151, %add3A_150] : memref<2x160000xi32, #tpu.memory_space<hbm>> -> memref<1x64xi32, #tpu.memory_space<hbm>>
            %dma_wait3A_162 = tpu.memref_squeeze %dma_wait3A_161 : memref<1x64xi32, #tpu.memory_space<hbm>> -> memref<64xi32, #tpu.memory_space<hbm>>
            %dma_wait3A_163 = tpu.memref_slice %arg4[%run_scoped3A_151, %add3A_150] : memref<2x160000xi32, #tpu.memory_space<hbm>> -> memref<1x64xi32, #tpu.memory_space<hbm>>
            %dma_wait3A_164 = tpu.memref_squeeze %dma_wait3A_163 : memref<1x64xi32, #tpu.memory_space<hbm>> -> memref<64xi32, #tpu.memory_space<hbm>>
            tpu.wait_dma2 semaphore(%run_scoped3A_156 : memref<!tpu.dma_semaphore, #tpu.memory_space<semaphore_mem>>) src(%dma_wait3A_164 : memref<64xi32, #tpu.memory_space<hbm>>) dst(%arg12 : memref<64xi32, #tpu.memory_space<vmem>>)
            tpu.yield
          }) : () -> ()
          %run_scoped3A_152 = arith.constant 1 : i32
          "tpu.region"() ({
            %run_scoped3A_156 = tpu.sem_alloc : memref<!tpu.dma_semaphore, #tpu.memory_space<semaphore_mem>>
            %dma_start3A_157 = tpu.memref_slice %arg4[%run_scoped3A_152, %add3A_150] : memref<2x160000xi32, #tpu.memory_space<hbm>> -> memref<1x64xi32, #tpu.memory_space<hbm>>
            %dma_start3A_158 = tpu.memref_squeeze %dma_start3A_157 : memref<1x64xi32, #tpu.memory_space<hbm>> -> memref<64xi32, #tpu.memory_space<hbm>>
            %dma_start3A_159 = tpu.memref_slice %arg4[%run_scoped3A_152, %add3A_150] : memref<2x160000xi32, #tpu.memory_space<hbm>> -> memref<1x64xi32, #tpu.memory_space<hbm>>
            %dma_start3A_160 = tpu.memref_squeeze %dma_start3A_159 : memref<1x64xi32, #tpu.memory_space<hbm>> -> memref<64xi32, #tpu.memory_space<hbm>>
            tpu.enqueue_dma source(%dma_start3A_160 : memref<64xi32, #tpu.memory_space<hbm>>) target(%arg13 : memref<64xi32, #tpu.memory_space<vmem>>) target_semaphore(%run_scoped3A_156 : memref<!tpu.dma_semaphore, #tpu.memory_space<semaphore_mem>>)
            %dma_wait3A_161 = tpu.memref_slice %arg4[%run_scoped3A_152, %add3A_150] : memref<2x160000xi32, #tpu.memory_space<hbm>> -> memref<1x64xi32, #tpu.memory_space<hbm>>
            %dma_wait3A_162 = tpu.memref_squeeze %dma_wait3A_161 : memref<1x64xi32, #tpu.memory_space<hbm>> -> memref<64xi32, #tpu.memory_space<hbm>>
            %dma_wait3A_163 = tpu.memref_slice %arg4[%run_scoped3A_152, %add3A_150] : memref<2x160000xi32, #tpu.memory_space<hbm>> -> memref<1x64xi32, #tpu.memory_space<hbm>>
            %dma_wait3A_164 = tpu.memref_squeeze %dma_wait3A_163 : memref<1x64xi32, #tpu.memory_space<hbm>> -> memref<64xi32, #tpu.memory_space<hbm>>
            tpu.wait_dma2 semaphore(%run_scoped3A_156 : memref<!tpu.dma_semaphore, #tpu.memory_space<semaphore_mem>>) src(%dma_wait3A_164 : memref<64xi32, #tpu.memory_space<hbm>>) dst(%arg13 : memref<64xi32, #tpu.memory_space<vmem>>)
            tpu.yield
          }) : () -> ()
          %dma_start3A_153 = arith.constant 0 : i32
          %dma_start3A_154 = arith.constant 0 : i32
          %dma_start3A_155 = tpu.memref_slice %arg3[%dma_start3A_153, %dma_start3A_154] : memref<10240x128xf32, #tpu.memory_space<hbm>> -> memref<10240x128xf32, #tpu.memory_space<hbm>>
          tpu.enqueue_indirect_dma source(%dma_start3A_155 : memref<10240x128xf32, #tpu.memory_space<hbm>>) target(%arg14 : memref<64x128xf32, #tpu.memory_space<vmem>>) offsets(%arg12 : memref<64xi32, #tpu.memory_space<vmem>>) semaphore(%arg23 : memref<!tpu.dma_semaphore, #tpu.memory_space<semaphore_mem>>)
        } else {
        }
        %scan3A_141 = arith.constant 0 : i32
        scf.yield %scan3A_141 : i32
      }
      %scan3A_42 = arith.constant 52 : i32
      %dma_wait3A = arith.constant 0 : i32
      %dma_wait3A_43 = arith.constant 0 : i32
      %dma_wait3A_44 = tpu.memref_slice %arg8[%dma_wait3A, %dma_wait3A_43] : memref<10240x128xf32, #tpu.memory_space<vmem_shared>> -> memref<10240x128xf32, #tpu.memory_space<vmem_shared>>
      tpu.wait_indirect_dma semaphore(%arg26 : memref<!tpu.dma_semaphore, #tpu.memory_space<semaphore_mem>>) src(%arg17 : memref<64x128xf32, #tpu.memory_space<vmem>>) dst(%dma_wait3A_44 : memref<10240x128xf32, #tpu.memory_space<vmem_shared>>)
      %add3A_45 = arith.constant 9984 : i32
      %add3A_46 = arith.addi %mul3A_26, %add3A_45 : i32
      %run_scoped3A_47 = arith.constant 0 : i32
      "tpu.region"() ({
        %run_scoped3A_76 = tpu.sem_alloc : memref<!tpu.dma_semaphore, #tpu.memory_space<semaphore_mem>>
        %dma_start3A_77 = tpu.memref_slice %arg4[%run_scoped3A_47, %add3A_46] : memref<2x160000xi32, #tpu.memory_space<hbm>> -> memref<1x16xi32, #tpu.memory_space<hbm>>
        %dma_start3A_78 = tpu.memref_squeeze %dma_start3A_77 : memref<1x16xi32, #tpu.memory_space<hbm>> -> memref<16xi32, #tpu.memory_space<hbm>>
        %dma_start3A_79 = tpu.memref_slice %arg4[%run_scoped3A_47, %add3A_46] : memref<2x160000xi32, #tpu.memory_space<hbm>> -> memref<1x16xi32, #tpu.memory_space<hbm>>
        %dma_start3A_80 = tpu.memref_squeeze %dma_start3A_79 : memref<1x16xi32, #tpu.memory_space<hbm>> -> memref<16xi32, #tpu.memory_space<hbm>>
        tpu.enqueue_dma source(%dma_start3A_80 : memref<16xi32, #tpu.memory_space<hbm>>) target(%arg18 : memref<16xi32, #tpu.memory_space<vmem>>) target_semaphore(%run_scoped3A_76 : memref<!tpu.dma_semaphore, #tpu.memory_space<semaphore_mem>>)
        %dma_wait3A_81 = tpu.memref_slice %arg4[%run_scoped3A_47, %add3A_46] : memref<2x160000xi32, #tpu.memory_space<hbm>> -> memref<1x16xi32, #tpu.memory_space<hbm>>
        %dma_wait3A_82 = tpu.memref_squeeze %dma_wait3A_81 : memref<1x16xi32, #tpu.memory_space<hbm>> -> memref<16xi32, #tpu.memory_space<hbm>>
        %dma_wait3A_83 = tpu.memref_slice %arg4[%run_scoped3A_47, %add3A_46] : memref<2x160000xi32, #tpu.memory_space<hbm>> -> memref<1x16xi32, #tpu.memory_space<hbm>>
        %dma_wait3A_84 = tpu.memref_squeeze %dma_wait3A_83 : memref<1x16xi32, #tpu.memory_space<hbm>> -> memref<16xi32, #tpu.memory_space<hbm>>
        tpu.wait_dma2 semaphore(%run_scoped3A_76 : memref<!tpu.dma_semaphore, #tpu.memory_space<semaphore_mem>>) src(%dma_wait3A_84 : memref<16xi32, #tpu.memory_space<hbm>>) dst(%arg18 : memref<16xi32, #tpu.memory_space<vmem>>)
        tpu.yield
      }) : () -> ()
      %run_scoped3A_48 = arith.constant 1 : i32
      "tpu.region"() ({
        %run_scoped3A_76 = tpu.sem_alloc : memref<!tpu.dma_semaphore, #tpu.memory_space<semaphore_mem>>
        %dma_start3A_77 = tpu.memref_slice %arg4[%run_scoped3A_48, %add3A_46] : memref<2x160000xi32, #tpu.memory_space<hbm>> -> memref<1x16xi32, #tpu.memory_space<hbm>>
        %dma_start3A_78 = tpu.memref_squeeze %dma_start3A_77 : memref<1x16xi32, #tpu.memory_space<hbm>> -> memref<16xi32, #tpu.memory_space<hbm>>
        %dma_start3A_79 = tpu.memref_slice %arg4[%run_scoped3A_48, %add3A_46] : memref<2x160000xi32, #tpu.memory_space<hbm>> -> memref<1x16xi32, #tpu.memory_space<hbm>>
        %dma_start3A_80 = tpu.memref_squeeze %dma_start3A_79 : memref<1x16xi32, #tpu.memory_space<hbm>> -> memref<16xi32, #tpu.memory_space<hbm>>
        tpu.enqueue_dma source(%dma_start3A_80 : memref<16xi32, #tpu.memory_space<hbm>>) target(%arg19 : memref<16xi32, #tpu.memory_space<vmem>>) target_semaphore(%run_scoped3A_76 : memref<!tpu.dma_semaphore, #tpu.memory_space<semaphore_mem>>)
        %dma_wait3A_81 = tpu.memref_slice %arg4[%run_scoped3A_48, %add3A_46] : memref<2x160000xi32, #tpu.memory_space<hbm>> -> memref<1x16xi32, #tpu.memory_space<hbm>>
        %dma_wait3A_82 = tpu.memref_squeeze %dma_wait3A_81 : memref<1x16xi32, #tpu.memory_space<hbm>> -> memref<16xi32, #tpu.memory_space<hbm>>
        %dma_wait3A_83 = tpu.memref_slice %arg4[%run_scoped3A_48, %add3A_46] : memref<2x160000xi32, #tpu.memory_space<hbm>> -> memref<1x16xi32, #tpu.memory_space<hbm>>
        %dma_wait3A_84 = tpu.memref_squeeze %dma_wait3A_83 : memref<1x16xi32, #tpu.memory_space<hbm>> -> memref<16xi32, #tpu.memory_space<hbm>>
        tpu.wait_dma2 semaphore(%run_scoped3A_76 : memref<!tpu.dma_semaphore, #tpu.memory_space<semaphore_mem>>) src(%dma_wait3A_84 : memref<16xi32, #tpu.memory_space<hbm>>) dst(%arg19 : memref<16xi32, #tpu.memory_space<vmem>>)
        tpu.yield
      }) : () -> ()
      %dma_start3A_49 = arith.constant 0 : i32
      %dma_start3A_50 = arith.constant 0 : i32
      %dma_start3A_51 = tpu.memref_slice %arg3[%dma_start3A_49, %dma_start3A_50] : memref<10240x128xf32, #tpu.memory_space<hbm>> -> memref<10240x128xf32, #tpu.memory_space<hbm>>
      tpu.enqueue_indirect_dma source(%dma_start3A_51 : memref<10240x128xf32, #tpu.memory_space<hbm>>) target(%arg20 : memref<16x128xf32, #tpu.memory_space<vmem>>) offsets(%arg18 : memref<16xi32, #tpu.memory_space<vmem>>) semaphore(%arg27 : memref<!tpu.dma_semaphore, #tpu.memory_space<semaphore_mem>>)
      %dma_wait3A_52 = arith.constant 0 : i32
      %dma_wait3A_53 = arith.constant 0 : i32
      %dma_wait3A_54 = tpu.memref_slice %arg3[%dma_wait3A_52, %dma_wait3A_53] : memref<10240x128xf32, #tpu.memory_space<hbm>> -> memref<10240x128xf32, #tpu.memory_space<hbm>>
      tpu.wait_indirect_dma semaphore(%arg27 : memref<!tpu.dma_semaphore, #tpu.memory_space<semaphore_mem>>) src(%dma_wait3A_54 : memref<10240x128xf32, #tpu.memory_space<hbm>>) dst(%arg20 : memref<16x128xf32, #tpu.memory_space<vmem>>)
      "tpu.region"() ({
        %run_scoped3A_76 = tpu.sem_alloc : memref<!tpu.dma_semaphore, #tpu.memory_space<semaphore_mem>>
        %dma_start3A_77 = arith.constant 0 : i32
        %dma_start3A_78 = arith.constant 0 : i32
        %dma_start3A_79 = tpu.memref_slice %arg8[%dma_start3A_77, %dma_start3A_78] : memref<10240x128xf32, #tpu.memory_space<vmem_shared>> -> memref<10240x128xf32, #tpu.memory_space<vmem_shared>>
        tpu.enqueue_indirect_dma source(%arg20 : memref<16x128xf32, #tpu.memory_space<vmem>>) target(%dma_start3A_79 : memref<10240x128xf32, #tpu.memory_space<vmem_shared>>) offsets(%arg19 : memref<16xi32, #tpu.memory_space<vmem>>) semaphore(%run_scoped3A_76 : memref<!tpu.dma_semaphore, #tpu.memory_space<semaphore_mem>>) {add = true}
        %dma_wait3A_80 = arith.constant 0 : i32
        %dma_wait3A_81 = arith.constant 0 : i32
        %dma_wait3A_82 = tpu.memref_slice %arg8[%dma_wait3A_80, %dma_wait3A_81] : memref<10240x128xf32, #tpu.memory_space<vmem_shared>> -> memref<10240x128xf32, #tpu.memory_space<vmem_shared>>
        tpu.wait_indirect_dma semaphore(%run_scoped3A_76 : memref<!tpu.dma_semaphore, #tpu.memory_space<semaphore_mem>>) src(%arg20 : memref<16x128xf32, #tpu.memory_space<vmem>>) dst(%dma_wait3A_82 : memref<10240x128xf32, #tpu.memory_space<vmem_shared>>)
        tpu.yield
      }) : () -> ()
      %barrier3A_55 = arith.constant 0 : index
      tpu.barrier barrier_id(%barrier3A_55)
      %mul3A_56 = arith.constant 640 : i32
      %mul3A_57 = arith.muli %arg1, %mul3A_56 : i32
      %add3A_58 = arith.constant 0 : i32
      %add3A_59 = arith.addi %mul3A_57, %add3A_58 : i32
      "tpu.region"() ({
        %run_scoped3A_76 = tpu.sem_alloc : memref<!tpu.dma_semaphore, #tpu.memory_space<semaphore_mem>>
        %dma_start3A_77 = arith.constant 0 : i32
        %dma_start3A_78 = tpu.memref_slice %arg7[%add3A_59, %dma_start3A_77] : memref<10240x128xf32, #tpu.memory_space<hbm>> -> memref<128x128xf32, #tpu.memory_space<hbm>>
        %dma_start3A_79 = arith.constant 0 : i32
        %dma_start3A_80 = tpu.memref_slice %arg8[%add3A_59, %dma_start3A_79] : memref<10240x128xf32, #tpu.memory_space<vmem_shared>> -> memref<128x128xf32, #tpu.memory_space<vmem_shared>>
        tpu.enqueue_dma source(%dma_start3A_80 : memref<128x128xf32, #tpu.memory_space<vmem_shared>>) target(%dma_start3A_78 : memref<128x128xf32, #tpu.memory_space<hbm>>) target_semaphore(%run_scoped3A_76 : memref<!tpu.dma_semaphore, #tpu.memory_space<semaphore_mem>>)
        %dma_wait3A_81 = arith.constant 0 : i32
        %dma_wait3A_82 = tpu.memref_slice %arg7[%add3A_59, %dma_wait3A_81] : memref<10240x128xf32, #tpu.memory_space<hbm>> -> memref<128x128xf32, #tpu.memory_space<hbm>>
        %dma_wait3A_83 = arith.constant 0 : i32
        %dma_wait3A_84 = tpu.memref_slice %arg8[%add3A_59, %dma_wait3A_83] : memref<10240x128xf32, #tpu.memory_space<vmem_shared>> -> memref<128x128xf32, #tpu.memory_space<vmem_shared>>
        tpu.wait_dma2 semaphore(%run_scoped3A_76 : memref<!tpu.dma_semaphore, #tpu.memory_space<semaphore_mem>>) src(%dma_wait3A_84 : memref<128x128xf32, #tpu.memory_space<vmem_shared>>) dst(%dma_wait3A_82 : memref<128x128xf32, #tpu.memory_space<hbm>>)
        tpu.yield
      }) : () -> ()
      %mul3A_60 = arith.constant 640 : i32
      %mul3A_61 = arith.muli %arg1, %mul3A_60 : i32
      %add3A_62 = arith.constant 128 : i32
      %add3A_63 = arith.addi %mul3A_61, %add3A_62 : i32
      "tpu.region"() ({
        %run_scoped3A_76 = tpu.sem_alloc : memref<!tpu.dma_semaphore, #tpu.memory_space<semaphore_mem>>
        %dma_start3A_77 = arith.constant 0 : i32
        %dma_start3A_78 = tpu.memref_slice %arg7[%add3A_63, %dma_start3A_77] : memref<10240x128xf32, #tpu.memory_space<hbm>> -> memref<128x128xf32, #tpu.memory_space<hbm>>
        %dma_start3A_79 = arith.constant 0 : i32
        %dma_start3A_80 = tpu.memref_slice %arg8[%add3A_63, %dma_start3A_79] : memref<10240x128xf32, #tpu.memory_space<vmem_shared>> -> memref<128x128xf32, #tpu.memory_space<vmem_shared>>
        tpu.enqueue_dma source(%dma_start3A_80 : memref<128x128xf32, #tpu.memory_space<vmem_shared>>) target(%dma_start3A_78 : memref<128x128xf32, #tpu.memory_space<hbm>>) target_semaphore(%run_scoped3A_76 : memref<!tpu.dma_semaphore, #tpu.memory_space<semaphore_mem>>)
        %dma_wait3A_81 = arith.constant 0 : i32
        %dma_wait3A_82 = tpu.memref_slice %arg7[%add3A_63, %dma_wait3A_81] : memref<10240x128xf32, #tpu.memory_space<hbm>> -> memref<128x128xf32, #tpu.memory_space<hbm>>
        %dma_wait3A_83 = arith.constant 0 : i32
        %dma_wait3A_84 = tpu.memref_slice %arg8[%add3A_63, %dma_wait3A_83] : memref<10240x128xf32, #tpu.memory_space<vmem_shared>> -> memref<128x128xf32, #tpu.memory_space<vmem_shared>>
        tpu.wait_dma2 semaphore(%run_scoped3A_76 : memref<!tpu.dma_semaphore, #tpu.memory_space<semaphore_mem>>) src(%dma_wait3A_84 : memref<128x128xf32, #tpu.memory_space<vmem_shared>>) dst(%dma_wait3A_82 : memref<128x128xf32, #tpu.memory_space<hbm>>)
        tpu.yield
      }) : () -> ()
      %mul3A_64 = arith.constant 640 : i32
      %mul3A_65 = arith.muli %arg1, %mul3A_64 : i32
      %add3A_66 = arith.constant 256 : i32
      %add3A_67 = arith.addi %mul3A_65, %add3A_66 : i32
      "tpu.region"() ({
        %run_scoped3A_76 = tpu.sem_alloc : memref<!tpu.dma_semaphore, #tpu.memory_space<semaphore_mem>>
        %dma_start3A_77 = arith.constant 0 : i32
        %dma_start3A_78 = tpu.memref_slice %arg7[%add3A_67, %dma_start3A_77] : memref<10240x128xf32, #tpu.memory_space<hbm>> -> memref<128x128xf32, #tpu.memory_space<hbm>>
        %dma_start3A_79 = arith.constant 0 : i32
        %dma_start3A_80 = tpu.memref_slice %arg8[%add3A_67, %dma_start3A_79] : memref<10240x128xf32, #tpu.memory_space<vmem_shared>> -> memref<128x128xf32, #tpu.memory_space<vmem_shared>>
        tpu.enqueue_dma source(%dma_start3A_80 : memref<128x128xf32, #tpu.memory_space<vmem_shared>>) target(%dma_start3A_78 : memref<128x128xf32, #tpu.memory_space<hbm>>) target_semaphore(%run_scoped3A_76 : memref<!tpu.dma_semaphore, #tpu.memory_space<semaphore_mem>>)
        %dma_wait3A_81 = arith.constant 0 : i32
        %dma_wait3A_82 = tpu.memref_slice %arg7[%add3A_67, %dma_wait3A_81] : memref<10240x128xf32, #tpu.memory_space<hbm>> -> memref<128x128xf32, #tpu.memory_space<hbm>>
        %dma_wait3A_83 = arith.constant 0 : i32
        %dma_wait3A_84 = tpu.memref_slice %arg8[%add3A_67, %dma_wait3A_83] : memref<10240x128xf32, #tpu.memory_space<vmem_shared>> -> memref<128x128xf32, #tpu.memory_space<vmem_shared>>
        tpu.wait_dma2 semaphore(%run_scoped3A_76 : memref<!tpu.dma_semaphore, #tpu.memory_space<semaphore_mem>>) src(%dma_wait3A_84 : memref<128x128xf32, #tpu.memory_space<vmem_shared>>) dst(%dma_wait3A_82 : memref<128x128xf32, #tpu.memory_space<hbm>>)
        tpu.yield
      }) : () -> ()
      %mul3A_68 = arith.constant 640 : i32
      %mul3A_69 = arith.muli %arg1, %mul3A_68 : i32
      %add3A_70 = arith.constant 384 : i32
      %add3A_71 = arith.addi %mul3A_69, %add3A_70 : i32
      "tpu.region"() ({
        %run_scoped3A_76 = tpu.sem_alloc : memref<!tpu.dma_semaphore, #tpu.memory_space<semaphore_mem>>
        %dma_start3A_77 = arith.constant 0 : i32
        %dma_start3A_78 = tpu.memref_slice %arg7[%add3A_71, %dma_start3A_77] : memref<10240x128xf32, #tpu.memory_space<hbm>> -> memref<128x128xf32, #tpu.memory_space<hbm>>
        %dma_start3A_79 = arith.constant 0 : i32
        %dma_start3A_80 = tpu.memref_slice %arg8[%add3A_71, %dma_start3A_79] : memref<10240x128xf32, #tpu.memory_space<vmem_shared>> -> memref<128x128xf32, #tpu.memory_space<vmem_shared>>
        tpu.enqueue_dma source(%dma_start3A_80 : memref<128x128xf32, #tpu.memory_space<vmem_shared>>) target(%dma_start3A_78 : memref<128x128xf32, #tpu.memory_space<hbm>>) target_semaphore(%run_scoped3A_76 : memref<!tpu.dma_semaphore, #tpu.memory_space<semaphore_mem>>)
        %dma_wait3A_81 = arith.constant 0 : i32
        %dma_wait3A_82 = tpu.memref_slice %arg7[%add3A_71, %dma_wait3A_81] : memref<10240x128xf32, #tpu.memory_space<hbm>> -> memref<128x128xf32, #tpu.memory_space<hbm>>
        %dma_wait3A_83 = arith.constant 0 : i32
        %dma_wait3A_84 = tpu.memref_slice %arg8[%add3A_71, %dma_wait3A_83] : memref<10240x128xf32, #tpu.memory_space<vmem_shared>> -> memref<128x128xf32, #tpu.memory_space<vmem_shared>>
        tpu.wait_dma2 semaphore(%run_scoped3A_76 : memref<!tpu.dma_semaphore, #tpu.memory_space<semaphore_mem>>) src(%dma_wait3A_84 : memref<128x128xf32, #tpu.memory_space<vmem_shared>>) dst(%dma_wait3A_82 : memref<128x128xf32, #tpu.memory_space<hbm>>)
        tpu.yield
      }) : () -> ()
      %mul3A_72 = arith.constant 640 : i32
      %mul3A_73 = arith.muli %arg1, %mul3A_72 : i32
      %add3A_74 = arith.constant 512 : i32
      %add3A_75 = arith.addi %mul3A_73, %add3A_74 : i32
      "tpu.region"() ({
        %run_scoped3A_76 = tpu.sem_alloc : memref<!tpu.dma_semaphore, #tpu.memory_space<semaphore_mem>>
        %dma_start3A_77 = arith.constant 0 : i32
        %dma_start3A_78 = tpu.memref_slice %arg7[%add3A_75, %dma_start3A_77] : memref<10240x128xf32, #tpu.memory_space<hbm>> -> memref<128x128xf32, #tpu.memory_space<hbm>>
        %dma_start3A_79 = arith.constant 0 : i32
        %dma_start3A_80 = tpu.memref_slice %arg8[%add3A_75, %dma_start3A_79] : memref<10240x128xf32, #tpu.memory_space<vmem_shared>> -> memref<128x128xf32, #tpu.memory_space<vmem_shared>>
        tpu.enqueue_dma source(%dma_start3A_80 : memref<128x128xf32, #tpu.memory_space<vmem_shared>>) target(%dma_start3A_78 : memref<128x128xf32, #tpu.memory_space<hbm>>) target_semaphore(%run_scoped3A_76 : memref<!tpu.dma_semaphore, #tpu.memory_space<semaphore_mem>>)
        %dma_wait3A_81 = arith.constant 0 : i32
        %dma_wait3A_82 = tpu.memref_slice %arg7[%add3A_75, %dma_wait3A_81] : memref<10240x128xf32, #tpu.memory_space<hbm>> -> memref<128x128xf32, #tpu.memory_space<hbm>>
        %dma_wait3A_83 = arith.constant 0 : i32
        %dma_wait3A_84 = tpu.memref_slice %arg8[%add3A_75, %dma_wait3A_83] : memref<10240x128xf32, #tpu.memory_space<vmem_shared>> -> memref<128x128xf32, #tpu.memory_space<vmem_shared>>
        tpu.wait_dma2 semaphore(%run_scoped3A_76 : memref<!tpu.dma_semaphore, #tpu.memory_space<semaphore_mem>>) src(%dma_wait3A_84 : memref<128x128xf32, #tpu.memory_space<vmem_shared>>) dst(%dma_wait3A_82 : memref<128x128xf32, #tpu.memory_space<hbm>>)
        tpu.yield
      }) : () -> ()
    } else {
    }
    return
  }
}

module attributes {stable_mosaic.version = 14 : i64} {
  func.func @_tca_body(%arg0: i32, %arg1: memref<1024x1xf32, #tpu.memory_space<vmem>>, %arg2: memref<1024x1xf32, #tpu.memory_space<vmem>>, %arg3: memref<1024x256xf32, #tpu.memory_space<vmem>>, %arg4: memref<1024x8xf32, #tpu.memory_space<vmem>>, %arg5: memref<1024x128xf32, #tpu.memory_space<vmem>>, %arg6: memref<1024x128xf32, #tpu.memory_space<vmem>>) attributes {dimension_semantics = [#tpu.dimension_semantics<arbitrary>], iteration_bounds = array<i64: 10>, scalar_prefetch = 0 : i64, scratch_operands = 0 : i64, tpu.core_type = #tpu.core_type<tc>, window_params = [{transform_indices = @transform_0, window_bounds = array<i64: 1024, 1>}, {transform_indices = @transform_1, window_bounds = array<i64: 1024, 1>}, {transform_indices = @transform_2, window_bounds = array<i64: 1024, 256>}, {transform_indices = @transform_3, window_bounds = array<i64: 1024, 8>}, {transform_indices = @transform_4, window_bounds = array<i64: 1024, 128>}, {transform_indices = @transform_5, window_bounds = array<i64: 1024, 128>}]} {
    %get3A = arith.constant 0 : index
    %get3A_0 = arith.constant 0 : index
    %get3A_1 = vector.load %arg1[%get3A, %get3A_0] : memref<1024x1xf32, #tpu.memory_space<vmem>>, vector<1024x1xf32>
    %get3A_2 = arith.constant 0 : index
    %get3A_3 = arith.constant 0 : index
    %get3A_4 = vector.load %arg2[%get3A_2, %get3A_3] : memref<1024x1xf32, #tpu.memory_space<vmem>>, vector<1024x1xf32>
    %add3A = arith.addf %get3A_1, %get3A_4 : vector<1024x1xf32>
    %add3A_5 = arith.constant 1.000000e+00 : f32
    %add3A_6 = vector.broadcast %add3A_5 : f32 to vector<1024x1xf32>
    %add3A_7 = arith.addf %add3A, %add3A_6 : vector<1024x1xf32>
    %rsqrt3A = math.rsqrt %add3A_7 : vector<1024x1xf32>
    %get3A_8 = arith.constant 0 : index
    %get3A_9 = arith.constant 0 : index
    %get3A_10 = vector.load %arg3[%get3A_8, %get3A_9] : memref<1024x256xf32, #tpu.memory_space<vmem>>, vector<1024x256xf32>
    %mul3A = vector.broadcast %rsqrt3A : vector<1024x1xf32> to vector<1024x256xf32>
    %mul3A_11 = arith.mulf %get3A_10, %mul3A : vector<1024x256xf32>
    %broadcast_in_dim3A = vector.shape_cast %rsqrt3A : vector<1024x1xf32> to vector<1024x1xf32>
    %broadcast_in_dim3A_12 = vector.broadcast %broadcast_in_dim3A : vector<1024x1xf32> to vector<1024x8xf32>
    %swap3A = arith.constant 0 : index
    %swap3A_13 = arith.constant 0 : index
    %swap3A_14 = vector.load %arg4[%swap3A, %swap3A_13] : memref<1024x8xf32, #tpu.memory_space<vmem>>, vector<1024x8xf32>
    tpu.vector_store %arg4[%swap3A, %swap3A_13], %broadcast_in_dim3A_12 {strides = array<i32>} : memref<1024x8xf32, #tpu.memory_space<vmem>>, vector<1024x8xf32>,
    %slice3A = vector.extract_strided_slice %mul3A_11 {offsets = [0, 0], sizes = [1024, 128], strides = [1, 1]} : vector<1024x256xf32> to vector<1024x128xf32>
    %swap3A_15 = arith.constant 0 : index
    %swap3A_16 = arith.constant 0 : index
    %swap3A_17 = vector.load %arg5[%swap3A_15, %swap3A_16] : memref<1024x128xf32, #tpu.memory_space<vmem>>, vector<1024x128xf32>
    tpu.vector_store %arg5[%swap3A_15, %swap3A_16], %slice3A {strides = array<i32>} : memref<1024x128xf32, #tpu.memory_space<vmem>>, vector<1024x128xf32>,
    %slice3A_18 = vector.extract_strided_slice %mul3A_11 {offsets = [0, 128], sizes = [1024, 128], strides = [1, 1]} : vector<1024x256xf32> to vector<1024x128xf32>
    %swap3A_19 = arith.constant 0 : index
    %swap3A_20 = arith.constant 0 : index
    %swap3A_21 = vector.load %arg6[%swap3A_19, %swap3A_20] : memref<1024x128xf32, #tpu.memory_space<vmem>>, vector<1024x128xf32>
    tpu.vector_store %arg6[%swap3A_19, %swap3A_20], %slice3A_18 {strides = array<i32>} : memref<1024x128xf32, #tpu.memory_space<vmem>>, vector<1024x128xf32>,
    return
  }
  func.func @transform_0(%arg0: i32) -> (i32, i32) {
    %c0_i32 = arith.constant 0 : i32
    %c0_i32_0 = arith.constant 0 : i32
    return %arg0, %c0_i32 : i32, i32
  }
  func.func @transform_1(%arg0: i32) -> (i32, i32) {
    %c0_i32 = arith.constant 0 : i32
    %c0_i32_0 = arith.constant 0 : i32
    return %arg0, %c0_i32 : i32, i32
  }
  func.func @transform_2(%arg0: i32) -> (i32, i32) {
    %c0_i32 = arith.constant 0 : i32
    %c0_i32_0 = arith.constant 0 : i32
    return %arg0, %c0_i32 : i32, i32
  }
  func.func @transform_3(%arg0: i32) -> (i32, i32) {
    %c0_i32 = arith.constant 0 : i32
    %c0_i32_0 = arith.constant 0 : i32
    return %arg0, %c0_i32 : i32, i32
  }
  func.func @transform_4(%arg0: i32) -> (i32, i32) {
    %c0_i32 = arith.constant 0 : i32
    %c0_i32_0 = arith.constant 0 : i32
    return %arg0, %c0_i32 : i32, i32
  }
  func.func @transform_5(%arg0: i32) -> (i32, i32) {
    %c0_i32 = arith.constant 0 : i32
    %c0_i32_0 = arith.constant 0 : i32
    return %arg0, %c0_i32 : i32, i32
  }
}

module attributes {stable_mosaic.version = 14 : i64} {
  func.func @_tcb_body(%arg0: i32, %arg1: memref<1024x128xf32, #tpu.memory_space<vmem>>, %arg2: memref<1024x128xf32, #tpu.memory_space<vmem>>, %arg3: memref<1024x128xf32, #tpu.memory_space<vmem>>, %arg4: memref<1024x128xf32, #tpu.memory_space<vmem>>, %arg5: memref<1024x8xf32, #tpu.memory_space<vmem>>, %arg6: memref<256x512xf32, #tpu.memory_space<vmem>>, %arg7: memref<1x512xf32, #tpu.memory_space<vmem>>, %arg8: memref<512x16xf32, #tpu.memory_space<vmem>>, %arg9: memref<1024x16xf32, #tpu.memory_space<vmem>>) attributes {dimension_semantics = [#tpu.dimension_semantics<arbitrary>], iteration_bounds = array<i64: 10>, scalar_prefetch = 0 : i64, scratch_operands = 0 : i64, tpu.core_type = #tpu.core_type<tc>, window_params = [{transform_indices = @transform_0, window_bounds = array<i64: 1024, 128>}, {transform_indices = @transform_1, window_bounds = array<i64: 1024, 128>}, {transform_indices = @transform_2, window_bounds = array<i64: 1024, 128>}, {transform_indices = @transform_3, window_bounds = array<i64: 1024, 128>}, {transform_indices = @transform_4, window_bounds = array<i64: 1024, 8>}, {pipeline_mode = #tpu.pipeline_mode<synchronous>, transform_indices = @transform_5, window_bounds = array<i64: 256, 512>}, {pipeline_mode = #tpu.pipeline_mode<synchronous>, transform_indices = @transform_6, window_bounds = array<i64: 1, 512>}, {pipeline_mode = #tpu.pipeline_mode<synchronous>, transform_indices = @transform_7, window_bounds = array<i64: 512, 16>}, {transform_indices = @transform_8, window_bounds = array<i64: 1024, 16>}]} {
    %get3A = arith.constant 0 : index
    %get3A_0 = arith.constant 0 : index
    %get3A_1 = vector.load %arg5[%get3A, %get3A_0] : memref<1024x8xf32, #tpu.memory_space<vmem>>, vector<1024x8xf32>
    %slice3A = vector.extract_strided_slice %get3A_1 {offsets = [0, 0], sizes = [1024, 1], strides = [1, 1]} : vector<1024x8xf32> to vector<1024x1xf32>
    %get3A_2 = arith.constant 0 : index
    %get3A_3 = arith.constant 0 : index
    %get3A_4 = vector.load %arg1[%get3A_2, %get3A_3] : memref<1024x128xf32, #tpu.memory_space<vmem>>, vector<1024x128xf32>
    %get3A_5 = arith.constant 0 : index
    %get3A_6 = arith.constant 0 : index
    %get3A_7 = vector.load %arg3[%get3A_5, %get3A_6] : memref<1024x128xf32, #tpu.memory_space<vmem>>, vector<1024x128xf32>
    %add3A = arith.addf %get3A_4, %get3A_7 : vector<1024x128xf32>
    %mul3A = vector.broadcast %slice3A : vector<1024x1xf32> to vector<1024x128xf32>
    %mul3A_8 = arith.mulf %add3A, %mul3A : vector<1024x128xf32>
    %get3A_9 = arith.constant 0 : index
    %get3A_10 = arith.constant 0 : index
    %get3A_11 = vector.load %arg2[%get3A_9, %get3A_10] : memref<1024x128xf32, #tpu.memory_space<vmem>>, vector<1024x128xf32>
    %get3A_12 = arith.constant 0 : index
    %get3A_13 = arith.constant 0 : index
    %get3A_14 = vector.load %arg4[%get3A_12, %get3A_13] : memref<1024x128xf32, #tpu.memory_space<vmem>>, vector<1024x128xf32>
    %add3A_15 = arith.addf %get3A_11, %get3A_14 : vector<1024x128xf32>
    %mul3A_16 = vector.broadcast %slice3A : vector<1024x1xf32> to vector<1024x128xf32>
    %mul3A_17 = arith.mulf %add3A_15, %mul3A_16 : vector<1024x128xf32>
    %concatenate3A = tpu.concatenate %mul3A_8, %mul3A_17 in 1 : vector<1024x128xf32>, vector<1024x128xf32> -> vector<1024x256xf32>
    %get3A_18 = arith.constant 0 : index
    %get3A_19 = arith.constant 0 : index
    %get3A_20 = vector.load %arg6[%get3A_18, %get3A_19] : memref<256x512xf32, #tpu.memory_space<vmem>>, vector<256x512xf32>
    %dot_general3A = arith.constant dense<0.000000e+00> : vector<1024x512xf32>
    %dot_general3A_21 = tpu.matmul %concatenate3A, %get3A_20, %dot_general3A {dimension_numbers = #tpu.dot_dimension_numbers<[1], [0], [0], [1], [0, 0, 1, 1], [], []>, transpose_lhs_hint = false} : vector<1024x256xf32>, vector<256x512xf32>, vector<1024x512xf32> -> vector<1024x512xf32>
    %get3A_22 = arith.constant 0 : index
    %get3A_23 = arith.constant 0 : index
    %get3A_24 = vector.load %arg7[%get3A_22, %get3A_23] : memref<1x512xf32, #tpu.memory_space<vmem>>, vector<1x512xf32>
    %add3A_25 = vector.broadcast %get3A_24 : vector<1x512xf32> to vector<1024x512xf32>
    %add3A_26 = arith.addf %dot_general3A_21, %add3A_25 : vector<1024x512xf32>
    %max3A = arith.constant 0.000000e+00 : f32
    %max3A_27 = vector.broadcast %max3A : f32 to vector<1024x512xf32>
    %max3A_28 = arith.maximumf %add3A_26, %max3A_27 : vector<1024x512xf32>
    %get3A_29 = arith.constant 0 : index
    %get3A_30 = arith.constant 0 : index
    %get3A_31 = vector.load %arg8[%get3A_29, %get3A_30] : memref<512x16xf32, #tpu.memory_space<vmem>>, vector<512x16xf32>
    %dot_general3A_32 = arith.constant dense<0.000000e+00> : vector<1024x16xf32>
    %dot_general3A_33 = tpu.matmul %max3A_28, %get3A_31, %dot_general3A_32 {dimension_numbers = #tpu.dot_dimension_numbers<[1], [0], [0], [1], [0, 0, 1, 1], [], []>, transpose_lhs_hint = false} : vector<1024x512xf32>, vector<512x16xf32>, vector<1024x16xf32> -> vector<1024x16xf32>
    %mul3A_34 = vector.broadcast %slice3A : vector<1024x1xf32> to vector<1024x16xf32>
    %mul3A_35 = arith.mulf %dot_general3A_33, %mul3A_34 : vector<1024x16xf32>
    %swap3A = arith.constant 0 : index
    %swap3A_36 = arith.constant 0 : index
    %swap3A_37 = vector.load %arg9[%swap3A, %swap3A_36] : memref<1024x16xf32, #tpu.memory_space<vmem>>, vector<1024x16xf32>
    tpu.vector_store %arg9[%swap3A, %swap3A_36], %mul3A_35 {strides = array<i32>} : memref<1024x16xf32, #tpu.memory_space<vmem>>, vector<1024x16xf32>,
    return
  }
  func.func @transform_0(%arg0: i32) -> (i32, i32) {
    %c0_i32 = arith.constant 0 : i32
    %c0_i32_0 = arith.constant 0 : i32
    return %arg0, %c0_i32 : i32, i32
  }
  func.func @transform_1(%arg0: i32) -> (i32, i32) {
    %c0_i32 = arith.constant 0 : i32
    %c0_i32_0 = arith.constant 0 : i32
    return %arg0, %c0_i32 : i32, i32
  }
  func.func @transform_2(%arg0: i32) -> (i32, i32) {
    %c0_i32 = arith.constant 0 : i32
    %c0_i32_0 = arith.constant 0 : i32
    return %arg0, %c0_i32 : i32, i32
  }
  func.func @transform_3(%arg0: i32) -> (i32, i32) {
    %c0_i32 = arith.constant 0 : i32
    %c0_i32_0 = arith.constant 0 : i32
    return %arg0, %c0_i32 : i32, i32
  }
  func.func @transform_4(%arg0: i32) -> (i32, i32) {
    %c0_i32 = arith.constant 0 : i32
    %c0_i32_0 = arith.constant 0 : i32
    return %arg0, %c0_i32 : i32, i32
  }
  func.func @transform_5(%arg0: i32) -> (i32, i32) {
    %c0_i32 = arith.constant 0 : i32
    %c0_i32_0 = arith.constant 0 : i32
    %c0_i32_1 = arith.constant 0 : i32
    return %c0_i32, %c0_i32_0 : i32, i32
  }
  func.func @transform_6(%arg0: i32) -> (i32, i32) {
    %c0_i32 = arith.constant 0 : i32
    %c0_i32_0 = arith.constant 0 : i32
    %c0_i32_1 = arith.constant 0 : i32
    return %c0_i32, %c0_i32_0 : i32, i32
  }
  func.func @transform_7(%arg0: i32) -> (i32, i32) {
    %c0_i32 = arith.constant 0 : i32
    %c0_i32_0 = arith.constant 0 : i32
    %c0_i32_1 = arith.constant 0 : i32
    return %c0_i32, %c0_i32_0 : i32, i32
  }
  func.func @transform_8(%arg0: i32) -> (i32, i32) {
    %c0_i32 = arith.constant 0 : i32
    %c0_i32_0 = arith.constant 0 : i32
    return %arg0, %c0_i32 : i32, i32
  }
}

module attributes {stable_mosaic.version = 14 : i64} {
  func.func @_tcc_body(%arg0: i32, %arg1: memref<2x1024x16xf32, #tpu.memory_space<vmem>>, %arg2: memref<1024x16xf32, #tpu.memory_space<vmem>>, %arg3: memref<1024x8xf32, #tpu.memory_space<vmem>>, %arg4: memref<1x16xf32, #tpu.memory_space<vmem>>, %arg5: memref<1024x16xf32, #tpu.memory_space<vmem>>) attributes {dimension_semantics = [#tpu.dimension_semantics<arbitrary>], iteration_bounds = array<i64: 10>, scalar_prefetch = 0 : i64, scratch_operands = 0 : i64, tpu.core_type = #tpu.core_type<tc>, window_params = [{transform_indices = @transform_0, window_bounds = array<i64: 2, 1024, 16>}, {transform_indices = @transform_1, window_bounds = array<i64: 1024, 16>}, {transform_indices = @transform_2, window_bounds = array<i64: 1024, 8>}, {pipeline_mode = #tpu.pipeline_mode<synchronous>, transform_indices = @transform_3, window_bounds = array<i64: 1, 16>}, {transform_indices = @transform_4, window_bounds = array<i64: 1024, 16>}]} {
    %get3A = arith.constant 0 : index
    %get3A_0 = arith.constant 0 : index
    %get3A_1 = arith.constant 0 : index
    %get3A_2 = vector.load %arg1[%get3A, %get3A_0, %get3A_1] : memref<2x1024x16xf32, #tpu.memory_space<vmem>>, vector<2x1024x16xf32>
    %slice3A = vector.extract_strided_slice %get3A_2 {offsets = [0, 0, 0], sizes = [1, 1024, 16], strides = [1, 1, 1]} : vector<2x1024x16xf32> to vector<1x1024x16xf32>
    %squeeze3A = vector.shape_cast %slice3A : vector<1x1024x16xf32> to vector<1024x16xf32>
    %slice3A_3 = vector.extract_strided_slice %get3A_2 {offsets = [1, 0, 0], sizes = [1, 1024, 16], strides = [1, 1, 1]} : vector<2x1024x16xf32> to vector<1x1024x16xf32>
    %squeeze3A_4 = vector.shape_cast %slice3A_3 : vector<1x1024x16xf32> to vector<1024x16xf32>
    %add3A = arith.addf %squeeze3A, %squeeze3A_4 : vector<1024x16xf32>
    %get3A_5 = arith.constant 0 : index
    %get3A_6 = arith.constant 0 : index
    %get3A_7 = vector.load %arg2[%get3A_5, %get3A_6] : memref<1024x16xf32, #tpu.memory_space<vmem>>, vector<1024x16xf32>
    %add3A_8 = arith.addf %add3A, %get3A_7 : vector<1024x16xf32>
    %get3A_9 = arith.constant 0 : index
    %get3A_10 = arith.constant 0 : index
    %get3A_11 = vector.load %arg3[%get3A_9, %get3A_10] : memref<1024x8xf32, #tpu.memory_space<vmem>>, vector<1024x8xf32>
    %slice3A_12 = vector.extract_strided_slice %get3A_11 {offsets = [0, 0], sizes = [1024, 1], strides = [1, 1]} : vector<1024x8xf32> to vector<1024x1xf32>
    %mul3A = vector.broadcast %slice3A_12 : vector<1024x1xf32> to vector<1024x16xf32>
    %mul3A_13 = arith.mulf %add3A_8, %mul3A : vector<1024x16xf32>
    %get3A_14 = arith.constant 0 : index
    %get3A_15 = arith.constant 0 : index
    %get3A_16 = vector.load %arg4[%get3A_14, %get3A_15] : memref<1x16xf32, #tpu.memory_space<vmem>>, vector<1x16xf32>
    %add3A_17 = vector.broadcast %get3A_16 : vector<1x16xf32> to vector<1024x16xf32>
    %add3A_18 = arith.addf %mul3A_13, %add3A_17 : vector<1024x16xf32>
    %reduce_max3A = arith.constant dense<0xFF800000> : vector<1024xf32>
    %reduce_max3A_19 = vector.multi_reduction <maximumf>, %add3A_18, %reduce_max3A [1] : vector<1024x16xf32> to vector<1024xf32>
    %broadcast_in_dim3A = vector.shape_cast %reduce_max3A_19 : vector<1024xf32> to vector<1024x1xf32>
    %sub3A = vector.broadcast %broadcast_in_dim3A : vector<1024x1xf32> to vector<1024x16xf32>
    %sub3A_20 = arith.subf %add3A_18, %sub3A : vector<1024x16xf32>
    %exp3A = math.exp %sub3A_20 : vector<1024x16xf32>
    %reduce_sum3A = arith.constant dense<0.000000e+00> : vector<1024xf32>
    %reduce_sum3A_21 = vector.multi_reduction <add>, %exp3A, %reduce_sum3A [1] : vector<1024x16xf32> to vector<1024xf32>
    %broadcast_in_dim3A_22 = vector.shape_cast %reduce_sum3A_21 : vector<1024xf32> to vector<1024x1xf32>
    %log3A = math.log %broadcast_in_dim3A_22 : vector<1024x1xf32>
    %sub3A_23 = vector.broadcast %log3A : vector<1024x1xf32> to vector<1024x16xf32>
    %sub3A_24 = arith.subf %sub3A_20, %sub3A_23 : vector<1024x16xf32>
    %swap3A = arith.constant 0 : index
    %swap3A_25 = arith.constant 0 : index
    %swap3A_26 = vector.load %arg5[%swap3A, %swap3A_25] : memref<1024x16xf32, #tpu.memory_space<vmem>>, vector<1024x16xf32>
    tpu.vector_store %arg5[%swap3A, %swap3A_25], %sub3A_24 {strides = array<i32>} : memref<1024x16xf32, #tpu.memory_space<vmem>>, vector<1024x16xf32>,
    return
  }
  func.func @transform_0(%arg0: i32) -> (i32, i32, i32) {
    %c0_i32 = arith.constant 0 : i32
    %c0_i32_0 = arith.constant 0 : i32
    %c0_i32_1 = arith.constant 0 : i32
    return %c0_i32, %arg0, %c0_i32_0 : i32, i32, i32
  }
  func.func @transform_1(%arg0: i32) -> (i32, i32) {
    %c0_i32 = arith.constant 0 : i32
    %c0_i32_0 = arith.constant 0 : i32
    return %arg0, %c0_i32 : i32, i32
  }
  func.func @transform_2(%arg0: i32) -> (i32, i32) {
    %c0_i32 = arith.constant 0 : i32
    %c0_i32_0 = arith.constant 0 : i32
    return %arg0, %c0_i32 : i32, i32
  }
  func.func @transform_3(%arg0: i32) -> (i32, i32) {
    %c0_i32 = arith.constant 0 : i32
    %c0_i32_0 = arith.constant 0 : i32
    %c0_i32_1 = arith.constant 0 : i32
    return %c0_i32, %c0_i32_0 : i32, i32
  }
  func.func @transform_4(%arg0: i32) -> (i32, i32) {
    %c0_i32 = arith.constant 0 : i32
    %c0_i32_0 = arith.constant 0 : i32
    return %arg0, %c0_i32 : i32, i32
  }
}

</mosaic_0001>

<sc_bundles>
// kernel: kernel.11.cloned.1.call-start
scs
__scs_entry_jumppad:
0x0: {  	(pc) =	sbr.rel $0x88, $3  }
0x1: {  	(tag) =	ssettag $0x0;
	lr =	simm.s32 $0x1  }
0x2: {  	[smem:$0x3F9B] =	sst lr;
	_ =	strace $0xD0000000  }
0x3: {  	_ = 	snop  }
0x4: {  	_ = 	snop  }
0x5: {  	_ = 	snop  }
0x6: {  	_ = 	snop  }
0x7: {  	_ = 	snop  }
__scs_overlays_trampoline_lowered:
0x8: {  	[smem:$0x3FAA] =	sst s0  }
0x9: {  	[smem:$0x3FAB] =	sst s1  }
0xa: {  	[smem:$0x3FAC] =	sst s2  }
0xb: {  	[smem:$0x3FAD] =	sst s3  }
0xc: {  	[smem:$0x3FAE] =	sst s4  }
0xd: {  	[smem:$0x3FAF] =	sst s5  }
0xe: {  	[smem:$0x3FB0] =	sst s6  }
0xf: {  	[smem:$0x3FB1] =	sst s7  }
0x10: {  	[smem:$0x3FB2] =	sst s8  }
0x11: {  	[smem:$0x3FB3] =	sst s9;
	s0 =	simm.s32 @!p0 $0x0  }
0x12: {  	s1 =	sld [smem:$0x3F99];
	s0 =	simm.s32 @p0 $0x1  }
0x13: {  	[smem:$0x3FB4] =	sst s0;
	s0 =	simm.s32 @!p1 $0x0  }
0x14: {  	s2 =	sld [smem:$0x3F98];
	s0 =	simm.s32 @p1 $0x1  }
0x15: {  	[smem:$0x3FB5] =	sst s0;
	s0 =	simm.s32 @!p2 $0x0  }
0x16: {  	s3 =	sld [smem:$0x3FDB];
	s0 =	simm.s32 @p2 $0x1  }
0x17: {  	s4 =	simm.s32 $0x1BF5;
	[smem:$0x3FB7] =	sst s0  }
0x18: {  	s0 =	sld [smem:$0x3F9A];
	_ =	swait.ge [sflag:s4], $0x0  }
0x19: {  	s7 =	sld [smem:$0x3F9B]  }
0x1a: {  	s8 =	sadd.s32 $0xFFFFE003, lr  }
0x1b: {  	s9 =	sadd.s32 $0xFFFFFEF7, lr;
	s5 =	simm.s32 $0xFFFFFFFF;
	p2 =	slt.u32 s8, $0xFFFFF086  }
0x1c: {  	p1 =	slt.u32 s9, $0xF7A;
	s5 =	simm.s32 @!p2 $0x0  }
0x1d: {  	s5 =	simm.s32 @p1 $0x1;
	p0 =	seq.s32 s7, s2  }
0x1e: {  	s7 =	smul.u32 @!p0 $0xF7A, s2;
	p2 =	seq.s32 @!p0 s5, $0x0  }
0x1f: {  	s9 =	smul.u32 $0xF7A, s1;
	s8 =	simm.s32 @!p0 $0x1BF5;
	p2 =	por !p2, p0  }
0x20: {  	[sflag:s8] =	ssyncset.s32 @!p0 $0xFFFFF086;
	s6 =	sadd.s32 @!p0 s3, s7;
	s7 =	simm.s32 @!p0 $0x108  }
0x21: {  	s3 =	sadd.s32 s3, s9;
	s6 =	sadd.s32 @!p0 $0x88, s6;
	s7 =	simm.s32 @p2 $0x1082  }
0x22: {  	[simem:s7], [sflag:s8] =	dma.local @!p0 [hbm:s6], $0xF7A  }
0x23: {  	s9 =	sor.u32 $0xD0000000, s2;
	s6 =	simm.s32 $0x108;
	_ =	swait.ge @!p0 [sflag:s8], $0x0  }
0x24: {  	s3 =	sadd.s32 $0x88, s3;
	s6 =	simm.s32 @!p1 $0x1082;
	[sflag:s4] =	ssyncset.s32 $0xFFFFF086  }
0x25: {  	[simem:s6], [sflag:s4] =	dma.local [hbm:s3], $0xF7A  }
0x26: {  	[smem:$0x3F9B] =	sst s1;
	(tag) =	ssettag s2;
	_ =	strace s9  }
0x27: {  	s1 =	sld [smem:$0x3FAB]  }
0x28: {  	s2 =	sld [smem:$0x3FAC]  }
0x29: {  	s4 =	sld [smem:$0x3FAE]  }
0x2a: {  	p0 =	seq.s32 s5, $0x0;
	s5 =	sld [smem:$0x3FAF]  }
0x2b: {  	s6 =	sld [smem:$0x3FB0]  }
0x2c: {  	s7 =	sld [smem:$0x3FB1]  }
0x2d: {  	s3 =	simm.s32 $0x108;
	s8 =	sld [smem:$0x3FB2]  }
0x2e: {  	s3 =	simm.s32 @!p0 $0x1082;
	s9 =	sld [smem:$0x3FB3]  }
0x2f: {  	lr =	sadd.s32 s0, s3;
	s0 =	sld [smem:$0x3FAA]  }
0x30: {  	s3 =	sld [smem:$0x3FAD]  }
0x31: {  	[smem:$0x3FB6] =	sst s10  }
0x32: {  	s10 =	sld [smem:$0x3FB4];
	_ =	sdelay $0x3  }
0x33: {  	p0 =	seq.s32 s10, $0x1;
	s10 =	sld [smem:$0x3FB6];
	_ =	sdelay $0x3  }
0x34: {  	[smem:$0x3FB6] =	sst s10  }
0x35: {  	s10 =	sld [smem:$0x3FB5];
	_ =	sdelay $0x3  }
0x36: {  	p1 =	seq.s32 s10, $0x1;
	s10 =	sld [smem:$0x3FB6];
	_ =	sdelay $0x3  }
0x37: {  	[smem:$0x3FB6] =	sst s10  }
0x38: {  	s10 =	sld [smem:$0x3FB7]  }
0x39: {  	_ = 	snop;
	(pc) =	sbr.ind lr, $3  }
0x3a: {  	_ = 	snop  }
0x3b: {  	_ = 	snop  }
0x3c: {  	p2 =	seq.s32 s10, $0x1;
	s10 =	sld [smem:$0x3FB6]  }
0x3d: {  	_ =	shalt  }
0x3e: {  	_ =	shalt  }
0x3f: {  	_ =	shalt  }
0x40: {  	_ =	shalt  }
0x41: {  	_ =	shalt  }
0x42: {  	_ =	shalt  }
0x43: {  	_ =	shalt  }
0x44: {  	_ =	shalt  }
0x45: {  	_ =	shalt  }
0x46: {  	_ =	shalt  }
0x47: {  	_ =	shalt  }
0x48: {  	_ =	shalt  }
0x49: {  	_ =	shalt  }
0x4a: {  	_ =	shalt  }
0x4b: {  	_ =	shalt  }
0x4c: {  	_ =	shalt  }
0x4d: {  	_ =	shalt  }
0x4e: {  	_ =	shalt  }
0x4f: {  	_ =	shalt  }
0x50: {  	_ =	shalt  }
0x51: {  	_ =	shalt  }
0x52: {  	_ =	shalt  }
0x53: {  	_ =	shalt  }
0x54: {  	_ =	shalt  }
0x55: {  	_ =	shalt  }
0x56: {  	_ =	shalt  }
0x57: {  	_ =	shalt  }
0x58: {  	_ =	shalt  }
0x59: {  	_ =	shalt  }
0x5a: {  	_ =	shalt  }
0x5b: {  	_ =	shalt  }
0x5c: {  	_ =	shalt  }
0x5d: {  	_ =	shalt  }
0x5e: {  	_ =	shalt  }
0x5f: {  	_ =	shalt  }
0x60: {  	_ =	shalt  }
0x61: {  	_ =	shalt  }
0x62: {  	_ =	shalt  }
0x63: {  	_ =	shalt  }
0x64: {  	_ =	shalt  }
0x65: {  	_ =	shalt  }
0x66: {  	_ =	shalt  }
0x67: {  	_ =	shalt  }
0x68: {  	_ =	shalt  }
0x69: {  	_ =	shalt  }
0x6a: {  	_ =	shalt  }
0x6b: {  	_ =	shalt  }
0x6c: {  	_ =	shalt  }
0x6d: {  	_ =	shalt  }
0x6e: {  	_ =	shalt  }
0x6f: {  	_ =	shalt  }
0x70: {  	_ =	shalt  }
0x71: {  	_ =	shalt  }
0x72: {  	_ =	shalt  }
0x73: {  	_ =	shalt  }
0x74: {  	_ =	shalt  }
0x75: {  	_ =	shalt  }
0x76: {  	_ =	shalt  }
0x77: {  	_ =	shalt  }
0x78: {  	_ =	shalt  }
0x79: {  	_ =	shalt  }
0x7a: {  	_ =	shalt  }
0x7b: {  	_ =	shalt  }
0x7c: {  	_ =	shalt  }
0x7d: {  	_ =	shalt  }
0x7e: {  	_ =	shalt  }
0x7f: {  	_ =	shalt  }
0x80: {  	_ =	shalt  }
0x81: {  	_ =	shalt  }
0x82: {  	_ =	shalt  }
0x83: {  	_ =	shalt  }
0x84: {  	_ =	shalt  }
0x85: {  	_ =	shalt  }
0x86: {  	_ =	shalt  }
0x87: {  	_ =	shalt  }
.Lfunc_end0:
.L_simem_size_0:
called_computation.1_lowered:
.L_overlay_start_0:
0x88: {  	s2 =	sld [smem:$0x3FD9]  }
0x89: {  	s3 =	sld [smem:$0x3FFE];
	_ =	sdelay $0x1  }
0x8a: {  	s1 =	srdreg.scid  }
0x8b: {  	s0 =	sand.u32 $0x1, s1  }
0x8c: {  	s17 =	sshll.u32 s0, $0xA;
	s2 =	sadd.s32 s3, s2  }
0x8d: {  	s2 =	sadd.s32 s2, s17  }
0x8e: {  	[smem:$0x3FC2] =	sst s2  }
0x8f: {  	_ = 	snop  }
0x90: {  	s2 =	sld [smem:$0x3FD0];
	(tm) =	ssettm $0x1  }
0x91: {  	s18 =	sld [smem:$0x3FFB];
	_ =	sdelay $0x3  }
0x92: {  	_ =	strace s18  }
0x93: {  	s3 =	sld [smem:$0x3FFC];
	_ =	sdelay $0x3  }
0x94: {  	_ =	strace s3  }
0x95: {  	s3 =	sld [smem:$0x3FFD];
	_ =	sdelay $0x3  }
0x96: {  	_ =	strace s3  }
0x97: {  	_ =	strace $0x8FFFFFFF  }
0x98: {  	s19 =	sld [smem:$0x3FDB];
	_ =	sdelay $0x1  }
0x99: {  	s4 =	simm.s32 $_scs_section_size  }
0x9a: {  	s5 =	simm.s32 $_size__tile_overlayer_lowered;
	s6 =	simm.s32 $_tile_overlayer_lowered  }
0x9b: {  	s22 =	simm.s32 $0x1BFF;
	s21 =	sshll.u32 s6, $0x1;
	s3 =	sadd.s32 s4, s19  }
0x9c: {  	s7 =	simm.s32 $0x0;
	s20 =	sshll.u32 s5, $0x1;
	s5 =	sadd.s32 s21, s3  }
0x9d: {  	[timem:s7], [sflag:s22] =	dma.local [hbm:s5], s20  }
0x9e: {  	_ =	swait.ge [sflag:s22], s20  }
0x9f: {  	s4 =	ssub.s32 $0x0, s20;
	[sflag:s22] =	ssyncset.done $0x0  }
0xa0: {  	[sflag:s22] =	ssyncadd.s32 s4;
	_ =	sdelay $0x1  }
0xa1: {  	s23 =	simm.s32 $0x1B8B  }
0xa2: {  	_ =	swait.ge [sflag:s23], $0x1  }
0xa3: {  	[sflag:s23] =	ssyncset.done $0x0  }
0xa4: {  	s25 =	simm.s32 $0x1B8E;
	s24 =	sld [smem:$0x3FFE];
	[sflag:s23] =	ssyncadd.s32 $0xFFFFFFFF  }
0xa5: {  	s26 =	simm.s32 $execute0_lowered;
	[smem:$0x3FD2] =	sst s25  }
0xa6: {  	s5 =	sshll.u32 s26, $0x1;
	_ =	strace $0x80000049;
	[dreg:$0x1] =	wrdreg $0xFFFFFFFF  }
0xa7: {  	s28 =	simm.s32 $_size_execute0_lowered;
	s3 =	sadd.s32 s3, s5;
	[dreg:$0x0] =	wrdreg $0x0  }
0xa8: {  	s5 =	sshll.u32 s28, $0x1;
	[dreg:$0x2] =	wrdreg s3  }
0xa9: {  	[dreg:$0x3] =	wrdreg s5  }
0xaa: {  	[dreg:$0x4] =	wrdreg $0xC0  }
0xab: {  	_ =	task [dreg:s7], $0x5FFFF  }
0xac: {  	[dreg:$0x1] =	wrdreg $0xFFFFFFFF  }
0xad: {  	[dreg:$0x0] =	wrdreg $0x60  }
0xae: {  	[dreg:$0x2] =	wrdreg s24  }
0xaf: {  	[dreg:$0x3] =	wrdreg s2  }
0xb0: {  	[dreg:$0x4] =	wrdreg $0x0  }
0xb1: {  	[dreg:$0x5] =	wrdreg $0x9  }
0xb2: {  	_ =	task.clear_ibuf [dreg:s7], $0x6FFFF;
	_ =	strace $0x90000049  }
0xb3: {  	s29 =	simm.s32 $0x9;
	_ =	strace $0x8000004B  }
0xb4: {  	_ =	swait.ge [sflag:s29], $0x1  }
0xb5: {  	[sflag:s29] =	ssyncadd.s32 $0xFFFFFFFF  }
0xb6: {  	_ =	strace $0x9000004B  }
0xb7: {  	_ =	sfence  }
0xb8: {  	s30 =	sld [smem:$0x0];
	_ =	sdelay $0x2  }
0xb9: {  	s31 =	sshll.u32 s1, $0xD;
	s1 =	sshrl.u32 s1, $0x2  }
0xba: {  	s3 =	sand.u32 $0x4000, s31;
	s1 =	sadd.s32 s1, s30  }
0xbb: {  	s0 =	sor.u32 s3, s0;
	s1 =	sshll.u32 s1, $0x11  }
0xbc: {  	s0 =	sor.u32 s1, s0  }
0xbd: {  	s0 =	sadd.s32 $0x8F2B, s0  }
0xbe: {  	[sflag:s0] =	ssyncadd.remote.s32 $0x1  }
0xbf: {  	_ =	sfence.sel $0xFFFF  }
0xc0: {  	[dreg:$0x0] =	wrdreg $0xFFFFFFFF;
	(pc) =	sbr.abs _section_cstart, $3  }
0xc1: {  	[dreg:$0x1] =	wrdreg $0xFFFFFFFF  }
0xc2: {  	_ =	task.clear_ibuf [dreg:s7], $0x2FFFF;
	_ =	strace $0x9FFFFFFF  }
0xc3: {  	(tm) =	ssettm $0x7FFFFFFF  }
tec
execute0_lowered:
.L_overlay_start_1:
0x0: {  	(tag) =	ssettag $0x1  }
0x1: {  	s0 =	rddreg [dreg:$0x0]  }
0x2: {  	s2 =	rddreg [dreg:$0x2];
	s3 =	simm.s32 $0x0  }
0x3: {  	s4 =	srdreg.scid;
	s1 =	stileid.u32;
	s29 =	simm.s32 $0x8  }
0x4: {  	s30 =	simm.s32 $0x14000;
	s31 =	simm.s32 $0x14040;
	s28 =	simm.s32 $0x0  }
0x5: {  	[smem:$0x7FF] =	sst s3;
	s5 =	sadd.s32 $0xCE00, s0;
	s4 =	sand.u32 $0x1, s4  }
0x6: {  	s6 =	sadd.s32 $0x34E00, s0;
	s8 =	sadd.s32 $0x3000, s0;
	s10 =	smul.u32 $0x14000, s1  }
0x7: {  	s11 =	sadd.s32 $0x84E00, s0;
	s0 =	sadd.s32 $0xACE00, s0;
	s19 =	smul.u32 $0x2710, s1  }
0x8: {  	s18 =	smul.u32 $0x4E2, s1;
	_ =	strace $0x8000004A;
	[dreg:$0x4] =	wrdreg s11  }
0x9: {  	s7 =	ssub.s32 $0x2, s4;
	[dreg:$0x5] =	wrdreg s0;
	p0 =	seq.s32 s4, $0x1  }
0xa: {  	s11 =	simm.s32 $0x18100;
	s9 =	sshrl.u32 s7, $0x1;
	s4 =	sadd.s32 $0x4000, s10  }
0xb: {  	s20 =	sadd.s32 s10, s2;
	s22 =	sadd.s32 $0x8000, s10;
	s24 =	sadd.s32 $0xC000, s10  }
0xc: {  	s25 =	sadd.s32 $0x10000, s10;
	s17 =	sshrl.u32 s10, $0x3;
	[dreg:$0x6] =	wrdreg s20  }
0xd: {  	s10 =	simm.s32 $0x1;
	s21 =	sadd.s32 s4, s2;
	[dreg:$0xf] =	wrdreg s17  }
0xe: {  	s0 =	ssub.s32 s7, s9;
	s23 =	sadd.s32 s22, s2;
	[dreg:$0x7] =	wrdreg s21  }
0xf: {  	s7 =	sshrl.u32 s19, $0x3;
	s12 =	sadd.s32 s24, s2;
	[dreg:$0x8] =	wrdreg s23  }
0x10: {  	s26 =	sadd.s32 s25, s2;
	s4 =	sshrl.u32 s4, $0x3;
	[dreg:$0x9] =	wrdreg s12  }
0x11: {  	s19 =	sshrl.u32 s22, $0x3;
	s20 =	sshrl.u32 s24, $0x3;
	[dreg:$0xb] =	wrdreg s26  }
0x12: {  	s22 =	sshll.u32 s1, $0x6;
	s9 =	simm.s32 $0x16100;
	[dreg:$0x10] =	wrdreg s4  }
0x13: {  	s17 =	simm.s32 $0x5;
	s13 =	sadd.s32 s8, s7;
	[dreg:$0x11] =	wrdreg s19  }
0x14: {  	[dreg:$0x12] =	wrdreg s20;
	s21 =	sshrl.u32 s25, $0x3;
	s23 =	sadd.s32 s18, s8  }
0x15: {  	s0 =	smax.u32 s0, $0x1;
	s25 =	sor.u32 $0x1C08, s22;
	[dreg:$0x13] =	wrdreg s21  }
0x16: {  	s4 =	simm.s32 $0x14080;
	s7 =	simm.s32 $0x16080;
	[dreg:$0x14] =	wrdreg s0  }
0x17: {  	s8 =	simm.s32 $0x160C0;
	s14 =	sadd.s32 $0x4E20, s13;
	[dreg:$0xa] =	wrdreg s13  }
0x18: {  	s12 =	simm.s32 $0x18140;
	s15 =	sadd.s32 $0x8, s13;
	[dreg:$0xc] =	wrdreg s14  }
.Ltmp0:
0x19: {  	s16 =	sadd.s32 $0x4E28, s13;
	[dreg:$0xd] =	wrdreg s15;
	(pc) =	sbr.rel .LBB2_1-.Ltmp0, $4  }
0x1a: {  	s18 =	simm.s32 $0x4;
	s24 =	sadd.s32 $0x4E0, s13;
	[dreg:$0xe] =	wrdreg s16  }
0x1b: {  	s20 =	simm.s32 $0x1A190;
	s26 =	sadd.s32 $0x5300, s13;
	[dreg:$0x15] =	wrdreg s24  }
0x1c: {  	s0 =	simm.s32 $0x40;
	s21 =	simm.s32 $0x1A1A0;
	[dreg:$0x16] =	wrdreg s26  }
0x1d: {  	s14 =	simm.s32 $0x18180;
	s15 =	simm.s32 $0x3;
	s16 =	simm.s32 $0x2  }
.LBB2_8:
0x1e: {  	s26 =	smov.u32 s6;
	s19 =	rddreg [dreg:$0x5]  }
.LBB2_9:
0x1f: {  	_ =	swait.ge [sflag:s17], $0x2000  }
0x20: {  	[sflag:s17] =	ssyncset.done $0x0  }
0x21: {  	[sflag:s17] =	ssyncadd.s32 $0xFFFFE000  }
0x22: {  	[spmem:s2] =	stream.indirect.scatter.add.f32 [tilespmem:s14], [sflag:$0x6], $0x80, s12, s0, $0xb8;
	[tilespmem:$0x1A9A0] =	vst v63  }
0x23: {  	_ =	swait.ge [sflag:s18], $0x2000  }
0x24: {  	[sflag:s18] =	ssyncset.done $0x0  }
0x25: {  	s1 =	simm.s32 $0x6;
	[sflag:s18] =	ssyncadd.s32 $0xFFFFE000  }
0x26: {  	_ =	swait.ge [sflag:s1], $0x2000  }
0x27: {  	[sflag:s1] =	ssyncset.done $0x0  }
0x28: {  	s13 =	simm.s32 $0x1A180;
	[sflag:s1] =	ssyncadd.s32 $0xFFFFE000;
	s1 =	rddreg [dreg:$0x15]  }
0x29: {  	[tilespmem:s13], [sflag:$0x8] =	stream.linear.gather [hbm4b:s1+s3], $0x10, $0x38;
	[tilespmem:$0x1A9A0] =	vst v63  }
0x2a: {  	_ =	swait.ge [sflag:s29], $0x10  }
0x2b: {  	[sflag:s29] =	ssyncset.done $0x0  }
0x2c: {  	s1 =	rddreg [dreg:$0x16];
	[sflag:s29] =	ssyncadd.s32 $0xFFFFFFF0  }
0x2d: {  	[tilespmem:s20], [sflag:$0x8] =	stream.linear.gather [hbm4b:s1+s3], $0x10, $0x38;
	[tilespmem:$0x1A9A0] =	vst v63  }
0x2e: {  	_ =	swait.ge [sflag:s29], $0x10  }
0x2f: {  	[sflag:s29] =	ssyncset.done $0x0  }
0x30: {  	s1 =	simm.s32 $0x10;
	[sflag:s29] =	ssyncadd.s32 $0xFFFFFFF0  }
0x31: {  	[tilespmem:s21], [sflag:$0x7] =	stream.indirect.gather [hbm4b:s26+s1], $0x80, s13, s1, $0xb8;
	[tilespmem:$0x1A9A0] =	vst v63  }
0x32: {  	s26 =	simm.s32 $0x7  }
0x33: {  	_ =	swait.ge [sflag:s26], $0x800  }
0x34: {  	[sflag:s26] =	ssyncset.done $0x0  }
0x35: {  	[sflag:s26] =	ssyncadd.s32 $0xFFFFF800  }
0x36: {  	[spmem:s2] =	stream.indirect.scatter.add.f32 [tilespmem:s21], [sflag:$0x8], $0x80, s20, s1, $0xb8;
	[tilespmem:$0x1A9A0] =	vst v63  }
0x37: {  	_ =	swait.ge [sflag:s29], $0x800  }
0x38: {  	[sflag:s29] =	ssyncset.done $0x0  }
0x39: {  	[sflag:s29] =	ssyncadd.s32 $0xFFFFF800  }
0x3a: {  	s13 =	rddreg [dreg:$0xf];
	[bflag:$0x0] =	sbarrier.arrive $0xFFFF  }
0x3b: {  	s1 =	sadd.s32 s19, s13;
	s26 =	rddreg [dreg:$0x17]  }
0x3c: {  	[hbm:s1], [sflag:s25] =	dma.local [spmem:s26], $0x800  }
0x3d: {  	_ =	swait.ge [sflag:s29], $0x800  }
0x3e: {  	[sflag:s29] =	ssyncset.done $0x0;
	s13 =	rddreg [dreg:$0x10]  }
0x3f: {  	s26 =	rddreg [dreg:$0x18];
	s1 =	sadd.s32 s19, s13;
	[sflag:s29] =	ssyncadd.s32 $0xFFFFF800  }
0x40: {  	[hbm:s1], [sflag:s25] =	dma.local [spmem:s26], $0x800  }
0x41: {  	_ =	swait.ge [sflag:s29], $0x800  }
0x42: {  	[sflag:s29] =	ssyncset.done $0x0;
	s26 =	rddreg [dreg:$0x11]  }
0x43: {  	s1 =	sadd.s32 s19, s26;
	[sflag:s29] =	ssyncadd.s32 $0xFFFFF800  }
0x44: {  	[hbm:s1], [sflag:s25] =	dma.local [spmem:s22], $0x800  }
0x45: {  	_ =	swait.ge [sflag:s29], $0x800  }
0x46: {  	[sflag:s29] =	ssyncset.done $0x0;
	s13 =	rddreg [dreg:$0x12]  }
0x47: {  	s1 =	sadd.s32 s19, s13;
	[sflag:s29] =	ssyncadd.s32 $0xFFFFF800  }
0x48: {  	[hbm:s1], [sflag:s25] =	dma.local [spmem:s24], $0x800  }
0x49: {  	_ =	swait.ge [sflag:s29], $0x800  }
0x4a: {  	[sflag:s29] =	ssyncset.done $0x0;
	s22 =	rddreg [dreg:$0x13]  }
0x4b: {  	s24 =	rddreg [dreg:$0x19];
	s1 =	sadd.s32 s19, s22;
	[sflag:s29] =	ssyncadd.s32 $0xFFFFF800  }
0x4c: {  	[hbm:s1], [sflag:s25] =	dma.local [spmem:s24], $0x800  }
0x4d: {  	_ =	swait.ge [sflag:s29], $0x800  }
0x4e: {  	s28 =	sadd.s32 $0x1, s28;
	s26 =	rddreg [dreg:$0x14]  }
0x4f: {  	p1 =	sne.s32 s28, s26  }
.Ltmp1:
0x50: {  	_ = 	snop;
	(pc) =	sbr.rel @!p1 .LBB2_10-.Ltmp1, $3  }
0x51: {  	_ =	sdelay $0x1  }
0x52: {  	[sflag:s29] =	ssyncset.done $0x0  }
0x53: {  	[sflag:s29] =	ssyncadd.s32 $0xFFFFF800  }
.LBB2_1:
0x54: {  	s1 =	rddreg [dreg:$0x6]  }
0x55: {  	s13 =	sshrl.u32 s1, $0x3;
	s1 =	rddreg [dreg:$0x1]  }
0x56: {  	[dreg:$0x17] =	wrdreg s13  }
0x57: {  	[spmem:s13], [sflag:s25] =	dma.local [hbm:s1], $0x800  }
0x58: {  	_ =	swait.ge [sflag:s29], $0x800  }
0x59: {  	s19 =	rddreg [dreg:$0x7]  }
0x5a: {  	[sflag:s29] =	ssyncset.done $0x0;
	s13 =	sshrl.u32 s19, $0x3  }
0x5b: {  	[sflag:s29] =	ssyncadd.s32 $0xFFFFF800;
	[dreg:$0x18] =	wrdreg s13  }
0x5c: {  	[spmem:s13], [sflag:s25] =	dma.local [hbm:s1], $0x800  }
0x5d: {  	_ =	swait.ge [sflag:s29], $0x800  }
0x5e: {  	[sflag:s29] =	ssyncset.done $0x0;
	s22 =	rddreg [dreg:$0x8]  }
0x5f: {  	[sflag:s29] =	ssyncadd.s32 $0xFFFFF800;
	s22 =	sshrl.u32 s22, $0x3  }
0x60: {  	[spmem:s22], [sflag:s25] =	dma.local [hbm:s1], $0x800  }
0x61: {  	_ =	swait.ge [sflag:s29], $0x800  }
0x62: {  	[sflag:s29] =	ssyncset.done $0x0;
	s24 =	rddreg [dreg:$0x9]  }
0x63: {  	[sflag:s29] =	ssyncadd.s32 $0xFFFFF800;
	s24 =	sshrl.u32 s24, $0x3  }
0x64: {  	[spmem:s24], [sflag:s25] =	dma.local [hbm:s1], $0x800  }
0x65: {  	_ =	swait.ge [sflag:s29], $0x800  }
0x66: {  	s26 =	rddreg [dreg:$0xb]  }
0x67: {  	[sflag:s29] =	ssyncset.done $0x0;
	s13 =	sshrl.u32 s26, $0x3  }
0x68: {  	[sflag:s29] =	ssyncadd.s32 $0xFFFFF800;
	[dreg:$0x19] =	wrdreg s13  }
0x69: {  	[spmem:s13], [sflag:s25] =	dma.local [hbm:s1], $0x800  }
0x6a: {  	_ =	swait.ge [sflag:s29], $0x800  }
0x6b: {  	[sflag:s29] =	ssyncset.done $0x0  }
0x6c: {  	[sflag:s29] =	ssyncadd.s32 $0xFFFFF800  }
0x6d: {  	[bflag:$0x0] =	sbarrier.arrive $0xFFFF  }
0x6e: {  	s19 =	rddreg [dreg:$0xa]  }
0x6f: {  	[tilespmem:s30], [sflag:$0x8] =	stream.linear.gather [hbm4b:s19+s3], $0x40, $0x38;
	[tilespmem:$0x1A9A0] =	vst v63  }
0x70: {  	_ =	swait.ge [sflag:s29], $0x40  }
0x71: {  	[sflag:s29] =	ssyncset.done $0x0  }
.Ltmp2:
0x72: {  	s26 =	rddreg [dreg:$0xc];
	[sflag:s29] =	ssyncadd.s32 $0xFFFFFFC0;
	(pc) =	sbr.rel @!p0 .LBB2_2-.Ltmp2, $4  }
0x73: {  	[tilespmem:s31], [sflag:$0x8] =	stream.linear.gather [hbm4b:s26+s3], $0x40, $0x38;
	[tilespmem:$0x1A9A0] =	vst v63  }
0x74: {  	_ =	swait.ge [sflag:s29], $0x40  }
0x75: {  	[sflag:s29] =	ssyncset.done $0x0  }
0x76: {  	[sflag:s29] =	ssyncadd.s32 $0xFFFFFFC0  }
0x77: {  	[tilespmem:s4], [sflag:$0x1] =	stream.indirect.gather [hbm4b:s6+s0], $0x80, s30, s0, $0xb8;
	[tilespmem:$0x1A9A0] =	vst v63  }
0x78: {  	s19 =	simm.s32 $0x0;
	s1 =	rddreg [dreg:$0xd]  }
0x79: {  	[tilespmem:s7], [sflag:$0x8] =	stream.linear.gather [hbm4b:s1+s19], $0x40, $0x38;
	[tilespmem:$0x1A9A0] =	vst v63  }
0x7a: {  	_ =	swait.ge [sflag:s29], $0x40  }
0x7b: {  	[sflag:s29] =	ssyncset.done $0x0  }
0x7c: {  	s26 =	rddreg [dreg:$0xe];
	[sflag:s29] =	ssyncadd.s32 $0xFFFFFFC0  }
0x7d: {  	[tilespmem:s8], [sflag:$0x8] =	stream.linear.gather [hbm4b:s26+s19], $0x40, $0x38;
	[tilespmem:$0x1A9A0] =	vst v63  }
0x7e: {  	_ =	swait.ge [sflag:s29], $0x40  }
0x7f: {  	[sflag:s29] =	ssyncset.done $0x0  }
0x80: {  	[sflag:s29] =	ssyncadd.s32 $0xFFFFFFC0  }
0x81: {  	[tilespmem:s9], [sflag:$0x3] =	stream.indirect.gather [hbm4b:s6+s0], $0x80, s7, s0, $0xb8;
	[tilespmem:$0x1A9A0] =	vst v63  }
.LBB2_7:
0x82: {  	_ =	swait.ge [sflag:s10], $0x2000  }
0x83: {  	p1 =	seq.s32 s19, $0x0;
	[sflag:s10] =	ssyncset.done $0x0  }
0x84: {  	s1 =	simm.s32 @!p1 $0x6;
	[sflag:s10] =	ssyncadd.s32 $0xFFFFE000  }
0x85: {  	[spmem:s2] =	stream.indirect.scatter.add.f32 [tilespmem:s4], [sflag:$0x2], $0x80, s31, s0, $0xb8;
	[tilespmem:$0x1A9A0] =	vst v63  }
0x86: {  	_ =	swait.ge @!p1 [sflag:s1], $0x2000  }
0x87: {  	s26 =	sadd.s32 s19, s23;
	[sflag:s1] =	ssyncset.done @!p1 $0x0  }
0x88: {  	s13 =	sadd.s32 $0x10, s26;
	[sflag:s1] =	ssyncadd.s32 @!p1 $0xFFFFE000  }
0x89: {  	[tilespmem:s11], [sflag:$0x8] =	stream.linear.gather [hbm4b:s13+s3], $0x40, $0x38;
	[tilespmem:$0x1A9A0] =	vst v63  }
0x8a: {  	_ =	swait.ge [sflag:s29], $0x40  }
0x8b: {  	[sflag:s29] =	ssyncset.done $0x0  }
0x8c: {  	s13 =	sadd.s32 $0x4E30, s26;
	[sflag:s29] =	ssyncadd.s32 $0xFFFFFFC0  }
0x8d: {  	[tilespmem:s12], [sflag:$0x8] =	stream.linear.gather [hbm4b:s13+s3], $0x40, $0x38;
	[tilespmem:$0x1A9A0] =	vst v63  }
0x8e: {  	_ =	swait.ge [sflag:s29], $0x40  }
0x8f: {  	[sflag:s29] =	ssyncset.done $0x0  }
0x90: {  	[sflag:s29] =	ssyncadd.s32 $0xFFFFFFC0  }
0x91: {  	[tilespmem:s14], [sflag:$0x5] =	stream.indirect.gather [hbm4b:s6+s0], $0x80, s11, s0, $0xb8;
	[tilespmem:$0x1A9A0] =	vst v63  }
0x92: {  	_ =	swait.ge [sflag:s15], $0x2000  }
0x93: {  	p1 =	seq.s32 s19, $0x4C8;
	[sflag:s15] =	ssyncset.done $0x0  }
.Ltmp3:
0x94: {  	[sflag:s15] =	ssyncadd.s32 $0xFFFFE000;
	(pc) =	sbr.rel @p1 .LBB2_8-.Ltmp3, $4  }
0x95: {  	[spmem:s2] =	stream.indirect.scatter.add.f32 [tilespmem:s9], [sflag:$0x4], $0x80, s8, s0, $0xb8;
	[tilespmem:$0x1A9A0] =	vst v63  }
0x96: {  	_ =	swait.ge [sflag:s16], $0x2000  }
0x97: {  	[sflag:s16] =	ssyncset.done $0x0  }
0x98: {  	[sflag:s16] =	ssyncadd.s32 $0xFFFFE000  }
0x99: {  	s1 =	sadd.s32 $0x18, s26  }
0x9a: {  	[tilespmem:s30], [sflag:$0x8] =	stream.linear.gather [hbm4b:s1+s3], $0x40, $0x38;
	[tilespmem:$0x1A9A0] =	vst v63  }
0x9b: {  	_ =	swait.ge [sflag:s29], $0x40  }
0x9c: {  	[sflag:s29] =	ssyncset.done $0x0  }
0x9d: {  	s13 =	sadd.s32 $0x4E38, s26;
	[sflag:s29] =	ssyncadd.s32 $0xFFFFFFC0  }
0x9e: {  	[tilespmem:s31], [sflag:$0x8] =	stream.linear.gather [hbm4b:s13+s3], $0x40, $0x38;
	[tilespmem:$0x1A9A0] =	vst v63  }
0x9f: {  	_ =	swait.ge [sflag:s29], $0x40  }
0xa0: {  	[sflag:s29] =	ssyncset.done $0x0  }
0xa1: {  	[sflag:s29] =	ssyncadd.s32 $0xFFFFFFC0  }
0xa2: {  	[tilespmem:s4], [sflag:$0x1] =	stream.indirect.gather [hbm4b:s6+s0], $0x80, s30, s0, $0xb8;
	[tilespmem:$0x1A9A0] =	vst v63  }
0xa3: {  	_ =	swait.ge [sflag:s17], $0x2000  }
0xa4: {  	[sflag:s17] =	ssyncset.done $0x0  }
0xa5: {  	[sflag:s17] =	ssyncadd.s32 $0xFFFFE000  }
0xa6: {  	[spmem:s2] =	stream.indirect.scatter.add.f32 [tilespmem:s14], [sflag:$0x6], $0x80, s12, s0, $0xb8;
	[tilespmem:$0x1A9A0] =	vst v63  }
0xa7: {  	_ =	swait.ge [sflag:s18], $0x2000  }
0xa8: {  	[sflag:s18] =	ssyncset.done $0x0  }
0xa9: {  	s13 =	sadd.s32 $0x20, s26;
	[sflag:s18] =	ssyncadd.s32 $0xFFFFE000  }
0xaa: {  	[tilespmem:s7], [sflag:$0x8] =	stream.linear.gather [hbm4b:s13+s3], $0x40, $0x38;
	[tilespmem:$0x1A9A0] =	vst v63  }
0xab: {  	_ =	swait.ge [sflag:s29], $0x40  }
0xac: {  	[sflag:s29] =	ssyncset.done $0x0  }
0xad: {  	s26 =	sadd.s32 $0x4E40, s26;
	[sflag:s29] =	ssyncadd.s32 $0xFFFFFFC0  }
0xae: {  	[tilespmem:s8], [sflag:$0x8] =	stream.linear.gather [hbm4b:s26+s3], $0x40, $0x38;
	[tilespmem:$0x1A9A0] =	vst v63  }
.Ltmp4:
0xaf: {  	_ = 	snop;
	(pc) =	sbr.rel .LBB2_7-.Ltmp4, $4  }
0xb0: {  	_ =	swait.ge [sflag:s29], $0x40  }
0xb1: {  	[sflag:s29] =	ssyncset.done $0x0  }
0xb2: {  	s19 =	sadd.s32 $0x18, s19;
	[sflag:s29] =	ssyncadd.s32 $0xFFFFFFC0  }
0xb3: {  	[tilespmem:s9], [sflag:$0x3] =	stream.indirect.gather [hbm4b:s6+s0], $0x80, s7, s0, $0xb8;
	[tilespmem:$0x1A9A0] =	vst v63  }
.LBB2_2:
0xb4: {  	[tilespmem:s4], [sflag:$0x1] =	stream.indirect.gather [hbm4b:s5+s0], $0x80, s30, s0, $0xb8;
	[tilespmem:$0x1A9A0] =	vst v63  }
0xb5: {  	s19 =	simm.s32 $0x0;
	s1 =	rddreg [dreg:$0xd]  }
0xb6: {  	[tilespmem:s7], [sflag:$0x8] =	stream.linear.gather [hbm4b:s1+s19], $0x40, $0x38;
	[tilespmem:$0x1A9A0] =	vst v63  }
0xb7: {  	_ =	swait.ge [sflag:s29], $0x40  }
0xb8: {  	[sflag:s29] =	ssyncset.done $0x0  }
0xb9: {  	s26 =	rddreg [dreg:$0xe];
	[sflag:s29] =	ssyncadd.s32 $0xFFFFFFC0  }
0xba: {  	[tilespmem:s8], [sflag:$0x8] =	stream.linear.gather [hbm4b:s26+s19], $0x40, $0x38;
	[tilespmem:$0x1A9A0] =	vst v63  }
0xbb: {  	_ =	swait.ge [sflag:s29], $0x40  }
0xbc: {  	[sflag:s29] =	ssyncset.done $0x0  }
0xbd: {  	[sflag:s29] =	ssyncadd.s32 $0xFFFFFFC0  }
0xbe: {  	[tilespmem:s9], [sflag:$0x3] =	stream.indirect.gather [hbm4b:s5+s0], $0x80, s7, s0, $0xb8;
	[tilespmem:$0x1A9A0] =	vst v63  }
.LBB2_3:
0xbf: {  	_ =	swait.ge [sflag:s10], $0x2000  }
0xc0: {  	p1 =	seq.s32 s19, $0x0;
	[sflag:s10] =	ssyncset.done $0x0  }
0xc1: {  	s1 =	simm.s32 @!p1 $0x6;
	[sflag:s10] =	ssyncadd.s32 $0xFFFFE000  }
0xc2: {  	[spmem:s2] =	stream.indirect.scatter.add.f32 [tilespmem:s4], [sflag:$0x2], $0x80, s31, s0, $0xb8;
	[tilespmem:$0x1A9A0] =	vst v63  }
0xc3: {  	_ =	swait.ge @!p1 [sflag:s1], $0x2000  }
0xc4: {  	s26 =	sadd.s32 s19, s23;
	[sflag:s1] =	ssyncset.done @!p1 $0x0  }
0xc5: {  	s13 =	sadd.s32 $0x10, s26;
	[sflag:s1] =	ssyncadd.s32 @!p1 $0xFFFFE000  }
0xc6: {  	[tilespmem:s11], [sflag:$0x8] =	stream.linear.gather [hbm4b:s13+s3], $0x40, $0x38;
	[tilespmem:$0x1A9A0] =	vst v63  }
0xc7: {  	_ =	swait.ge [sflag:s29], $0x40  }
0xc8: {  	[sflag:s29] =	ssyncset.done $0x0  }
0xc9: {  	s13 =	sadd.s32 $0x4E30, s26;
	[sflag:s29] =	ssyncadd.s32 $0xFFFFFFC0  }
0xca: {  	[tilespmem:s12], [sflag:$0x8] =	stream.linear.gather [hbm4b:s13+s3], $0x40, $0x38;
	[tilespmem:$0x1A9A0] =	vst v63  }
0xcb: {  	_ =	swait.ge [sflag:s29], $0x40  }
0xcc: {  	[sflag:s29] =	ssyncset.done $0x0  }
0xcd: {  	[sflag:s29] =	ssyncadd.s32 $0xFFFFFFC0  }
0xce: {  	[tilespmem:s14], [sflag:$0x5] =	stream.indirect.gather [hbm4b:s5+s0], $0x80, s11, s0, $0xb8;
	[tilespmem:$0x1A9A0] =	vst v63  }
0xcf: {  	_ =	swait.ge [sflag:s15], $0x2000  }
0xd0: {  	p1 =	seq.s32 s19, $0x4C8;
	[sflag:s15] =	ssyncset.done $0x0  }
.Ltmp5:
0xd1: {  	[sflag:s15] =	ssyncadd.s32 $0xFFFFE000;
	(pc) =	sbr.rel @p1 .LBB2_4-.Ltmp5, $4  }
0xd2: {  	[spmem:s2] =	stream.indirect.scatter.add.f32 [tilespmem:s9], [sflag:$0x4], $0x80, s8, s0, $0xb8;
	[tilespmem:$0x1A9A0] =	vst v63  }
0xd3: {  	_ =	swait.ge [sflag:s16], $0x2000  }
0xd4: {  	[sflag:s16] =	ssyncset.done $0x0  }
0xd5: {  	[sflag:s16] =	ssyncadd.s32 $0xFFFFE000  }
0xd6: {  	s1 =	sadd.s32 $0x18, s26  }
0xd7: {  	[tilespmem:s30], [sflag:$0x8] =	stream.linear.gather [hbm4b:s1+s3], $0x40, $0x38;
	[tilespmem:$0x1A9A0] =	vst v63  }
0xd8: {  	_ =	swait.ge [sflag:s29], $0x40  }
0xd9: {  	[sflag:s29] =	ssyncset.done $0x0  }
0xda: {  	s13 =	sadd.s32 $0x4E38, s26;
	[sflag:s29] =	ssyncadd.s32 $0xFFFFFFC0  }
0xdb: {  	[tilespmem:s31], [sflag:$0x8] =	stream.linear.gather [hbm4b:s13+s3], $0x40, $0x38;
	[tilespmem:$0x1A9A0] =	vst v63  }
0xdc: {  	_ =	swait.ge [sflag:s29], $0x40  }
0xdd: {  	[sflag:s29] =	ssyncset.done $0x0  }
0xde: {  	[sflag:s29] =	ssyncadd.s32 $0xFFFFFFC0  }
0xdf: {  	[tilespmem:s4], [sflag:$0x1] =	stream.indirect.gather [hbm4b:s5+s0], $0x80, s30, s0, $0xb8;
	[tilespmem:$0x1A9A0] =	vst v63  }
0xe0: {  	_ =	swait.ge [sflag:s17], $0x2000  }
0xe1: {  	[sflag:s17] =	ssyncset.done $0x0  }
0xe2: {  	[sflag:s17] =	ssyncadd.s32 $0xFFFFE000  }
0xe3: {  	[spmem:s2] =	stream.indirect.scatter.add.f32 [tilespmem:s14], [sflag:$0x6], $0x80, s12, s0, $0xb8;
	[tilespmem:$0x1A9A0] =	vst v63  }
0xe4: {  	_ =	swait.ge [sflag:s18], $0x2000  }
0xe5: {  	[sflag:s18] =	ssyncset.done $0x0  }
0xe6: {  	s13 =	sadd.s32 $0x20, s26;
	[sflag:s18] =	ssyncadd.s32 $0xFFFFE000  }
0xe7: {  	[tilespmem:s7], [sflag:$0x8] =	stream.linear.gather [hbm4b:s13+s3], $0x40, $0x38;
	[tilespmem:$0x1A9A0] =	vst v63  }
0xe8: {  	_ =	swait.ge [sflag:s29], $0x40  }
0xe9: {  	[sflag:s29] =	ssyncset.done $0x0  }
0xea: {  	s26 =	sadd.s32 $0x4E40, s26;
	[sflag:s29] =	ssyncadd.s32 $0xFFFFFFC0  }
0xeb: {  	[tilespmem:s8], [sflag:$0x8] =	stream.linear.gather [hbm4b:s26+s3], $0x40, $0x38;
	[tilespmem:$0x1A9A0] =	vst v63  }
.Ltmp6:
0xec: {  	_ = 	snop;
	(pc) =	sbr.rel .LBB2_3-.Ltmp6, $4  }
0xed: {  	_ =	swait.ge [sflag:s29], $0x40  }
0xee: {  	[sflag:s29] =	ssyncset.done $0x0  }
0xef: {  	s19 =	sadd.s32 $0x18, s19;
	[sflag:s29] =	ssyncadd.s32 $0xFFFFFFC0  }
0xf0: {  	[tilespmem:s9], [sflag:$0x3] =	stream.indirect.gather [hbm4b:s5+s0], $0x80, s7, s0, $0xb8;
	[tilespmem:$0x1A9A0] =	vst v63  }
.LBB2_4:
.Ltmp7:
0xf1: {  	(pc) =	sbr.rel .LBB2_9-.Ltmp7, $2  }
0xf2: {  	_ =	sdelay $0x2  }
0xf3: {  	s26 =	smov.u32 s5;
	s19 =	rddreg [dreg:$0x4]  }
.LBB2_10:
0xf4: {  	_ =	sfence.sel $0x180000  }
0xf5: {  	[bflag:$0x0] =	sbarrier.arrive $0xFFFF  }
0xf6: {  	_ =	strace $0x9000004A  }
0xf7: {  	s0 =	stileid.u32;
	[bflag:$0x2] =	sbarrier.arrive $0xFFFF  }
0xf8: {  	p0 =	sne.s32 s0, $0x0;
	s0 =	rddreg [dreg:$0x3]  }
0xf9: {  	s0 =	sadd.s32 @!p0 $0x100000, s0  }
0xfa: {  	[sflag:s0] =	ssyncadd.tile.s32 @!p0 $0x1;
	_ =	shalt  }
.Lfunc_end2:
_tile_overlayer_lowered:
.L_overlay_start_2:
0xfb: {  	(tag) =	ssettag $0x2  }
0xfc: {  	s0 =	rddreg [dreg:$0x0];
	s2 =	stileid.u32  }
0xfd: {  	s1 =	rddreg [dreg:$0x1];
	p0 =	sne.s32 s2, $0x0  }
0xfe: {  	s3 =	rddreg [dreg:$0x2];
	[bflag:$0x3] =	sbarrier.arrive $0xFFFF;
	s2 =	simm.s32 @!p0 $0x1C08  }
0xff: {  	[timem:s3], [sflag:s2] =	dma.local @!p0 [hbm:s0], s1  }
0x100: {  	s0 =	simm.s32 @!p0 $0x8  }
0x101: {  	_ =	swait.ge @!p0 [sflag:s0], s1  }
0x102: {  	s1 =	ssub.s32 @!p0 $0x0, s1;
	[sflag:s0] =	ssyncset.done @!p0 $0x0  }
0x103: {  	[sflag:s0] =	ssyncadd.s32 @!p0 s1  }
0x104: {  	[bflag:$0x3] =	sbarrier.arrive $0xFFFF  }
0x105: {  	_ =	shalt  }

// kernel: kernel.14.cloned.1.call-start
scs
__scs_entry_jumppad:
0x0: {  	(pc) =	sbr.rel $0x88, $3  }
0x1: {  	(tag) =	ssettag $0x0;
	lr =	simm.s32 $0x1  }
0x2: {  	[smem:$0x3F9B] =	sst lr;
	_ =	strace $0xD0000000  }
0x3: {  	_ = 	snop  }
0x4: {  	_ = 	snop  }
0x5: {  	_ = 	snop  }
0x6: {  	_ = 	snop  }
0x7: {  	_ = 	snop  }
__scs_overlays_trampoline_lowered:
0x8: {  	[smem:$0x3FAA] =	sst s0  }
0x9: {  	[smem:$0x3FAB] =	sst s1  }
0xa: {  	[smem:$0x3FAC] =	sst s2  }
0xb: {  	[smem:$0x3FAD] =	sst s3  }
0xc: {  	[smem:$0x3FAE] =	sst s4  }
0xd: {  	[smem:$0x3FAF] =	sst s5  }
0xe: {  	[smem:$0x3FB0] =	sst s6  }
0xf: {  	[smem:$0x3FB1] =	sst s7  }
0x10: {  	[smem:$0x3FB2] =	sst s8  }
0x11: {  	[smem:$0x3FB3] =	sst s9;
	s0 =	simm.s32 @!p0 $0x0  }
0x12: {  	s1 =	sld [smem:$0x3F99];
	s0 =	simm.s32 @p0 $0x1  }
0x13: {  	[smem:$0x3FB4] =	sst s0;
	s0 =	simm.s32 @!p1 $0x0  }
0x14: {  	s2 =	sld [smem:$0x3F98];
	s0 =	simm.s32 @p1 $0x1  }
0x15: {  	[smem:$0x3FB5] =	sst s0;
	s0 =	simm.s32 @!p2 $0x0  }
0x16: {  	s3 =	sld [smem:$0x3FDB];
	s0 =	simm.s32 @p2 $0x1  }
0x17: {  	s4 =	simm.s32 $0x1BF5;
	[smem:$0x3FB7] =	sst s0  }
0x18: {  	s0 =	sld [smem:$0x3F9A];
	_ =	swait.ge [sflag:s4], $0x0  }
0x19: {  	s7 =	sld [smem:$0x3F9B]  }
0x1a: {  	s8 =	sadd.s32 $0xFFFFE003, lr  }
0x1b: {  	s9 =	sadd.s32 $0xFFFFFEF7, lr;
	s5 =	simm.s32 $0xFFFFFFFF;
	p2 =	slt.u32 s8, $0xFFFFF086  }
0x1c: {  	p1 =	slt.u32 s9, $0xF7A;
	s5 =	simm.s32 @!p2 $0x0  }
0x1d: {  	s5 =	simm.s32 @p1 $0x1;
	p0 =	seq.s32 s7, s2  }
0x1e: {  	s7 =	smul.u32 @!p0 $0xF7A, s2;
	p2 =	seq.s32 @!p0 s5, $0x0  }
0x1f: {  	s9 =	smul.u32 $0xF7A, s1;
	s8 =	simm.s32 @!p0 $0x1BF5;
	p2 =	por !p2, p0  }
0x20: {  	[sflag:s8] =	ssyncset.s32 @!p0 $0xFFFFF086;
	s6 =	sadd.s32 @!p0 s3, s7;
	s7 =	simm.s32 @!p0 $0x108  }
0x21: {  	s3 =	sadd.s32 s3, s9;
	s6 =	sadd.s32 @!p0 $0x88, s6;
	s7 =	simm.s32 @p2 $0x1082  }
0x22: {  	[simem:s7], [sflag:s8] =	dma.local @!p0 [hbm:s6], $0xF7A  }
0x23: {  	s9 =	sor.u32 $0xD0000000, s2;
	s6 =	simm.s32 $0x108;
	_ =	swait.ge @!p0 [sflag:s8], $0x0  }
0x24: {  	s3 =	sadd.s32 $0x88, s3;
	s6 =	simm.s32 @!p1 $0x1082;
	[sflag:s4] =	ssyncset.s32 $0xFFFFF086  }
0x25: {  	[simem:s6], [sflag:s4] =	dma.local [hbm:s3], $0xF7A  }
0x26: {  	[smem:$0x3F9B] =	sst s1;
	(tag) =	ssettag s2;
	_ =	strace s9  }
0x27: {  	s1 =	sld [smem:$0x3FAB]  }
0x28: {  	s2 =	sld [smem:$0x3FAC]  }
0x29: {  	s4 =	sld [smem:$0x3FAE]  }
0x2a: {  	p0 =	seq.s32 s5, $0x0;
	s5 =	sld [smem:$0x3FAF]  }
0x2b: {  	s6 =	sld [smem:$0x3FB0]  }
0x2c: {  	s7 =	sld [smem:$0x3FB1]  }
0x2d: {  	s3 =	simm.s32 $0x108;
	s8 =	sld [smem:$0x3FB2]  }
0x2e: {  	s3 =	simm.s32 @!p0 $0x1082;
	s9 =	sld [smem:$0x3FB3]  }
0x2f: {  	lr =	sadd.s32 s0, s3;
	s0 =	sld [smem:$0x3FAA]  }
0x30: {  	s3 =	sld [smem:$0x3FAD]  }
0x31: {  	[smem:$0x3FB6] =	sst s10  }
0x32: {  	s10 =	sld [smem:$0x3FB4];
	_ =	sdelay $0x3  }
0x33: {  	p0 =	seq.s32 s10, $0x1;
	s10 =	sld [smem:$0x3FB6];
	_ =	sdelay $0x3  }
0x34: {  	[smem:$0x3FB6] =	sst s10  }
0x35: {  	s10 =	sld [smem:$0x3FB5];
	_ =	sdelay $0x3  }
0x36: {  	p1 =	seq.s32 s10, $0x1;
	s10 =	sld [smem:$0x3FB6];
	_ =	sdelay $0x3  }
0x37: {  	[smem:$0x3FB6] =	sst s10  }
0x38: {  	s10 =	sld [smem:$0x3FB7]  }
0x39: {  	_ = 	snop;
	(pc) =	sbr.ind lr, $3  }
0x3a: {  	_ = 	snop  }
0x3b: {  	_ = 	snop  }
0x3c: {  	p2 =	seq.s32 s10, $0x1;
	s10 =	sld [smem:$0x3FB6]  }
0x3d: {  	_ =	shalt  }
0x3e: {  	_ =	shalt  }
0x3f: {  	_ =	shalt  }
0x40: {  	_ =	shalt  }
0x41: {  	_ =	shalt  }
0x42: {  	_ =	shalt  }
0x43: {  	_ =	shalt  }
0x44: {  	_ =	shalt  }
0x45: {  	_ =	shalt  }
0x46: {  	_ =	shalt  }
0x47: {  	_ =	shalt  }
0x48: {  	_ =	shalt  }
0x49: {  	_ =	shalt  }
0x4a: {  	_ =	shalt  }
0x4b: {  	_ =	shalt  }
0x4c: {  	_ =	shalt  }
0x4d: {  	_ =	shalt  }
0x4e: {  	_ =	shalt  }
0x4f: {  	_ =	shalt  }
0x50: {  	_ =	shalt  }
0x51: {  	_ =	shalt  }
0x52: {  	_ =	shalt  }
0x53: {  	_ =	shalt  }
0x54: {  	_ =	shalt  }
0x55: {  	_ =	shalt  }
0x56: {  	_ =	shalt  }
0x57: {  	_ =	shalt  }
0x58: {  	_ =	shalt  }
0x59: {  	_ =	shalt  }
0x5a: {  	_ =	shalt  }
0x5b: {  	_ =	shalt  }
0x5c: {  	_ =	shalt  }
0x5d: {  	_ =	shalt  }
0x5e: {  	_ =	shalt  }
0x5f: {  	_ =	shalt  }
0x60: {  	_ =	shalt  }
0x61: {  	_ =	shalt  }
0x62: {  	_ =	shalt  }
0x63: {  	_ =	shalt  }
0x64: {  	_ =	shalt  }
0x65: {  	_ =	shalt  }
0x66: {  	_ =	shalt  }
0x67: {  	_ =	shalt  }
0x68: {  	_ =	shalt  }
0x69: {  	_ =	shalt  }
0x6a: {  	_ =	shalt  }
0x6b: {  	_ =	shalt  }
0x6c: {  	_ =	shalt  }
0x6d: {  	_ =	shalt  }
0x6e: {  	_ =	shalt  }
0x6f: {  	_ =	shalt  }
0x70: {  	_ =	shalt  }
0x71: {  	_ =	shalt  }
0x72: {  	_ =	shalt  }
0x73: {  	_ =	shalt  }
0x74: {  	_ =	shalt  }
0x75: {  	_ =	shalt  }
0x76: {  	_ =	shalt  }
0x77: {  	_ =	shalt  }
0x78: {  	_ =	shalt  }
0x79: {  	_ =	shalt  }
0x7a: {  	_ =	shalt  }
0x7b: {  	_ =	shalt  }
0x7c: {  	_ =	shalt  }
0x7d: {  	_ =	shalt  }
0x7e: {  	_ =	shalt  }
0x7f: {  	_ =	shalt  }
0x80: {  	_ =	shalt  }
0x81: {  	_ =	shalt  }
0x82: {  	_ =	shalt  }
0x83: {  	_ =	shalt  }
0x84: {  	_ =	shalt  }
0x85: {  	_ =	shalt  }
0x86: {  	_ =	shalt  }
0x87: {  	_ =	shalt  }
.Lfunc_end0:
.L_simem_size_0:
called_computation.2_lowered:
.L_overlay_start_0:
0x88: {  	s2 =	sld [smem:$0x3FD9]  }
0x89: {  	s3 =	sld [smem:$0x3FFE];
	_ =	sdelay $0x1  }
0x8a: {  	s1 =	srdreg.scid  }
0x8b: {  	s0 =	sand.u32 $0x1, s1  }
0x8c: {  	s17 =	sshll.u32 s0, $0xA;
	s2 =	sadd.s32 s3, s2  }
0x8d: {  	s2 =	sadd.s32 s2, s17  }
0x8e: {  	[smem:$0x3FC2] =	sst s2  }
0x8f: {  	_ = 	snop  }
0x90: {  	s2 =	sld [smem:$0x3FD0];
	(tm) =	ssettm $0x1  }
0x91: {  	s18 =	sld [smem:$0x3FFB];
	_ =	sdelay $0x3  }
0x92: {  	_ =	strace s18  }
0x93: {  	s3 =	sld [smem:$0x3FFC];
	_ =	sdelay $0x3  }
0x94: {  	_ =	strace s3  }
0x95: {  	s3 =	sld [smem:$0x3FFD];
	_ =	sdelay $0x3  }
0x96: {  	_ =	strace s3  }
0x97: {  	_ =	strace $0x8FFFFFFF  }
0x98: {  	s19 =	sld [smem:$0x3FDB];
	_ =	sdelay $0x1  }
0x99: {  	s4 =	simm.s32 $_scs_section_size  }
0x9a: {  	s5 =	simm.s32 $_size__tile_overlayer_lowered;
	s6 =	simm.s32 $_tile_overlayer_lowered  }
0x9b: {  	s22 =	simm.s32 $0x1BFF;
	s21 =	sshll.u32 s6, $0x1;
	s3 =	sadd.s32 s4, s19  }
0x9c: {  	s7 =	simm.s32 $0x0;
	s20 =	sshll.u32 s5, $0x1;
	s5 =	sadd.s32 s21, s3  }
0x9d: {  	[timem:s7], [sflag:s22] =	dma.local [hbm:s5], s20  }
0x9e: {  	_ =	swait.ge [sflag:s22], s20  }
0x9f: {  	s4 =	ssub.s32 $0x0, s20;
	[sflag:s22] =	ssyncset.done $0x0  }
0xa0: {  	[sflag:s22] =	ssyncadd.s32 s4;
	_ =	sdelay $0x1  }
0xa1: {  	s23 =	simm.s32 $0x1B8B  }
0xa2: {  	_ =	swait.ge [sflag:s23], $0x1  }
0xa3: {  	[sflag:s23] =	ssyncset.done $0x0  }
0xa4: {  	s25 =	simm.s32 $0x1B8E;
	s24 =	sld [smem:$0x3FFE];
	[sflag:s23] =	ssyncadd.s32 $0xFFFFFFFF  }
0xa5: {  	s26 =	simm.s32 $execute0_lowered;
	[smem:$0x3FD2] =	sst s25  }
0xa6: {  	s5 =	sshll.u32 s26, $0x1;
	_ =	strace $0x8000004C;
	[dreg:$0x1] =	wrdreg $0xFFFFFFFF  }
0xa7: {  	s28 =	simm.s32 $_size_execute0_lowered;
	s3 =	sadd.s32 s3, s5;
	[dreg:$0x0] =	wrdreg $0x0  }
0xa8: {  	s5 =	sshll.u32 s28, $0x1;
	[dreg:$0x2] =	wrdreg s3  }
0xa9: {  	[dreg:$0x3] =	wrdreg s5  }
0xaa: {  	[dreg:$0x4] =	wrdreg $0xC0  }
0xab: {  	_ =	task [dreg:s7], $0x5FFFF  }
0xac: {  	[dreg:$0x1] =	wrdreg $0xFFFFFFFF  }
0xad: {  	[dreg:$0x0] =	wrdreg $0x60  }
0xae: {  	[dreg:$0x2] =	wrdreg s24  }
0xaf: {  	[dreg:$0x3] =	wrdreg s2  }
0xb0: {  	[dreg:$0x4] =	wrdreg $0x0  }
0xb1: {  	[dreg:$0x5] =	wrdreg $0x9  }
0xb2: {  	_ =	task.clear_ibuf [dreg:s7], $0x6FFFF;
	_ =	strace $0x9000004C  }
0xb3: {  	s29 =	simm.s32 $0x9;
	_ =	strace $0x8000004E  }
0xb4: {  	_ =	swait.ge [sflag:s29], $0x1  }
0xb5: {  	[sflag:s29] =	ssyncadd.s32 $0xFFFFFFFF  }
0xb6: {  	_ =	strace $0x9000004E  }
0xb7: {  	_ =	sfence  }
0xb8: {  	s30 =	sld [smem:$0x0];
	_ =	sdelay $0x2  }
0xb9: {  	s31 =	sshll.u32 s1, $0xD;
	s1 =	sshrl.u32 s1, $0x2  }
0xba: {  	s3 =	sand.u32 $0x4000, s31;
	s1 =	sadd.s32 s1, s30  }
0xbb: {  	s0 =	sor.u32 s3, s0;
	s1 =	sshll.u32 s1, $0x11  }
0xbc: {  	s0 =	sor.u32 s1, s0  }
0xbd: {  	s0 =	sadd.s32 $0x8F2B, s0  }
0xbe: {  	[sflag:s0] =	ssyncadd.remote.s32 $0x1  }
0xbf: {  	_ =	sfence.sel $0xFFFF  }
0xc0: {  	[dreg:$0x0] =	wrdreg $0xFFFFFFFF;
	(pc) =	sbr.abs _section_cstart, $3  }
0xc1: {  	[dreg:$0x1] =	wrdreg $0xFFFFFFFF  }
0xc2: {  	_ =	task.clear_ibuf [dreg:s7], $0x2FFFF;
	_ =	strace $0x9FFFFFFF  }
0xc3: {  	(tm) =	ssettm $0x7FFFFFFF  }
tec
execute0_lowered:
.L_overlay_start_1:
0x0: {  	(tag) =	ssettag $0x1  }
0x1: {  	s1 =	rddreg [dreg:$0x0];
	s18 =	stileid.u32  }
0x2: {  	s0 =	srdreg.scid;
	s2 =	simm.s32 $0x0;
	s4 =	smul.u32 $0x2800, s18  }
0x3: {  	s28 =	simm.s32 $0x3180;
	s3 =	sand.u32 $0x1, s0;
	s15 =	smul.u32 $0x1388, s18  }
0x4: {  	s30 =	simm.s32 $0x3;
	[smem:$0x7FF] =	sst s2;
	s12 =	smul.u32 $0x28000, s3  }
0x5: {  	s6 =	sadd.s32 $0x11E00, s1;
	s0 =	ssub.s32 $0x2, s3;
	s3 =	smul.u32 $0x13880, s3  }
0x6: {  	s5 =	sshrl.u32 s0, $0x1;
	s7 =	sadd.s32 $0x800, s4;
	s8 =	sadd.s32 $0xC00, s4  }
0x7: {  	s9 =	sadd.s32 $0x1000, s4;
	s10 =	sadd.s32 $0x1400, s4;
	s11 =	sadd.s32 $0x1800, s4  }
0x8: {  	s13 =	sadd.s32 $0x1C00, s4;
	s14 =	sadd.s32 $0x2000, s4;
	s19 =	sadd.s32 $0x2400, s4  }
0x9: {  	s0 =	ssub.s32 s0, s5;
	s5 =	sor.u32 $0x400, s4;
	s16 =	sadd.s32 s4, s12  }
0xa: {  	s3 =	sadd.s32 s15, s3;
	s20 =	sadd.s32 s12, s7;
	s21 =	sadd.s32 s12, s8  }
0xb: {  	s22 =	sadd.s32 s12, s9;
	s25 =	sadd.s32 s12, s10;
	s26 =	sadd.s32 s12, s11  }
0xc: {  	s29 =	sadd.s32 s12, s13;
	s17 =	sadd.s32 s12, s5;
	s16 =	sshrl.u32 s16, $0x3  }
0xd: {  	s15 =	sshrl.u32 s20, $0x3;
	s20 =	sadd.s32 s12, s14;
	s16 =	sadd.s32 s6, s16  }
0xe: {  	s17 =	sshrl.u32 s17, $0x3;
	s15 =	sadd.s32 s6, s15;
	[dreg:$0x4] =	wrdreg s16  }
0xf: {  	s0 =	smax.u32 s0, $0x1;
	s17 =	sadd.s32 s6, s17;
	[dreg:$0x6] =	wrdreg s15  }
0x10: {  	s16 =	sshrl.u32 s21, $0x3;
	s21 =	sadd.s32 s12, s19;
	s12 =	rddreg [dreg:$0x2]  }
0x11: {  	s15 =	sshrl.u32 s25, $0x3;
	[dreg:$0x5] =	wrdreg s17;
	s17 =	sshrl.u32 s22, $0x3  }
0x12: {  	s23 =	sadd.s32 s6, s16;
	s16 =	sshrl.u32 s26, $0x3;
	s15 =	sadd.s32 s6, s15  }
0x13: {  	s22 =	sshll.u32 s18, $0x6;
	s4 =	sadd.s32 s4, s12;
	[dreg:$0x7] =	wrdreg s23  }
0x14: {  	s25 =	sadd.s32 s8, s12;
	s24 =	sadd.s32 s6, s17;
	[dreg:$0x9] =	wrdreg s15  }
0x15: {  	s17 =	sshrl.u32 s29, $0x3;
	s16 =	sadd.s32 s6, s16;
	[dreg:$0x8] =	wrdreg s24  }
0x16: {  	s15 =	sshrl.u32 s20, $0x3;
	[dreg:$0xa] =	wrdreg s16;
	s17 =	sadd.s32 s6, s17  }
0x17: {  	s16 =	sshrl.u32 s21, $0x3;
	s15 =	sadd.s32 s6, s15;
	[dreg:$0xb] =	wrdreg s17  }
0x18: {  	s26 =	sadd.s32 s9, s12;
	[dreg:$0xc] =	wrdreg s15;
	s6 =	sadd.s32 s6, s16  }
0x19: {  	s8 =	sshrl.u32 s3, $0x3;
	s18 =	sor.u32 $0x1C08, s22;
	[dreg:$0xd] =	wrdreg s6  }
0x1a: {  	s23 =	sadd.s32 s5, s12;
	_ =	strace $0x8000004D;
	[dreg:$0xe] =	wrdreg s4  }
0x1b: {  	s29 =	sadd.s32 s10, s12;
	s24 =	sadd.s32 s7, s12;
	[dreg:$0xf] =	wrdreg s23  }
0x1c: {  	s5 =	sadd.s32 s13, s12;
	s13 =	sadd.s32 $0x27200, s3;
	[dreg:$0x10] =	wrdreg s24  }
0x1d: {  	s20 =	sadd.s32 $0x271C0, s3;
	s7 =	sadd.s32 s19, s12;
	[dreg:$0x11] =	wrdreg s25  }
0x1e: {  	s19 =	sadd.s32 $0xC0, s3;
	s21 =	sadd.s32 $0x80, s3;
	[dreg:$0x12] =	wrdreg s26  }
0x1f: {  	s15 =	sadd.s32 $0xCE00, s1;
	s16 =	sadd.s32 $0x3000, s1;
	[dreg:$0x13] =	wrdreg s29  }
0x20: {  	s17 =	sshrl.u32 s13, $0x3;
	s6 =	sadd.s32 s14, s12;
	[dreg:$0x15] =	wrdreg s5  }
0x21: {  	s1 =	sshrl.u32 s21, $0x3;
	s13 =	simm.s32 $0x8;
	[dreg:$0x16] =	wrdreg s6  }
0x22: {  	s21 =	simm.s32 $0x2C80;
	s9 =	sadd.s32 s16, s8;
	[dreg:$0x17] =	wrdreg s7  }
0x23: {  	s10 =	sadd.s32 s17, s16;
	s17 =	simm.s32 $0x2840;
	[dreg:$0x19] =	wrdreg s0  }
0x24: {  	s4 =	sadd.s32 s11, s12;
	s11 =	sadd.s32 $0x100, s3;
	[dreg:$0x1a] =	wrdreg s19  }
0x25: {  	s3 =	sadd.s32 $0x27180, s3;
	s0 =	sshrl.u32 s20, $0x3;
	s23 =	sadd.s32 $0x4E20, s9  }
0x26: {  	s24 =	sadd.s32 $0x8, s9;
	s25 =	sadd.s32 $0x4E28, s9;
	[dreg:$0x18] =	wrdreg s9  }
0x27: {  	s26 =	sadd.s32 $0x270, s9;
	s29 =	sadd.s32 $0x5090, s9;
	[dreg:$0x14] =	wrdreg s4  }
0x28: {  	s19 =	simm.s32 $0x40;
	s20 =	simm.s32 $0x2880;
	[dreg:$0x1b] =	wrdreg s23  }
0x29: {  	s6 =	simm.s32 $0x5;
	s7 =	simm.s32 $0x4;
	[dreg:$0x1c] =	wrdreg s24  }
0x2a: {  	s14 =	sshrl.u32 s11, $0x3;
	s22 =	sshrl.u32 s3, $0x3;
	[dreg:$0x1d] =	wrdreg s25  }
.Ltmp0:
0x2b: {  	s3 =	sadd.s32 s0, s16;
	[dreg:$0x1e] =	wrdreg s26;
	(pc) =	sbr.rel .LBB2_1-.Ltmp0, $4  }
0x2c: {  	s4 =	sadd.s32 s1, s16;
	[dreg:$0x1f] =	wrdreg s29;
	s23 =	simm.s32 $0x2D00  }
0x2d: {  	s24 =	simm.s32 $0x1;
	s25 =	simm.s32 $0x3100;
	s26 =	simm.s32 $0x3140  }
0x2e: {  	s0 =	simm.s32 $0x2;
	s11 =	simm.s32 $0x0;
	s31 =	sadd.s32 s14, s16  }
0x2f: {  	s5 =	sadd.s32 s22, s16;
	s14 =	simm.s32 $0x2800;
	s22 =	simm.s32 $0x2CC0  }
.LBB2_4:
0x30: {  	_ =	swait.ge [sflag:s6], $0x400  }
0x31: {  	[sflag:s6] =	ssyncset.done $0x0  }
0x32: {  	[sflag:s6] =	ssyncadd.s32 $0xFFFFFC00  }
0x33: {  	[spmem:s12] =	stream.indirect.scatter.add.f32 [tilespmem:s28], [sflag:$0x6], $0x10, s26, s19, $0xb8;
	[tilespmem:$0x3610] =	vst v63  }
0x34: {  	_ =	swait.ge [sflag:s7], $0x400  }
0x35: {  	[sflag:s7] =	ssyncset.done $0x0  }
0x36: {  	s1 =	simm.s32 $0x6;
	[sflag:s7] =	ssyncadd.s32 $0xFFFFFC00  }
0x37: {  	_ =	swait.ge [sflag:s1], $0x400  }
0x38: {  	[sflag:s1] =	ssyncset.done $0x0  }
0x39: {  	s9 =	simm.s32 $0x3580;
	s29 =	rddreg [dreg:$0x1e];
	[sflag:s1] =	ssyncadd.s32 $0xFFFFFC00  }
0x3a: {  	[tilespmem:s9], [sflag:$0x8] =	stream.linear.gather [hbm4b:s29+s2], $0x8, $0x38;
	[tilespmem:$0x3610] =	vst v63  }
0x3b: {  	_ =	swait.ge [sflag:s13], $0x8  }
0x3c: {  	[sflag:s13] =	ssyncset.done $0x0  }
0x3d: {  	s29 =	simm.s32 $0x3588;
	s1 =	rddreg [dreg:$0x1f];
	[sflag:s13] =	ssyncadd.s32 $0xFFFFFFF8  }
0x3e: {  	[tilespmem:s29], [sflag:$0x8] =	stream.linear.gather [hbm4b:s1+s2], $0x8, $0x38;
	[tilespmem:$0x3610] =	vst v63  }
0x3f: {  	_ =	swait.ge [sflag:s13], $0x8  }
0x40: {  	[sflag:s13] =	ssyncset.done $0x0  }
0x41: {  	s1 =	simm.s32 $0x3590;
	[sflag:s13] =	ssyncadd.s32 $0xFFFFFFF8  }
0x42: {  	[tilespmem:s1], [sflag:$0x7] =	stream.indirect.gather [hbm4b:s15+s13], $0x10, s9, s13, $0xb8;
	[tilespmem:$0x3610] =	vst v63  }
0x43: {  	s9 =	simm.s32 $0x7  }
0x44: {  	_ =	swait.ge [sflag:s9], $0x80  }
0x45: {  	[sflag:s9] =	ssyncset.done $0x0  }
0x46: {  	[sflag:s9] =	ssyncadd.s32 $0xFFFFFF80  }
0x47: {  	[spmem:s12] =	stream.indirect.scatter.add.f32 [tilespmem:s1], [sflag:$0x8], $0x10, s29, s13, $0xb8;
	[tilespmem:$0x3610] =	vst v63  }
0x48: {  	_ =	swait.ge [sflag:s13], $0x80  }
0x49: {  	[sflag:s13] =	ssyncset.done $0x0  }
0x4a: {  	[sflag:s13] =	ssyncadd.s32 $0xFFFFFF80  }
0x4b: {  	[bflag:$0x0] =	sbarrier.arrive $0xFFFF  }
0x4c: {  	s29 =	sld [smem:$0x7F5];
	_ =	sdelay $0x1  }
0x4d: {  	s9 =	rddreg [dreg:$0x4]  }
0x4e: {  	[hbm:s9], [sflag:s18] =	dma.local [spmem:s29], $0x80  }
0x4f: {  	_ =	swait.ge [sflag:s13], $0x80  }
0x50: {  	s29 =	sld [smem:$0x7F6]  }
0x51: {  	[sflag:s13] =	ssyncset.done $0x0  }
0x52: {  	s9 =	rddreg [dreg:$0x5];
	[sflag:s13] =	ssyncadd.s32 $0xFFFFFF80  }
0x53: {  	[hbm:s9], [sflag:s18] =	dma.local [spmem:s29], $0x80  }
0x54: {  	_ =	swait.ge [sflag:s13], $0x80  }
0x55: {  	s29 =	sld [smem:$0x7F7]  }
0x56: {  	[sflag:s13] =	ssyncset.done $0x0  }
0x57: {  	s9 =	rddreg [dreg:$0x6];
	[sflag:s13] =	ssyncadd.s32 $0xFFFFFF80  }
0x58: {  	[hbm:s9], [sflag:s18] =	dma.local [spmem:s29], $0x80  }
0x59: {  	_ =	swait.ge [sflag:s13], $0x80  }
0x5a: {  	s29 =	sld [smem:$0x7F8]  }
0x5b: {  	[sflag:s13] =	ssyncset.done $0x0  }
0x5c: {  	s9 =	rddreg [dreg:$0x7];
	[sflag:s13] =	ssyncadd.s32 $0xFFFFFF80  }
0x5d: {  	[hbm:s9], [sflag:s18] =	dma.local [spmem:s29], $0x80  }
0x5e: {  	_ =	swait.ge [sflag:s13], $0x80  }
0x5f: {  	s29 =	sld [smem:$0x7F9]  }
0x60: {  	[sflag:s13] =	ssyncset.done $0x0  }
0x61: {  	s9 =	rddreg [dreg:$0x8];
	[sflag:s13] =	ssyncadd.s32 $0xFFFFFF80  }
0x62: {  	[hbm:s9], [sflag:s18] =	dma.local [spmem:s29], $0x80  }
0x63: {  	_ =	swait.ge [sflag:s13], $0x80  }
0x64: {  	s29 =	sld [smem:$0x7FA]  }
0x65: {  	[sflag:s13] =	ssyncset.done $0x0  }
0x66: {  	s9 =	rddreg [dreg:$0x9];
	[sflag:s13] =	ssyncadd.s32 $0xFFFFFF80  }
0x67: {  	[hbm:s9], [sflag:s18] =	dma.local [spmem:s29], $0x80  }
0x68: {  	_ =	swait.ge [sflag:s13], $0x80  }
0x69: {  	s29 =	sld [smem:$0x7FB]  }
0x6a: {  	[sflag:s13] =	ssyncset.done $0x0  }
0x6b: {  	s9 =	rddreg [dreg:$0xa];
	[sflag:s13] =	ssyncadd.s32 $0xFFFFFF80  }
0x6c: {  	[hbm:s9], [sflag:s18] =	dma.local [spmem:s29], $0x80  }
0x6d: {  	_ =	swait.ge [sflag:s13], $0x80  }
0x6e: {  	s29 =	sld [smem:$0x7FC]  }
0x6f: {  	[sflag:s13] =	ssyncset.done $0x0  }
0x70: {  	s9 =	rddreg [dreg:$0xb];
	[sflag:s13] =	ssyncadd.s32 $0xFFFFFF80  }
0x71: {  	[hbm:s9], [sflag:s18] =	dma.local [spmem:s29], $0x80  }
0x72: {  	_ =	swait.ge [sflag:s13], $0x80  }
0x73: {  	s29 =	sld [smem:$0x7FD]  }
0x74: {  	[sflag:s13] =	ssyncset.done $0x0  }
0x75: {  	s9 =	rddreg [dreg:$0xc];
	[sflag:s13] =	ssyncadd.s32 $0xFFFFFF80  }
0x76: {  	[hbm:s9], [sflag:s18] =	dma.local [spmem:s29], $0x80  }
0x77: {  	_ =	swait.ge [sflag:s13], $0x80  }
0x78: {  	[sflag:s13] =	ssyncset.done $0x0  }
0x79: {  	s9 =	rddreg [dreg:$0xd];
	[sflag:s13] =	ssyncadd.s32 $0xFFFFFF80  }
0x7a: {  	[hbm:s9], [sflag:s18] =	dma.local [spmem:s8], $0x80  }
0x7b: {  	_ =	swait.ge [sflag:s13], $0x80  }
0x7c: {  	s11 =	sadd.s32 $0x1, s11;
	s29 =	rddreg [dreg:$0x19]  }
0x7d: {  	p0 =	sne.s32 s11, s29  }
.Ltmp1:
0x7e: {  	_ = 	snop;
	(pc) =	sbr.rel @!p0 .LBB2_5-.Ltmp1, $3  }
0x7f: {  	_ =	sdelay $0x1  }
0x80: {  	[sflag:s13] =	ssyncset.done $0x0  }
0x81: {  	[sflag:s13] =	ssyncadd.s32 $0xFFFFFF80  }
.LBB2_1:
0x82: {  	s1 =	rddreg [dreg:$0xe]  }
0x83: {  	s8 =	sshrl.u32 s1, $0x3;
	s1 =	rddreg [dreg:$0x1]  }
0x84: {  	[smem:$0x7F5] =	sst s8  }
0x85: {  	[spmem:s8], [sflag:s18] =	dma.local [hbm:s1], $0x80  }
0x86: {  	_ =	swait.ge [sflag:s13], $0x80  }
0x87: {  	s9 =	rddreg [dreg:$0xf]  }
0x88: {  	[sflag:s13] =	ssyncset.done $0x0;
	s8 =	sshrl.u32 s9, $0x3  }
0x89: {  	[sflag:s13] =	ssyncadd.s32 $0xFFFFFF80;
	[smem:$0x7F6] =	sst s8  }
0x8a: {  	[spmem:s8], [sflag:s18] =	dma.local [hbm:s1], $0x80  }
0x8b: {  	_ =	swait.ge [sflag:s13], $0x80  }
0x8c: {  	s9 =	rddreg [dreg:$0x10]  }
0x8d: {  	[sflag:s13] =	ssyncset.done $0x0;
	s8 =	sshrl.u32 s9, $0x3  }
0x8e: {  	[sflag:s13] =	ssyncadd.s32 $0xFFFFFF80;
	[smem:$0x7F7] =	sst s8  }
0x8f: {  	[spmem:s8], [sflag:s18] =	dma.local [hbm:s1], $0x80  }
0x90: {  	_ =	swait.ge [sflag:s13], $0x80  }
0x91: {  	s9 =	rddreg [dreg:$0x11]  }
0x92: {  	[sflag:s13] =	ssyncset.done $0x0;
	s8 =	sshrl.u32 s9, $0x3  }
0x93: {  	[sflag:s13] =	ssyncadd.s32 $0xFFFFFF80;
	[smem:$0x7F8] =	sst s8  }
0x94: {  	[spmem:s8], [sflag:s18] =	dma.local [hbm:s1], $0x80  }
0x95: {  	_ =	swait.ge [sflag:s13], $0x80  }
0x96: {  	s9 =	rddreg [dreg:$0x12]  }
0x97: {  	[sflag:s13] =	ssyncset.done $0x0;
	s8 =	sshrl.u32 s9, $0x3  }
0x98: {  	[sflag:s13] =	ssyncadd.s32 $0xFFFFFF80;
	[smem:$0x7F9] =	sst s8  }
0x99: {  	[spmem:s8], [sflag:s18] =	dma.local [hbm:s1], $0x80  }
0x9a: {  	_ =	swait.ge [sflag:s13], $0x80  }
0x9b: {  	s9 =	rddreg [dreg:$0x13]  }
0x9c: {  	[sflag:s13] =	ssyncset.done $0x0;
	s8 =	sshrl.u32 s9, $0x3  }
0x9d: {  	[sflag:s13] =	ssyncadd.s32 $0xFFFFFF80;
	[smem:$0x7FA] =	sst s8  }
0x9e: {  	[spmem:s8], [sflag:s18] =	dma.local [hbm:s1], $0x80  }
0x9f: {  	_ =	swait.ge [sflag:s13], $0x80  }
0xa0: {  	s9 =	rddreg [dreg:$0x14]  }
0xa1: {  	[sflag:s13] =	ssyncset.done $0x0;
	s8 =	sshrl.u32 s9, $0x3  }
0xa2: {  	[sflag:s13] =	ssyncadd.s32 $0xFFFFFF80;
	[smem:$0x7FB] =	sst s8  }
0xa3: {  	[spmem:s8], [sflag:s18] =	dma.local [hbm:s1], $0x80  }
0xa4: {  	_ =	swait.ge [sflag:s13], $0x80  }
0xa5: {  	s9 =	rddreg [dreg:$0x15]  }
0xa6: {  	[sflag:s13] =	ssyncset.done $0x0;
	s8 =	sshrl.u32 s9, $0x3  }
0xa7: {  	[sflag:s13] =	ssyncadd.s32 $0xFFFFFF80;
	[smem:$0x7FC] =	sst s8  }
0xa8: {  	[spmem:s8], [sflag:s18] =	dma.local [hbm:s1], $0x80  }
0xa9: {  	_ =	swait.ge [sflag:s13], $0x80  }
0xaa: {  	s9 =	rddreg [dreg:$0x16]  }
0xab: {  	[sflag:s13] =	ssyncset.done $0x0;
	s8 =	sshrl.u32 s9, $0x3  }
0xac: {  	[sflag:s13] =	ssyncadd.s32 $0xFFFFFF80;
	[smem:$0x7FD] =	sst s8  }
0xad: {  	[spmem:s8], [sflag:s18] =	dma.local [hbm:s1], $0x80  }
0xae: {  	_ =	swait.ge [sflag:s13], $0x80  }
0xaf: {  	[sflag:s13] =	ssyncset.done $0x0;
	s9 =	rddreg [dreg:$0x17]  }
0xb0: {  	[sflag:s13] =	ssyncadd.s32 $0xFFFFFF80;
	s8 =	sshrl.u32 s9, $0x3  }
0xb1: {  	[spmem:s8], [sflag:s18] =	dma.local [hbm:s1], $0x80  }
0xb2: {  	_ =	swait.ge [sflag:s13], $0x80  }
0xb3: {  	[sflag:s13] =	ssyncset.done $0x0  }
0xb4: {  	[sflag:s13] =	ssyncadd.s32 $0xFFFFFF80  }
0xb5: {  	[bflag:$0x0] =	sbarrier.arrive $0xFFFF  }
0xb6: {  	s9 =	rddreg [dreg:$0x18]  }
0xb7: {  	[tilespmem:s14], [sflag:$0x8] =	stream.linear.gather [hbm4b:s9+s2], $0x40, $0x38;
	[tilespmem:$0x3610] =	vst v63  }
0xb8: {  	_ =	swait.ge [sflag:s13], $0x40  }
0xb9: {  	[sflag:s13] =	ssyncset.done $0x0  }
0xba: {  	s9 =	rddreg [dreg:$0x1b];
	[sflag:s13] =	ssyncadd.s32 $0xFFFFFFC0  }
0xbb: {  	[tilespmem:s17], [sflag:$0x8] =	stream.linear.gather [hbm4b:s9+s2], $0x40, $0x38;
	[tilespmem:$0x3610] =	vst v63  }
0xbc: {  	_ =	swait.ge [sflag:s13], $0x40  }
0xbd: {  	[sflag:s13] =	ssyncset.done $0x0  }
0xbe: {  	[sflag:s13] =	ssyncadd.s32 $0xFFFFFFC0  }
0xbf: {  	[tilespmem:s20], [sflag:$0x1] =	stream.indirect.gather [hbm4b:s15+s19], $0x10, s14, s19, $0xb8;
	[tilespmem:$0x3610] =	vst v63  }
0xc0: {  	s9 =	rddreg [dreg:$0x1c]  }
0xc1: {  	[tilespmem:s21], [sflag:$0x8] =	stream.linear.gather [hbm4b:s9+s2], $0x40, $0x38;
	[tilespmem:$0x3610] =	vst v63  }
0xc2: {  	_ =	swait.ge [sflag:s13], $0x40  }
0xc3: {  	[sflag:s13] =	ssyncset.done $0x0  }
0xc4: {  	s9 =	rddreg [dreg:$0x1d];
	[sflag:s13] =	ssyncadd.s32 $0xFFFFFFC0  }
0xc5: {  	[tilespmem:s22], [sflag:$0x8] =	stream.linear.gather [hbm4b:s9+s2], $0x40, $0x38;
	[tilespmem:$0x3610] =	vst v63  }
0xc6: {  	_ =	swait.ge [sflag:s13], $0x40  }
0xc7: {  	[sflag:s13] =	ssyncset.done $0x0  }
0xc8: {  	s1 =	simm.s32 $0x0;
	s29 =	rddreg [dreg:$0x1a];
	[sflag:s13] =	ssyncadd.s32 $0xFFFFFFC0  }
0xc9: {  	[tilespmem:s23], [sflag:$0x3] =	stream.indirect.gather [hbm4b:s15+s19], $0x10, s21, s19, $0xb8;
	[tilespmem:$0x3610] =	vst v63  }
.LBB2_2:
0xca: {  	_ =	swait.ge [sflag:s24], $0x400  }
0xcb: {  	p0 =	seq.s32 s1, $0x0;
	[sflag:s24] =	ssyncset.done $0x0  }
0xcc: {  	s9 =	simm.s32 @!p0 $0x6;
	[sflag:s24] =	ssyncadd.s32 $0xFFFFFC00  }
0xcd: {  	[spmem:s12] =	stream.indirect.scatter.add.f32 [tilespmem:s20], [sflag:$0x2], $0x10, s17, s19, $0xb8;
	[tilespmem:$0x3610] =	vst v63  }
0xce: {  	_ =	swait.ge @!p0 [sflag:s9], $0x400  }
0xcf: {  	[sflag:s9] =	ssyncset.done @!p0 $0x0  }
0xd0: {  	[sflag:s9] =	ssyncadd.s32 @!p0 $0xFFFFFC00;
	s9 =	sadd.s32 s1, s4  }
0xd1: {  	[tilespmem:s25], [sflag:$0x8] =	stream.linear.gather [hbm4b:s9+s2], $0x40, $0x38;
	[tilespmem:$0x3610] =	vst v63  }
0xd2: {  	_ =	swait.ge [sflag:s13], $0x40  }
0xd3: {  	[sflag:s13] =	ssyncset.done $0x0  }
0xd4: {  	s9 =	sadd.s32 s1, s5;
	[sflag:s13] =	ssyncadd.s32 $0xFFFFFFC0  }
0xd5: {  	[tilespmem:s26], [sflag:$0x8] =	stream.linear.gather [hbm4b:s9+s2], $0x40, $0x38;
	[tilespmem:$0x3610] =	vst v63  }
0xd6: {  	_ =	swait.ge [sflag:s13], $0x40  }
0xd7: {  	[sflag:s13] =	ssyncset.done $0x0  }
0xd8: {  	[sflag:s13] =	ssyncadd.s32 $0xFFFFFFC0  }
0xd9: {  	[tilespmem:s28], [sflag:$0x5] =	stream.indirect.gather [hbm4b:s15+s19], $0x10, s25, s19, $0xb8;
	[tilespmem:$0x3610] =	vst v63  }
0xda: {  	_ =	swait.ge [sflag:s30], $0x400  }
0xdb: {  	p0 =	seq.s32 s1, $0x258;
	[sflag:s30] =	ssyncset.done $0x0  }
.Ltmp2:
0xdc: {  	[sflag:s30] =	ssyncadd.s32 $0xFFFFFC00;
	(pc) =	sbr.rel @p0 .LBB2_4-.Ltmp2, $4  }
0xdd: {  	[spmem:s12] =	stream.indirect.scatter.add.f32 [tilespmem:s23], [sflag:$0x4], $0x10, s22, s19, $0xb8;
	[tilespmem:$0x3610] =	vst v63  }
0xde: {  	_ =	swait.ge [sflag:s0], $0x400  }
0xdf: {  	[sflag:s0] =	ssyncset.done $0x0  }
0xe0: {  	[sflag:s0] =	ssyncadd.s32 $0xFFFFFC00  }
0xe1: {  	s9 =	sshrl.u32 s29, $0x3  }
0xe2: {  	s9 =	sadd.s32 s16, s9  }
0xe3: {  	[tilespmem:s14], [sflag:$0x8] =	stream.linear.gather [hbm4b:s9+s2], $0x40, $0x38;
	[tilespmem:$0x3610] =	vst v63  }
0xe4: {  	_ =	swait.ge [sflag:s13], $0x40  }
0xe5: {  	[sflag:s13] =	ssyncset.done $0x0  }
0xe6: {  	s9 =	sadd.s32 s1, s3;
	[sflag:s13] =	ssyncadd.s32 $0xFFFFFFC0  }
0xe7: {  	[tilespmem:s17], [sflag:$0x8] =	stream.linear.gather [hbm4b:s9+s2], $0x40, $0x38;
	[tilespmem:$0x3610] =	vst v63  }
0xe8: {  	_ =	swait.ge [sflag:s13], $0x40  }
0xe9: {  	[sflag:s13] =	ssyncset.done $0x0  }
0xea: {  	[sflag:s13] =	ssyncadd.s32 $0xFFFFFFC0  }
0xeb: {  	[tilespmem:s20], [sflag:$0x1] =	stream.indirect.gather [hbm4b:s15+s19], $0x10, s14, s19, $0xb8;
	[tilespmem:$0x3610] =	vst v63  }
0xec: {  	_ =	swait.ge [sflag:s6], $0x400  }
0xed: {  	[sflag:s6] =	ssyncset.done $0x0  }
0xee: {  	[sflag:s6] =	ssyncadd.s32 $0xFFFFFC00  }
0xef: {  	[spmem:s12] =	stream.indirect.scatter.add.f32 [tilespmem:s28], [sflag:$0x6], $0x10, s26, s19, $0xb8;
	[tilespmem:$0x3610] =	vst v63  }
0xf0: {  	_ =	swait.ge [sflag:s7], $0x400  }
0xf1: {  	[sflag:s7] =	ssyncset.done $0x0  }
0xf2: {  	s9 =	sadd.s32 s1, s31;
	[sflag:s7] =	ssyncadd.s32 $0xFFFFFC00  }
0xf3: {  	[tilespmem:s21], [sflag:$0x8] =	stream.linear.gather [hbm4b:s9+s2], $0x40, $0x38;
	[tilespmem:$0x3610] =	vst v63  }
0xf4: {  	_ =	swait.ge [sflag:s13], $0x40  }
0xf5: {  	[sflag:s13] =	ssyncset.done $0x0  }
0xf6: {  	s9 =	sadd.s32 s1, s10;
	[sflag:s13] =	ssyncadd.s32 $0xFFFFFFC0  }
0xf7: {  	[tilespmem:s22], [sflag:$0x8] =	stream.linear.gather [hbm4b:s9+s2], $0x40, $0x38;
	[tilespmem:$0x3610] =	vst v63  }
.Ltmp3:
0xf8: {  	_ = 	snop;
	(pc) =	sbr.rel .LBB2_2-.Ltmp3, $4  }
0xf9: {  	_ =	swait.ge [sflag:s13], $0x40  }
0xfa: {  	[sflag:s13] =	ssyncset.done $0x0  }
0xfb: {  	s29 =	sadd.s32 $0xC0, s29;
	s1 =	sadd.s32 $0x18, s1;
	[sflag:s13] =	ssyncadd.s32 $0xFFFFFFC0  }
0xfc: {  	[tilespmem:s23], [sflag:$0x3] =	stream.indirect.gather [hbm4b:s15+s19], $0x10, s21, s19, $0xb8;
	[tilespmem:$0x3610] =	vst v63  }
.LBB2_5:
0xfd: {  	_ =	sfence.sel $0x180000  }
0xfe: {  	[bflag:$0x0] =	sbarrier.arrive $0xFFFF  }
0xff: {  	_ =	strace $0x9000004D  }
0x100: {  	s0 =	stileid.u32;
	[bflag:$0x2] =	sbarrier.arrive $0xFFFF  }
0x101: {  	p0 =	sne.s32 s0, $0x0;
	s0 =	rddreg [dreg:$0x3]  }
0x102: {  	s0 =	sadd.s32 @!p0 $0x100000, s0  }
0x103: {  	[sflag:s0] =	ssyncadd.tile.s32 @!p0 $0x1;
	_ =	shalt  }
.Lfunc_end2:
_tile_overlayer_lowered:
.L_overlay_start_2:
0x104: {  	(tag) =	ssettag $0x2  }
0x105: {  	s0 =	rddreg [dreg:$0x0];
	s2 =	stileid.u32  }
0x106: {  	s1 =	rddreg [dreg:$0x1];
	p0 =	sne.s32 s2, $0x0  }
0x107: {  	s3 =	rddreg [dreg:$0x2];
	[bflag:$0x3] =	sbarrier.arrive $0xFFFF;
	s2 =	simm.s32 @!p0 $0x1C08  }
0x108: {  	[timem:s3], [sflag:s2] =	dma.local @!p0 [hbm:s0], s1  }
0x109: {  	s0 =	simm.s32 @!p0 $0x8  }
0x10a: {  	_ =	swait.ge @!p0 [sflag:s0], s1  }
0x10b: {  	s1 =	ssub.s32 @!p0 $0x0, s1;
	[sflag:s0] =	ssyncset.done @!p0 $0x0  }
0x10c: {  	[sflag:s0] =	ssyncadd.s32 @!p0 s1  }
0x10d: {  	[bflag:$0x3] =	sbarrier.arrive $0xFFFF  }
0x10e: {  	_ =	shalt  }

// kernel: kernel.8.cloned.1.call-start
scs
__scs_entry_jumppad:
0x0: {  	(pc) =	sbr.rel $0x88, $3  }
0x1: {  	(tag) =	ssettag $0x0;
	lr =	simm.s32 $0x1  }
0x2: {  	[smem:$0x3F9B] =	sst lr;
	_ =	strace $0xD0000000  }
0x3: {  	_ = 	snop  }
0x4: {  	_ = 	snop  }
0x5: {  	_ = 	snop  }
0x6: {  	_ = 	snop  }
0x7: {  	_ = 	snop  }
__scs_overlays_trampoline_lowered:
0x8: {  	[smem:$0x3FAA] =	sst s0  }
0x9: {  	[smem:$0x3FAB] =	sst s1  }
0xa: {  	[smem:$0x3FAC] =	sst s2  }
0xb: {  	[smem:$0x3FAD] =	sst s3  }
0xc: {  	[smem:$0x3FAE] =	sst s4  }
0xd: {  	[smem:$0x3FAF] =	sst s5  }
0xe: {  	[smem:$0x3FB0] =	sst s6  }
0xf: {  	[smem:$0x3FB1] =	sst s7  }
0x10: {  	[smem:$0x3FB2] =	sst s8  }
0x11: {  	[smem:$0x3FB3] =	sst s9;
	s0 =	simm.s32 @!p0 $0x0  }
0x12: {  	s1 =	sld [smem:$0x3F99];
	s0 =	simm.s32 @p0 $0x1  }
0x13: {  	[smem:$0x3FB4] =	sst s0;
	s0 =	simm.s32 @!p1 $0x0  }
0x14: {  	s2 =	sld [smem:$0x3F98];
	s0 =	simm.s32 @p1 $0x1  }
0x15: {  	[smem:$0x3FB5] =	sst s0;
	s0 =	simm.s32 @!p2 $0x0  }
0x16: {  	s3 =	sld [smem:$0x3FDB];
	s0 =	simm.s32 @p2 $0x1  }
0x17: {  	s4 =	simm.s32 $0x1BF5;
	[smem:$0x3FB7] =	sst s0  }
0x18: {  	s0 =	sld [smem:$0x3F9A];
	_ =	swait.ge [sflag:s4], $0x0  }
0x19: {  	s7 =	sld [smem:$0x3F9B]  }
0x1a: {  	s8 =	sadd.s32 $0xFFFFE003, lr  }
0x1b: {  	s9 =	sadd.s32 $0xFFFFFEF7, lr;
	s5 =	simm.s32 $0xFFFFFFFF;
	p2 =	slt.u32 s8, $0xFFFFF086  }
0x1c: {  	p1 =	slt.u32 s9, $0xF7A;
	s5 =	simm.s32 @!p2 $0x0  }
0x1d: {  	s5 =	simm.s32 @p1 $0x1;
	p0 =	seq.s32 s7, s2  }
0x1e: {  	s7 =	smul.u32 @!p0 $0xF7A, s2;
	p2 =	seq.s32 @!p0 s5, $0x0  }
0x1f: {  	s9 =	smul.u32 $0xF7A, s1;
	s8 =	simm.s32 @!p0 $0x1BF5;
	p2 =	por !p2, p0  }
0x20: {  	[sflag:s8] =	ssyncset.s32 @!p0 $0xFFFFF086;
	s6 =	sadd.s32 @!p0 s3, s7;
	s7 =	simm.s32 @!p0 $0x108  }
0x21: {  	s3 =	sadd.s32 s3, s9;
	s6 =	sadd.s32 @!p0 $0x88, s6;
	s7 =	simm.s32 @p2 $0x1082  }
0x22: {  	[simem:s7], [sflag:s8] =	dma.local @!p0 [hbm:s6], $0xF7A  }
0x23: {  	s9 =	sor.u32 $0xD0000000, s2;
	s6 =	simm.s32 $0x108;
	_ =	swait.ge @!p0 [sflag:s8], $0x0  }
0x24: {  	s3 =	sadd.s32 $0x88, s3;
	s6 =	simm.s32 @!p1 $0x1082;
	[sflag:s4] =	ssyncset.s32 $0xFFFFF086  }
0x25: {  	[simem:s6], [sflag:s4] =	dma.local [hbm:s3], $0xF7A  }
0x26: {  	[smem:$0x3F9B] =	sst s1;
	(tag) =	ssettag s2;
	_ =	strace s9  }
0x27: {  	s1 =	sld [smem:$0x3FAB]  }
0x28: {  	s2 =	sld [smem:$0x3FAC]  }
0x29: {  	s4 =	sld [smem:$0x3FAE]  }
0x2a: {  	p0 =	seq.s32 s5, $0x0;
	s5 =	sld [smem:$0x3FAF]  }
0x2b: {  	s6 =	sld [smem:$0x3FB0]  }
0x2c: {  	s7 =	sld [smem:$0x3FB1]  }
0x2d: {  	s3 =	simm.s32 $0x108;
	s8 =	sld [smem:$0x3FB2]  }
0x2e: {  	s3 =	simm.s32 @!p0 $0x1082;
	s9 =	sld [smem:$0x3FB3]  }
0x2f: {  	lr =	sadd.s32 s0, s3;
	s0 =	sld [smem:$0x3FAA]  }
0x30: {  	s3 =	sld [smem:$0x3FAD]  }
0x31: {  	[smem:$0x3FB6] =	sst s10  }
0x32: {  	s10 =	sld [smem:$0x3FB4];
	_ =	sdelay $0x3  }
0x33: {  	p0 =	seq.s32 s10, $0x1;
	s10 =	sld [smem:$0x3FB6];
	_ =	sdelay $0x3  }
0x34: {  	[smem:$0x3FB6] =	sst s10  }
0x35: {  	s10 =	sld [smem:$0x3FB5];
	_ =	sdelay $0x3  }
0x36: {  	p1 =	seq.s32 s10, $0x1;
	s10 =	sld [smem:$0x3FB6];
	_ =	sdelay $0x3  }
0x37: {  	[smem:$0x3FB6] =	sst s10  }
0x38: {  	s10 =	sld [smem:$0x3FB7]  }
0x39: {  	_ = 	snop;
	(pc) =	sbr.ind lr, $3  }
0x3a: {  	_ = 	snop  }
0x3b: {  	_ = 	snop  }
0x3c: {  	p2 =	seq.s32 s10, $0x1;
	s10 =	sld [smem:$0x3FB6]  }
0x3d: {  	_ =	shalt  }
0x3e: {  	_ =	shalt  }
0x3f: {  	_ =	shalt  }
0x40: {  	_ =	shalt  }
0x41: {  	_ =	shalt  }
0x42: {  	_ =	shalt  }
0x43: {  	_ =	shalt  }
0x44: {  	_ =	shalt  }
0x45: {  	_ =	shalt  }
0x46: {  	_ =	shalt  }
0x47: {  	_ =	shalt  }
0x48: {  	_ =	shalt  }
0x49: {  	_ =	shalt  }
0x4a: {  	_ =	shalt  }
0x4b: {  	_ =	shalt  }
0x4c: {  	_ =	shalt  }
0x4d: {  	_ =	shalt  }
0x4e: {  	_ =	shalt  }
0x4f: {  	_ =	shalt  }
0x50: {  	_ =	shalt  }
0x51: {  	_ =	shalt  }
0x52: {  	_ =	shalt  }
0x53: {  	_ =	shalt  }
0x54: {  	_ =	shalt  }
0x55: {  	_ =	shalt  }
0x56: {  	_ =	shalt  }
0x57: {  	_ =	shalt  }
0x58: {  	_ =	shalt  }
0x59: {  	_ =	shalt  }
0x5a: {  	_ =	shalt  }
0x5b: {  	_ =	shalt  }
0x5c: {  	_ =	shalt  }
0x5d: {  	_ =	shalt  }
0x5e: {  	_ =	shalt  }
0x5f: {  	_ =	shalt  }
0x60: {  	_ =	shalt  }
0x61: {  	_ =	shalt  }
0x62: {  	_ =	shalt  }
0x63: {  	_ =	shalt  }
0x64: {  	_ =	shalt  }
0x65: {  	_ =	shalt  }
0x66: {  	_ =	shalt  }
0x67: {  	_ =	shalt  }
0x68: {  	_ =	shalt  }
0x69: {  	_ =	shalt  }
0x6a: {  	_ =	shalt  }
0x6b: {  	_ =	shalt  }
0x6c: {  	_ =	shalt  }
0x6d: {  	_ =	shalt  }
0x6e: {  	_ =	shalt  }
0x6f: {  	_ =	shalt  }
0x70: {  	_ =	shalt  }
0x71: {  	_ =	shalt  }
0x72: {  	_ =	shalt  }
0x73: {  	_ =	shalt  }
0x74: {  	_ =	shalt  }
0x75: {  	_ =	shalt  }
0x76: {  	_ =	shalt  }
0x77: {  	_ =	shalt  }
0x78: {  	_ =	shalt  }
0x79: {  	_ =	shalt  }
0x7a: {  	_ =	shalt  }
0x7b: {  	_ =	shalt  }
0x7c: {  	_ =	shalt  }
0x7d: {  	_ =	shalt  }
0x7e: {  	_ =	shalt  }
0x7f: {  	_ =	shalt  }
0x80: {  	_ =	shalt  }
0x81: {  	_ =	shalt  }
0x82: {  	_ =	shalt  }
0x83: {  	_ =	shalt  }
0x84: {  	_ =	shalt  }
0x85: {  	_ =	shalt  }
0x86: {  	_ =	shalt  }
0x87: {  	_ =	shalt  }
.Lfunc_end0:
.L_simem_size_0:
called_computation_lowered:
.L_overlay_start_0:
0x88: {  	s2 =	sld [smem:$0x3FD9]  }
0x89: {  	s3 =	sld [smem:$0x3FFE];
	_ =	sdelay $0x1  }
0x8a: {  	s1 =	srdreg.scid  }
0x8b: {  	s0 =	sand.u32 $0x1, s1  }
0x8c: {  	s17 =	sshll.u32 s0, $0xA;
	s2 =	sadd.s32 s3, s2  }
0x8d: {  	s2 =	sadd.s32 s2, s17  }
0x8e: {  	[smem:$0x3FC2] =	sst s2  }
0x8f: {  	_ = 	snop  }
0x90: {  	s2 =	sld [smem:$0x3FD0];
	(tm) =	ssettm $0x1  }
0x91: {  	s18 =	sld [smem:$0x3FFB];
	_ =	sdelay $0x3  }
0x92: {  	_ =	strace s18  }
0x93: {  	s3 =	sld [smem:$0x3FFC];
	_ =	sdelay $0x3  }
0x94: {  	_ =	strace s3  }
0x95: {  	s3 =	sld [smem:$0x3FFD];
	_ =	sdelay $0x3  }
0x96: {  	_ =	strace s3  }
0x97: {  	_ =	strace $0x8FFFFFFF  }
0x98: {  	s19 =	sld [smem:$0x3FDB];
	_ =	sdelay $0x1  }
0x99: {  	s4 =	simm.s32 $_scs_section_size  }
0x9a: {  	s5 =	simm.s32 $_size__tile_overlayer_lowered;
	s6 =	simm.s32 $_tile_overlayer_lowered  }
0x9b: {  	s22 =	simm.s32 $0x1BFF;
	s21 =	sshll.u32 s6, $0x1;
	s3 =	sadd.s32 s4, s19  }
0x9c: {  	s7 =	simm.s32 $0x0;
	s20 =	sshll.u32 s5, $0x1;
	s5 =	sadd.s32 s21, s3  }
0x9d: {  	[timem:s7], [sflag:s22] =	dma.local [hbm:s5], s20  }
0x9e: {  	_ =	swait.ge [sflag:s22], s20  }
0x9f: {  	s4 =	ssub.s32 $0x0, s20;
	[sflag:s22] =	ssyncset.done $0x0  }
0xa0: {  	[sflag:s22] =	ssyncadd.s32 s4;
	_ =	sdelay $0x1  }
0xa1: {  	s23 =	simm.s32 $0x1B8B  }
0xa2: {  	_ =	swait.ge [sflag:s23], $0x1  }
0xa3: {  	[sflag:s23] =	ssyncset.done $0x0  }
0xa4: {  	s25 =	simm.s32 $0x1B8E;
	s24 =	sld [smem:$0x3FFE];
	[sflag:s23] =	ssyncadd.s32 $0xFFFFFFFF  }
0xa5: {  	s26 =	simm.s32 $execute0_lowered;
	[smem:$0x3FD2] =	sst s25  }
0xa6: {  	s5 =	sshll.u32 s26, $0x1;
	_ =	strace $0x80000046;
	[dreg:$0x1] =	wrdreg $0xFFFFFFFF  }
0xa7: {  	s28 =	simm.s32 $_size_execute0_lowered;
	s3 =	sadd.s32 s3, s5;
	[dreg:$0x0] =	wrdreg $0x0  }
0xa8: {  	s5 =	sshll.u32 s28, $0x1;
	[dreg:$0x2] =	wrdreg s3  }
0xa9: {  	[dreg:$0x3] =	wrdreg s5  }
0xaa: {  	[dreg:$0x4] =	wrdreg $0xC0  }
0xab: {  	_ =	task [dreg:s7], $0x5FFFF  }
0xac: {  	[dreg:$0x1] =	wrdreg $0xFFFFFFFF  }
0xad: {  	[dreg:$0x0] =	wrdreg $0x60  }
0xae: {  	[dreg:$0x2] =	wrdreg s24  }
0xaf: {  	[dreg:$0x3] =	wrdreg s2  }
0xb0: {  	[dreg:$0x4] =	wrdreg $0x63880  }
0xb1: {  	[dreg:$0x5] =	wrdreg $0x9  }
0xb2: {  	_ =	task.clear_ibuf [dreg:s7], $0x6FFFF;
	_ =	strace $0x90000046  }
0xb3: {  	s29 =	simm.s32 $0x9;
	_ =	strace $0x80000048  }
0xb4: {  	_ =	swait.ge [sflag:s29], $0x1  }
0xb5: {  	[sflag:s29] =	ssyncadd.s32 $0xFFFFFFFF  }
0xb6: {  	_ =	strace $0x90000048  }
0xb7: {  	_ =	sfence  }
0xb8: {  	s30 =	sld [smem:$0x0];
	_ =	sdelay $0x2  }
0xb9: {  	s31 =	sshll.u32 s1, $0xD;
	s1 =	sshrl.u32 s1, $0x2  }
0xba: {  	s3 =	sand.u32 $0x4000, s31;
	s1 =	sadd.s32 s1, s30  }
0xbb: {  	s0 =	sor.u32 s3, s0;
	s1 =	sshll.u32 s1, $0x11  }
0xbc: {  	s0 =	sor.u32 s1, s0  }
0xbd: {  	s0 =	sadd.s32 $0x8F2B, s0  }
0xbe: {  	[sflag:s0] =	ssyncadd.remote.s32 $0x1  }
0xbf: {  	_ =	sfence.sel $0xFFFF  }
0xc0: {  	[dreg:$0x0] =	wrdreg $0xFFFFFFFF;
	(pc) =	sbr.abs _section_cstart, $3  }
0xc1: {  	[dreg:$0x1] =	wrdreg $0xFFFFFFFF  }
0xc2: {  	_ =	task.clear_ibuf [dreg:s7], $0x2FFFF;
	_ =	strace $0x9FFFFFFF  }
0xc3: {  	(tm) =	ssettm $0x7FFFFFFF  }
tec
execute0_lowered:
.L_overlay_start_1:
0x0: {  	(tag) =	ssettag $0x1  }
0x1: {  	s0 =	rddreg [dreg:$0x0]  }
0x2: {  	s1 =	rddreg [dreg:$0x1]  }
0x3: {  	s5 =	rddreg [dreg:$0x2];
	s8 =	stileid.u32  }
0x4: {  	s2 =	srdreg.scid;
	s24 =	simm.s32 $0x1;
	s4 =	smul.u32 $0x1388, s8  }
0x5: {  	s29 =	simm.s32 $0x5988;
	s30 =	simm.s32 $0x5C08;
	s26 =	smul.u32 $0xA000, s8  }
0x6: {  	s14 =	sand.u32 $0x1, s2;
	s2 =	simm.s32 $0x0;
	s19 =	smul.u32 $0x280, s8  }
0x7: {  	s31 =	simm.s32 $0x5E88;
	s3 =	smul.u32 $0x13880, s14;
	[smem:$0x7FF] =	sst s2  }
0x8: {  	s6 =	ssub.s32 $0x2, s14;
	s28 =	smul.u32 $0x2800, s14;
	_ =	strace $0x80000047  }
0x9: {  	s7 =	sshrl.u32 s6, $0x1;
	s3 =	sadd.s32 s3, s4;
	s4 =	sshrl.u32 s26, $0x2  }
0xa: {  	s22 =	ssub.s32 s6, s7;
	s3 =	sshrl.u32 s3, $0x3;
	s4 =	sadd.s32 s4, s5  }
0xb: {  	s5 =	sadd.s32 s19, s5;
	s22 =	smax.u32 s22, $0x1;
	s0 =	sadd.s32 s0, s3  }
0xc: {  	s6 =	sadd.s32 $0x2800, s5;
	s7 =	sadd.s32 $0x5000, s5;
	s8 =	sadd.s32 $0x7800, s5  }
0xd: {  	s9 =	sadd.s32 $0xA000, s5;
	s10 =	sadd.s32 $0xC800, s5;
	s11 =	sadd.s32 $0xF000, s5  }
0xe: {  	s12 =	sadd.s32 $0x11800, s5;
	s13 =	sadd.s32 $0x14000, s5;
	s14 =	sadd.s32 $0x16800, s5  }
0xf: {  	s15 =	sadd.s32 $0x19000, s5;
	s16 =	sadd.s32 $0x1B800, s5;
	s17 =	sadd.s32 $0x1E000, s5  }
0x10: {  	s18 =	sadd.s32 $0x20800, s5;
	s3 =	sadd.s32 $0x7E20, s0;
	s0 =	sadd.s32 s19, s28  }
0x11: {  	s20 =	sadd.s32 $0x25800, s5;
	s19 =	sadd.s32 $0x23000, s5;
	s0 =	sshrl.u32 s0, $0x3  }
0x12: {  	v0 =	vimm.f32 $0.0e+00;
	v1 =	vimm.f32 $1.000000000e+00;
	vm0 =	vcmask $0x3F20;
	s21 =	sadd.s32 s1, s0;
	s0 =	simm.s32 $0x6108;
	s1 =	simm.s32 $0x0  }
.LBB2_1:
0x13: {  	s23 =	simm.s32 $0x20  }
0x14: {  	[tilespmem:s23+$0xFFFFFFE0] =	vst v0  }
0x15: {  	[tilespmem:s23+$0x10] =	vst v0  }
0x16: {  	s25 =	simm.s32 $0x0;
	[tilespmem:s23+$0x0] =	vst v0  }
.LBB2_2:
0x17: {  	s25 =	sadd.s32 $0x4, s25  }
0x18: {  	[tilespmem:s23+$0xFFFFFFF0] =	vst v0;
	s23 =	sadd.s32 $0x40, s23;
	p0 =	slt.u32 s25, $0x27C  }
.Ltmp0:
0x19: {  	[tilespmem:s23+$0xFFFFFFE0] =	vst v0;
	(pc) =	sbr.rel @p0 .LBB2_2-.Ltmp0, $3  }
0x1a: {  	_ =	sdelay $0x1  }
0x1b: {  	[tilespmem:s23+$0x10] =	vst v0  }
0x1c: {  	[tilespmem:s23+$0x0] =	vst v0  }
0x1d: {  	[tilespmem:s23+$0xFFFFFFF0] =	vst v0;
	s28 =	simm.s32 $0x0;
	s25 =	simm.s32 $0x2800  }
0x1e: {  	[tilespmem:s25], [sflag:$0x1] =	stream.linear.gather [hbm4b:s3+s28], $0x1388, $0x38;
	[tilespmem:$0x8B88] =	vst v63  }
0x1f: {  	_ =	swait.ge [sflag:s24], $0x1388  }
0x20: {  	[sflag:s24] =	ssyncset.done $0x0  }
0x21: {  	s23 =	simm.s32 $0x40;
	s25 =	simm.s32 $0x0;
	[sflag:s24] =	ssyncadd.s32 $0xFFFFEC78  }
.LBB2_4:
0x22: {  	p0 =	sne.s32 s23, $0x4DC0;
	v2 =	vld [tilespmem:s25+$0x2800];
	_ =	sdelay $0x3  }
.Ltmp1:
0x23: {  	(pc) =	sbr.rel @p0 .LBB2_4-.Ltmp1, $2  }
0x24: {  	_ =	sdelay $0x2  }
0x25: {  	s25 =	sshra.s32 s23, $0x2;
	s23 =	sadd.s32 $0x40, s23;
	[tilespmem:v2+s2+$0x0] =	vst.idx.add.f32.msk $0xffff, v1  }
0x26: {  	v2 =	vld [tilespmem:s25+$0x2800];
	_ =	sdelay $0x7  }
0x27: {  	[tilespmem:v2+s2+$0x0] =	vst.idx.add.f32.msk $0xffff, v1  }
0x28: {  	v2 =	vld [tilespmem:$0x3B78];
	_ =	sdelay $0x6  }
0x29: {  	s23 =	simm.s32 $0x0  }
0x2a: {  	[tilespmem:v2+s23+$0x0] =	vst.idx.add.f32.msk vm0, v1  }
0x2b: {  	[spmem:s4] =	stream.linear.scatter [tilespmem:s23], [sflag:$0x1], $0x2800, $0x38;
	[tilespmem:$0x8B88] =	vst v63  }
0x2c: {  	_ =	swait.ge [sflag:s24], $0x2800  }
0x2d: {  	[sflag:s24] =	ssyncset.done $0x0  }
0x2e: {  	[sflag:s24] =	ssyncadd.s32 $0xFFFFD800  }
0x2f: {  	s25 =	simm.s32 $0x3B88;
	[bflag:$0x0] =	sbarrier.arrive $0xFFFF  }
0x30: {  	[tilespmem:s25], [sflag:$0x1] =	stream.linear.gather [spmem:s5], $0x280, $0x38;
	[tilespmem:$0x8B88] =	vst v63  }
0x31: {  	_ =	swait.ge [sflag:s24], $0x280  }
0x32: {  	[sflag:s24] =	ssyncset.done $0x0  }
0x33: {  	s26 =	simm.s32 $0x3E08;
	[sflag:s24] =	ssyncadd.s32 $0xFFFFFD80  }
0x34: {  	[tilespmem:s26], [sflag:$0x1] =	stream.linear.gather [spmem:s6], $0x280, $0x38;
	[tilespmem:$0x8B88] =	vst v63  }
0x35: {  	_ =	swait.ge [sflag:s24], $0x280  }
0x36: {  	[sflag:s24] =	ssyncset.done $0x0  }
0x37: {  	s25 =	simm.s32 $0x4088;
	[sflag:s24] =	ssyncadd.s32 $0xFFFFFD80  }
0x38: {  	[tilespmem:s25], [sflag:$0x1] =	stream.linear.gather [spmem:s7], $0x280, $0x38;
	[tilespmem:$0x8B88] =	vst v63  }
0x39: {  	_ =	swait.ge [sflag:s24], $0x280  }
0x3a: {  	[sflag:s24] =	ssyncset.done $0x0  }
0x3b: {  	s26 =	simm.s32 $0x4308;
	[sflag:s24] =	ssyncadd.s32 $0xFFFFFD80  }
0x3c: {  	[tilespmem:s26], [sflag:$0x1] =	stream.linear.gather [spmem:s8], $0x280, $0x38;
	[tilespmem:$0x8B88] =	vst v63  }
0x3d: {  	_ =	swait.ge [sflag:s24], $0x280  }
0x3e: {  	[sflag:s24] =	ssyncset.done $0x0  }
0x3f: {  	s25 =	simm.s32 $0x4588;
	[sflag:s24] =	ssyncadd.s32 $0xFFFFFD80  }
0x40: {  	[tilespmem:s25], [sflag:$0x1] =	stream.linear.gather [spmem:s9], $0x280, $0x38;
	[tilespmem:$0x8B88] =	vst v63  }
0x41: {  	_ =	swait.ge [sflag:s24], $0x280  }
0x42: {  	[sflag:s24] =	ssyncset.done $0x0  }
0x43: {  	s26 =	simm.s32 $0x4808;
	[sflag:s24] =	ssyncadd.s32 $0xFFFFFD80  }
0x44: {  	[tilespmem:s26], [sflag:$0x1] =	stream.linear.gather [spmem:s10], $0x280, $0x38;
	[tilespmem:$0x8B88] =	vst v63  }
0x45: {  	_ =	swait.ge [sflag:s24], $0x280  }
0x46: {  	[sflag:s24] =	ssyncset.done $0x0  }
0x47: {  	s25 =	simm.s32 $0x4A88;
	[sflag:s24] =	ssyncadd.s32 $0xFFFFFD80  }
0x48: {  	[tilespmem:s25], [sflag:$0x1] =	stream.linear.gather [spmem:s11], $0x280, $0x38;
	[tilespmem:$0x8B88] =	vst v63  }
0x49: {  	_ =	swait.ge [sflag:s24], $0x280  }
0x4a: {  	[sflag:s24] =	ssyncset.done $0x0  }
0x4b: {  	s26 =	simm.s32 $0x4D08;
	[sflag:s24] =	ssyncadd.s32 $0xFFFFFD80  }
0x4c: {  	[tilespmem:s26], [sflag:$0x1] =	stream.linear.gather [spmem:s12], $0x280, $0x38;
	[tilespmem:$0x8B88] =	vst v63  }
0x4d: {  	_ =	swait.ge [sflag:s24], $0x280  }
0x4e: {  	[sflag:s24] =	ssyncset.done $0x0  }
0x4f: {  	s25 =	simm.s32 $0x4F88;
	[sflag:s24] =	ssyncadd.s32 $0xFFFFFD80  }
0x50: {  	[tilespmem:s25], [sflag:$0x1] =	stream.linear.gather [spmem:s13], $0x280, $0x38;
	[tilespmem:$0x8B88] =	vst v63  }
0x51: {  	_ =	swait.ge [sflag:s24], $0x280  }
0x52: {  	[sflag:s24] =	ssyncset.done $0x0  }
0x53: {  	s26 =	simm.s32 $0x5208;
	[sflag:s24] =	ssyncadd.s32 $0xFFFFFD80  }
0x54: {  	[tilespmem:s26], [sflag:$0x1] =	stream.linear.gather [spmem:s14], $0x280, $0x38;
	[tilespmem:$0x8B88] =	vst v63  }
0x55: {  	_ =	swait.ge [sflag:s24], $0x280  }
0x56: {  	[sflag:s24] =	ssyncset.done $0x0  }
0x57: {  	s25 =	simm.s32 $0x5488;
	[sflag:s24] =	ssyncadd.s32 $0xFFFFFD80  }
0x58: {  	[tilespmem:s25], [sflag:$0x1] =	stream.linear.gather [spmem:s15], $0x280, $0x38;
	[tilespmem:$0x8B88] =	vst v63  }
0x59: {  	_ =	swait.ge [sflag:s24], $0x280  }
0x5a: {  	[sflag:s24] =	ssyncset.done $0x0  }
0x5b: {  	s26 =	simm.s32 $0x5708;
	[sflag:s24] =	ssyncadd.s32 $0xFFFFFD80  }
0x5c: {  	[tilespmem:s26], [sflag:$0x1] =	stream.linear.gather [spmem:s16], $0x280, $0x38;
	[tilespmem:$0x8B88] =	vst v63  }
0x5d: {  	_ =	swait.ge [sflag:s24], $0x280  }
0x5e: {  	[sflag:s24] =	ssyncset.done $0x0  }
0x5f: {  	[sflag:s24] =	ssyncadd.s32 $0xFFFFFD80  }
0x60: {  	[tilespmem:s29], [sflag:$0x1] =	stream.linear.gather [spmem:s17], $0x280, $0x38;
	[tilespmem:$0x8B88] =	vst v63  }
0x61: {  	_ =	swait.ge [sflag:s24], $0x280  }
0x62: {  	[sflag:s24] =	ssyncset.done $0x0  }
0x63: {  	[sflag:s24] =	ssyncadd.s32 $0xFFFFFD80  }
0x64: {  	[tilespmem:s30], [sflag:$0x1] =	stream.linear.gather [spmem:s18], $0x280, $0x38;
	[tilespmem:$0x8B88] =	vst v63  }
0x65: {  	_ =	swait.ge [sflag:s24], $0x280  }
0x66: {  	[sflag:s24] =	ssyncset.done $0x0  }
0x67: {  	[sflag:s24] =	ssyncadd.s32 $0xFFFFFD80  }
0x68: {  	[tilespmem:s31], [sflag:$0x1] =	stream.linear.gather [spmem:s19], $0x280, $0x38;
	[tilespmem:$0x8B88] =	vst v63  }
0x69: {  	_ =	swait.ge [sflag:s24], $0x280  }
0x6a: {  	[sflag:s24] =	ssyncset.done $0x0  }
0x6b: {  	[sflag:s24] =	ssyncadd.s32 $0xFFFFFD80  }
0x6c: {  	[tilespmem:s0], [sflag:$0x1] =	stream.linear.gather [spmem:s20], $0x280, $0x38;
	[tilespmem:$0x8B88] =	vst v63  }
0x6d: {  	_ =	swait.ge [sflag:s24], $0x280  }
0x6e: {  	[sflag:s24] =	ssyncset.done $0x0  }
0x6f: {  	s25 =	simm.s32 $0x0;
	[sflag:s24] =	ssyncadd.s32 $0xFFFFFD80  }
0x70: {  	v2 =	vld [tilespmem:s25+$0x3B88]  }
0x71: {  	v3 =	vld [tilespmem:s25+$0x3E08];
	_ =	sdelay $0x1  }
0x72: {  	v4 =	vld [tilespmem:s25+$0x4088];
	_ =	sdelay $0x1  }
0x73: {  	v5 =	vld [tilespmem:s25+$0x4308]  }
0x74: {  	v2 =	vadd.f32 v3, v2  }
0x75: {  	v3 =	vld [tilespmem:s25+$0x4588]  }
0x76: {  	v2 =	vadd.f32 v4, v2  }
0x77: {  	v4 =	vld [tilespmem:s25+$0x4808]  }
0x78: {  	v2 =	vadd.f32 v5, v2  }
0x79: {  	v5 =	vld [tilespmem:s25+$0x4A88]  }
0x7a: {  	v2 =	vadd.f32 v3, v2  }
0x7b: {  	v3 =	vld [tilespmem:s25+$0x4D08]  }
0x7c: {  	s23 =	simm.s32 $0x10;
	v6 =	vld [tilespmem:s25+$0x4F88];
	v2 =	vadd.f32 v4, v2  }
0x7d: {  	v7 =	vld [tilespmem:s23+$0x3B88]  }
0x7e: {  	v4 =	vld [tilespmem:s25+$0x5208];
	v2 =	vadd.f32 v5, v2  }
0x7f: {  	v5 =	vld [tilespmem:s23+$0x3E08]  }
0x80: {  	v8 =	vld [tilespmem:s23+$0x4088];
	v2 =	vadd.f32 v3, v2  }
0x81: {  	v3 =	vld [tilespmem:s25+$0x5488]  }
0x82: {  	v9 =	vld [tilespmem:s23+$0x4308];
	v2 =	vadd.f32 v6, v2  }
0x83: {  	v6 =	vld [tilespmem:s25+$0x5708]  }
0x84: {  	v5 =	vadd.f32 v5, v7;
	v7 =	vld [tilespmem:s23+$0x4588];
	v2 =	vadd.f32 v4, v2  }
0x85: {  	v4 =	vld [tilespmem:s25+$0x5988]  }
0x86: {  	v5 =	vadd.f32 v8, v5;
	v8 =	vld [tilespmem:s23+$0x4808];
	v2 =	vadd.f32 v3, v2  }
0x87: {  	v3 =	vld [tilespmem:s25+$0x5C08]  }
0x88: {  	v10 =	vld [tilespmem:s23+$0x4A88];
	v5 =	vadd.f32 v9, v5;
	v2 =	vadd.f32 v6, v2  }
0x89: {  	v9 =	vld [tilespmem:s25+$0x5E88]  }
0x8a: {  	v6 =	vadd.f32 v7, v5;
	v5 =	vld [tilespmem:s23+$0x4D08];
	v7 =	vadd.f32 v4, v2  }
0x8b: {  	v4 =	vld [tilespmem:s25+$0x6108]  }
0x8c: {  	v2 =	vld [tilespmem:s23+$0x5208];
	v8 =	vadd.f32 v8, v6;
	v11 =	vadd.f32 v3, v7  }
0x8d: {  	s26 =	simm.s32 $0x20;
	v6 =	vld [tilespmem:s23+$0x4F88]  }
0x8e: {  	s28 =	simm.s32 $0xC0;
	v3 =	vld [tilespmem:s26+$0x3B88];
	v7 =	vadd.f32 v10, v8;
	v8 =	vadd.f32 v9, v11  }
.LBB2_6:
0x8f: {  	p0 =	sne.s32 s28, $0x9C0;
	v9 =	vld [tilespmem:s26+$0x3E08]  }
0x90: {  	v5 =	vadd.f32 v5, v7;
	v7 =	vld [tilespmem:s23+$0x5488];
	v4 =	vadd.f32 v4, v8  }
0x91: {  	v8 =	vld [tilespmem:s26+$0x4088]  }
0x92: {  	v5 =	vadd.f32 v6, v5;
	v6 =	vld [tilespmem:s23+$0x5708];
	[tilespmem:s25+$0x0] =	vst v4;
	s25 =	smov.u32 s23;
	s23 =	smov.u32 s26  }
0x93: {  	v4 =	vld [tilespmem:s23+$0x4308]  }
0x94: {  	v3 =	vadd.f32 v9, v3;
	v2 =	vadd.f32 v2, v5;
	v5 =	vld [tilespmem:s25+$0x5988]  }
0x95: {  	v9 =	vld [tilespmem:s23+$0x4588]  }
0x96: {  	v3 =	vadd.f32 v8, v3;
	v2 =	vadd.f32 v7, v2;
	v7 =	vld [tilespmem:s25+$0x5C08]  }
0x97: {  	v8 =	vld [tilespmem:s23+$0x4808]  }
0x98: {  	v3 =	vadd.f32 v4, v3;
	v2 =	vadd.f32 v6, v2;
	v10 =	vld [tilespmem:s25+$0x5E88]  }
0x99: {  	v11 =	vld [tilespmem:s23+$0x4A88]  }
.Ltmp2:
0x9a: {  	v3 =	vadd.f32 v9, v3;
	v6 =	vadd.f32 v5, v2;
	v4 =	vld [tilespmem:s25+$0x6108];
	(pc) =	sbr.rel @p0 .LBB2_6-.Ltmp2, $4  }
0x9b: {  	v5 =	vld [tilespmem:s23+$0x4D08]  }
0x9c: {  	v8 =	vadd.f32 v8, v3;
	v2 =	vld [tilespmem:s23+$0x5208];
	v9 =	vadd.f32 v7, v6  }
0x9d: {  	s26 =	sshra.s32 s28, $0x2;
	v6 =	vld [tilespmem:s23+$0x4F88]  }
0x9e: {  	s28 =	sadd.s32 $0x40, s28;
	v3 =	vld [tilespmem:s26+$0x3B88];
	v7 =	vadd.f32 v11, v8;
	v8 =	vadd.f32 v10, v9  }
0x9f: {  	v9 =	vld [tilespmem:s26+$0x3E08]  }
0xa0: {  	v10 =	vld [tilespmem:s23+$0x5488];
	v4 =	vadd.f32 v4, v8  }
0xa1: {  	v49 =	vld [tilespmem:s26+$0x4088]  }
0xa2: {  	v11 =	vld [tilespmem:s23+$0x5708];
	v5 =	vadd.f32 v5, v7;
	[tilespmem:s25+$0x0] =	vst v4  }
0xa3: {  	v4 =	vld [tilespmem:s26+$0x4308]  }
0xa4: {  	v5 =	vadd.f32 v6, v5;
	v3 =	vadd.f32 v9, v3  }
0xa5: {  	v50 =	vld [tilespmem:s26+$0x4588]  }
0xa6: {  	v51 =	vld [tilespmem:s23+$0x5988];
	v2 =	vadd.f32 v2, v5;
	v3 =	vadd.f32 v49, v3  }
0xa7: {  	v52 =	vld [tilespmem:s26+$0x4808]  }
0xa8: {  	v53 =	vld [tilespmem:s23+$0x5C08];
	v2 =	vadd.f32 v10, v2;
	v3 =	vadd.f32 v4, v3  }
0xa9: {  	v54 =	vld [tilespmem:s26+$0x4A88]  }
0xaa: {  	v55 =	vld [tilespmem:s23+$0x5E88];
	v2 =	vadd.f32 v11, v2;
	v3 =	vadd.f32 v50, v3  }
0xab: {  	v56 =	vld [tilespmem:s26+$0x4D08]  }
0xac: {  	v57 =	vld [tilespmem:s23+$0x6108];
	v2 =	vadd.f32 v51, v2;
	v3 =	vadd.f32 v52, v3  }
0xad: {  	v58 =	vld [tilespmem:s26+$0x4F88]  }
0xae: {  	v2 =	vadd.f32 v53, v2;
	v3 =	vadd.f32 v54, v3  }
0xaf: {  	v59 =	vld [tilespmem:s26+$0x5208]  }
0xb0: {  	v2 =	vadd.f32 v55, v2;
	v3 =	vadd.f32 v56, v3  }
0xb1: {  	v60 =	vld [tilespmem:s26+$0x5488]  }
0xb2: {  	v2 =	vadd.f32 v57, v2;
	v3 =	vadd.f32 v58, v3  }
0xb3: {  	v61 =	vld [tilespmem:s26+$0x5708]  }
0xb4: {  	[tilespmem:s23+$0x0] =	vst v2;
	v2 =	vadd.f32 v59, v3  }
0xb5: {  	v3 =	vld [tilespmem:s26+$0x5988]  }
0xb6: {  	v2 =	vadd.f32 v60, v2  }
0xb7: {  	v62 =	vld [tilespmem:s26+$0x5C08]  }
0xb8: {  	v2 =	vadd.f32 v61, v2  }
0xb9: {  	v63 =	vld [tilespmem:s26+$0x5E88]  }
0xba: {  	v2 =	vadd.f32 v3, v2  }
0xbb: {  	v3 =	vld [tilespmem:s26+$0x6108]  }
0xbc: {  	v2 =	vadd.f32 v62, v2;
	_ =	sdelay $0x1  }
0xbd: {  	v2 =	vadd.f32 v63, v2;
	_ =	sdelay $0x1  }
0xbe: {  	s1 =	sadd.s32 $0x1, s1;
	v2 =	vadd.f32 v3, v2  }
0xbf: {  	p0 =	sne.s32 s1, s22  }
.Ltmp3:
0xc0: {  	[tilespmem:s26+$0x0] =	vst v2;
	(pc) =	sbr.rel @p0 .LBB2_1-.Ltmp3, $4  }
0xc1: {  	[hbm4b:s21+s2] =	stream.linear.scatter [tilespmem:s2], [sflag:$0x1], $0x280, $0x38;
	[tilespmem:$0x8B88] =	vst v63  }
0xc2: {  	_ =	swait.ge [sflag:s24], $0x280  }
0xc3: {  	[sflag:s24] =	ssyncset.done $0x0  }
0xc4: {  	[sflag:s24] =	ssyncadd.s32 $0xFFFFFD80  }
0xc5: {  	_ =	sfence.sel $0x180000  }
0xc6: {  	[bflag:$0x0] =	sbarrier.arrive $0xFFFF  }
0xc7: {  	_ =	strace $0x90000047  }
0xc8: {  	s0 =	stileid.u32;
	[bflag:$0x2] =	sbarrier.arrive $0xFFFF  }
0xc9: {  	p0 =	sne.s32 s0, $0x0;
	s0 =	rddreg [dreg:$0x3]  }
0xca: {  	s0 =	sadd.s32 @!p0 $0x100000, s0  }
0xcb: {  	[sflag:s0] =	ssyncadd.tile.s32 @!p0 $0x1;
	_ =	shalt  }
.Lfunc_end2:
_tile_overlayer_lowered:
.L_overlay_start_2:
0xcc: {  	(tag) =	ssettag $0x2  }
0xcd: {  	s0 =	rddreg [dreg:$0x0];
	s2 =	stileid.u32  }
0xce: {  	s1 =	rddreg [dreg:$0x1];
	p0 =	sne.s32 s2, $0x0  }
0xcf: {  	s3 =	rddreg [dreg:$0x2];
	[bflag:$0x3] =	sbarrier.arrive $0xFFFF;
	s2 =	simm.s32 @!p0 $0x1C01  }
0xd0: {  	[timem:s3], [sflag:s2] =	dma.local @!p0 [hbm:s0], s1  }
0xd1: {  	s0 =	simm.s32 @!p0 $0x1  }
0xd2: {  	_ =	swait.ge @!p0 [sflag:s0], s1  }
0xd3: {  	s1 =	ssub.s32 @!p0 $0x0, s1;
	[sflag:s0] =	ssyncset.done @!p0 $0x0  }
0xd4: {  	[sflag:s0] =	ssyncadd.s32 @!p0 s1  }
0xd5: {  	[bflag:$0x3] =	sbarrier.arrive $0xFFFF  }
0xd6: {  	_ =	shalt  }

</sc_bundles>
